<compile_context>
chip_gen: v7x
topology: tpu7x:2x2x1
jax: 0.10.2.dev20260603
libtpu: 0.0.44.dev20260713+nightly
codegen_flags: <defaults>
</compile_context>

<pallas_src>
import functools

import jax
import jax.numpy as jnp
from jax import lax
from jax.experimental import pallas as pl
from jax.experimental.pallas import tpu as pltpu
from jax.experimental.pallas import tpu_sc as plsc

N_NODES = 10000
D_FEAT = 128
N_EDGES = 320000
N_ACC = 10016

BLK = 128
NC = 2
NS = 16
NW = NC * NS
BPW = 80
NBLK = NW * BPW
E_PAD = NBLK * BLK
ROWS_MAIN = 632
ROWS_LAST = N_ACC - 15 * ROWS_MAIN


def _elu_body(x_ref, w_ref, o_ref):
    z = x_ref[...] * w_ref[...]
    o_ref[...] = jnp.where(z > 0, z, jnp.exp(z) - 1.0)


def _elu(x, w):
    return pl.pallas_call(
        _elu_body,
        grid=(10,),
        in_specs=[
            pl.BlockSpec((1000, D_FEAT), lambda i: (i, 0)),
            pl.BlockSpec((1, D_FEAT), lambda i: (0, 0)),
        ],
        out_specs=pl.BlockSpec((1000, D_FEAT), lambda i: (i, 0)),
        out_shape=jax.ShapeDtypeStruct((N_NODES, D_FEAT), jnp.float32),
    )(x, w)


def _combine_body(p_ref, o_ref):
    o_ref[...] = p_ref[0] + p_ref[1]


def _combine(p):
    return pl.pallas_call(
        _combine_body,
        grid=(10,),
        in_specs=[pl.BlockSpec((2, 1000, D_FEAT), lambda i: (0, i, 0))],
        out_specs=pl.BlockSpec((1000, D_FEAT), lambda i: (i, 0)),
        out_shape=jax.ShapeDtypeStruct((N_NODES, D_FEAT), jnp.float32),
    )(p)


def _sc_scatter(emb, idx_il):
    mesh = plsc.VectorSubcoreMesh(core_axis_name="c", subcore_axis_name="s")

    @functools.partial(
        pl.kernel,
        out_type=jax.ShapeDtypeStruct((NC, N_ACC, D_FEAT), jnp.float32),
        mesh=mesh,
        compiler_params=pltpu.CompilerParams(use_tc_tiling_on_sc=False),
        scratch_types=[
            pltpu.VMEM_SHARED((N_ACC, D_FEAT), jnp.float32),
            pltpu.VMEM((6, 2, BLK), jnp.int32),
            pltpu.VMEM((3, BLK, D_FEAT), jnp.float32),
            pltpu.SemaphoreType.DMA,
            pltpu.SemaphoreType.DMA,
            pltpu.SemaphoreType.DMA,
            pltpu.SemaphoreType.DMA,
            pltpu.SemaphoreType.DMA,
            pltpu.SemaphoreType.DMA,
            pltpu.SemaphoreType.DMA,
            pltpu.SemaphoreType.DMA,
            pltpu.SemaphoreType.DMA,
            pltpu.SemaphoreType.DMA,
            pltpu.SemaphoreType.DMA,
            pltpu.SemaphoreType.DMA,
        ],
    )
    def k(emb_hbm, idx_hbm, out_hbm, acc, idxr, rows,
          gsem0, gsem1, gsem2, ssem0, ssem1, ssem2,
          isem0, isem1, isem2, isem3, isem4, isem5):
        cid = lax.axis_index("c")
        sid = lax.axis_index("s")
        wid = sid * NC + cid
        wb = jnp.where(wid < 22, BPW * wid, 74 * wid + 132)
        T = jnp.where(wid < 22, 13, 12)
        gsems = (gsem0, gsem1, gsem2)
        ssems = (ssem0, ssem1, ssem2)
        isems = (isem0, isem1, isem2, isem3, isem4, isem5)

        def i_start(j, slot):
            pltpu.async_copy(
                idx_hbm.at[pl.ds(0, 2), pl.ds(BLK * (wb + j), BLK)],
                idxr.at[slot], isems[slot])

        def i_wait(j, slot):
            pltpu.make_async_copy(
                idx_hbm.at[pl.ds(0, 2), pl.ds(BLK * (wb + j), BLK)],
                idxr.at[slot], isems[slot]).wait()

        def g_start(j, d, slot, b):
            pltpu.async_copy(emb_hbm.at[idxr.at[slot, d]], rows.at[b],
                             gsems[b])

        def g_wait(j, d, slot, b):
            pltpu.make_async_copy(emb_hbm.at[idxr.at[slot, d]], rows.at[b],
                                  gsems[b]).wait()

        def s_start(j, d, slot, b):
            pltpu.async_copy(rows.at[b], acc.at[idxr.at[slot, 1 - d]],
                             ssems[b], add=True)

        def s_wait(j, d, slot, b):
            pltpu.make_async_copy(rows.at[b], acc.at[idxr.at[slot, 1 - d]],
                                  ssems[b]).wait()

        for j in range(4):
            i_start(j, j)
        i_wait(0, 0)
        g_start(0, 0, 0, 0)
        g_start(0, 1, 0, 1)

        def zfill(r, _):
            for c in range(8):
                rows[2, r, pl.ds(16 * c, 16)] = jnp.zeros((16,), jnp.float32)
            return ()

        lax.fori_loop(0, BLK, zfill, ())
        base = sid * ROWS_MAIN

        @pl.when(sid < NS - 1)
        def _():
            for off, sz in ((0, 128), (128, 128), (256, 128), (384, 128),
                            (512, ROWS_MAIN - 512)):
                pltpu.sync_copy(rows.at[2, pl.ds(0, sz)],
                                acc.at[pl.ds(base + off, sz)])

        @pl.when(sid == NS - 1)
        def _():
            for off, sz in ((0, 128), (128, 128), (256, 128), (384, 128),
                            (512, ROWS_LAST - 512)):
                pltpu.sync_copy(rows.at[2, pl.ds(0, sz)],
                                acc.at[pl.ds(base + off, sz)])

        plsc.subcore_barrier()
        g_wait(0, 0, 0, 0)
        s_start(0, 0, 0, 0)
        i_wait(1, 1)
        g_start(1, 0, 1, 2)
        g_wait(0, 1, 0, 1)
        s_start(0, 1, 0, 1)
        s_wait(0, 0, 0, 0)
        g_start(1, 1, 1, 0)
        g_wait(1, 0, 1, 2)
        s_start(1, 0, 1, 2)

        def body(m, _):
            jb = 2 + 6 * m
            for t in range(6):
                j = jb + t
                slot = (2 + t) % 6
                slot1 = (1 + t) % 6
                slot2 = (0 + t) % 6
                for d in (0, 1):
                    b = (4 + 2 * t + d) % 3
                    b1 = (3 + 2 * t + d) % 3
                    if d == 0:
                        s_wait(j - 2, 1, slot2, b)
                        i_wait(j, slot)
                        @pl.when(j < 6 * T)
                        def _():
                            i_start(j + 2, (slot + 2) % 6)
                        g_start(j, 0, slot, b)
                        g_wait(j - 1, 1, slot1, b1)
                        s_start(j - 1, 1, slot1, b1)
                    else:
                        s_wait(j - 1, 0, slot1, b)
                        g_start(j, 1, slot, b)
                        g_wait(j, 0, slot, b1)
                        s_start(j, 0, slot, b1)
            return ()

        lax.fori_loop(0, T, body, ())

        jl = 6 * T + 1
        g_wait(jl, 1, 1, 0)
        s_start(jl, 1, 1, 0)
        s_wait(jl - 1, 1, 0, 1)
        s_wait(jl, 0, 1, 2)
        s_wait(jl, 1, 1, 0)
        plsc.subcore_barrier()

        @pl.when(sid < NS - 1)
        def _():
            pltpu.sync_copy(acc.at[pl.ds(sid * ROWS_MAIN, ROWS_MAIN)],
                            out_hbm.at[cid, pl.ds(sid * ROWS_MAIN, ROWS_MAIN)])

        @pl.when(sid == NS - 1)
        def _():
            pltpu.sync_copy(acc.at[pl.ds(15 * ROWS_MAIN, ROWS_LAST)],
                            out_hbm.at[cid, pl.ds(15 * ROWS_MAIN, ROWS_LAST)])

    return k(emb, idx_il)


def kernel(graph_embedding, edge_index, weight):
    emb = _elu(graph_embedding, weight)
    partial = _sc_scatter(emb, edge_index.astype(jnp.int32))
    return _combine(partial)

# --- scband reference (transcript-rebuilt; emitter-appended) ---
"""Pipeline reference for scband-freebase-node-prompt-layer-feature-weighted-sum-21534966022301 (READ-ONLY COPY).

The authoritative reference and input builder live on the scoring server;
editing this copy changes nothing except your own understanding.
"""

import jax, jax.numpy as jnp
import numpy as np

N_NODES = 10000
N_EDGES = 320000
D_FEAT = 128


def setup_inputs(seed: int = 0) -> dict:
    key = jax.random.key(seed)
    k1, k2, k3 = jax.random.split(key, 3)
    graph_embedding = jax.random.normal(k1, (N_NODES, D_FEAT), dtype=jnp.float32)
    edge_index = jax.random.randint(k2, (2, N_EDGES), 0, N_NODES, dtype=jnp.int64)
    # xavier_uniform for weight of shape (1, D_FEAT): bound = sqrt(6/(fan_in+fan_out)) = sqrt(6/(D_FEAT+1))
    bound = float(np.sqrt(6.0 / (D_FEAT + 1)))
    weight = jax.random.uniform(k3, (1, D_FEAT), minval=-bound, maxval=bound, dtype=jnp.float32)
    return {"graph_embedding": graph_embedding, "edge_index": edge_index, "weight": weight}


def reference(graph_embedding, edge_index, weight):
    # emb = F.elu(graph_embedding * self.weight)
    emb = jax.nn.elu(graph_embedding * weight)
    src = edge_index[0]
    dst = edge_index[1]
    n = graph_embedding.shape[0]
    # graph.update_all(copy_u('ft'), sum): gather emb at src, scatter-add into dst
    fwd = jax.ops.segment_sum(emb[src], dst, num_segments=n)
    # reverse graph: edges flipped, gather emb at dst, scatter-add into src
    rev = jax.ops.segment_sum(emb[dst], src, num_segments=n)
    return fwd + rev

if __name__ == "__main__":
    import jax
    _d = setup_inputs()
    print(jax.jit(kernel)(*tuple(_d.values())))

</pallas_src>

<mosaic_0001>
#map = affine_map<(d0, d1) -> (0, 0)>
#map1 = affine_map<(d0, d1) -> (0, 0, 0)>
module attributes {stable_mosaic.version = 14 : i64} {
  func.func @k(%arg0: i32, %arg1: i32, %arg2: memref<10000x128xf32, #tpu.memory_space<hbm>>, %arg3: memref<2x320000xi32, #tpu.memory_space<hbm>>, %arg4: memref<2x10016x128xf32, #tpu.memory_space<hbm>>, %arg5: memref<10016x128xf32, #tpu.memory_space<vmem_shared>>, %arg6: memref<6x2x128xi32, #tpu.memory_space<vmem>>, %arg7: memref<3x128x128xf32, #tpu.memory_space<vmem>>, %arg8: memref<!tpu.dma_semaphore, #tpu.memory_space<semaphore_mem>>, %arg9: memref<!tpu.dma_semaphore, #tpu.memory_space<semaphore_mem>>, %arg10: memref<!tpu.dma_semaphore, #tpu.memory_space<semaphore_mem>>, %arg11: memref<!tpu.dma_semaphore, #tpu.memory_space<semaphore_mem>>, %arg12: memref<!tpu.dma_semaphore, #tpu.memory_space<semaphore_mem>>, %arg13: memref<!tpu.dma_semaphore, #tpu.memory_space<semaphore_mem>>, %arg14: memref<!tpu.dma_semaphore, #tpu.memory_space<semaphore_mem>>, %arg15: memref<!tpu.dma_semaphore, #tpu.memory_space<semaphore_mem>>, %arg16: memref<!tpu.dma_semaphore, #tpu.memory_space<semaphore_mem>>, %arg17: memref<!tpu.dma_semaphore, #tpu.memory_space<semaphore_mem>>, %arg18: memref<!tpu.dma_semaphore, #tpu.memory_space<semaphore_mem>>, %arg19: memref<!tpu.dma_semaphore, #tpu.memory_space<semaphore_mem>>) attributes {dimension_semantics = [#tpu.dimension_semantics<core_parallel>, #tpu.dimension_semantics<subcore_parallel>], iteration_bounds = array<i64: 2, 16>, scalar_prefetch = 0 : i64, scratch_operands = 15 : i64, tpu.core_type = #tpu.core_type<sc_vector_subcore>, window_params = [{transform_indices = #map}, {transform_indices = #map}, {transform_indices = #map1}]} {
    %mul3A = arith.constant 2 : i32
    %mul3A_0 = arith.muli %arg1, %mul3A : i32
    %add3A = arith.addi %mul3A_0, %arg0 : i32
    %lt3A = arith.constant 22 : i32
    %lt3A_1 = arith.cmpi slt, %add3A, %lt3A : i32
    %mul3A_2 = arith.constant 80 : i32
    %mul3A_3 = arith.muli %mul3A_2, %add3A : i32
    %mul3A_4 = arith.constant 74 : i32
    %mul3A_5 = arith.muli %mul3A_4, %add3A : i32
    %add3A_6 = arith.constant 132 : i32
    %add3A_7 = arith.addi %mul3A_5, %add3A_6 : i32
    %select_n3A = arith.select %lt3A_1, %mul3A_3, %add3A_7 : i32
    %lt3A_8 = arith.constant 22 : i32
    %lt3A_9 = arith.cmpi slt, %add3A, %lt3A_8 : i32
    %jit3A = arith.constant 13 : i32
    %jit3A_10 = arith.constant 12 : i32
    %select_n3A_11 = arith.select %lt3A_9, %jit3A, %jit3A_10 : i32
    %add3A_12 = arith.constant 0 : i32
    %add3A_13 = arith.addi %select_n3A, %add3A_12 : i32
    %mul3A_14 = arith.constant 128 : i32
    %mul3A_15 = arith.muli %mul3A_14, %add3A_13 : i32
    %dma_start3A = arith.constant 0 : i32
    %dma_start3A_16 = arith.constant 0 : i32
    %dma_start3A_17 = arith.constant 0 : i32
    %dma_start3A_18 = tpu.memref_slice %arg6[%dma_start3A, %dma_start3A_16, %dma_start3A_17] : memref<6x2x128xi32, #tpu.memory_space<vmem>> -> memref<1x2x128xi32, #tpu.memory_space<vmem>>
    %dma_start3A_19 = tpu.memref_squeeze %dma_start3A_18 : memref<1x2x128xi32, #tpu.memory_space<vmem>> -> memref<2x128xi32, #tpu.memory_space<vmem>>
    %dma_start3A_20 = arith.constant 0 : i32
    %dma_start3A_21 = tpu.memref_slice %arg3[%dma_start3A_20, %mul3A_15] : memref<2x320000xi32, #tpu.memory_space<hbm>> -> memref<2x128xi32, #tpu.memory_space<hbm>>
    %dma_start3A_22 = arith.constant 0 : i32
    %dma_start3A_23 = arith.constant 0 : i32
    %dma_start3A_24 = tpu.memref_slice %arg6[%dma_start3A, %dma_start3A_22, %dma_start3A_23] : memref<6x2x128xi32, #tpu.memory_space<vmem>> -> memref<1x2x128xi32, #tpu.memory_space<vmem>>
    %dma_start3A_25 = tpu.memref_squeeze %dma_start3A_24 : memref<1x2x128xi32, #tpu.memory_space<vmem>> -> memref<2x128xi32, #tpu.memory_space<vmem>>
    %dma_start3A_26 = arith.constant 0 : i32
    %dma_start3A_27 = tpu.memref_slice %arg3[%dma_start3A_26, %mul3A_15] : memref<2x320000xi32, #tpu.memory_space<hbm>> -> memref<2x128xi32, #tpu.memory_space<hbm>>
    tpu.enqueue_dma source(%dma_start3A_27 : memref<2x128xi32, #tpu.memory_space<hbm>>) target(%dma_start3A_25 : memref<2x128xi32, #tpu.memory_space<vmem>>) target_semaphore(%arg14 : memref<!tpu.dma_semaphore, #tpu.memory_space<semaphore_mem>>)
    %add3A_28 = arith.constant 1 : i32
    %add3A_29 = arith.addi %select_n3A, %add3A_28 : i32
    %mul3A_30 = arith.constant 128 : i32
    %mul3A_31 = arith.muli %mul3A_30, %add3A_29 : i32
    %dma_start3A_32 = arith.constant 1 : i32
    %dma_start3A_33 = arith.constant 0 : i32
    %dma_start3A_34 = arith.constant 0 : i32
    %dma_start3A_35 = tpu.memref_slice %arg6[%dma_start3A_32, %dma_start3A_33, %dma_start3A_34] : memref<6x2x128xi32, #tpu.memory_space<vmem>> -> memref<1x2x128xi32, #tpu.memory_space<vmem>>
    %dma_start3A_36 = tpu.memref_squeeze %dma_start3A_35 : memref<1x2x128xi32, #tpu.memory_space<vmem>> -> memref<2x128xi32, #tpu.memory_space<vmem>>
    %dma_start3A_37 = arith.constant 0 : i32
    %dma_start3A_38 = tpu.memref_slice %arg3[%dma_start3A_37, %mul3A_31] : memref<2x320000xi32, #tpu.memory_space<hbm>> -> memref<2x128xi32, #tpu.memory_space<hbm>>
    %dma_start3A_39 = arith.constant 0 : i32
    %dma_start3A_40 = arith.constant 0 : i32
    %dma_start3A_41 = tpu.memref_slice %arg6[%dma_start3A_32, %dma_start3A_39, %dma_start3A_40] : memref<6x2x128xi32, #tpu.memory_space<vmem>> -> memref<1x2x128xi32, #tpu.memory_space<vmem>>
    %dma_start3A_42 = tpu.memref_squeeze %dma_start3A_41 : memref<1x2x128xi32, #tpu.memory_space<vmem>> -> memref<2x128xi32, #tpu.memory_space<vmem>>
    %dma_start3A_43 = arith.constant 0 : i32
    %dma_start3A_44 = tpu.memref_slice %arg3[%dma_start3A_43, %mul3A_31] : memref<2x320000xi32, #tpu.memory_space<hbm>> -> memref<2x128xi32, #tpu.memory_space<hbm>>
    tpu.enqueue_dma source(%dma_start3A_44 : memref<2x128xi32, #tpu.memory_space<hbm>>) target(%dma_start3A_42 : memref<2x128xi32, #tpu.memory_space<vmem>>) target_semaphore(%arg15 : memref<!tpu.dma_semaphore, #tpu.memory_space<semaphore_mem>>)
    %add3A_45 = arith.constant 2 : i32
    %add3A_46 = arith.addi %select_n3A, %add3A_45 : i32
    %mul3A_47 = arith.constant 128 : i32
    %mul3A_48 = arith.muli %mul3A_47, %add3A_46 : i32
    %dma_start3A_49 = arith.constant 2 : i32
    %dma_start3A_50 = arith.constant 0 : i32
    %dma_start3A_51 = arith.constant 0 : i32
    %dma_start3A_52 = tpu.memref_slice %arg6[%dma_start3A_49, %dma_start3A_50, %dma_start3A_51] : memref<6x2x128xi32, #tpu.memory_space<vmem>> -> memref<1x2x128xi32, #tpu.memory_space<vmem>>
    %dma_start3A_53 = tpu.memref_squeeze %dma_start3A_52 : memref<1x2x128xi32, #tpu.memory_space<vmem>> -> memref<2x128xi32, #tpu.memory_space<vmem>>
    %dma_start3A_54 = arith.constant 0 : i32
    %dma_start3A_55 = tpu.memref_slice %arg3[%dma_start3A_54, %mul3A_48] : memref<2x320000xi32, #tpu.memory_space<hbm>> -> memref<2x128xi32, #tpu.memory_space<hbm>>
    %dma_start3A_56 = arith.constant 0 : i32
    %dma_start3A_57 = arith.constant 0 : i32
    %dma_start3A_58 = tpu.memref_slice %arg6[%dma_start3A_49, %dma_start3A_56, %dma_start3A_57] : memref<6x2x128xi32, #tpu.memory_space<vmem>> -> memref<1x2x128xi32, #tpu.memory_space<vmem>>
    %dma_start3A_59 = tpu.memref_squeeze %dma_start3A_58 : memref<1x2x128xi32, #tpu.memory_space<vmem>> -> memref<2x128xi32, #tpu.memory_space<vmem>>
    %dma_start3A_60 = arith.constant 0 : i32
    %dma_start3A_61 = tpu.memref_slice %arg3[%dma_start3A_60, %mul3A_48] : memref<2x320000xi32, #tpu.memory_space<hbm>> -> memref<2x128xi32, #tpu.memory_space<hbm>>
    tpu.enqueue_dma source(%dma_start3A_61 : memref<2x128xi32, #tpu.memory_space<hbm>>) target(%dma_start3A_59 : memref<2x128xi32, #tpu.memory_space<vmem>>) target_semaphore(%arg16 : memref<!tpu.dma_semaphore, #tpu.memory_space<semaphore_mem>>)
    %add3A_62 = arith.constant 3 : i32
    %add3A_63 = arith.addi %select_n3A, %add3A_62 : i32
    %mul3A_64 = arith.constant 128 : i32
    %mul3A_65 = arith.muli %mul3A_64, %add3A_63 : i32
    %dma_start3A_66 = arith.constant 3 : i32
    %dma_start3A_67 = arith.constant 0 : i32
    %dma_start3A_68 = arith.constant 0 : i32
    %dma_start3A_69 = tpu.memref_slice %arg6[%dma_start3A_66, %dma_start3A_67, %dma_start3A_68] : memref<6x2x128xi32, #tpu.memory_space<vmem>> -> memref<1x2x128xi32, #tpu.memory_space<vmem>>
    %dma_start3A_70 = tpu.memref_squeeze %dma_start3A_69 : memref<1x2x128xi32, #tpu.memory_space<vmem>> -> memref<2x128xi32, #tpu.memory_space<vmem>>
    %dma_start3A_71 = arith.constant 0 : i32
    %dma_start3A_72 = tpu.memref_slice %arg3[%dma_start3A_71, %mul3A_65] : memref<2x320000xi32, #tpu.memory_space<hbm>> -> memref<2x128xi32, #tpu.memory_space<hbm>>
    %dma_start3A_73 = arith.constant 0 : i32
    %dma_start3A_74 = arith.constant 0 : i32
    %dma_start3A_75 = tpu.memref_slice %arg6[%dma_start3A_66, %dma_start3A_73, %dma_start3A_74] : memref<6x2x128xi32, #tpu.memory_space<vmem>> -> memref<1x2x128xi32, #tpu.memory_space<vmem>>
    %dma_start3A_76 = tpu.memref_squeeze %dma_start3A_75 : memref<1x2x128xi32, #tpu.memory_space<vmem>> -> memref<2x128xi32, #tpu.memory_space<vmem>>
    %dma_start3A_77 = arith.constant 0 : i32
    %dma_start3A_78 = tpu.memref_slice %arg3[%dma_start3A_77, %mul3A_65] : memref<2x320000xi32, #tpu.memory_space<hbm>> -> memref<2x128xi32, #tpu.memory_space<hbm>>
    tpu.enqueue_dma source(%dma_start3A_78 : memref<2x128xi32, #tpu.memory_space<hbm>>) target(%dma_start3A_76 : memref<2x128xi32, #tpu.memory_space<vmem>>) target_semaphore(%arg17 : memref<!tpu.dma_semaphore, #tpu.memory_space<semaphore_mem>>)
    %add3A_79 = arith.constant 0 : i32
    %add3A_80 = arith.addi %select_n3A, %add3A_79 : i32
    %mul3A_81 = arith.constant 128 : i32
    %mul3A_82 = arith.muli %mul3A_81, %add3A_80 : i32
    %dma_wait3A = arith.constant 0 : i32
    %dma_wait3A_83 = arith.constant 0 : i32
    %dma_wait3A_84 = arith.constant 0 : i32
    %dma_wait3A_85 = tpu.memref_slice %arg6[%dma_wait3A, %dma_wait3A_83, %dma_wait3A_84] : memref<6x2x128xi32, #tpu.memory_space<vmem>> -> memref<1x2x128xi32, #tpu.memory_space<vmem>>
    %dma_wait3A_86 = tpu.memref_squeeze %dma_wait3A_85 : memref<1x2x128xi32, #tpu.memory_space<vmem>> -> memref<2x128xi32, #tpu.memory_space<vmem>>
    %dma_wait3A_87 = arith.constant 0 : i32
    %dma_wait3A_88 = tpu.memref_slice %arg3[%dma_wait3A_87, %mul3A_82] : memref<2x320000xi32, #tpu.memory_space<hbm>> -> memref<2x128xi32, #tpu.memory_space<hbm>>
    %dma_wait3A_89 = arith.constant 0 : i32
    %dma_wait3A_90 = arith.constant 0 : i32
    %dma_wait3A_91 = tpu.memref_slice %arg6[%dma_wait3A, %dma_wait3A_89, %dma_wait3A_90] : memref<6x2x128xi32, #tpu.memory_space<vmem>> -> memref<1x2x128xi32, #tpu.memory_space<vmem>>
    %dma_wait3A_92 = tpu.memref_squeeze %dma_wait3A_91 : memref<1x2x128xi32, #tpu.memory_space<vmem>> -> memref<2x128xi32, #tpu.memory_space<vmem>>
    %dma_wait3A_93 = arith.constant 0 : i32
    %dma_wait3A_94 = tpu.memref_slice %arg3[%dma_wait3A_93, %mul3A_82] : memref<2x320000xi32, #tpu.memory_space<hbm>> -> memref<2x128xi32, #tpu.memory_space<hbm>>
    tpu.wait_dma2 semaphore(%arg14 : memref<!tpu.dma_semaphore, #tpu.memory_space<semaphore_mem>>) src(%dma_wait3A_94 : memref<2x128xi32, #tpu.memory_space<hbm>>) dst(%dma_wait3A_92 : memref<2x128xi32, #tpu.memory_space<vmem>>)
    %dma_start3A_95 = arith.constant 0 : i32
    %dma_start3A_96 = arith.constant 0 : i32
    %dma_start3A_97 = arith.constant 0 : i32
    %dma_start3A_98 = arith.constant 0 : i32
    %dma_start3A_99 = arith.constant 0 : i32
    %dma_start3A_100 = tpu.memref_slice %arg7[%dma_start3A_97, %dma_start3A_98, %dma_start3A_99] : memref<3x128x128xf32, #tpu.memory_space<vmem>> -> memref<1x128x128xf32, #tpu.memory_space<vmem>>
    %dma_start3A_101 = tpu.memref_squeeze %dma_start3A_100 : memref<1x128x128xf32, #tpu.memory_space<vmem>> -> memref<128x128xf32, #tpu.memory_space<vmem>>
    %dma_start3A_102 = arith.constant 0 : i32
    %dma_start3A_103 = tpu.memref_slice %arg6[%dma_start3A_95, %dma_start3A_96, %dma_start3A_102] : memref<6x2x128xi32, #tpu.memory_space<vmem>> -> memref<1x1x128xi32, #tpu.memory_space<vmem>>
    %dma_start3A_104 = tpu.memref_squeeze %dma_start3A_103 : memref<1x1x128xi32, #tpu.memory_space<vmem>> -> memref<128xi32, #tpu.memory_space<vmem>>
    %dma_start3A_105 = arith.constant 0 : i32
    %dma_start3A_106 = arith.constant 0 : i32
    %dma_start3A_107 = tpu.memref_slice %arg2[%dma_start3A_105, %dma_start3A_106] : memref<10000x128xf32, #tpu.memory_space<hbm>> -> memref<10000x128xf32, #tpu.memory_space<hbm>>
    tpu.enqueue_indirect_dma source(%dma_start3A_107 : memref<10000x128xf32, #tpu.memory_space<hbm>>) target(%dma_start3A_101 : memref<128x128xf32, #tpu.memory_space<vmem>>) offsets(%dma_start3A_104 : memref<128xi32, #tpu.memory_space<vmem>>) semaphore(%arg8 : memref<!tpu.dma_semaphore, #tpu.memory_space<semaphore_mem>>)
    %dma_start3A_108 = arith.constant 0 : i32
    %dma_start3A_109 = arith.constant 1 : i32
    %dma_start3A_110 = arith.constant 1 : i32
    %dma_start3A_111 = arith.constant 0 : i32
    %dma_start3A_112 = arith.constant 0 : i32
    %dma_start3A_113 = tpu.memref_slice %arg7[%dma_start3A_110, %dma_start3A_111, %dma_start3A_112] : memref<3x128x128xf32, #tpu.memory_space<vmem>> -> memref<1x128x128xf32, #tpu.memory_space<vmem>>
    %dma_start3A_114 = tpu.memref_squeeze %dma_start3A_113 : memref<1x128x128xf32, #tpu.memory_space<vmem>> -> memref<128x128xf32, #tpu.memory_space<vmem>>
    %dma_start3A_115 = arith.constant 0 : i32
    %dma_start3A_116 = tpu.memref_slice %arg6[%dma_start3A_108, %dma_start3A_109, %dma_start3A_115] : memref<6x2x128xi32, #tpu.memory_space<vmem>> -> memref<1x1x128xi32, #tpu.memory_space<vmem>>
    %dma_start3A_117 = tpu.memref_squeeze %dma_start3A_116 : memref<1x1x128xi32, #tpu.memory_space<vmem>> -> memref<128xi32, #tpu.memory_space<vmem>>
    %dma_start3A_118 = arith.constant 0 : i32
    %dma_start3A_119 = arith.constant 0 : i32
    %dma_start3A_120 = tpu.memref_slice %arg2[%dma_start3A_118, %dma_start3A_119] : memref<10000x128xf32, #tpu.memory_space<hbm>> -> memref<10000x128xf32, #tpu.memory_space<hbm>>
    tpu.enqueue_indirect_dma source(%dma_start3A_120 : memref<10000x128xf32, #tpu.memory_space<hbm>>) target(%dma_start3A_114 : memref<128x128xf32, #tpu.memory_space<vmem>>) offsets(%dma_start3A_117 : memref<128xi32, #tpu.memory_space<vmem>>) semaphore(%arg9 : memref<!tpu.dma_semaphore, #tpu.memory_space<semaphore_mem>>)
    %scan3A = arith.constant 0 : i32
    %scan3A_121 = arith.constant 128 : i32
    %scan3A_122 = arith.addi %scan3A, %scan3A_121 : i32
    %scan3A_123 = arith.constant 1 : i32
    scf.for %scan3A_357 = %scan3A to %scan3A_122 step %scan3A_123  : i32 {
      %broadcast_in_dim3A = arith.constant 0.000000e+00 : f32
      %broadcast_in_dim3A_358 = vector.broadcast %broadcast_in_dim3A : f32 to vector<16xf32>
      %swap3A = arith.constant 2 : i32
      %swap3A_359 = arith.index_cast %swap3A : i32 to index
      %swap3A_360 = arith.index_cast %scan3A_357 : i32 to index
      %swap3A_361 = arith.constant 0 : index
      %swap3A_362 = tpu.vector_load %arg7[%swap3A_359, %swap3A_360, %swap3A_361] {strides = array<i32>} : memref<3x128x128xf32, #tpu.memory_space<vmem>>, vector<1x1x16xf32>,
      %swap3A_363 = vector.shape_cast %swap3A_362 : vector<1x1x16xf32> to vector<16xf32>
      %swap3A_364 = vector.shape_cast %broadcast_in_dim3A_358 : vector<16xf32> to vector<1x1x16xf32>
      tpu.vector_store %arg7[%swap3A_359, %swap3A_360, %swap3A_361], %swap3A_364 {strides = array<i32>} : memref<3x128x128xf32, #tpu.memory_space<vmem>>, vector<1x1x16xf32>,
      %broadcast_in_dim3A_365 = arith.constant 0.000000e+00 : f32
      %broadcast_in_dim3A_366 = vector.broadcast %broadcast_in_dim3A_365 : f32 to vector<16xf32>
      %swap3A_367 = arith.constant 2 : i32
      %swap3A_368 = arith.index_cast %swap3A_367 : i32 to index
      %swap3A_369 = arith.index_cast %scan3A_357 : i32 to index
      %swap3A_370 = arith.constant 16 : index
      %swap3A_371 = tpu.vector_load %arg7[%swap3A_368, %swap3A_369, %swap3A_370] {strides = array<i32>} : memref<3x128x128xf32, #tpu.memory_space<vmem>>, vector<1x1x16xf32>,
      %swap3A_372 = vector.shape_cast %swap3A_371 : vector<1x1x16xf32> to vector<16xf32>
      %swap3A_373 = vector.shape_cast %broadcast_in_dim3A_366 : vector<16xf32> to vector<1x1x16xf32>
      tpu.vector_store %arg7[%swap3A_368, %swap3A_369, %swap3A_370], %swap3A_373 {strides = array<i32>} : memref<3x128x128xf32, #tpu.memory_space<vmem>>, vector<1x1x16xf32>,
      %broadcast_in_dim3A_374 = arith.constant 0.000000e+00 : f32
      %broadcast_in_dim3A_375 = vector.broadcast %broadcast_in_dim3A_374 : f32 to vector<16xf32>
      %swap3A_376 = arith.constant 2 : i32
      %swap3A_377 = arith.index_cast %swap3A_376 : i32 to index
      %swap3A_378 = arith.index_cast %scan3A_357 : i32 to index
      %swap3A_379 = arith.constant 32 : index
      %swap3A_380 = tpu.vector_load %arg7[%swap3A_377, %swap3A_378, %swap3A_379] {strides = array<i32>} : memref<3x128x128xf32, #tpu.memory_space<vmem>>, vector<1x1x16xf32>,
      %swap3A_381 = vector.shape_cast %swap3A_380 : vector<1x1x16xf32> to vector<16xf32>
      %swap3A_382 = vector.shape_cast %broadcast_in_dim3A_375 : vector<16xf32> to vector<1x1x16xf32>
      tpu.vector_store %arg7[%swap3A_377, %swap3A_378, %swap3A_379], %swap3A_382 {strides = array<i32>} : memref<3x128x128xf32, #tpu.memory_space<vmem>>, vector<1x1x16xf32>,
      %broadcast_in_dim3A_383 = arith.constant 0.000000e+00 : f32
      %broadcast_in_dim3A_384 = vector.broadcast %broadcast_in_dim3A_383 : f32 to vector<16xf32>
      %swap3A_385 = arith.constant 2 : i32
      %swap3A_386 = arith.index_cast %swap3A_385 : i32 to index
      %swap3A_387 = arith.index_cast %scan3A_357 : i32 to index
      %swap3A_388 = arith.constant 48 : index
      %swap3A_389 = tpu.vector_load %arg7[%swap3A_386, %swap3A_387, %swap3A_388] {strides = array<i32>} : memref<3x128x128xf32, #tpu.memory_space<vmem>>, vector<1x1x16xf32>,
      %swap3A_390 = vector.shape_cast %swap3A_389 : vector<1x1x16xf32> to vector<16xf32>
      %swap3A_391 = vector.shape_cast %broadcast_in_dim3A_384 : vector<16xf32> to vector<1x1x16xf32>
      tpu.vector_store %arg7[%swap3A_386, %swap3A_387, %swap3A_388], %swap3A_391 {strides = array<i32>} : memref<3x128x128xf32, #tpu.memory_space<vmem>>, vector<1x1x16xf32>,
      %broadcast_in_dim3A_392 = arith.constant 0.000000e+00 : f32
      %broadcast_in_dim3A_393 = vector.broadcast %broadcast_in_dim3A_392 : f32 to vector<16xf32>
      %swap3A_394 = arith.constant 2 : i32
      %swap3A_395 = arith.index_cast %swap3A_394 : i32 to index
      %swap3A_396 = arith.index_cast %scan3A_357 : i32 to index
      %swap3A_397 = arith.constant 64 : index
      %swap3A_398 = tpu.vector_load %arg7[%swap3A_395, %swap3A_396, %swap3A_397] {strides = array<i32>} : memref<3x128x128xf32, #tpu.memory_space<vmem>>, vector<1x1x16xf32>,
      %swap3A_399 = vector.shape_cast %swap3A_398 : vector<1x1x16xf32> to vector<16xf32>
      %swap3A_400 = vector.shape_cast %broadcast_in_dim3A_393 : vector<16xf32> to vector<1x1x16xf32>
      tpu.vector_store %arg7[%swap3A_395, %swap3A_396, %swap3A_397], %swap3A_400 {strides = array<i32>} : memref<3x128x128xf32, #tpu.memory_space<vmem>>, vector<1x1x16xf32>,
      %broadcast_in_dim3A_401 = arith.constant 0.000000e+00 : f32
      %broadcast_in_dim3A_402 = vector.broadcast %broadcast_in_dim3A_401 : f32 to vector<16xf32>
      %swap3A_403 = arith.constant 2 : i32
      %swap3A_404 = arith.index_cast %swap3A_403 : i32 to index
      %swap3A_405 = arith.index_cast %scan3A_357 : i32 to index
      %swap3A_406 = arith.constant 80 : index
      %swap3A_407 = tpu.vector_load %arg7[%swap3A_404, %swap3A_405, %swap3A_406] {strides = array<i32>} : memref<3x128x128xf32, #tpu.memory_space<vmem>>, vector<1x1x16xf32>,
      %swap3A_408 = vector.shape_cast %swap3A_407 : vector<1x1x16xf32> to vector<16xf32>
      %swap3A_409 = vector.shape_cast %broadcast_in_dim3A_402 : vector<16xf32> to vector<1x1x16xf32>
      tpu.vector_store %arg7[%swap3A_404, %swap3A_405, %swap3A_406], %swap3A_409 {strides = array<i32>} : memref<3x128x128xf32, #tpu.memory_space<vmem>>, vector<1x1x16xf32>,
      %broadcast_in_dim3A_410 = arith.constant 0.000000e+00 : f32
      %broadcast_in_dim3A_411 = vector.broadcast %broadcast_in_dim3A_410 : f32 to vector<16xf32>
      %swap3A_412 = arith.constant 2 : i32
      %swap3A_413 = arith.index_cast %swap3A_412 : i32 to index
      %swap3A_414 = arith.index_cast %scan3A_357 : i32 to index
      %swap3A_415 = arith.constant 96 : index
      %swap3A_416 = tpu.vector_load %arg7[%swap3A_413, %swap3A_414, %swap3A_415] {strides = array<i32>} : memref<3x128x128xf32, #tpu.memory_space<vmem>>, vector<1x1x16xf32>,
      %swap3A_417 = vector.shape_cast %swap3A_416 : vector<1x1x16xf32> to vector<16xf32>
      %swap3A_418 = vector.shape_cast %broadcast_in_dim3A_411 : vector<16xf32> to vector<1x1x16xf32>
      tpu.vector_store %arg7[%swap3A_413, %swap3A_414, %swap3A_415], %swap3A_418 {strides = array<i32>} : memref<3x128x128xf32, #tpu.memory_space<vmem>>, vector<1x1x16xf32>,
      %broadcast_in_dim3A_419 = arith.constant 0.000000e+00 : f32
      %broadcast_in_dim3A_420 = vector.broadcast %broadcast_in_dim3A_419 : f32 to vector<16xf32>
      %swap3A_421 = arith.constant 2 : i32
      %swap3A_422 = arith.index_cast %swap3A_421 : i32 to index
      %swap3A_423 = arith.index_cast %scan3A_357 : i32 to index
      %swap3A_424 = arith.constant 112 : index
      %swap3A_425 = tpu.vector_load %arg7[%swap3A_422, %swap3A_423, %swap3A_424] {strides = array<i32>} : memref<3x128x128xf32, #tpu.memory_space<vmem>>, vector<1x1x16xf32>,
      %swap3A_426 = vector.shape_cast %swap3A_425 : vector<1x1x16xf32> to vector<16xf32>
      %swap3A_427 = vector.shape_cast %broadcast_in_dim3A_420 : vector<16xf32> to vector<1x1x16xf32>
      tpu.vector_store %arg7[%swap3A_422, %swap3A_423, %swap3A_424], %swap3A_427 {strides = array<i32>} : memref<3x128x128xf32, #tpu.memory_space<vmem>>, vector<1x1x16xf32>,
    }
    %scan3A_124 = arith.constant 128 : i32
    %mul3A_125 = arith.constant 632 : i32
    %mul3A_126 = arith.muli %arg1, %mul3A_125 : i32
    %lt3A_127 = arith.constant 15 : i32
    %lt3A_128 = arith.cmpi slt, %arg1, %lt3A_127 : i32
    %convert_element_type3A = arith.extui %lt3A_128 : i1 to i32
    %cond3A = arith.constant 0 : i32
    %cond3A_129 = arith.cmpi ne, %convert_element_type3A, %cond3A : i32
    scf.if %cond3A_129 {
      %add3A_357 = arith.constant 0 : i32
      %add3A_358 = arith.addi %mul3A_126, %add3A_357 : i32
      %run_scoped3A = arith.constant 2 : i32
      "tpu.region"() ({
        %run_scoped3A_371 = tpu.sem_alloc : memref<!tpu.dma_semaphore, #tpu.memory_space<semaphore_mem>>
        %dma_start3A_372 = arith.constant 0 : i32
        %dma_start3A_373 = arith.constant 0 : i32
        %dma_start3A_374 = tpu.memref_slice %arg7[%run_scoped3A, %dma_start3A_372, %dma_start3A_373] : memref<3x128x128xf32, #tpu.memory_space<vmem>> -> memref<1x128x128xf32, #tpu.memory_space<vmem>>
        %dma_start3A_375 = tpu.memref_squeeze %dma_start3A_374 : memref<1x128x128xf32, #tpu.memory_space<vmem>> -> memref<128x128xf32, #tpu.memory_space<vmem>>
        %dma_start3A_376 = arith.constant 0 : i32
        %dma_start3A_377 = tpu.memref_slice %arg5[%add3A_358, %dma_start3A_376] : memref<10016x128xf32, #tpu.memory_space<vmem_shared>> -> memref<128x128xf32, #tpu.memory_space<vmem_shared>>
        %dma_start3A_378 = arith.constant 0 : i32
        %dma_start3A_379 = tpu.memref_slice %arg5[%add3A_358, %dma_start3A_378] : memref<10016x128xf32, #tpu.memory_space<vmem_shared>> -> memref<128x128xf32, #tpu.memory_space<vmem_shared>>
        %dma_start3A_380 = arith.constant 0 : i32
        %dma_start3A_381 = arith.constant 0 : i32
        %dma_start3A_382 = tpu.memref_slice %arg7[%run_scoped3A, %dma_start3A_380, %dma_start3A_381] : memref<3x128x128xf32, #tpu.memory_space<vmem>> -> memref<1x128x128xf32, #tpu.memory_space<vmem>>
        %dma_start3A_383 = tpu.memref_squeeze %dma_start3A_382 : memref<1x128x128xf32, #tpu.memory_space<vmem>> -> memref<128x128xf32, #tpu.memory_space<vmem>>
        tpu.enqueue_dma source(%dma_start3A_383 : memref<128x128xf32, #tpu.memory_space<vmem>>) target(%dma_start3A_379 : memref<128x128xf32, #tpu.memory_space<vmem_shared>>) target_semaphore(%run_scoped3A_371 : memref<!tpu.dma_semaphore, #tpu.memory_space<semaphore_mem>>)
        %dma_wait3A_384 = arith.constant 0 : i32
        %dma_wait3A_385 = arith.constant 0 : i32
        %dma_wait3A_386 = tpu.memref_slice %arg7[%run_scoped3A, %dma_wait3A_384, %dma_wait3A_385] : memref<3x128x128xf32, #tpu.memory_space<vmem>> -> memref<1x128x128xf32, #tpu.memory_space<vmem>>
        %dma_wait3A_387 = tpu.memref_squeeze %dma_wait3A_386 : memref<1x128x128xf32, #tpu.memory_space<vmem>> -> memref<128x128xf32, #tpu.memory_space<vmem>>
        %dma_wait3A_388 = arith.constant 0 : i32
        %dma_wait3A_389 = tpu.memref_slice %arg5[%add3A_358, %dma_wait3A_388] : memref<10016x128xf32, #tpu.memory_space<vmem_shared>> -> memref<128x128xf32, #tpu.memory_space<vmem_shared>>
        %dma_wait3A_390 = arith.constant 0 : i32
        %dma_wait3A_391 = tpu.memref_slice %arg5[%add3A_358, %dma_wait3A_390] : memref<10016x128xf32, #tpu.memory_space<vmem_shared>> -> memref<128x128xf32, #tpu.memory_space<vmem_shared>>
        %dma_wait3A_392 = arith.constant 0 : i32
        %dma_wait3A_393 = arith.constant 0 : i32
        %dma_wait3A_394 = tpu.memref_slice %arg7[%run_scoped3A, %dma_wait3A_392, %dma_wait3A_393] : memref<3x128x128xf32, #tpu.memory_space<vmem>> -> memref<1x128x128xf32, #tpu.memory_space<vmem>>
        %dma_wait3A_395 = tpu.memref_squeeze %dma_wait3A_394 : memref<1x128x128xf32, #tpu.memory_space<vmem>> -> memref<128x128xf32, #tpu.memory_space<vmem>>
        tpu.wait_dma2 semaphore(%run_scoped3A_371 : memref<!tpu.dma_semaphore, #tpu.memory_space<semaphore_mem>>) src(%dma_wait3A_395 : memref<128x128xf32, #tpu.memory_space<vmem>>) dst(%dma_wait3A_391 : memref<128x128xf32, #tpu.memory_space<vmem_shared>>)
        tpu.yield
      }) : () -> ()
      %add3A_359 = arith.constant 128 : i32
      %add3A_360 = arith.addi %mul3A_126, %add3A_359 : i32
      %run_scoped3A_361 = arith.constant 2 : i32
      "tpu.region"() ({
        %run_scoped3A_371 = tpu.sem_alloc : memref<!tpu.dma_semaphore, #tpu.memory_space<semaphore_mem>>
        %dma_start3A_372 = arith.constant 0 : i32
        %dma_start3A_373 = arith.constant 0 : i32
        %dma_start3A_374 = tpu.memref_slice %arg7[%run_scoped3A_361, %dma_start3A_372, %dma_start3A_373] : memref<3x128x128xf32, #tpu.memory_space<vmem>> -> memref<1x128x128xf32, #tpu.memory_space<vmem>>
        %dma_start3A_375 = tpu.memref_squeeze %dma_start3A_374 : memref<1x128x128xf32, #tpu.memory_space<vmem>> -> memref<128x128xf32, #tpu.memory_space<vmem>>
        %dma_start3A_376 = arith.constant 0 : i32
        %dma_start3A_377 = tpu.memref_slice %arg5[%add3A_360, %dma_start3A_376] : memref<10016x128xf32, #tpu.memory_space<vmem_shared>> -> memref<128x128xf32, #tpu.memory_space<vmem_shared>>
        %dma_start3A_378 = arith.constant 0 : i32
        %dma_start3A_379 = tpu.memref_slice %arg5[%add3A_360, %dma_start3A_378] : memref<10016x128xf32, #tpu.memory_space<vmem_shared>> -> memref<128x128xf32, #tpu.memory_space<vmem_shared>>
        %dma_start3A_380 = arith.constant 0 : i32
        %dma_start3A_381 = arith.constant 0 : i32
        %dma_start3A_382 = tpu.memref_slice %arg7[%run_scoped3A_361, %dma_start3A_380, %dma_start3A_381] : memref<3x128x128xf32, #tpu.memory_space<vmem>> -> memref<1x128x128xf32, #tpu.memory_space<vmem>>
        %dma_start3A_383 = tpu.memref_squeeze %dma_start3A_382 : memref<1x128x128xf32, #tpu.memory_space<vmem>> -> memref<128x128xf32, #tpu.memory_space<vmem>>
        tpu.enqueue_dma source(%dma_start3A_383 : memref<128x128xf32, #tpu.memory_space<vmem>>) target(%dma_start3A_379 : memref<128x128xf32, #tpu.memory_space<vmem_shared>>) target_semaphore(%run_scoped3A_371 : memref<!tpu.dma_semaphore, #tpu.memory_space<semaphore_mem>>)
        %dma_wait3A_384 = arith.constant 0 : i32
        %dma_wait3A_385 = arith.constant 0 : i32
        %dma_wait3A_386 = tpu.memref_slice %arg7[%run_scoped3A_361, %dma_wait3A_384, %dma_wait3A_385] : memref<3x128x128xf32, #tpu.memory_space<vmem>> -> memref<1x128x128xf32, #tpu.memory_space<vmem>>
        %dma_wait3A_387 = tpu.memref_squeeze %dma_wait3A_386 : memref<1x128x128xf32, #tpu.memory_space<vmem>> -> memref<128x128xf32, #tpu.memory_space<vmem>>
        %dma_wait3A_388 = arith.constant 0 : i32
        %dma_wait3A_389 = tpu.memref_slice %arg5[%add3A_360, %dma_wait3A_388] : memref<10016x128xf32, #tpu.memory_space<vmem_shared>> -> memref<128x128xf32, #tpu.memory_space<vmem_shared>>
        %dma_wait3A_390 = arith.constant 0 : i32
        %dma_wait3A_391 = tpu.memref_slice %arg5[%add3A_360, %dma_wait3A_390] : memref<10016x128xf32, #tpu.memory_space<vmem_shared>> -> memref<128x128xf32, #tpu.memory_space<vmem_shared>>
        %dma_wait3A_392 = arith.constant 0 : i32
        %dma_wait3A_393 = arith.constant 0 : i32
        %dma_wait3A_394 = tpu.memref_slice %arg7[%run_scoped3A_361, %dma_wait3A_392, %dma_wait3A_393] : memref<3x128x128xf32, #tpu.memory_space<vmem>> -> memref<1x128x128xf32, #tpu.memory_space<vmem>>
        %dma_wait3A_395 = tpu.memref_squeeze %dma_wait3A_394 : memref<1x128x128xf32, #tpu.memory_space<vmem>> -> memref<128x128xf32, #tpu.memory_space<vmem>>
        tpu.wait_dma2 semaphore(%run_scoped3A_371 : memref<!tpu.dma_semaphore, #tpu.memory_space<semaphore_mem>>) src(%dma_wait3A_395 : memref<128x128xf32, #tpu.memory_space<vmem>>) dst(%dma_wait3A_391 : memref<128x128xf32, #tpu.memory_space<vmem_shared>>)
        tpu.yield
      }) : () -> ()
      %add3A_362 = arith.constant 256 : i32
      %add3A_363 = arith.addi %mul3A_126, %add3A_362 : i32
      %run_scoped3A_364 = arith.constant 2 : i32
      "tpu.region"() ({
        %run_scoped3A_371 = tpu.sem_alloc : memref<!tpu.dma_semaphore, #tpu.memory_space<semaphore_mem>>
        %dma_start3A_372 = arith.constant 0 : i32
        %dma_start3A_373 = arith.constant 0 : i32
        %dma_start3A_374 = tpu.memref_slice %arg7[%run_scoped3A_364, %dma_start3A_372, %dma_start3A_373] : memref<3x128x128xf32, #tpu.memory_space<vmem>> -> memref<1x128x128xf32, #tpu.memory_space<vmem>>
        %dma_start3A_375 = tpu.memref_squeeze %dma_start3A_374 : memref<1x128x128xf32, #tpu.memory_space<vmem>> -> memref<128x128xf32, #tpu.memory_space<vmem>>
        %dma_start3A_376 = arith.constant 0 : i32
        %dma_start3A_377 = tpu.memref_slice %arg5[%add3A_363, %dma_start3A_376] : memref<10016x128xf32, #tpu.memory_space<vmem_shared>> -> memref<128x128xf32, #tpu.memory_space<vmem_shared>>
        %dma_start3A_378 = arith.constant 0 : i32
        %dma_start3A_379 = tpu.memref_slice %arg5[%add3A_363, %dma_start3A_378] : memref<10016x128xf32, #tpu.memory_space<vmem_shared>> -> memref<128x128xf32, #tpu.memory_space<vmem_shared>>
        %dma_start3A_380 = arith.constant 0 : i32
        %dma_start3A_381 = arith.constant 0 : i32
        %dma_start3A_382 = tpu.memref_slice %arg7[%run_scoped3A_364, %dma_start3A_380, %dma_start3A_381] : memref<3x128x128xf32, #tpu.memory_space<vmem>> -> memref<1x128x128xf32, #tpu.memory_space<vmem>>
        %dma_start3A_383 = tpu.memref_squeeze %dma_start3A_382 : memref<1x128x128xf32, #tpu.memory_space<vmem>> -> memref<128x128xf32, #tpu.memory_space<vmem>>
        tpu.enqueue_dma source(%dma_start3A_383 : memref<128x128xf32, #tpu.memory_space<vmem>>) target(%dma_start3A_379 : memref<128x128xf32, #tpu.memory_space<vmem_shared>>) target_semaphore(%run_scoped3A_371 : memref<!tpu.dma_semaphore, #tpu.memory_space<semaphore_mem>>)
        %dma_wait3A_384 = arith.constant 0 : i32
        %dma_wait3A_385 = arith.constant 0 : i32
        %dma_wait3A_386 = tpu.memref_slice %arg7[%run_scoped3A_364, %dma_wait3A_384, %dma_wait3A_385] : memref<3x128x128xf32, #tpu.memory_space<vmem>> -> memref<1x128x128xf32, #tpu.memory_space<vmem>>
        %dma_wait3A_387 = tpu.memref_squeeze %dma_wait3A_386 : memref<1x128x128xf32, #tpu.memory_space<vmem>> -> memref<128x128xf32, #tpu.memory_space<vmem>>
        %dma_wait3A_388 = arith.constant 0 : i32
        %dma_wait3A_389 = tpu.memref_slice %arg5[%add3A_363, %dma_wait3A_388] : memref<10016x128xf32, #tpu.memory_space<vmem_shared>> -> memref<128x128xf32, #tpu.memory_space<vmem_shared>>
        %dma_wait3A_390 = arith.constant 0 : i32
        %dma_wait3A_391 = tpu.memref_slice %arg5[%add3A_363, %dma_wait3A_390] : memref<10016x128xf32, #tpu.memory_space<vmem_shared>> -> memref<128x128xf32, #tpu.memory_space<vmem_shared>>
        %dma_wait3A_392 = arith.constant 0 : i32
        %dma_wait3A_393 = arith.constant 0 : i32
        %dma_wait3A_394 = tpu.memref_slice %arg7[%run_scoped3A_364, %dma_wait3A_392, %dma_wait3A_393] : memref<3x128x128xf32, #tpu.memory_space<vmem>> -> memref<1x128x128xf32, #tpu.memory_space<vmem>>
        %dma_wait3A_395 = tpu.memref_squeeze %dma_wait3A_394 : memref<1x128x128xf32, #tpu.memory_space<vmem>> -> memref<128x128xf32, #tpu.memory_space<vmem>>
        tpu.wait_dma2 semaphore(%run_scoped3A_371 : memref<!tpu.dma_semaphore, #tpu.memory_space<semaphore_mem>>) src(%dma_wait3A_395 : memref<128x128xf32, #tpu.memory_space<vmem>>) dst(%dma_wait3A_391 : memref<128x128xf32, #tpu.memory_space<vmem_shared>>)
        tpu.yield
      }) : () -> ()
      %add3A_365 = arith.constant 384 : i32
      %add3A_366 = arith.addi %mul3A_126, %add3A_365 : i32
      %run_scoped3A_367 = arith.constant 2 : i32
      "tpu.region"() ({
        %run_scoped3A_371 = tpu.sem_alloc : memref<!tpu.dma_semaphore, #tpu.memory_space<semaphore_mem>>
        %dma_start3A_372 = arith.constant 0 : i32
        %dma_start3A_373 = arith.constant 0 : i32
        %dma_start3A_374 = tpu.memref_slice %arg7[%run_scoped3A_367, %dma_start3A_372, %dma_start3A_373] : memref<3x128x128xf32, #tpu.memory_space<vmem>> -> memref<1x128x128xf32, #tpu.memory_space<vmem>>
        %dma_start3A_375 = tpu.memref_squeeze %dma_start3A_374 : memref<1x128x128xf32, #tpu.memory_space<vmem>> -> memref<128x128xf32, #tpu.memory_space<vmem>>
        %dma_start3A_376 = arith.constant 0 : i32
        %dma_start3A_377 = tpu.memref_slice %arg5[%add3A_366, %dma_start3A_376] : memref<10016x128xf32, #tpu.memory_space<vmem_shared>> -> memref<128x128xf32, #tpu.memory_space<vmem_shared>>
        %dma_start3A_378 = arith.constant 0 : i32
        %dma_start3A_379 = tpu.memref_slice %arg5[%add3A_366, %dma_start3A_378] : memref<10016x128xf32, #tpu.memory_space<vmem_shared>> -> memref<128x128xf32, #tpu.memory_space<vmem_shared>>
        %dma_start3A_380 = arith.constant 0 : i32
        %dma_start3A_381 = arith.constant 0 : i32
        %dma_start3A_382 = tpu.memref_slice %arg7[%run_scoped3A_367, %dma_start3A_380, %dma_start3A_381] : memref<3x128x128xf32, #tpu.memory_space<vmem>> -> memref<1x128x128xf32, #tpu.memory_space<vmem>>
        %dma_start3A_383 = tpu.memref_squeeze %dma_start3A_382 : memref<1x128x128xf32, #tpu.memory_space<vmem>> -> memref<128x128xf32, #tpu.memory_space<vmem>>
        tpu.enqueue_dma source(%dma_start3A_383 : memref<128x128xf32, #tpu.memory_space<vmem>>) target(%dma_start3A_379 : memref<128x128xf32, #tpu.memory_space<vmem_shared>>) target_semaphore(%run_scoped3A_371 : memref<!tpu.dma_semaphore, #tpu.memory_space<semaphore_mem>>)
        %dma_wait3A_384 = arith.constant 0 : i32
        %dma_wait3A_385 = arith.constant 0 : i32
        %dma_wait3A_386 = tpu.memref_slice %arg7[%run_scoped3A_367, %dma_wait3A_384, %dma_wait3A_385] : memref<3x128x128xf32, #tpu.memory_space<vmem>> -> memref<1x128x128xf32, #tpu.memory_space<vmem>>
        %dma_wait3A_387 = tpu.memref_squeeze %dma_wait3A_386 : memref<1x128x128xf32, #tpu.memory_space<vmem>> -> memref<128x128xf32, #tpu.memory_space<vmem>>
        %dma_wait3A_388 = arith.constant 0 : i32
        %dma_wait3A_389 = tpu.memref_slice %arg5[%add3A_366, %dma_wait3A_388] : memref<10016x128xf32, #tpu.memory_space<vmem_shared>> -> memref<128x128xf32, #tpu.memory_space<vmem_shared>>
        %dma_wait3A_390 = arith.constant 0 : i32
        %dma_wait3A_391 = tpu.memref_slice %arg5[%add3A_366, %dma_wait3A_390] : memref<10016x128xf32, #tpu.memory_space<vmem_shared>> -> memref<128x128xf32, #tpu.memory_space<vmem_shared>>
        %dma_wait3A_392 = arith.constant 0 : i32
        %dma_wait3A_393 = arith.constant 0 : i32
        %dma_wait3A_394 = tpu.memref_slice %arg7[%run_scoped3A_367, %dma_wait3A_392, %dma_wait3A_393] : memref<3x128x128xf32, #tpu.memory_space<vmem>> -> memref<1x128x128xf32, #tpu.memory_space<vmem>>
        %dma_wait3A_395 = tpu.memref_squeeze %dma_wait3A_394 : memref<1x128x128xf32, #tpu.memory_space<vmem>> -> memref<128x128xf32, #tpu.memory_space<vmem>>
        tpu.wait_dma2 semaphore(%run_scoped3A_371 : memref<!tpu.dma_semaphore, #tpu.memory_space<semaphore_mem>>) src(%dma_wait3A_395 : memref<128x128xf32, #tpu.memory_space<vmem>>) dst(%dma_wait3A_391 : memref<128x128xf32, #tpu.memory_space<vmem_shared>>)
        tpu.yield
      }) : () -> ()
      %add3A_368 = arith.constant 512 : i32
      %add3A_369 = arith.addi %mul3A_126, %add3A_368 : i32
      %run_scoped3A_370 = arith.constant 2 : i32
      "tpu.region"() ({
        %run_scoped3A_371 = tpu.sem_alloc : memref<!tpu.dma_semaphore, #tpu.memory_space<semaphore_mem>>
        %dma_start3A_372 = arith.constant 0 : i32
        %dma_start3A_373 = arith.constant 0 : i32
        %dma_start3A_374 = tpu.memref_slice %arg7[%run_scoped3A_370, %dma_start3A_372, %dma_start3A_373] : memref<3x128x128xf32, #tpu.memory_space<vmem>> -> memref<1x120x128xf32, #tpu.memory_space<vmem>>
        %dma_start3A_375 = tpu.memref_squeeze %dma_start3A_374 : memref<1x120x128xf32, #tpu.memory_space<vmem>> -> memref<120x128xf32, #tpu.memory_space<vmem>>
        %dma_start3A_376 = arith.constant 0 : i32
        %dma_start3A_377 = tpu.memref_slice %arg5[%add3A_369, %dma_start3A_376] : memref<10016x128xf32, #tpu.memory_space<vmem_shared>> -> memref<120x128xf32, #tpu.memory_space<vmem_shared>>
        %dma_start3A_378 = arith.constant 0 : i32
        %dma_start3A_379 = tpu.memref_slice %arg5[%add3A_369, %dma_start3A_378] : memref<10016x128xf32, #tpu.memory_space<vmem_shared>> -> memref<120x128xf32, #tpu.memory_space<vmem_shared>>
        %dma_start3A_380 = arith.constant 0 : i32
        %dma_start3A_381 = arith.constant 0 : i32
        %dma_start3A_382 = tpu.memref_slice %arg7[%run_scoped3A_370, %dma_start3A_380, %dma_start3A_381] : memref<3x128x128xf32, #tpu.memory_space<vmem>> -> memref<1x120x128xf32, #tpu.memory_space<vmem>>
        %dma_start3A_383 = tpu.memref_squeeze %dma_start3A_382 : memref<1x120x128xf32, #tpu.memory_space<vmem>> -> memref<120x128xf32, #tpu.memory_space<vmem>>
        tpu.enqueue_dma source(%dma_start3A_383 : memref<120x128xf32, #tpu.memory_space<vmem>>) target(%dma_start3A_379 : memref<120x128xf32, #tpu.memory_space<vmem_shared>>) target_semaphore(%run_scoped3A_371 : memref<!tpu.dma_semaphore, #tpu.memory_space<semaphore_mem>>)
        %dma_wait3A_384 = arith.constant 0 : i32
        %dma_wait3A_385 = arith.constant 0 : i32
        %dma_wait3A_386 = tpu.memref_slice %arg7[%run_scoped3A_370, %dma_wait3A_384, %dma_wait3A_385] : memref<3x128x128xf32, #tpu.memory_space<vmem>> -> memref<1x120x128xf32, #tpu.memory_space<vmem>>
        %dma_wait3A_387 = tpu.memref_squeeze %dma_wait3A_386 : memref<1x120x128xf32, #tpu.memory_space<vmem>> -> memref<120x128xf32, #tpu.memory_space<vmem>>
        %dma_wait3A_388 = arith.constant 0 : i32
        %dma_wait3A_389 = tpu.memref_slice %arg5[%add3A_369, %dma_wait3A_388] : memref<10016x128xf32, #tpu.memory_space<vmem_shared>> -> memref<120x128xf32, #tpu.memory_space<vmem_shared>>
        %dma_wait3A_390 = arith.constant 0 : i32
        %dma_wait3A_391 = tpu.memref_slice %arg5[%add3A_369, %dma_wait3A_390] : memref<10016x128xf32, #tpu.memory_space<vmem_shared>> -> memref<120x128xf32, #tpu.memory_space<vmem_shared>>
        %dma_wait3A_392 = arith.constant 0 : i32
        %dma_wait3A_393 = arith.constant 0 : i32
        %dma_wait3A_394 = tpu.memref_slice %arg7[%run_scoped3A_370, %dma_wait3A_392, %dma_wait3A_393] : memref<3x128x128xf32, #tpu.memory_space<vmem>> -> memref<1x120x128xf32, #tpu.memory_space<vmem>>
        %dma_wait3A_395 = tpu.memref_squeeze %dma_wait3A_394 : memref<1x120x128xf32, #tpu.memory_space<vmem>> -> memref<120x128xf32, #tpu.memory_space<vmem>>
        tpu.wait_dma2 semaphore(%run_scoped3A_371 : memref<!tpu.dma_semaphore, #tpu.memory_space<semaphore_mem>>) src(%dma_wait3A_395 : memref<120x128xf32, #tpu.memory_space<vmem>>) dst(%dma_wait3A_391 : memref<120x128xf32, #tpu.memory_space<vmem_shared>>)
        tpu.yield
      }) : () -> ()
    } else {
    }
    %eq3A = arith.constant 15 : i32
    %eq3A_130 = arith.cmpi eq, %arg1, %eq3A : i32
    %convert_element_type3A_131 = arith.extui %eq3A_130 : i1 to i32
    %cond3A_132 = arith.constant 0 : i32
    %cond3A_133 = arith.cmpi ne, %convert_element_type3A_131, %cond3A_132 : i32
    scf.if %cond3A_133 {
      %add3A_357 = arith.constant 0 : i32
      %add3A_358 = arith.addi %mul3A_126, %add3A_357 : i32
      %run_scoped3A = arith.constant 2 : i32
      "tpu.region"() ({
        %run_scoped3A_371 = tpu.sem_alloc : memref<!tpu.dma_semaphore, #tpu.memory_space<semaphore_mem>>
        %dma_start3A_372 = arith.constant 0 : i32
        %dma_start3A_373 = arith.constant 0 : i32
        %dma_start3A_374 = tpu.memref_slice %arg7[%run_scoped3A, %dma_start3A_372, %dma_start3A_373] : memref<3x128x128xf32, #tpu.memory_space<vmem>> -> memref<1x128x128xf32, #tpu.memory_space<vmem>>
        %dma_start3A_375 = tpu.memref_squeeze %dma_start3A_374 : memref<1x128x128xf32, #tpu.memory_space<vmem>> -> memref<128x128xf32, #tpu.memory_space<vmem>>
        %dma_start3A_376 = arith.constant 0 : i32
        %dma_start3A_377 = tpu.memref_slice %arg5[%add3A_358, %dma_start3A_376] : memref<10016x128xf32, #tpu.memory_space<vmem_shared>> -> memref<128x128xf32, #tpu.memory_space<vmem_shared>>
        %dma_start3A_378 = arith.constant 0 : i32
        %dma_start3A_379 = tpu.memref_slice %arg5[%add3A_358, %dma_start3A_378] : memref<10016x128xf32, #tpu.memory_space<vmem_shared>> -> memref<128x128xf32, #tpu.memory_space<vmem_shared>>
        %dma_start3A_380 = arith.constant 0 : i32
        %dma_start3A_381 = arith.constant 0 : i32
        %dma_start3A_382 = tpu.memref_slice %arg7[%run_scoped3A, %dma_start3A_380, %dma_start3A_381] : memref<3x128x128xf32, #tpu.memory_space<vmem>> -> memref<1x128x128xf32, #tpu.memory_space<vmem>>
        %dma_start3A_383 = tpu.memref_squeeze %dma_start3A_382 : memref<1x128x128xf32, #tpu.memory_space<vmem>> -> memref<128x128xf32, #tpu.memory_space<vmem>>
        tpu.enqueue_dma source(%dma_start3A_383 : memref<128x128xf32, #tpu.memory_space<vmem>>) target(%dma_start3A_379 : memref<128x128xf32, #tpu.memory_space<vmem_shared>>) target_semaphore(%run_scoped3A_371 : memref<!tpu.dma_semaphore, #tpu.memory_space<semaphore_mem>>)
        %dma_wait3A_384 = arith.constant 0 : i32
        %dma_wait3A_385 = arith.constant 0 : i32
        %dma_wait3A_386 = tpu.memref_slice %arg7[%run_scoped3A, %dma_wait3A_384, %dma_wait3A_385] : memref<3x128x128xf32, #tpu.memory_space<vmem>> -> memref<1x128x128xf32, #tpu.memory_space<vmem>>
        %dma_wait3A_387 = tpu.memref_squeeze %dma_wait3A_386 : memref<1x128x128xf32, #tpu.memory_space<vmem>> -> memref<128x128xf32, #tpu.memory_space<vmem>>
        %dma_wait3A_388 = arith.constant 0 : i32
        %dma_wait3A_389 = tpu.memref_slice %arg5[%add3A_358, %dma_wait3A_388] : memref<10016x128xf32, #tpu.memory_space<vmem_shared>> -> memref<128x128xf32, #tpu.memory_space<vmem_shared>>
        %dma_wait3A_390 = arith.constant 0 : i32
        %dma_wait3A_391 = tpu.memref_slice %arg5[%add3A_358, %dma_wait3A_390] : memref<10016x128xf32, #tpu.memory_space<vmem_shared>> -> memref<128x128xf32, #tpu.memory_space<vmem_shared>>
        %dma_wait3A_392 = arith.constant 0 : i32
        %dma_wait3A_393 = arith.constant 0 : i32
        %dma_wait3A_394 = tpu.memref_slice %arg7[%run_scoped3A, %dma_wait3A_392, %dma_wait3A_393] : memref<3x128x128xf32, #tpu.memory_space<vmem>> -> memref<1x128x128xf32, #tpu.memory_space<vmem>>
        %dma_wait3A_395 = tpu.memref_squeeze %dma_wait3A_394 : memref<1x128x128xf32, #tpu.memory_space<vmem>> -> memref<128x128xf32, #tpu.memory_space<vmem>>
        tpu.wait_dma2 semaphore(%run_scoped3A_371 : memref<!tpu.dma_semaphore, #tpu.memory_space<semaphore_mem>>) src(%dma_wait3A_395 : memref<128x128xf32, #tpu.memory_space<vmem>>) dst(%dma_wait3A_391 : memref<128x128xf32, #tpu.memory_space<vmem_shared>>)
        tpu.yield
      }) : () -> ()
      %add3A_359 = arith.constant 128 : i32
      %add3A_360 = arith.addi %mul3A_126, %add3A_359 : i32
      %run_scoped3A_361 = arith.constant 2 : i32
      "tpu.region"() ({
        %run_scoped3A_371 = tpu.sem_alloc : memref<!tpu.dma_semaphore, #tpu.memory_space<semaphore_mem>>
        %dma_start3A_372 = arith.constant 0 : i32
        %dma_start3A_373 = arith.constant 0 : i32
        %dma_start3A_374 = tpu.memref_slice %arg7[%run_scoped3A_361, %dma_start3A_372, %dma_start3A_373] : memref<3x128x128xf32, #tpu.memory_space<vmem>> -> memref<1x128x128xf32, #tpu.memory_space<vmem>>
        %dma_start3A_375 = tpu.memref_squeeze %dma_start3A_374 : memref<1x128x128xf32, #tpu.memory_space<vmem>> -> memref<128x128xf32, #tpu.memory_space<vmem>>
        %dma_start3A_376 = arith.constant 0 : i32
        %dma_start3A_377 = tpu.memref_slice %arg5[%add3A_360, %dma_start3A_376] : memref<10016x128xf32, #tpu.memory_space<vmem_shared>> -> memref<128x128xf32, #tpu.memory_space<vmem_shared>>
        %dma_start3A_378 = arith.constant 0 : i32
        %dma_start3A_379 = tpu.memref_slice %arg5[%add3A_360, %dma_start3A_378] : memref<10016x128xf32, #tpu.memory_space<vmem_shared>> -> memref<128x128xf32, #tpu.memory_space<vmem_shared>>
        %dma_start3A_380 = arith.constant 0 : i32
        %dma_start3A_381 = arith.constant 0 : i32
        %dma_start3A_382 = tpu.memref_slice %arg7[%run_scoped3A_361, %dma_start3A_380, %dma_start3A_381] : memref<3x128x128xf32, #tpu.memory_space<vmem>> -> memref<1x128x128xf32, #tpu.memory_space<vmem>>
        %dma_start3A_383 = tpu.memref_squeeze %dma_start3A_382 : memref<1x128x128xf32, #tpu.memory_space<vmem>> -> memref<128x128xf32, #tpu.memory_space<vmem>>
        tpu.enqueue_dma source(%dma_start3A_383 : memref<128x128xf32, #tpu.memory_space<vmem>>) target(%dma_start3A_379 : memref<128x128xf32, #tpu.memory_space<vmem_shared>>) target_semaphore(%run_scoped3A_371 : memref<!tpu.dma_semaphore, #tpu.memory_space<semaphore_mem>>)
        %dma_wait3A_384 = arith.constant 0 : i32
        %dma_wait3A_385 = arith.constant 0 : i32
        %dma_wait3A_386 = tpu.memref_slice %arg7[%run_scoped3A_361, %dma_wait3A_384, %dma_wait3A_385] : memref<3x128x128xf32, #tpu.memory_space<vmem>> -> memref<1x128x128xf32, #tpu.memory_space<vmem>>
        %dma_wait3A_387 = tpu.memref_squeeze %dma_wait3A_386 : memref<1x128x128xf32, #tpu.memory_space<vmem>> -> memref<128x128xf32, #tpu.memory_space<vmem>>
        %dma_wait3A_388 = arith.constant 0 : i32
        %dma_wait3A_389 = tpu.memref_slice %arg5[%add3A_360, %dma_wait3A_388] : memref<10016x128xf32, #tpu.memory_space<vmem_shared>> -> memref<128x128xf32, #tpu.memory_space<vmem_shared>>
        %dma_wait3A_390 = arith.constant 0 : i32
        %dma_wait3A_391 = tpu.memref_slice %arg5[%add3A_360, %dma_wait3A_390] : memref<10016x128xf32, #tpu.memory_space<vmem_shared>> -> memref<128x128xf32, #tpu.memory_space<vmem_shared>>
        %dma_wait3A_392 = arith.constant 0 : i32
        %dma_wait3A_393 = arith.constant 0 : i32
        %dma_wait3A_394 = tpu.memref_slice %arg7[%run_scoped3A_361, %dma_wait3A_392, %dma_wait3A_393] : memref<3x128x128xf32, #tpu.memory_space<vmem>> -> memref<1x128x128xf32, #tpu.memory_space<vmem>>
        %dma_wait3A_395 = tpu.memref_squeeze %dma_wait3A_394 : memref<1x128x128xf32, #tpu.memory_space<vmem>> -> memref<128x128xf32, #tpu.memory_space<vmem>>
        tpu.wait_dma2 semaphore(%run_scoped3A_371 : memref<!tpu.dma_semaphore, #tpu.memory_space<semaphore_mem>>) src(%dma_wait3A_395 : memref<128x128xf32, #tpu.memory_space<vmem>>) dst(%dma_wait3A_391 : memref<128x128xf32, #tpu.memory_space<vmem_shared>>)
        tpu.yield
      }) : () -> ()
      %add3A_362 = arith.constant 256 : i32
      %add3A_363 = arith.addi %mul3A_126, %add3A_362 : i32
      %run_scoped3A_364 = arith.constant 2 : i32
      "tpu.region"() ({
        %run_scoped3A_371 = tpu.sem_alloc : memref<!tpu.dma_semaphore, #tpu.memory_space<semaphore_mem>>
        %dma_start3A_372 = arith.constant 0 : i32
        %dma_start3A_373 = arith.constant 0 : i32
        %dma_start3A_374 = tpu.memref_slice %arg7[%run_scoped3A_364, %dma_start3A_372, %dma_start3A_373] : memref<3x128x128xf32, #tpu.memory_space<vmem>> -> memref<1x128x128xf32, #tpu.memory_space<vmem>>
        %dma_start3A_375 = tpu.memref_squeeze %dma_start3A_374 : memref<1x128x128xf32, #tpu.memory_space<vmem>> -> memref<128x128xf32, #tpu.memory_space<vmem>>
        %dma_start3A_376 = arith.constant 0 : i32
        %dma_start3A_377 = tpu.memref_slice %arg5[%add3A_363, %dma_start3A_376] : memref<10016x128xf32, #tpu.memory_space<vmem_shared>> -> memref<128x128xf32, #tpu.memory_space<vmem_shared>>
        %dma_start3A_378 = arith.constant 0 : i32
        %dma_start3A_379 = tpu.memref_slice %arg5[%add3A_363, %dma_start3A_378] : memref<10016x128xf32, #tpu.memory_space<vmem_shared>> -> memref<128x128xf32, #tpu.memory_space<vmem_shared>>
        %dma_start3A_380 = arith.constant 0 : i32
        %dma_start3A_381 = arith.constant 0 : i32
        %dma_start3A_382 = tpu.memref_slice %arg7[%run_scoped3A_364, %dma_start3A_380, %dma_start3A_381] : memref<3x128x128xf32, #tpu.memory_space<vmem>> -> memref<1x128x128xf32, #tpu.memory_space<vmem>>
        %dma_start3A_383 = tpu.memref_squeeze %dma_start3A_382 : memref<1x128x128xf32, #tpu.memory_space<vmem>> -> memref<128x128xf32, #tpu.memory_space<vmem>>
        tpu.enqueue_dma source(%dma_start3A_383 : memref<128x128xf32, #tpu.memory_space<vmem>>) target(%dma_start3A_379 : memref<128x128xf32, #tpu.memory_space<vmem_shared>>) target_semaphore(%run_scoped3A_371 : memref<!tpu.dma_semaphore, #tpu.memory_space<semaphore_mem>>)
        %dma_wait3A_384 = arith.constant 0 : i32
        %dma_wait3A_385 = arith.constant 0 : i32
        %dma_wait3A_386 = tpu.memref_slice %arg7[%run_scoped3A_364, %dma_wait3A_384, %dma_wait3A_385] : memref<3x128x128xf32, #tpu.memory_space<vmem>> -> memref<1x128x128xf32, #tpu.memory_space<vmem>>
        %dma_wait3A_387 = tpu.memref_squeeze %dma_wait3A_386 : memref<1x128x128xf32, #tpu.memory_space<vmem>> -> memref<128x128xf32, #tpu.memory_space<vmem>>
        %dma_wait3A_388 = arith.constant 0 : i32
        %dma_wait3A_389 = tpu.memref_slice %arg5[%add3A_363, %dma_wait3A_388] : memref<10016x128xf32, #tpu.memory_space<vmem_shared>> -> memref<128x128xf32, #tpu.memory_space<vmem_shared>>
        %dma_wait3A_390 = arith.constant 0 : i32
        %dma_wait3A_391 = tpu.memref_slice %arg5[%add3A_363, %dma_wait3A_390] : memref<10016x128xf32, #tpu.memory_space<vmem_shared>> -> memref<128x128xf32, #tpu.memory_space<vmem_shared>>
        %dma_wait3A_392 = arith.constant 0 : i32
        %dma_wait3A_393 = arith.constant 0 : i32
        %dma_wait3A_394 = tpu.memref_slice %arg7[%run_scoped3A_364, %dma_wait3A_392, %dma_wait3A_393] : memref<3x128x128xf32, #tpu.memory_space<vmem>> -> memref<1x128x128xf32, #tpu.memory_space<vmem>>
        %dma_wait3A_395 = tpu.memref_squeeze %dma_wait3A_394 : memref<1x128x128xf32, #tpu.memory_space<vmem>> -> memref<128x128xf32, #tpu.memory_space<vmem>>
        tpu.wait_dma2 semaphore(%run_scoped3A_371 : memref<!tpu.dma_semaphore, #tpu.memory_space<semaphore_mem>>) src(%dma_wait3A_395 : memref<128x128xf32, #tpu.memory_space<vmem>>) dst(%dma_wait3A_391 : memref<128x128xf32, #tpu.memory_space<vmem_shared>>)
        tpu.yield
      }) : () -> ()
      %add3A_365 = arith.constant 384 : i32
      %add3A_366 = arith.addi %mul3A_126, %add3A_365 : i32
      %run_scoped3A_367 = arith.constant 2 : i32
      "tpu.region"() ({
        %run_scoped3A_371 = tpu.sem_alloc : memref<!tpu.dma_semaphore, #tpu.memory_space<semaphore_mem>>
        %dma_start3A_372 = arith.constant 0 : i32
        %dma_start3A_373 = arith.constant 0 : i32
        %dma_start3A_374 = tpu.memref_slice %arg7[%run_scoped3A_367, %dma_start3A_372, %dma_start3A_373] : memref<3x128x128xf32, #tpu.memory_space<vmem>> -> memref<1x128x128xf32, #tpu.memory_space<vmem>>
        %dma_start3A_375 = tpu.memref_squeeze %dma_start3A_374 : memref<1x128x128xf32, #tpu.memory_space<vmem>> -> memref<128x128xf32, #tpu.memory_space<vmem>>
        %dma_start3A_376 = arith.constant 0 : i32
        %dma_start3A_377 = tpu.memref_slice %arg5[%add3A_366, %dma_start3A_376] : memref<10016x128xf32, #tpu.memory_space<vmem_shared>> -> memref<128x128xf32, #tpu.memory_space<vmem_shared>>
        %dma_start3A_378 = arith.constant 0 : i32
        %dma_start3A_379 = tpu.memref_slice %arg5[%add3A_366, %dma_start3A_378] : memref<10016x128xf32, #tpu.memory_space<vmem_shared>> -> memref<128x128xf32, #tpu.memory_space<vmem_shared>>
        %dma_start3A_380 = arith.constant 0 : i32
        %dma_start3A_381 = arith.constant 0 : i32
        %dma_start3A_382 = tpu.memref_slice %arg7[%run_scoped3A_367, %dma_start3A_380, %dma_start3A_381] : memref<3x128x128xf32, #tpu.memory_space<vmem>> -> memref<1x128x128xf32, #tpu.memory_space<vmem>>
        %dma_start3A_383 = tpu.memref_squeeze %dma_start3A_382 : memref<1x128x128xf32, #tpu.memory_space<vmem>> -> memref<128x128xf32, #tpu.memory_space<vmem>>
        tpu.enqueue_dma source(%dma_start3A_383 : memref<128x128xf32, #tpu.memory_space<vmem>>) target(%dma_start3A_379 : memref<128x128xf32, #tpu.memory_space<vmem_shared>>) target_semaphore(%run_scoped3A_371 : memref<!tpu.dma_semaphore, #tpu.memory_space<semaphore_mem>>)
        %dma_wait3A_384 = arith.constant 0 : i32
        %dma_wait3A_385 = arith.constant 0 : i32
        %dma_wait3A_386 = tpu.memref_slice %arg7[%run_scoped3A_367, %dma_wait3A_384, %dma_wait3A_385] : memref<3x128x128xf32, #tpu.memory_space<vmem>> -> memref<1x128x128xf32, #tpu.memory_space<vmem>>
        %dma_wait3A_387 = tpu.memref_squeeze %dma_wait3A_386 : memref<1x128x128xf32, #tpu.memory_space<vmem>> -> memref<128x128xf32, #tpu.memory_space<vmem>>
        %dma_wait3A_388 = arith.constant 0 : i32
        %dma_wait3A_389 = tpu.memref_slice %arg5[%add3A_366, %dma_wait3A_388] : memref<10016x128xf32, #tpu.memory_space<vmem_shared>> -> memref<128x128xf32, #tpu.memory_space<vmem_shared>>
        %dma_wait3A_390 = arith.constant 0 : i32
        %dma_wait3A_391 = tpu.memref_slice %arg5[%add3A_366, %dma_wait3A_390] : memref<10016x128xf32, #tpu.memory_space<vmem_shared>> -> memref<128x128xf32, #tpu.memory_space<vmem_shared>>
        %dma_wait3A_392 = arith.constant 0 : i32
        %dma_wait3A_393 = arith.constant 0 : i32
        %dma_wait3A_394 = tpu.memref_slice %arg7[%run_scoped3A_367, %dma_wait3A_392, %dma_wait3A_393] : memref<3x128x128xf32, #tpu.memory_space<vmem>> -> memref<1x128x128xf32, #tpu.memory_space<vmem>>
        %dma_wait3A_395 = tpu.memref_squeeze %dma_wait3A_394 : memref<1x128x128xf32, #tpu.memory_space<vmem>> -> memref<128x128xf32, #tpu.memory_space<vmem>>
        tpu.wait_dma2 semaphore(%run_scoped3A_371 : memref<!tpu.dma_semaphore, #tpu.memory_space<semaphore_mem>>) src(%dma_wait3A_395 : memref<128x128xf32, #tpu.memory_space<vmem>>) dst(%dma_wait3A_391 : memref<128x128xf32, #tpu.memory_space<vmem_shared>>)
        tpu.yield
      }) : () -> ()
      %add3A_368 = arith.constant 512 : i32
      %add3A_369 = arith.addi %mul3A_126, %add3A_368 : i32
      %run_scoped3A_370 = arith.constant 2 : i32
      "tpu.region"() ({
        %run_scoped3A_371 = tpu.sem_alloc : memref<!tpu.dma_semaphore, #tpu.memory_space<semaphore_mem>>
        %dma_start3A_372 = arith.constant 0 : i32
        %dma_start3A_373 = arith.constant 0 : i32
        %dma_start3A_374 = tpu.memref_slice %arg7[%run_scoped3A_370, %dma_start3A_372, %dma_start3A_373] : memref<3x128x128xf32, #tpu.memory_space<vmem>> -> memref<1x24x128xf32, #tpu.memory_space<vmem>>
        %dma_start3A_375 = tpu.memref_squeeze %dma_start3A_374 : memref<1x24x128xf32, #tpu.memory_space<vmem>> -> memref<24x128xf32, #tpu.memory_space<vmem>>
        %dma_start3A_376 = arith.constant 0 : i32
        %dma_start3A_377 = tpu.memref_slice %arg5[%add3A_369, %dma_start3A_376] : memref<10016x128xf32, #tpu.memory_space<vmem_shared>> -> memref<24x128xf32, #tpu.memory_space<vmem_shared>>
        %dma_start3A_378 = arith.constant 0 : i32
        %dma_start3A_379 = tpu.memref_slice %arg5[%add3A_369, %dma_start3A_378] : memref<10016x128xf32, #tpu.memory_space<vmem_shared>> -> memref<24x128xf32, #tpu.memory_space<vmem_shared>>
        %dma_start3A_380 = arith.constant 0 : i32
        %dma_start3A_381 = arith.constant 0 : i32
        %dma_start3A_382 = tpu.memref_slice %arg7[%run_scoped3A_370, %dma_start3A_380, %dma_start3A_381] : memref<3x128x128xf32, #tpu.memory_space<vmem>> -> memref<1x24x128xf32, #tpu.memory_space<vmem>>
        %dma_start3A_383 = tpu.memref_squeeze %dma_start3A_382 : memref<1x24x128xf32, #tpu.memory_space<vmem>> -> memref<24x128xf32, #tpu.memory_space<vmem>>
        tpu.enqueue_dma source(%dma_start3A_383 : memref<24x128xf32, #tpu.memory_space<vmem>>) target(%dma_start3A_379 : memref<24x128xf32, #tpu.memory_space<vmem_shared>>) target_semaphore(%run_scoped3A_371 : memref<!tpu.dma_semaphore, #tpu.memory_space<semaphore_mem>>)
        %dma_wait3A_384 = arith.constant 0 : i32
        %dma_wait3A_385 = arith.constant 0 : i32
        %dma_wait3A_386 = tpu.memref_slice %arg7[%run_scoped3A_370, %dma_wait3A_384, %dma_wait3A_385] : memref<3x128x128xf32, #tpu.memory_space<vmem>> -> memref<1x24x128xf32, #tpu.memory_space<vmem>>
        %dma_wait3A_387 = tpu.memref_squeeze %dma_wait3A_386 : memref<1x24x128xf32, #tpu.memory_space<vmem>> -> memref<24x128xf32, #tpu.memory_space<vmem>>
        %dma_wait3A_388 = arith.constant 0 : i32
        %dma_wait3A_389 = tpu.memref_slice %arg5[%add3A_369, %dma_wait3A_388] : memref<10016x128xf32, #tpu.memory_space<vmem_shared>> -> memref<24x128xf32, #tpu.memory_space<vmem_shared>>
        %dma_wait3A_390 = arith.constant 0 : i32
        %dma_wait3A_391 = tpu.memref_slice %arg5[%add3A_369, %dma_wait3A_390] : memref<10016x128xf32, #tpu.memory_space<vmem_shared>> -> memref<24x128xf32, #tpu.memory_space<vmem_shared>>
        %dma_wait3A_392 = arith.constant 0 : i32
        %dma_wait3A_393 = arith.constant 0 : i32
        %dma_wait3A_394 = tpu.memref_slice %arg7[%run_scoped3A_370, %dma_wait3A_392, %dma_wait3A_393] : memref<3x128x128xf32, #tpu.memory_space<vmem>> -> memref<1x24x128xf32, #tpu.memory_space<vmem>>
        %dma_wait3A_395 = tpu.memref_squeeze %dma_wait3A_394 : memref<1x24x128xf32, #tpu.memory_space<vmem>> -> memref<24x128xf32, #tpu.memory_space<vmem>>
        tpu.wait_dma2 semaphore(%run_scoped3A_371 : memref<!tpu.dma_semaphore, #tpu.memory_space<semaphore_mem>>) src(%dma_wait3A_395 : memref<24x128xf32, #tpu.memory_space<vmem>>) dst(%dma_wait3A_391 : memref<24x128xf32, #tpu.memory_space<vmem_shared>>)
        tpu.yield
      }) : () -> ()
    } else {
    }
    %barrier3A = arith.constant 0 : index
    tpu.barrier barrier_id(%barrier3A)
    %dma_wait3A_134 = arith.constant 0 : i32
    %dma_wait3A_135 = arith.constant 0 : i32
    %dma_wait3A_136 = arith.constant 0 : i32
    %dma_wait3A_137 = arith.constant 0 : i32
    %dma_wait3A_138 = arith.constant 0 : i32
    %dma_wait3A_139 = tpu.memref_slice %arg7[%dma_wait3A_136, %dma_wait3A_137, %dma_wait3A_138] : memref<3x128x128xf32, #tpu.memory_space<vmem>> -> memref<1x128x128xf32, #tpu.memory_space<vmem>>
    %dma_wait3A_140 = tpu.memref_squeeze %dma_wait3A_139 : memref<1x128x128xf32, #tpu.memory_space<vmem>> -> memref<128x128xf32, #tpu.memory_space<vmem>>
    %dma_wait3A_141 = arith.constant 0 : i32
    %dma_wait3A_142 = tpu.memref_slice %arg6[%dma_wait3A_134, %dma_wait3A_135, %dma_wait3A_141] : memref<6x2x128xi32, #tpu.memory_space<vmem>> -> memref<1x1x128xi32, #tpu.memory_space<vmem>>
    %dma_wait3A_143 = tpu.memref_squeeze %dma_wait3A_142 : memref<1x1x128xi32, #tpu.memory_space<vmem>> -> memref<128xi32, #tpu.memory_space<vmem>>
    %dma_wait3A_144 = arith.constant 0 : i32
    %dma_wait3A_145 = arith.constant 0 : i32
    %dma_wait3A_146 = tpu.memref_slice %arg2[%dma_wait3A_144, %dma_wait3A_145] : memref<10000x128xf32, #tpu.memory_space<hbm>> -> memref<10000x128xf32, #tpu.memory_space<hbm>>
    tpu.wait_indirect_dma semaphore(%arg8 : memref<!tpu.dma_semaphore, #tpu.memory_space<semaphore_mem>>) src(%dma_wait3A_146 : memref<10000x128xf32, #tpu.memory_space<hbm>>) dst(%dma_wait3A_140 : memref<128x128xf32, #tpu.memory_space<vmem>>)
    %dma_start3A_147 = arith.constant 0 : i32
    %dma_start3A_148 = arith.constant 0 : i32
    %dma_start3A_149 = arith.constant 1 : i32
    %dma_start3A_150 = arith.constant 0 : i32
    %dma_start3A_151 = arith.constant 0 : i32
    %dma_start3A_152 = tpu.memref_slice %arg7[%dma_start3A_147, %dma_start3A_150, %dma_start3A_151] : memref<3x128x128xf32, #tpu.memory_space<vmem>> -> memref<1x128x128xf32, #tpu.memory_space<vmem>>
    %dma_start3A_153 = tpu.memref_squeeze %dma_start3A_152 : memref<1x128x128xf32, #tpu.memory_space<vmem>> -> memref<128x128xf32, #tpu.memory_space<vmem>>
    %dma_start3A_154 = arith.constant 0 : i32
    %dma_start3A_155 = tpu.memref_slice %arg6[%dma_start3A_148, %dma_start3A_149, %dma_start3A_154] : memref<6x2x128xi32, #tpu.memory_space<vmem>> -> memref<1x1x128xi32, #tpu.memory_space<vmem>>
    %dma_start3A_156 = tpu.memref_squeeze %dma_start3A_155 : memref<1x1x128xi32, #tpu.memory_space<vmem>> -> memref<128xi32, #tpu.memory_space<vmem>>
    %dma_start3A_157 = arith.constant 0 : i32
    %dma_start3A_158 = arith.constant 0 : i32
    %dma_start3A_159 = tpu.memref_slice %arg5[%dma_start3A_157, %dma_start3A_158] : memref<10016x128xf32, #tpu.memory_space<vmem_shared>> -> memref<10016x128xf32, #tpu.memory_space<vmem_shared>>
    tpu.enqueue_indirect_dma source(%dma_start3A_153 : memref<128x128xf32, #tpu.memory_space<vmem>>) target(%dma_start3A_159 : memref<10016x128xf32, #tpu.memory_space<vmem_shared>>) offsets(%dma_start3A_156 : memref<128xi32, #tpu.memory_space<vmem>>) semaphore(%arg11 : memref<!tpu.dma_semaphore, #tpu.memory_space<semaphore_mem>>) {add = true}
    %add3A_160 = arith.constant 1 : i32
    %add3A_161 = arith.addi %select_n3A, %add3A_160 : i32
    %mul3A_162 = arith.constant 128 : i32
    %mul3A_163 = arith.muli %mul3A_162, %add3A_161 : i32
    %dma_wait3A_164 = arith.constant 1 : i32
    %dma_wait3A_165 = arith.constant 0 : i32
    %dma_wait3A_166 = arith.constant 0 : i32
    %dma_wait3A_167 = tpu.memref_slice %arg6[%dma_wait3A_164, %dma_wait3A_165, %dma_wait3A_166] : memref<6x2x128xi32, #tpu.memory_space<vmem>> -> memref<1x2x128xi32, #tpu.memory_space<vmem>>
    %dma_wait3A_168 = tpu.memref_squeeze %dma_wait3A_167 : memref<1x2x128xi32, #tpu.memory_space<vmem>> -> memref<2x128xi32, #tpu.memory_space<vmem>>
    %dma_wait3A_169 = arith.constant 0 : i32
    %dma_wait3A_170 = tpu.memref_slice %arg3[%dma_wait3A_169, %mul3A_163] : memref<2x320000xi32, #tpu.memory_space<hbm>> -> memref<2x128xi32, #tpu.memory_space<hbm>>
    %dma_wait3A_171 = arith.constant 0 : i32
    %dma_wait3A_172 = arith.constant 0 : i32
    %dma_wait3A_173 = tpu.memref_slice %arg6[%dma_wait3A_164, %dma_wait3A_171, %dma_wait3A_172] : memref<6x2x128xi32, #tpu.memory_space<vmem>> -> memref<1x2x128xi32, #tpu.memory_space<vmem>>
    %dma_wait3A_174 = tpu.memref_squeeze %dma_wait3A_173 : memref<1x2x128xi32, #tpu.memory_space<vmem>> -> memref<2x128xi32, #tpu.memory_space<vmem>>
    %dma_wait3A_175 = arith.constant 0 : i32
    %dma_wait3A_176 = tpu.memref_slice %arg3[%dma_wait3A_175, %mul3A_163] : memref<2x320000xi32, #tpu.memory_space<hbm>> -> memref<2x128xi32, #tpu.memory_space<hbm>>
    tpu.wait_dma2 semaphore(%arg15 : memref<!tpu.dma_semaphore, #tpu.memory_space<semaphore_mem>>) src(%dma_wait3A_176 : memref<2x128xi32, #tpu.memory_space<hbm>>) dst(%dma_wait3A_174 : memref<2x128xi32, #tpu.memory_space<vmem>>)
    %dma_start3A_177 = arith.constant 1 : i32
    %dma_start3A_178 = arith.constant 0 : i32
    %dma_start3A_179 = arith.constant 2 : i32
    %dma_start3A_180 = arith.constant 0 : i32
    %dma_start3A_181 = arith.constant 0 : i32
    %dma_start3A_182 = tpu.memref_slice %arg7[%dma_start3A_179, %dma_start3A_180, %dma_start3A_181] : memref<3x128x128xf32, #tpu.memory_space<vmem>> -> memref<1x128x128xf32, #tpu.memory_space<vmem>>
    %dma_start3A_183 = tpu.memref_squeeze %dma_start3A_182 : memref<1x128x128xf32, #tpu.memory_space<vmem>> -> memref<128x128xf32, #tpu.memory_space<vmem>>
    %dma_start3A_184 = arith.constant 0 : i32
    %dma_start3A_185 = tpu.memref_slice %arg6[%dma_start3A_177, %dma_start3A_178, %dma_start3A_184] : memref<6x2x128xi32, #tpu.memory_space<vmem>> -> memref<1x1x128xi32, #tpu.memory_space<vmem>>
    %dma_start3A_186 = tpu.memref_squeeze %dma_start3A_185 : memref<1x1x128xi32, #tpu.memory_space<vmem>> -> memref<128xi32, #tpu.memory_space<vmem>>
    %dma_start3A_187 = arith.constant 0 : i32
    %dma_start3A_188 = arith.constant 0 : i32
    %dma_start3A_189 = tpu.memref_slice %arg2[%dma_start3A_187, %dma_start3A_188] : memref<10000x128xf32, #tpu.memory_space<hbm>> -> memref<10000x128xf32, #tpu.memory_space<hbm>>
    tpu.enqueue_indirect_dma source(%dma_start3A_189 : memref<10000x128xf32, #tpu.memory_space<hbm>>) target(%dma_start3A_183 : memref<128x128xf32, #tpu.memory_space<vmem>>) offsets(%dma_start3A_186 : memref<128xi32, #tpu.memory_space<vmem>>) semaphore(%arg10 : memref<!tpu.dma_semaphore, #tpu.memory_space<semaphore_mem>>)
    %dma_wait3A_190 = arith.constant 0 : i32
    %dma_wait3A_191 = arith.constant 1 : i32
    %dma_wait3A_192 = arith.constant 1 : i32
    %dma_wait3A_193 = arith.constant 0 : i32
    %dma_wait3A_194 = arith.constant 0 : i32
    %dma_wait3A_195 = tpu.memref_slice %arg7[%dma_wait3A_192, %dma_wait3A_193, %dma_wait3A_194] : memref<3x128x128xf32, #tpu.memory_space<vmem>> -> memref<1x128x128xf32, #tpu.memory_space<vmem>>
    %dma_wait3A_196 = tpu.memref_squeeze %dma_wait3A_195 : memref<1x128x128xf32, #tpu.memory_space<vmem>> -> memref<128x128xf32, #tpu.memory_space<vmem>>
    %dma_wait3A_197 = arith.constant 0 : i32
    %dma_wait3A_198 = tpu.memref_slice %arg6[%dma_wait3A_190, %dma_wait3A_191, %dma_wait3A_197] : memref<6x2x128xi32, #tpu.memory_space<vmem>> -> memref<1x1x128xi32, #tpu.memory_space<vmem>>
    %dma_wait3A_199 = tpu.memref_squeeze %dma_wait3A_198 : memref<1x1x128xi32, #tpu.memory_space<vmem>> -> memref<128xi32, #tpu.memory_space<vmem>>
    %dma_wait3A_200 = arith.constant 0 : i32
    %dma_wait3A_201 = arith.constant 0 : i32
    %dma_wait3A_202 = tpu.memref_slice %arg2[%dma_wait3A_200, %dma_wait3A_201] : memref<10000x128xf32, #tpu.memory_space<hbm>> -> memref<10000x128xf32, #tpu.memory_space<hbm>>
    tpu.wait_indirect_dma semaphore(%arg9 : memref<!tpu.dma_semaphore, #tpu.memory_space<semaphore_mem>>) src(%dma_wait3A_202 : memref<10000x128xf32, #tpu.memory_space<hbm>>) dst(%dma_wait3A_196 : memref<128x128xf32, #tpu.memory_space<vmem>>)
    %dma_start3A_203 = arith.constant 1 : i32
    %dma_start3A_204 = arith.constant 0 : i32
    %dma_start3A_205 = arith.constant 0 : i32
    %dma_start3A_206 = arith.constant 0 : i32
    %dma_start3A_207 = arith.constant 0 : i32
    %dma_start3A_208 = tpu.memref_slice %arg7[%dma_start3A_203, %dma_start3A_206, %dma_start3A_207] : memref<3x128x128xf32, #tpu.memory_space<vmem>> -> memref<1x128x128xf32, #tpu.memory_space<vmem>>
    %dma_start3A_209 = tpu.memref_squeeze %dma_start3A_208 : memref<1x128x128xf32, #tpu.memory_space<vmem>> -> memref<128x128xf32, #tpu.memory_space<vmem>>
    %dma_start3A_210 = arith.constant 0 : i32
    %dma_start3A_211 = tpu.memref_slice %arg6[%dma_start3A_204, %dma_start3A_205, %dma_start3A_210] : memref<6x2x128xi32, #tpu.memory_space<vmem>> -> memref<1x1x128xi32, #tpu.memory_space<vmem>>
    %dma_start3A_212 = tpu.memref_squeeze %dma_start3A_211 : memref<1x1x128xi32, #tpu.memory_space<vmem>> -> memref<128xi32, #tpu.memory_space<vmem>>
    %dma_start3A_213 = arith.constant 0 : i32
    %dma_start3A_214 = arith.constant 0 : i32
    %dma_start3A_215 = tpu.memref_slice %arg5[%dma_start3A_213, %dma_start3A_214] : memref<10016x128xf32, #tpu.memory_space<vmem_shared>> -> memref<10016x128xf32, #tpu.memory_space<vmem_shared>>
    tpu.enqueue_indirect_dma source(%dma_start3A_209 : memref<128x128xf32, #tpu.memory_space<vmem>>) target(%dma_start3A_215 : memref<10016x128xf32, #tpu.memory_space<vmem_shared>>) offsets(%dma_start3A_212 : memref<128xi32, #tpu.memory_space<vmem>>) semaphore(%arg12 : memref<!tpu.dma_semaphore, #tpu.memory_space<semaphore_mem>>) {add = true}
    %dma_wait3A_216 = arith.constant 0 : i32
    %dma_wait3A_217 = arith.constant 0 : i32
    %dma_wait3A_218 = arith.constant 1 : i32
    %dma_wait3A_219 = arith.constant 0 : i32
    %dma_wait3A_220 = arith.constant 0 : i32
    %dma_wait3A_221 = tpu.memref_slice %arg7[%dma_wait3A_216, %dma_wait3A_219, %dma_wait3A_220] : memref<3x128x128xf32, #tpu.memory_space<vmem>> -> memref<1x128x128xf32, #tpu.memory_space<vmem>>
    %dma_wait3A_222 = tpu.memref_squeeze %dma_wait3A_221 : memref<1x128x128xf32, #tpu.memory_space<vmem>> -> memref<128x128xf32, #tpu.memory_space<vmem>>
    %dma_wait3A_223 = arith.constant 0 : i32
    %dma_wait3A_224 = tpu.memref_slice %arg6[%dma_wait3A_217, %dma_wait3A_218, %dma_wait3A_223] : memref<6x2x128xi32, #tpu.memory_space<vmem>> -> memref<1x1x128xi32, #tpu.memory_space<vmem>>
    %dma_wait3A_225 = tpu.memref_squeeze %dma_wait3A_224 : memref<1x1x128xi32, #tpu.memory_space<vmem>> -> memref<128xi32, #tpu.memory_space<vmem>>
    %dma_wait3A_226 = arith.constant 0 : i32
    %dma_wait3A_227 = arith.constant 0 : i32
    %dma_wait3A_228 = tpu.memref_slice %arg5[%dma_wait3A_226, %dma_wait3A_227] : memref<10016x128xf32, #tpu.memory_space<vmem_shared>> -> memref<10016x128xf32, #tpu.memory_space<vmem_shared>>
    tpu.wait_indirect_dma semaphore(%arg11 : memref<!tpu.dma_semaphore, #tpu.memory_space<semaphore_mem>>) src(%dma_wait3A_222 : memref<128x128xf32, #tpu.memory_space<vmem>>) dst(%dma_wait3A_228 : memref<10016x128xf32, #tpu.memory_space<vmem_shared>>)
    %dma_start3A_229 = arith.constant 1 : i32
    %dma_start3A_230 = arith.constant 1 : i32
    %dma_start3A_231 = arith.constant 0 : i32
    %dma_start3A_232 = arith.constant 0 : i32
    %dma_start3A_233 = arith.constant 0 : i32
    %dma_start3A_234 = tpu.memref_slice %arg7[%dma_start3A_231, %dma_start3A_232, %dma_start3A_233] : memref<3x128x128xf32, #tpu.memory_space<vmem>> -> memref<1x128x128xf32, #tpu.memory_space<vmem>>
    %dma_start3A_235 = tpu.memref_squeeze %dma_start3A_234 : memref<1x128x128xf32, #tpu.memory_space<vmem>> -> memref<128x128xf32, #tpu.memory_space<vmem>>
    %dma_start3A_236 = arith.constant 0 : i32
    %dma_start3A_237 = tpu.memref_slice %arg6[%dma_start3A_229, %dma_start3A_230, %dma_start3A_236] : memref<6x2x128xi32, #tpu.memory_space<vmem>> -> memref<1x1x128xi32, #tpu.memory_space<vmem>>
    %dma_start3A_238 = tpu.memref_squeeze %dma_start3A_237 : memref<1x1x128xi32, #tpu.memory_space<vmem>> -> memref<128xi32, #tpu.memory_space<vmem>>
    %dma_start3A_239 = arith.constant 0 : i32
    %dma_start3A_240 = arith.constant 0 : i32
    %dma_start3A_241 = tpu.memref_slice %arg2[%dma_start3A_239, %dma_start3A_240] : memref<10000x128xf32, #tpu.memory_space<hbm>> -> memref<10000x128xf32, #tpu.memory_space<hbm>>
    tpu.enqueue_indirect_dma source(%dma_start3A_241 : memref<10000x128xf32, #tpu.memory_space<hbm>>) target(%dma_start3A_235 : memref<128x128xf32, #tpu.memory_space<vmem>>) offsets(%dma_start3A_238 : memref<128xi32, #tpu.memory_space<vmem>>) semaphore(%arg8 : memref<!tpu.dma_semaphore, #tpu.memory_space<semaphore_mem>>)
    %dma_wait3A_242 = arith.constant 1 : i32
    %dma_wait3A_243 = arith.constant 0 : i32
    %dma_wait3A_244 = arith.constant 2 : i32
    %dma_wait3A_245 = arith.constant 0 : i32
    %dma_wait3A_246 = arith.constant 0 : i32
    %dma_wait3A_247 = tpu.memref_slice %arg7[%dma_wait3A_244, %dma_wait3A_245, %dma_wait3A_246] : memref<3x128x128xf32, #tpu.memory_space<vmem>> -> memref<1x128x128xf32, #tpu.memory_space<vmem>>
    %dma_wait3A_248 = tpu.memref_squeeze %dma_wait3A_247 : memref<1x128x128xf32, #tpu.memory_space<vmem>> -> memref<128x128xf32, #tpu.memory_space<vmem>>
    %dma_wait3A_249 = arith.constant 0 : i32
    %dma_wait3A_250 = tpu.memref_slice %arg6[%dma_wait3A_242, %dma_wait3A_243, %dma_wait3A_249] : memref<6x2x128xi32, #tpu.memory_space<vmem>> -> memref<1x1x128xi32, #tpu.memory_space<vmem>>
    %dma_wait3A_251 = tpu.memref_squeeze %dma_wait3A_250 : memref<1x1x128xi32, #tpu.memory_space<vmem>> -> memref<128xi32, #tpu.memory_space<vmem>>
    %dma_wait3A_252 = arith.constant 0 : i32
    %dma_wait3A_253 = arith.constant 0 : i32
    %dma_wait3A_254 = tpu.memref_slice %arg2[%dma_wait3A_252, %dma_wait3A_253] : memref<10000x128xf32, #tpu.memory_space<hbm>> -> memref<10000x128xf32, #tpu.memory_space<hbm>>
    tpu.wait_indirect_dma semaphore(%arg10 : memref<!tpu.dma_semaphore, #tpu.memory_space<semaphore_mem>>) src(%dma_wait3A_254 : memref<10000x128xf32, #tpu.memory_space<hbm>>) dst(%dma_wait3A_248 : memref<128x128xf32, #tpu.memory_space<vmem>>)
    %dma_start3A_255 = arith.constant 2 : i32
    %dma_start3A_256 = arith.constant 1 : i32
    %dma_start3A_257 = arith.constant 1 : i32
    %dma_start3A_258 = arith.constant 0 : i32
    %dma_start3A_259 = arith.constant 0 : i32
    %dma_start3A_260 = tpu.memref_slice %arg7[%dma_start3A_255, %dma_start3A_258, %dma_start3A_259] : memref<3x128x128xf32, #tpu.memory_space<vmem>> -> memref<1x128x128xf32, #tpu.memory_space<vmem>>
    %dma_start3A_261 = tpu.memref_squeeze %dma_start3A_260 : memref<1x128x128xf32, #tpu.memory_space<vmem>> -> memref<128x128xf32, #tpu.memory_space<vmem>>
    %dma_start3A_262 = arith.constant 0 : i32
    %dma_start3A_263 = tpu.memref_slice %arg6[%dma_start3A_256, %dma_start3A_257, %dma_start3A_262] : memref<6x2x128xi32, #tpu.memory_space<vmem>> -> memref<1x1x128xi32, #tpu.memory_space<vmem>>
    %dma_start3A_264 = tpu.memref_squeeze %dma_start3A_263 : memref<1x1x128xi32, #tpu.memory_space<vmem>> -> memref<128xi32, #tpu.memory_space<vmem>>
    %dma_start3A_265 = arith.constant 0 : i32
    %dma_start3A_266 = arith.constant 0 : i32
    %dma_start3A_267 = tpu.memref_slice %arg5[%dma_start3A_265, %dma_start3A_266] : memref<10016x128xf32, #tpu.memory_space<vmem_shared>> -> memref<10016x128xf32, #tpu.memory_space<vmem_shared>>
    tpu.enqueue_indirect_dma source(%dma_start3A_261 : memref<128x128xf32, #tpu.memory_space<vmem>>) target(%dma_start3A_267 : memref<10016x128xf32, #tpu.memory_space<vmem_shared>>) offsets(%dma_start3A_264 : memref<128xi32, #tpu.memory_space<vmem>>) semaphore(%arg13 : memref<!tpu.dma_semaphore, #tpu.memory_space<semaphore_mem>>) {add = true}
    %while3A = arith.constant 0 : i32
    %while3A_268 = arith.subi %select_n3A_11, %while3A : i32
    %while3A_269 = arith.addi %while3A, %while3A_268 : i32
    %while3A_270 = arith.constant 1 : i32
    %while3A_271 = arith.divsi %while3A_268, %while3A_270 : i32
    %while3A_272 = arith.muli %while3A_271, %while3A_270 : i32
    %while3A_273 = arith.addi %while3A, %while3A_272 : i32
    %while3A_274 = arith.constant 1 : i32
    scf.for %while3A_357 = %while3A to %while3A_273 step %while3A_274  : i32 {
      %mul3A_358 = arith.constant 6 : i32
      %mul3A_359 = arith.muli %mul3A_358, %while3A_357 : i32
      %add3A_360 = arith.constant 2 : i32
      %add3A_361 = arith.addi %add3A_360, %mul3A_359 : i32
      %add3A_362 = arith.constant 0 : i32
      %add3A_363 = arith.addi %add3A_361, %add3A_362 : i32
      %sub3A_364 = arith.constant 2 : i32
      %sub3A_365 = arith.subi %add3A_363, %sub3A_364 : i32
      %dma_wait3A_366 = arith.constant 1 : i32
      %dma_wait3A_367 = arith.constant 0 : i32
      %dma_wait3A_368 = arith.constant 0 : i32
      %dma_wait3A_369 = arith.constant 0 : i32
      %dma_wait3A_370 = arith.constant 0 : i32
      %dma_wait3A_371 = tpu.memref_slice %arg7[%dma_wait3A_366, %dma_wait3A_369, %dma_wait3A_370] : memref<3x128x128xf32, #tpu.memory_space<vmem>> -> memref<1x128x128xf32, #tpu.memory_space<vmem>>
      %dma_wait3A_372 = tpu.memref_squeeze %dma_wait3A_371 : memref<1x128x128xf32, #tpu.memory_space<vmem>> -> memref<128x128xf32, #tpu.memory_space<vmem>>
      %dma_wait3A_373 = arith.constant 0 : i32
      %dma_wait3A_374 = tpu.memref_slice %arg6[%dma_wait3A_367, %dma_wait3A_368, %dma_wait3A_373] : memref<6x2x128xi32, #tpu.memory_space<vmem>> -> memref<1x1x128xi32, #tpu.memory_space<vmem>>
      %dma_wait3A_375 = tpu.memref_squeeze %dma_wait3A_374 : memref<1x1x128xi32, #tpu.memory_space<vmem>> -> memref<128xi32, #tpu.memory_space<vmem>>
      %dma_wait3A_376 = arith.constant 0 : i32
      %dma_wait3A_377 = arith.constant 0 : i32
      %dma_wait3A_378 = tpu.memref_slice %arg5[%dma_wait3A_376, %dma_wait3A_377] : memref<10016x128xf32, #tpu.memory_space<vmem_shared>> -> memref<10016x128xf32, #tpu.memory_space<vmem_shared>>
      tpu.wait_indirect_dma semaphore(%arg12 : memref<!tpu.dma_semaphore, #tpu.memory_space<semaphore_mem>>) src(%dma_wait3A_372 : memref<128x128xf32, #tpu.memory_space<vmem>>) dst(%dma_wait3A_378 : memref<10016x128xf32, #tpu.memory_space<vmem_shared>>)
      %add3A_379 = arith.addi %select_n3A, %add3A_363 : i32
      %mul3A_380 = arith.constant 128 : i32
      %mul3A_381 = arith.muli %mul3A_380, %add3A_379 : i32
      %dma_wait3A_382 = arith.constant 2 : i32
      %dma_wait3A_383 = arith.constant 0 : i32
      %dma_wait3A_384 = arith.constant 0 : i32
      %dma_wait3A_385 = tpu.memref_slice %arg6[%dma_wait3A_382, %dma_wait3A_383, %dma_wait3A_384] : memref<6x2x128xi32, #tpu.memory_space<vmem>> -> memref<1x2x128xi32, #tpu.memory_space<vmem>>
      %dma_wait3A_386 = tpu.memref_squeeze %dma_wait3A_385 : memref<1x2x128xi32, #tpu.memory_space<vmem>> -> memref<2x128xi32, #tpu.memory_space<vmem>>
      %dma_wait3A_387 = arith.constant 0 : i32
      %dma_wait3A_388 = tpu.memref_slice %arg3[%dma_wait3A_387, %mul3A_381] : memref<2x320000xi32, #tpu.memory_space<hbm>> -> memref<2x128xi32, #tpu.memory_space<hbm>>
      %dma_wait3A_389 = arith.constant 0 : i32
      %dma_wait3A_390 = arith.constant 0 : i32
      %dma_wait3A_391 = tpu.memref_slice %arg6[%dma_wait3A_382, %dma_wait3A_389, %dma_wait3A_390] : memref<6x2x128xi32, #tpu.memory_space<vmem>> -> memref<1x2x128xi32, #tpu.memory_space<vmem>>
      %dma_wait3A_392 = tpu.memref_squeeze %dma_wait3A_391 : memref<1x2x128xi32, #tpu.memory_space<vmem>> -> memref<2x128xi32, #tpu.memory_space<vmem>>
      %dma_wait3A_393 = arith.constant 0 : i32
      %dma_wait3A_394 = tpu.memref_slice %arg3[%dma_wait3A_393, %mul3A_381] : memref<2x320000xi32, #tpu.memory_space<hbm>> -> memref<2x128xi32, #tpu.memory_space<hbm>>
      tpu.wait_dma2 semaphore(%arg16 : memref<!tpu.dma_semaphore, #tpu.memory_space<semaphore_mem>>) src(%dma_wait3A_394 : memref<2x128xi32, #tpu.memory_space<hbm>>) dst(%dma_wait3A_392 : memref<2x128xi32, #tpu.memory_space<vmem>>)
      %mul3A_395 = arith.constant 6 : i32
      %mul3A_396 = arith.muli %mul3A_395, %select_n3A_11 : i32
      %lt3A_397 = arith.cmpi slt, %add3A_363, %mul3A_396 : i32
      %convert_element_type3A_398 = arith.extui %lt3A_397 : i1 to i32
      %cond3A_399 = arith.constant 0 : i32
      %cond3A_400 = arith.cmpi ne, %convert_element_type3A_398, %cond3A_399 : i32
      scf.if %cond3A_400 {
        %add3A_1178 = arith.constant 2 : i32
        %add3A_1179 = arith.addi %add3A_363, %add3A_1178 : i32
        %add3A_1180 = arith.addi %select_n3A, %add3A_1179 : i32
        %mul3A_1181 = arith.constant 128 : i32
        %mul3A_1182 = arith.muli %mul3A_1181, %add3A_1180 : i32
        %dma_start3A_1183 = arith.constant 4 : i32
        %dma_start3A_1184 = arith.constant 0 : i32
        %dma_start3A_1185 = arith.constant 0 : i32
        %dma_start3A_1186 = tpu.memref_slice %arg6[%dma_start3A_1183, %dma_start3A_1184, %dma_start3A_1185] : memref<6x2x128xi32, #tpu.memory_space<vmem>> -> memref<1x2x128xi32, #tpu.memory_space<vmem>>
        %dma_start3A_1187 = tpu.memref_squeeze %dma_start3A_1186 : memref<1x2x128xi32, #tpu.memory_space<vmem>> -> memref<2x128xi32, #tpu.memory_space<vmem>>
        %dma_start3A_1188 = arith.constant 0 : i32
        %dma_start3A_1189 = tpu.memref_slice %arg3[%dma_start3A_1188, %mul3A_1182] : memref<2x320000xi32, #tpu.memory_space<hbm>> -> memref<2x128xi32, #tpu.memory_space<hbm>>
        %dma_start3A_1190 = arith.constant 0 : i32
        %dma_start3A_1191 = arith.constant 0 : i32
        %dma_start3A_1192 = tpu.memref_slice %arg6[%dma_start3A_1183, %dma_start3A_1190, %dma_start3A_1191] : memref<6x2x128xi32, #tpu.memory_space<vmem>> -> memref<1x2x128xi32, #tpu.memory_space<vmem>>
        %dma_start3A_1193 = tpu.memref_squeeze %dma_start3A_1192 : memref<1x2x128xi32, #tpu.memory_space<vmem>> -> memref<2x128xi32, #tpu.memory_space<vmem>>
        %dma_start3A_1194 = arith.constant 0 : i32
        %dma_start3A_1195 = tpu.memref_slice %arg3[%dma_start3A_1194, %mul3A_1182] : memref<2x320000xi32, #tpu.memory_space<hbm>> -> memref<2x128xi32, #tpu.memory_space<hbm>>
        tpu.enqueue_dma source(%dma_start3A_1195 : memref<2x128xi32, #tpu.memory_space<hbm>>) target(%dma_start3A_1193 : memref<2x128xi32, #tpu.memory_space<vmem>>) target_semaphore(%arg18 : memref<!tpu.dma_semaphore, #tpu.memory_space<semaphore_mem>>)
      } else {
      }
      %dma_start3A_401 = arith.constant 2 : i32
      %dma_start3A_402 = arith.constant 0 : i32
      %dma_start3A_403 = arith.constant 1 : i32
      %dma_start3A_404 = arith.constant 0 : i32
      %dma_start3A_405 = arith.constant 0 : i32
      %dma_start3A_406 = tpu.memref_slice %arg7[%dma_start3A_403, %dma_start3A_404, %dma_start3A_405] : memref<3x128x128xf32, #tpu.memory_space<vmem>> -> memref<1x128x128xf32, #tpu.memory_space<vmem>>
      %dma_start3A_407 = tpu.memref_squeeze %dma_start3A_406 : memref<1x128x128xf32, #tpu.memory_space<vmem>> -> memref<128x128xf32, #tpu.memory_space<vmem>>
      %dma_start3A_408 = arith.constant 0 : i32
      %dma_start3A_409 = tpu.memref_slice %arg6[%dma_start3A_401, %dma_start3A_402, %dma_start3A_408] : memref<6x2x128xi32, #tpu.memory_space<vmem>> -> memref<1x1x128xi32, #tpu.memory_space<vmem>>
      %dma_start3A_410 = tpu.memref_squeeze %dma_start3A_409 : memref<1x1x128xi32, #tpu.memory_space<vmem>> -> memref<128xi32, #tpu.memory_space<vmem>>
      %dma_start3A_411 = arith.constant 0 : i32
      %dma_start3A_412 = arith.constant 0 : i32
      %dma_start3A_413 = tpu.memref_slice %arg2[%dma_start3A_411, %dma_start3A_412] : memref<10000x128xf32, #tpu.memory_space<hbm>> -> memref<10000x128xf32, #tpu.memory_space<hbm>>
      tpu.enqueue_indirect_dma source(%dma_start3A_413 : memref<10000x128xf32, #tpu.memory_space<hbm>>) target(%dma_start3A_407 : memref<128x128xf32, #tpu.memory_space<vmem>>) offsets(%dma_start3A_410 : memref<128xi32, #tpu.memory_space<vmem>>) semaphore(%arg9 : memref<!tpu.dma_semaphore, #tpu.memory_space<semaphore_mem>>)
      %sub3A_414 = arith.constant 1 : i32
      %sub3A_415 = arith.subi %add3A_363, %sub3A_414 : i32
      %dma_wait3A_416 = arith.constant 1 : i32
      %dma_wait3A_417 = arith.constant 1 : i32
      %dma_wait3A_418 = arith.constant 0 : i32
      %dma_wait3A_419 = arith.constant 0 : i32
      %dma_wait3A_420 = arith.constant 0 : i32
      %dma_wait3A_421 = tpu.memref_slice %arg7[%dma_wait3A_418, %dma_wait3A_419, %dma_wait3A_420] : memref<3x128x128xf32, #tpu.memory_space<vmem>> -> memref<1x128x128xf32, #tpu.memory_space<vmem>>
      %dma_wait3A_422 = tpu.memref_squeeze %dma_wait3A_421 : memref<1x128x128xf32, #tpu.memory_space<vmem>> -> memref<128x128xf32, #tpu.memory_space<vmem>>
      %dma_wait3A_423 = arith.constant 0 : i32
      %dma_wait3A_424 = tpu.memref_slice %arg6[%dma_wait3A_416, %dma_wait3A_417, %dma_wait3A_423] : memref<6x2x128xi32, #tpu.memory_space<vmem>> -> memref<1x1x128xi32, #tpu.memory_space<vmem>>
      %dma_wait3A_425 = tpu.memref_squeeze %dma_wait3A_424 : memref<1x1x128xi32, #tpu.memory_space<vmem>> -> memref<128xi32, #tpu.memory_space<vmem>>
      %dma_wait3A_426 = arith.constant 0 : i32
      %dma_wait3A_427 = arith.constant 0 : i32
      %dma_wait3A_428 = tpu.memref_slice %arg2[%dma_wait3A_426, %dma_wait3A_427] : memref<10000x128xf32, #tpu.memory_space<hbm>> -> memref<10000x128xf32, #tpu.memory_space<hbm>>
      tpu.wait_indirect_dma semaphore(%arg8 : memref<!tpu.dma_semaphore, #tpu.memory_space<semaphore_mem>>) src(%dma_wait3A_428 : memref<10000x128xf32, #tpu.memory_space<hbm>>) dst(%dma_wait3A_422 : memref<128x128xf32, #tpu.memory_space<vmem>>)
      %sub3A_429 = arith.constant 1 : i32
      %sub3A_430 = arith.subi %add3A_363, %sub3A_429 : i32
      %dma_start3A_431 = arith.constant 0 : i32
      %dma_start3A_432 = arith.constant 1 : i32
      %dma_start3A_433 = arith.constant 0 : i32
      %dma_start3A_434 = arith.constant 0 : i32
      %dma_start3A_435 = arith.constant 0 : i32
      %dma_start3A_436 = tpu.memref_slice %arg7[%dma_start3A_431, %dma_start3A_434, %dma_start3A_435] : memref<3x128x128xf32, #tpu.memory_space<vmem>> -> memref<1x128x128xf32, #tpu.memory_space<vmem>>
      %dma_start3A_437 = tpu.memref_squeeze %dma_start3A_436 : memref<1x128x128xf32, #tpu.memory_space<vmem>> -> memref<128x128xf32, #tpu.memory_space<vmem>>
      %dma_start3A_438 = arith.constant 0 : i32
      %dma_start3A_439 = tpu.memref_slice %arg6[%dma_start3A_432, %dma_start3A_433, %dma_start3A_438] : memref<6x2x128xi32, #tpu.memory_space<vmem>> -> memref<1x1x128xi32, #tpu.memory_space<vmem>>
      %dma_start3A_440 = tpu.memref_squeeze %dma_start3A_439 : memref<1x1x128xi32, #tpu.memory_space<vmem>> -> memref<128xi32, #tpu.memory_space<vmem>>
      %dma_start3A_441 = arith.constant 0 : i32
      %dma_start3A_442 = arith.constant 0 : i32
      %dma_start3A_443 = tpu.memref_slice %arg5[%dma_start3A_441, %dma_start3A_442] : memref<10016x128xf32, #tpu.memory_space<vmem_shared>> -> memref<10016x128xf32, #tpu.memory_space<vmem_shared>>
      tpu.enqueue_indirect_dma source(%dma_start3A_437 : memref<128x128xf32, #tpu.memory_space<vmem>>) target(%dma_start3A_443 : memref<10016x128xf32, #tpu.memory_space<vmem_shared>>) offsets(%dma_start3A_440 : memref<128xi32, #tpu.memory_space<vmem>>) semaphore(%arg11 : memref<!tpu.dma_semaphore, #tpu.memory_space<semaphore_mem>>) {add = true}
      %sub3A_444 = arith.constant 1 : i32
      %sub3A_445 = arith.subi %add3A_363, %sub3A_444 : i32
      %dma_wait3A_446 = arith.constant 2 : i32
      %dma_wait3A_447 = arith.constant 1 : i32
      %dma_wait3A_448 = arith.constant 1 : i32
      %dma_wait3A_449 = arith.constant 0 : i32
      %dma_wait3A_450 = arith.constant 0 : i32
      %dma_wait3A_451 = tpu.memref_slice %arg7[%dma_wait3A_446, %dma_wait3A_449, %dma_wait3A_450] : memref<3x128x128xf32, #tpu.memory_space<vmem>> -> memref<1x128x128xf32, #tpu.memory_space<vmem>>
      %dma_wait3A_452 = tpu.memref_squeeze %dma_wait3A_451 : memref<1x128x128xf32, #tpu.memory_space<vmem>> -> memref<128x128xf32, #tpu.memory_space<vmem>>
      %dma_wait3A_453 = arith.constant 0 : i32
      %dma_wait3A_454 = tpu.memref_slice %arg6[%dma_wait3A_447, %dma_wait3A_448, %dma_wait3A_453] : memref<6x2x128xi32, #tpu.memory_space<vmem>> -> memref<1x1x128xi32, #tpu.memory_space<vmem>>
      %dma_wait3A_455 = tpu.memref_squeeze %dma_wait3A_454 : memref<1x1x128xi32, #tpu.memory_space<vmem>> -> memref<128xi32, #tpu.memory_space<vmem>>
      %dma_wait3A_456 = arith.constant 0 : i32
      %dma_wait3A_457 = arith.constant 0 : i32
      %dma_wait3A_458 = tpu.memref_slice %arg5[%dma_wait3A_456, %dma_wait3A_457] : memref<10016x128xf32, #tpu.memory_space<vmem_shared>> -> memref<10016x128xf32, #tpu.memory_space<vmem_shared>>
      tpu.wait_indirect_dma semaphore(%arg13 : memref<!tpu.dma_semaphore, #tpu.memory_space<semaphore_mem>>) src(%dma_wait3A_452 : memref<128x128xf32, #tpu.memory_space<vmem>>) dst(%dma_wait3A_458 : memref<10016x128xf32, #tpu.memory_space<vmem_shared>>)
      %dma_start3A_459 = arith.constant 2 : i32
      %dma_start3A_460 = arith.constant 1 : i32
      %dma_start3A_461 = arith.constant 2 : i32
      %dma_start3A_462 = arith.constant 0 : i32
      %dma_start3A_463 = arith.constant 0 : i32
      %dma_start3A_464 = tpu.memref_slice %arg7[%dma_start3A_461, %dma_start3A_462, %dma_start3A_463] : memref<3x128x128xf32, #tpu.memory_space<vmem>> -> memref<1x128x128xf32, #tpu.memory_space<vmem>>
      %dma_start3A_465 = tpu.memref_squeeze %dma_start3A_464 : memref<1x128x128xf32, #tpu.memory_space<vmem>> -> memref<128x128xf32, #tpu.memory_space<vmem>>
      %dma_start3A_466 = arith.constant 0 : i32
      %dma_start3A_467 = tpu.memref_slice %arg6[%dma_start3A_459, %dma_start3A_460, %dma_start3A_466] : memref<6x2x128xi32, #tpu.memory_space<vmem>> -> memref<1x1x128xi32, #tpu.memory_space<vmem>>
      %dma_start3A_468 = tpu.memref_squeeze %dma_start3A_467 : memref<1x1x128xi32, #tpu.memory_space<vmem>> -> memref<128xi32, #tpu.memory_space<vmem>>
      %dma_start3A_469 = arith.constant 0 : i32
      %dma_start3A_470 = arith.constant 0 : i32
      %dma_start3A_471 = tpu.memref_slice %arg2[%dma_start3A_469, %dma_start3A_470] : memref<10000x128xf32, #tpu.memory_space<hbm>> -> memref<10000x128xf32, #tpu.memory_space<hbm>>
      tpu.enqueue_indirect_dma source(%dma_start3A_471 : memref<10000x128xf32, #tpu.memory_space<hbm>>) target(%dma_start3A_465 : memref<128x128xf32, #tpu.memory_space<vmem>>) offsets(%dma_start3A_468 : memref<128xi32, #tpu.memory_space<vmem>>) semaphore(%arg10 : memref<!tpu.dma_semaphore, #tpu.memory_space<semaphore_mem>>)
      %dma_wait3A_472 = arith.constant 2 : i32
      %dma_wait3A_473 = arith.constant 0 : i32
      %dma_wait3A_474 = arith.constant 1 : i32
      %dma_wait3A_475 = arith.constant 0 : i32
      %dma_wait3A_476 = arith.constant 0 : i32
      %dma_wait3A_477 = tpu.memref_slice %arg7[%dma_wait3A_474, %dma_wait3A_475, %dma_wait3A_476] : memref<3x128x128xf32, #tpu.memory_space<vmem>> -> memref<1x128x128xf32, #tpu.memory_space<vmem>>
      %dma_wait3A_478 = tpu.memref_squeeze %dma_wait3A_477 : memref<1x128x128xf32, #tpu.memory_space<vmem>> -> memref<128x128xf32, #tpu.memory_space<vmem>>
      %dma_wait3A_479 = arith.constant 0 : i32
      %dma_wait3A_480 = tpu.memref_slice %arg6[%dma_wait3A_472, %dma_wait3A_473, %dma_wait3A_479] : memref<6x2x128xi32, #tpu.memory_space<vmem>> -> memref<1x1x128xi32, #tpu.memory_space<vmem>>
      %dma_wait3A_481 = tpu.memref_squeeze %dma_wait3A_480 : memref<1x1x128xi32, #tpu.memory_space<vmem>> -> memref<128xi32, #tpu.memory_space<vmem>>
      %dma_wait3A_482 = arith.constant 0 : i32
      %dma_wait3A_483 = arith.constant 0 : i32
      %dma_wait3A_484 = tpu.memref_slice %arg2[%dma_wait3A_482, %dma_wait3A_483] : memref<10000x128xf32, #tpu.memory_space<hbm>> -> memref<10000x128xf32, #tpu.memory_space<hbm>>
      tpu.wait_indirect_dma semaphore(%arg9 : memref<!tpu.dma_semaphore, #tpu.memory_space<semaphore_mem>>) src(%dma_wait3A_484 : memref<10000x128xf32, #tpu.memory_space<hbm>>) dst(%dma_wait3A_478 : memref<128x128xf32, #tpu.memory_space<vmem>>)
      %dma_start3A_485 = arith.constant 1 : i32
      %dma_start3A_486 = arith.constant 2 : i32
      %dma_start3A_487 = arith.constant 1 : i32
      %dma_start3A_488 = arith.constant 0 : i32
      %dma_start3A_489 = arith.constant 0 : i32
      %dma_start3A_490 = tpu.memref_slice %arg7[%dma_start3A_485, %dma_start3A_488, %dma_start3A_489] : memref<3x128x128xf32, #tpu.memory_space<vmem>> -> memref<1x128x128xf32, #tpu.memory_space<vmem>>
      %dma_start3A_491 = tpu.memref_squeeze %dma_start3A_490 : memref<1x128x128xf32, #tpu.memory_space<vmem>> -> memref<128x128xf32, #tpu.memory_space<vmem>>
      %dma_start3A_492 = arith.constant 0 : i32
      %dma_start3A_493 = tpu.memref_slice %arg6[%dma_start3A_486, %dma_start3A_487, %dma_start3A_492] : memref<6x2x128xi32, #tpu.memory_space<vmem>> -> memref<1x1x128xi32, #tpu.memory_space<vmem>>
      %dma_start3A_494 = tpu.memref_squeeze %dma_start3A_493 : memref<1x1x128xi32, #tpu.memory_space<vmem>> -> memref<128xi32, #tpu.memory_space<vmem>>
      %dma_start3A_495 = arith.constant 0 : i32
      %dma_start3A_496 = arith.constant 0 : i32
      %dma_start3A_497 = tpu.memref_slice %arg5[%dma_start3A_495, %dma_start3A_496] : memref<10016x128xf32, #tpu.memory_space<vmem_shared>> -> memref<10016x128xf32, #tpu.memory_space<vmem_shared>>
      tpu.enqueue_indirect_dma source(%dma_start3A_491 : memref<128x128xf32, #tpu.memory_space<vmem>>) target(%dma_start3A_497 : memref<10016x128xf32, #tpu.memory_space<vmem_shared>>) offsets(%dma_start3A_494 : memref<128xi32, #tpu.memory_space<vmem>>) semaphore(%arg12 : memref<!tpu.dma_semaphore, #tpu.memory_space<semaphore_mem>>) {add = true}
      %add3A_498 = arith.constant 1 : i32
      %add3A_499 = arith.addi %add3A_361, %add3A_498 : i32
      %sub3A_500 = arith.constant 2 : i32
      %sub3A_501 = arith.subi %add3A_499, %sub3A_500 : i32
      %dma_wait3A_502 = arith.constant 0 : i32
      %dma_wait3A_503 = arith.constant 1 : i32
      %dma_wait3A_504 = arith.constant 0 : i32
      %dma_wait3A_505 = arith.constant 0 : i32
      %dma_wait3A_506 = arith.constant 0 : i32
      %dma_wait3A_507 = tpu.memref_slice %arg7[%dma_wait3A_502, %dma_wait3A_505, %dma_wait3A_506] : memref<3x128x128xf32, #tpu.memory_space<vmem>> -> memref<1x128x128xf32, #tpu.memory_space<vmem>>
      %dma_wait3A_508 = tpu.memref_squeeze %dma_wait3A_507 : memref<1x128x128xf32, #tpu.memory_space<vmem>> -> memref<128x128xf32, #tpu.memory_space<vmem>>
      %dma_wait3A_509 = arith.constant 0 : i32
      %dma_wait3A_510 = tpu.memref_slice %arg6[%dma_wait3A_503, %dma_wait3A_504, %dma_wait3A_509] : memref<6x2x128xi32, #tpu.memory_space<vmem>> -> memref<1x1x128xi32, #tpu.memory_space<vmem>>
      %dma_wait3A_511 = tpu.memref_squeeze %dma_wait3A_510 : memref<1x1x128xi32, #tpu.memory_space<vmem>> -> memref<128xi32, #tpu.memory_space<vmem>>
      %dma_wait3A_512 = arith.constant 0 : i32
      %dma_wait3A_513 = arith.constant 0 : i32
      %dma_wait3A_514 = tpu.memref_slice %arg5[%dma_wait3A_512, %dma_wait3A_513] : memref<10016x128xf32, #tpu.memory_space<vmem_shared>> -> memref<10016x128xf32, #tpu.memory_space<vmem_shared>>
      tpu.wait_indirect_dma semaphore(%arg11 : memref<!tpu.dma_semaphore, #tpu.memory_space<semaphore_mem>>) src(%dma_wait3A_508 : memref<128x128xf32, #tpu.memory_space<vmem>>) dst(%dma_wait3A_514 : memref<10016x128xf32, #tpu.memory_space<vmem_shared>>)
      %add3A_515 = arith.addi %select_n3A, %add3A_499 : i32
      %mul3A_516 = arith.constant 128 : i32
      %mul3A_517 = arith.muli %mul3A_516, %add3A_515 : i32
      %dma_wait3A_518 = arith.constant 3 : i32
      %dma_wait3A_519 = arith.constant 0 : i32
      %dma_wait3A_520 = arith.constant 0 : i32
      %dma_wait3A_521 = tpu.memref_slice %arg6[%dma_wait3A_518, %dma_wait3A_519, %dma_wait3A_520] : memref<6x2x128xi32, #tpu.memory_space<vmem>> -> memref<1x2x128xi32, #tpu.memory_space<vmem>>
      %dma_wait3A_522 = tpu.memref_squeeze %dma_wait3A_521 : memref<1x2x128xi32, #tpu.memory_space<vmem>> -> memref<2x128xi32, #tpu.memory_space<vmem>>
      %dma_wait3A_523 = arith.constant 0 : i32
      %dma_wait3A_524 = tpu.memref_slice %arg3[%dma_wait3A_523, %mul3A_517] : memref<2x320000xi32, #tpu.memory_space<hbm>> -> memref<2x128xi32, #tpu.memory_space<hbm>>
      %dma_wait3A_525 = arith.constant 0 : i32
      %dma_wait3A_526 = arith.constant 0 : i32
      %dma_wait3A_527 = tpu.memref_slice %arg6[%dma_wait3A_518, %dma_wait3A_525, %dma_wait3A_526] : memref<6x2x128xi32, #tpu.memory_space<vmem>> -> memref<1x2x128xi32, #tpu.memory_space<vmem>>
      %dma_wait3A_528 = tpu.memref_squeeze %dma_wait3A_527 : memref<1x2x128xi32, #tpu.memory_space<vmem>> -> memref<2x128xi32, #tpu.memory_space<vmem>>
      %dma_wait3A_529 = arith.constant 0 : i32
      %dma_wait3A_530 = tpu.memref_slice %arg3[%dma_wait3A_529, %mul3A_517] : memref<2x320000xi32, #tpu.memory_space<hbm>> -> memref<2x128xi32, #tpu.memory_space<hbm>>
      tpu.wait_dma2 semaphore(%arg17 : memref<!tpu.dma_semaphore, #tpu.memory_space<semaphore_mem>>) src(%dma_wait3A_530 : memref<2x128xi32, #tpu.memory_space<hbm>>) dst(%dma_wait3A_528 : memref<2x128xi32, #tpu.memory_space<vmem>>)
      %mul3A_531 = arith.constant 6 : i32
      %mul3A_532 = arith.muli %mul3A_531, %select_n3A_11 : i32
      %lt3A_533 = arith.cmpi slt, %add3A_499, %mul3A_532 : i32
      %convert_element_type3A_534 = arith.extui %lt3A_533 : i1 to i32
      %cond3A_535 = arith.constant 0 : i32
      %cond3A_536 = arith.cmpi ne, %convert_element_type3A_534, %cond3A_535 : i32
      scf.if %cond3A_536 {
        %add3A_1178 = arith.constant 2 : i32
        %add3A_1179 = arith.addi %add3A_499, %add3A_1178 : i32
        %add3A_1180 = arith.addi %select_n3A, %add3A_1179 : i32
        %mul3A_1181 = arith.constant 128 : i32
        %mul3A_1182 = arith.muli %mul3A_1181, %add3A_1180 : i32
        %dma_start3A_1183 = arith.constant 5 : i32
        %dma_start3A_1184 = arith.constant 0 : i32
        %dma_start3A_1185 = arith.constant 0 : i32
        %dma_start3A_1186 = tpu.memref_slice %arg6[%dma_start3A_1183, %dma_start3A_1184, %dma_start3A_1185] : memref<6x2x128xi32, #tpu.memory_space<vmem>> -> memref<1x2x128xi32, #tpu.memory_space<vmem>>
        %dma_start3A_1187 = tpu.memref_squeeze %dma_start3A_1186 : memref<1x2x128xi32, #tpu.memory_space<vmem>> -> memref<2x128xi32, #tpu.memory_space<vmem>>
        %dma_start3A_1188 = arith.constant 0 : i32
        %dma_start3A_1189 = tpu.memref_slice %arg3[%dma_start3A_1188, %mul3A_1182] : memref<2x320000xi32, #tpu.memory_space<hbm>> -> memref<2x128xi32, #tpu.memory_space<hbm>>
        %dma_start3A_1190 = arith.constant 0 : i32
        %dma_start3A_1191 = arith.constant 0 : i32
        %dma_start3A_1192 = tpu.memref_slice %arg6[%dma_start3A_1183, %dma_start3A_1190, %dma_start3A_1191] : memref<6x2x128xi32, #tpu.memory_space<vmem>> -> memref<1x2x128xi32, #tpu.memory_space<vmem>>
        %dma_start3A_1193 = tpu.memref_squeeze %dma_start3A_1192 : memref<1x2x128xi32, #tpu.memory_space<vmem>> -> memref<2x128xi32, #tpu.memory_space<vmem>>
        %dma_start3A_1194 = arith.constant 0 : i32
        %dma_start3A_1195 = tpu.memref_slice %arg3[%dma_start3A_1194, %mul3A_1182] : memref<2x320000xi32, #tpu.memory_space<hbm>> -> memref<2x128xi32, #tpu.memory_space<hbm>>
        tpu.enqueue_dma source(%dma_start3A_1195 : memref<2x128xi32, #tpu.memory_space<hbm>>) target(%dma_start3A_1193 : memref<2x128xi32, #tpu.memory_space<vmem>>) target_semaphore(%arg19 : memref<!tpu.dma_semaphore, #tpu.memory_space<semaphore_mem>>)
      } else {
      }
      %dma_start3A_537 = arith.constant 3 : i32
      %dma_start3A_538 = arith.constant 0 : i32
      %dma_start3A_539 = arith.constant 0 : i32
      %dma_start3A_540 = arith.constant 0 : i32
      %dma_start3A_541 = arith.constant 0 : i32
      %dma_start3A_542 = tpu.memref_slice %arg7[%dma_start3A_539, %dma_start3A_540, %dma_start3A_541] : memref<3x128x128xf32, #tpu.memory_space<vmem>> -> memref<1x128x128xf32, #tpu.memory_space<vmem>>
      %dma_start3A_543 = tpu.memref_squeeze %dma_start3A_542 : memref<1x128x128xf32, #tpu.memory_space<vmem>> -> memref<128x128xf32, #tpu.memory_space<vmem>>
      %dma_start3A_544 = arith.constant 0 : i32
      %dma_start3A_545 = tpu.memref_slice %arg6[%dma_start3A_537, %dma_start3A_538, %dma_start3A_544] : memref<6x2x128xi32, #tpu.memory_space<vmem>> -> memref<1x1x128xi32, #tpu.memory_space<vmem>>
      %dma_start3A_546 = tpu.memref_squeeze %dma_start3A_545 : memref<1x1x128xi32, #tpu.memory_space<vmem>> -> memref<128xi32, #tpu.memory_space<vmem>>
      %dma_start3A_547 = arith.constant 0 : i32
      %dma_start3A_548 = arith.constant 0 : i32
      %dma_start3A_549 = tpu.memref_slice %arg2[%dma_start3A_547, %dma_start3A_548] : memref<10000x128xf32, #tpu.memory_space<hbm>> -> memref<10000x128xf32, #tpu.memory_space<hbm>>
      tpu.enqueue_indirect_dma source(%dma_start3A_549 : memref<10000x128xf32, #tpu.memory_space<hbm>>) target(%dma_start3A_543 : memref<128x128xf32, #tpu.memory_space<vmem>>) offsets(%dma_start3A_546 : memref<128xi32, #tpu.memory_space<vmem>>) semaphore(%arg8 : memref<!tpu.dma_semaphore, #tpu.memory_space<semaphore_mem>>)
      %sub3A_550 = arith.constant 1 : i32
      %sub3A_551 = arith.subi %add3A_499, %sub3A_550 : i32
      %dma_wait3A_552 = arith.constant 2 : i32
      %dma_wait3A_553 = arith.constant 1 : i32
      %dma_wait3A_554 = arith.constant 2 : i32
      %dma_wait3A_555 = arith.constant 0 : i32
      %dma_wait3A_556 = arith.constant 0 : i32
      %dma_wait3A_557 = tpu.memref_slice %arg7[%dma_wait3A_554, %dma_wait3A_555, %dma_wait3A_556] : memref<3x128x128xf32, #tpu.memory_space<vmem>> -> memref<1x128x128xf32, #tpu.memory_space<vmem>>
      %dma_wait3A_558 = tpu.memref_squeeze %dma_wait3A_557 : memref<1x128x128xf32, #tpu.memory_space<vmem>> -> memref<128x128xf32, #tpu.memory_space<vmem>>
      %dma_wait3A_559 = arith.constant 0 : i32
      %dma_wait3A_560 = tpu.memref_slice %arg6[%dma_wait3A_552, %dma_wait3A_553, %dma_wait3A_559] : memref<6x2x128xi32, #tpu.memory_space<vmem>> -> memref<1x1x128xi32, #tpu.memory_space<vmem>>
      %dma_wait3A_561 = tpu.memref_squeeze %dma_wait3A_560 : memref<1x1x128xi32, #tpu.memory_space<vmem>> -> memref<128xi32, #tpu.memory_space<vmem>>
      %dma_wait3A_562 = arith.constant 0 : i32
      %dma_wait3A_563 = arith.constant 0 : i32
      %dma_wait3A_564 = tpu.memref_slice %arg2[%dma_wait3A_562, %dma_wait3A_563] : memref<10000x128xf32, #tpu.memory_space<hbm>> -> memref<10000x128xf32, #tpu.memory_space<hbm>>
      tpu.wait_indirect_dma semaphore(%arg10 : memref<!tpu.dma_semaphore, #tpu.memory_space<semaphore_mem>>) src(%dma_wait3A_564 : memref<10000x128xf32, #tpu.memory_space<hbm>>) dst(%dma_wait3A_558 : memref<128x128xf32, #tpu.memory_space<vmem>>)
      %sub3A_565 = arith.constant 1 : i32
      %sub3A_566 = arith.subi %add3A_499, %sub3A_565 : i32
      %dma_start3A_567 = arith.constant 2 : i32
      %dma_start3A_568 = arith.constant 2 : i32
      %dma_start3A_569 = arith.constant 0 : i32
      %dma_start3A_570 = arith.constant 0 : i32
      %dma_start3A_571 = arith.constant 0 : i32
      %dma_start3A_572 = tpu.memref_slice %arg7[%dma_start3A_567, %dma_start3A_570, %dma_start3A_571] : memref<3x128x128xf32, #tpu.memory_space<vmem>> -> memref<1x128x128xf32, #tpu.memory_space<vmem>>
      %dma_start3A_573 = tpu.memref_squeeze %dma_start3A_572 : memref<1x128x128xf32, #tpu.memory_space<vmem>> -> memref<128x128xf32, #tpu.memory_space<vmem>>
      %dma_start3A_574 = arith.constant 0 : i32
      %dma_start3A_575 = tpu.memref_slice %arg6[%dma_start3A_568, %dma_start3A_569, %dma_start3A_574] : memref<6x2x128xi32, #tpu.memory_space<vmem>> -> memref<1x1x128xi32, #tpu.memory_space<vmem>>
      %dma_start3A_576 = tpu.memref_squeeze %dma_start3A_575 : memref<1x1x128xi32, #tpu.memory_space<vmem>> -> memref<128xi32, #tpu.memory_space<vmem>>
      %dma_start3A_577 = arith.constant 0 : i32
      %dma_start3A_578 = arith.constant 0 : i32
      %dma_start3A_579 = tpu.memref_slice %arg5[%dma_start3A_577, %dma_start3A_578] : memref<10016x128xf32, #tpu.memory_space<vmem_shared>> -> memref<10016x128xf32, #tpu.memory_space<vmem_shared>>
      tpu.enqueue_indirect_dma source(%dma_start3A_573 : memref<128x128xf32, #tpu.memory_space<vmem>>) target(%dma_start3A_579 : memref<10016x128xf32, #tpu.memory_space<vmem_shared>>) offsets(%dma_start3A_576 : memref<128xi32, #tpu.memory_space<vmem>>) semaphore(%arg13 : memref<!tpu.dma_semaphore, #tpu.memory_space<semaphore_mem>>) {add = true}
      %sub3A_580 = arith.constant 1 : i32
      %sub3A_581 = arith.subi %add3A_499, %sub3A_580 : i32
      %dma_wait3A_582 = arith.constant 1 : i32
      %dma_wait3A_583 = arith.constant 2 : i32
      %dma_wait3A_584 = arith.constant 1 : i32
      %dma_wait3A_585 = arith.constant 0 : i32
      %dma_wait3A_586 = arith.constant 0 : i32
      %dma_wait3A_587 = tpu.memref_slice %arg7[%dma_wait3A_582, %dma_wait3A_585, %dma_wait3A_586] : memref<3x128x128xf32, #tpu.memory_space<vmem>> -> memref<1x128x128xf32, #tpu.memory_space<vmem>>
      %dma_wait3A_588 = tpu.memref_squeeze %dma_wait3A_587 : memref<1x128x128xf32, #tpu.memory_space<vmem>> -> memref<128x128xf32, #tpu.memory_space<vmem>>
      %dma_wait3A_589 = arith.constant 0 : i32
      %dma_wait3A_590 = tpu.memref_slice %arg6[%dma_wait3A_583, %dma_wait3A_584, %dma_wait3A_589] : memref<6x2x128xi32, #tpu.memory_space<vmem>> -> memref<1x1x128xi32, #tpu.memory_space<vmem>>
      %dma_wait3A_591 = tpu.memref_squeeze %dma_wait3A_590 : memref<1x1x128xi32, #tpu.memory_space<vmem>> -> memref<128xi32, #tpu.memory_space<vmem>>
      %dma_wait3A_592 = arith.constant 0 : i32
      %dma_wait3A_593 = arith.constant 0 : i32
      %dma_wait3A_594 = tpu.memref_slice %arg5[%dma_wait3A_592, %dma_wait3A_593] : memref<10016x128xf32, #tpu.memory_space<vmem_shared>> -> memref<10016x128xf32, #tpu.memory_space<vmem_shared>>
      tpu.wait_indirect_dma semaphore(%arg12 : memref<!tpu.dma_semaphore, #tpu.memory_space<semaphore_mem>>) src(%dma_wait3A_588 : memref<128x128xf32, #tpu.memory_space<vmem>>) dst(%dma_wait3A_594 : memref<10016x128xf32, #tpu.memory_space<vmem_shared>>)
      %dma_start3A_595 = arith.constant 3 : i32
      %dma_start3A_596 = arith.constant 1 : i32
      %dma_start3A_597 = arith.constant 1 : i32
      %dma_start3A_598 = arith.constant 0 : i32
      %dma_start3A_599 = arith.constant 0 : i32
      %dma_start3A_600 = tpu.memref_slice %arg7[%dma_start3A_597, %dma_start3A_598, %dma_start3A_599] : memref<3x128x128xf32, #tpu.memory_space<vmem>> -> memref<1x128x128xf32, #tpu.memory_space<vmem>>
      %dma_start3A_601 = tpu.memref_squeeze %dma_start3A_600 : memref<1x128x128xf32, #tpu.memory_space<vmem>> -> memref<128x128xf32, #tpu.memory_space<vmem>>
      %dma_start3A_602 = arith.constant 0 : i32
      %dma_start3A_603 = tpu.memref_slice %arg6[%dma_start3A_595, %dma_start3A_596, %dma_start3A_602] : memref<6x2x128xi32, #tpu.memory_space<vmem>> -> memref<1x1x128xi32, #tpu.memory_space<vmem>>
      %dma_start3A_604 = tpu.memref_squeeze %dma_start3A_603 : memref<1x1x128xi32, #tpu.memory_space<vmem>> -> memref<128xi32, #tpu.memory_space<vmem>>
      %dma_start3A_605 = arith.constant 0 : i32
      %dma_start3A_606 = arith.constant 0 : i32
      %dma_start3A_607 = tpu.memref_slice %arg2[%dma_start3A_605, %dma_start3A_606] : memref<10000x128xf32, #tpu.memory_space<hbm>> -> memref<10000x128xf32, #tpu.memory_space<hbm>>
      tpu.enqueue_indirect_dma source(%dma_start3A_607 : memref<10000x128xf32, #tpu.memory_space<hbm>>) target(%dma_start3A_601 : memref<128x128xf32, #tpu.memory_space<vmem>>) offsets(%dma_start3A_604 : memref<128xi32, #tpu.memory_space<vmem>>) semaphore(%arg9 : memref<!tpu.dma_semaphore, #tpu.memory_space<semaphore_mem>>)
      %dma_wait3A_608 = arith.constant 3 : i32
      %dma_wait3A_609 = arith.constant 0 : i32
      %dma_wait3A_610 = arith.constant 0 : i32
      %dma_wait3A_611 = arith.constant 0 : i32
      %dma_wait3A_612 = arith.constant 0 : i32
      %dma_wait3A_613 = tpu.memref_slice %arg7[%dma_wait3A_610, %dma_wait3A_611, %dma_wait3A_612] : memref<3x128x128xf32, #tpu.memory_space<vmem>> -> memref<1x128x128xf32, #tpu.memory_space<vmem>>
      %dma_wait3A_614 = tpu.memref_squeeze %dma_wait3A_613 : memref<1x128x128xf32, #tpu.memory_space<vmem>> -> memref<128x128xf32, #tpu.memory_space<vmem>>
      %dma_wait3A_615 = arith.constant 0 : i32
      %dma_wait3A_616 = tpu.memref_slice %arg6[%dma_wait3A_608, %dma_wait3A_609, %dma_wait3A_615] : memref<6x2x128xi32, #tpu.memory_space<vmem>> -> memref<1x1x128xi32, #tpu.memory_space<vmem>>
      %dma_wait3A_617 = tpu.memref_squeeze %dma_wait3A_616 : memref<1x1x128xi32, #tpu.memory_space<vmem>> -> memref<128xi32, #tpu.memory_space<vmem>>
      %dma_wait3A_618 = arith.constant 0 : i32
      %dma_wait3A_619 = arith.constant 0 : i32
      %dma_wait3A_620 = tpu.memref_slice %arg2[%dma_wait3A_618, %dma_wait3A_619] : memref<10000x128xf32, #tpu.memory_space<hbm>> -> memref<10000x128xf32, #tpu.memory_space<hbm>>
      tpu.wait_indirect_dma semaphore(%arg8 : memref<!tpu.dma_semaphore, #tpu.memory_space<semaphore_mem>>) src(%dma_wait3A_620 : memref<10000x128xf32, #tpu.memory_space<hbm>>) dst(%dma_wait3A_614 : memref<128x128xf32, #tpu.memory_space<vmem>>)
      %dma_start3A_621 = arith.constant 0 : i32
      %dma_start3A_622 = arith.constant 3 : i32
      %dma_start3A_623 = arith.constant 1 : i32
      %dma_start3A_624 = arith.constant 0 : i32
      %dma_start3A_625 = arith.constant 0 : i32
      %dma_start3A_626 = tpu.memref_slice %arg7[%dma_start3A_621, %dma_start3A_624, %dma_start3A_625] : memref<3x128x128xf32, #tpu.memory_space<vmem>> -> memref<1x128x128xf32, #tpu.memory_space<vmem>>
      %dma_start3A_627 = tpu.memref_squeeze %dma_start3A_626 : memref<1x128x128xf32, #tpu.memory_space<vmem>> -> memref<128x128xf32, #tpu.memory_space<vmem>>
      %dma_start3A_628 = arith.constant 0 : i32
      %dma_start3A_629 = tpu.memref_slice %arg6[%dma_start3A_622, %dma_start3A_623, %dma_start3A_628] : memref<6x2x128xi32, #tpu.memory_space<vmem>> -> memref<1x1x128xi32, #tpu.memory_space<vmem>>
      %dma_start3A_630 = tpu.memref_squeeze %dma_start3A_629 : memref<1x1x128xi32, #tpu.memory_space<vmem>> -> memref<128xi32, #tpu.memory_space<vmem>>
      %dma_start3A_631 = arith.constant 0 : i32
      %dma_start3A_632 = arith.constant 0 : i32
      %dma_start3A_633 = tpu.memref_slice %arg5[%dma_start3A_631, %dma_start3A_632] : memref<10016x128xf32, #tpu.memory_space<vmem_shared>> -> memref<10016x128xf32, #tpu.memory_space<vmem_shared>>
      tpu.enqueue_indirect_dma source(%dma_start3A_627 : memref<128x128xf32, #tpu.memory_space<vmem>>) target(%dma_start3A_633 : memref<10016x128xf32, #tpu.memory_space<vmem_shared>>) offsets(%dma_start3A_630 : memref<128xi32, #tpu.memory_space<vmem>>) semaphore(%arg11 : memref<!tpu.dma_semaphore, #tpu.memory_space<semaphore_mem>>) {add = true}
      %add3A_634 = arith.constant 2 : i32
      %add3A_635 = arith.addi %add3A_361, %add3A_634 : i32
      %sub3A_636 = arith.constant 2 : i32
      %sub3A_637 = arith.subi %add3A_635, %sub3A_636 : i32
      %dma_wait3A_638 = arith.constant 2 : i32
      %dma_wait3A_639 = arith.constant 2 : i32
      %dma_wait3A_640 = arith.constant 0 : i32
      %dma_wait3A_641 = arith.constant 0 : i32
      %dma_wait3A_642 = arith.constant 0 : i32
      %dma_wait3A_643 = tpu.memref_slice %arg7[%dma_wait3A_638, %dma_wait3A_641, %dma_wait3A_642] : memref<3x128x128xf32, #tpu.memory_space<vmem>> -> memref<1x128x128xf32, #tpu.memory_space<vmem>>
      %dma_wait3A_644 = tpu.memref_squeeze %dma_wait3A_643 : memref<1x128x128xf32, #tpu.memory_space<vmem>> -> memref<128x128xf32, #tpu.memory_space<vmem>>
      %dma_wait3A_645 = arith.constant 0 : i32
      %dma_wait3A_646 = tpu.memref_slice %arg6[%dma_wait3A_639, %dma_wait3A_640, %dma_wait3A_645] : memref<6x2x128xi32, #tpu.memory_space<vmem>> -> memref<1x1x128xi32, #tpu.memory_space<vmem>>
      %dma_wait3A_647 = tpu.memref_squeeze %dma_wait3A_646 : memref<1x1x128xi32, #tpu.memory_space<vmem>> -> memref<128xi32, #tpu.memory_space<vmem>>
      %dma_wait3A_648 = arith.constant 0 : i32
      %dma_wait3A_649 = arith.constant 0 : i32
      %dma_wait3A_650 = tpu.memref_slice %arg5[%dma_wait3A_648, %dma_wait3A_649] : memref<10016x128xf32, #tpu.memory_space<vmem_shared>> -> memref<10016x128xf32, #tpu.memory_space<vmem_shared>>
      tpu.wait_indirect_dma semaphore(%arg13 : memref<!tpu.dma_semaphore, #tpu.memory_space<semaphore_mem>>) src(%dma_wait3A_644 : memref<128x128xf32, #tpu.memory_space<vmem>>) dst(%dma_wait3A_650 : memref<10016x128xf32, #tpu.memory_space<vmem_shared>>)
      %add3A_651 = arith.addi %select_n3A, %add3A_635 : i32
      %mul3A_652 = arith.constant 128 : i32
      %mul3A_653 = arith.muli %mul3A_652, %add3A_651 : i32
      %dma_wait3A_654 = arith.constant 4 : i32
      %dma_wait3A_655 = arith.constant 0 : i32
      %dma_wait3A_656 = arith.constant 0 : i32
      %dma_wait3A_657 = tpu.memref_slice %arg6[%dma_wait3A_654, %dma_wait3A_655, %dma_wait3A_656] : memref<6x2x128xi32, #tpu.memory_space<vmem>> -> memref<1x2x128xi32, #tpu.memory_space<vmem>>
      %dma_wait3A_658 = tpu.memref_squeeze %dma_wait3A_657 : memref<1x2x128xi32, #tpu.memory_space<vmem>> -> memref<2x128xi32, #tpu.memory_space<vmem>>
      %dma_wait3A_659 = arith.constant 0 : i32
      %dma_wait3A_660 = tpu.memref_slice %arg3[%dma_wait3A_659, %mul3A_653] : memref<2x320000xi32, #tpu.memory_space<hbm>> -> memref<2x128xi32, #tpu.memory_space<hbm>>
      %dma_wait3A_661 = arith.constant 0 : i32
      %dma_wait3A_662 = arith.constant 0 : i32
      %dma_wait3A_663 = tpu.memref_slice %arg6[%dma_wait3A_654, %dma_wait3A_661, %dma_wait3A_662] : memref<6x2x128xi32, #tpu.memory_space<vmem>> -> memref<1x2x128xi32, #tpu.memory_space<vmem>>
      %dma_wait3A_664 = tpu.memref_squeeze %dma_wait3A_663 : memref<1x2x128xi32, #tpu.memory_space<vmem>> -> memref<2x128xi32, #tpu.memory_space<vmem>>
      %dma_wait3A_665 = arith.constant 0 : i32
      %dma_wait3A_666 = tpu.memref_slice %arg3[%dma_wait3A_665, %mul3A_653] : memref<2x320000xi32, #tpu.memory_space<hbm>> -> memref<2x128xi32, #tpu.memory_space<hbm>>
      tpu.wait_dma2 semaphore(%arg18 : memref<!tpu.dma_semaphore, #tpu.memory_space<semaphore_mem>>) src(%dma_wait3A_666 : memref<2x128xi32, #tpu.memory_space<hbm>>) dst(%dma_wait3A_664 : memref<2x128xi32, #tpu.memory_space<vmem>>)
      %mul3A_667 = arith.constant 6 : i32
      %mul3A_668 = arith.muli %mul3A_667, %select_n3A_11 : i32
      %lt3A_669 = arith.cmpi slt, %add3A_635, %mul3A_668 : i32
      %convert_element_type3A_670 = arith.extui %lt3A_669 : i1 to i32
      %cond3A_671 = arith.constant 0 : i32
      %cond3A_672 = arith.cmpi ne, %convert_element_type3A_670, %cond3A_671 : i32
      scf.if %cond3A_672 {
        %add3A_1178 = arith.constant 2 : i32
        %add3A_1179 = arith.addi %add3A_635, %add3A_1178 : i32
        %add3A_1180 = arith.addi %select_n3A, %add3A_1179 : i32
        %mul3A_1181 = arith.constant 128 : i32
        %mul3A_1182 = arith.muli %mul3A_1181, %add3A_1180 : i32
        %dma_start3A_1183 = arith.constant 0 : i32
        %dma_start3A_1184 = arith.constant 0 : i32
        %dma_start3A_1185 = arith.constant 0 : i32
        %dma_start3A_1186 = tpu.memref_slice %arg6[%dma_start3A_1183, %dma_start3A_1184, %dma_start3A_1185] : memref<6x2x128xi32, #tpu.memory_space<vmem>> -> memref<1x2x128xi32, #tpu.memory_space<vmem>>
        %dma_start3A_1187 = tpu.memref_squeeze %dma_start3A_1186 : memref<1x2x128xi32, #tpu.memory_space<vmem>> -> memref<2x128xi32, #tpu.memory_space<vmem>>
        %dma_start3A_1188 = arith.constant 0 : i32
        %dma_start3A_1189 = tpu.memref_slice %arg3[%dma_start3A_1188, %mul3A_1182] : memref<2x320000xi32, #tpu.memory_space<hbm>> -> memref<2x128xi32, #tpu.memory_space<hbm>>
        %dma_start3A_1190 = arith.constant 0 : i32
        %dma_start3A_1191 = arith.constant 0 : i32
        %dma_start3A_1192 = tpu.memref_slice %arg6[%dma_start3A_1183, %dma_start3A_1190, %dma_start3A_1191] : memref<6x2x128xi32, #tpu.memory_space<vmem>> -> memref<1x2x128xi32, #tpu.memory_space<vmem>>
        %dma_start3A_1193 = tpu.memref_squeeze %dma_start3A_1192 : memref<1x2x128xi32, #tpu.memory_space<vmem>> -> memref<2x128xi32, #tpu.memory_space<vmem>>
        %dma_start3A_1194 = arith.constant 0 : i32
        %dma_start3A_1195 = tpu.memref_slice %arg3[%dma_start3A_1194, %mul3A_1182] : memref<2x320000xi32, #tpu.memory_space<hbm>> -> memref<2x128xi32, #tpu.memory_space<hbm>>
        tpu.enqueue_dma source(%dma_start3A_1195 : memref<2x128xi32, #tpu.memory_space<hbm>>) target(%dma_start3A_1193 : memref<2x128xi32, #tpu.memory_space<vmem>>) target_semaphore(%arg14 : memref<!tpu.dma_semaphore, #tpu.memory_space<semaphore_mem>>)
      } else {
      }
      %dma_start3A_673 = arith.constant 4 : i32
      %dma_start3A_674 = arith.constant 0 : i32
      %dma_start3A_675 = arith.constant 2 : i32
      %dma_start3A_676 = arith.constant 0 : i32
      %dma_start3A_677 = arith.constant 0 : i32
      %dma_start3A_678 = tpu.memref_slice %arg7[%dma_start3A_675, %dma_start3A_676, %dma_start3A_677] : memref<3x128x128xf32, #tpu.memory_space<vmem>> -> memref<1x128x128xf32, #tpu.memory_space<vmem>>
      %dma_start3A_679 = tpu.memref_squeeze %dma_start3A_678 : memref<1x128x128xf32, #tpu.memory_space<vmem>> -> memref<128x128xf32, #tpu.memory_space<vmem>>
      %dma_start3A_680 = arith.constant 0 : i32
      %dma_start3A_681 = tpu.memref_slice %arg6[%dma_start3A_673, %dma_start3A_674, %dma_start3A_680] : memref<6x2x128xi32, #tpu.memory_space<vmem>> -> memref<1x1x128xi32, #tpu.memory_space<vmem>>
      %dma_start3A_682 = tpu.memref_squeeze %dma_start3A_681 : memref<1x1x128xi32, #tpu.memory_space<vmem>> -> memref<128xi32, #tpu.memory_space<vmem>>
      %dma_start3A_683 = arith.constant 0 : i32
      %dma_start3A_684 = arith.constant 0 : i32
      %dma_start3A_685 = tpu.memref_slice %arg2[%dma_start3A_683, %dma_start3A_684] : memref<10000x128xf32, #tpu.memory_space<hbm>> -> memref<10000x128xf32, #tpu.memory_space<hbm>>
      tpu.enqueue_indirect_dma source(%dma_start3A_685 : memref<10000x128xf32, #tpu.memory_space<hbm>>) target(%dma_start3A_679 : memref<128x128xf32, #tpu.memory_space<vmem>>) offsets(%dma_start3A_682 : memref<128xi32, #tpu.memory_space<vmem>>) semaphore(%arg10 : memref<!tpu.dma_semaphore, #tpu.memory_space<semaphore_mem>>)
      %sub3A_686 = arith.constant 1 : i32
      %sub3A_687 = arith.subi %add3A_635, %sub3A_686 : i32
      %dma_wait3A_688 = arith.constant 3 : i32
      %dma_wait3A_689 = arith.constant 1 : i32
      %dma_wait3A_690 = arith.constant 1 : i32
      %dma_wait3A_691 = arith.constant 0 : i32
      %dma_wait3A_692 = arith.constant 0 : i32
      %dma_wait3A_693 = tpu.memref_slice %arg7[%dma_wait3A_690, %dma_wait3A_691, %dma_wait3A_692] : memref<3x128x128xf32, #tpu.memory_space<vmem>> -> memref<1x128x128xf32, #tpu.memory_space<vmem>>
      %dma_wait3A_694 = tpu.memref_squeeze %dma_wait3A_693 : memref<1x128x128xf32, #tpu.memory_space<vmem>> -> memref<128x128xf32, #tpu.memory_space<vmem>>
      %dma_wait3A_695 = arith.constant 0 : i32
      %dma_wait3A_696 = tpu.memref_slice %arg6[%dma_wait3A_688, %dma_wait3A_689, %dma_wait3A_695] : memref<6x2x128xi32, #tpu.memory_space<vmem>> -> memref<1x1x128xi32, #tpu.memory_space<vmem>>
      %dma_wait3A_697 = tpu.memref_squeeze %dma_wait3A_696 : memref<1x1x128xi32, #tpu.memory_space<vmem>> -> memref<128xi32, #tpu.memory_space<vmem>>
      %dma_wait3A_698 = arith.constant 0 : i32
      %dma_wait3A_699 = arith.constant 0 : i32
      %dma_wait3A_700 = tpu.memref_slice %arg2[%dma_wait3A_698, %dma_wait3A_699] : memref<10000x128xf32, #tpu.memory_space<hbm>> -> memref<10000x128xf32, #tpu.memory_space<hbm>>
      tpu.wait_indirect_dma semaphore(%arg9 : memref<!tpu.dma_semaphore, #tpu.memory_space<semaphore_mem>>) src(%dma_wait3A_700 : memref<10000x128xf32, #tpu.memory_space<hbm>>) dst(%dma_wait3A_694 : memref<128x128xf32, #tpu.memory_space<vmem>>)
      %sub3A_701 = arith.constant 1 : i32
      %sub3A_702 = arith.subi %add3A_635, %sub3A_701 : i32
      %dma_start3A_703 = arith.constant 1 : i32
      %dma_start3A_704 = arith.constant 3 : i32
      %dma_start3A_705 = arith.constant 0 : i32
      %dma_start3A_706 = arith.constant 0 : i32
      %dma_start3A_707 = arith.constant 0 : i32
      %dma_start3A_708 = tpu.memref_slice %arg7[%dma_start3A_703, %dma_start3A_706, %dma_start3A_707] : memref<3x128x128xf32, #tpu.memory_space<vmem>> -> memref<1x128x128xf32, #tpu.memory_space<vmem>>
      %dma_start3A_709 = tpu.memref_squeeze %dma_start3A_708 : memref<1x128x128xf32, #tpu.memory_space<vmem>> -> memref<128x128xf32, #tpu.memory_space<vmem>>
      %dma_start3A_710 = arith.constant 0 : i32
      %dma_start3A_711 = tpu.memref_slice %arg6[%dma_start3A_704, %dma_start3A_705, %dma_start3A_710] : memref<6x2x128xi32, #tpu.memory_space<vmem>> -> memref<1x1x128xi32, #tpu.memory_space<vmem>>
      %dma_start3A_712 = tpu.memref_squeeze %dma_start3A_711 : memref<1x1x128xi32, #tpu.memory_space<vmem>> -> memref<128xi32, #tpu.memory_space<vmem>>
      %dma_start3A_713 = arith.constant 0 : i32
      %dma_start3A_714 = arith.constant 0 : i32
      %dma_start3A_715 = tpu.memref_slice %arg5[%dma_start3A_713, %dma_start3A_714] : memref<10016x128xf32, #tpu.memory_space<vmem_shared>> -> memref<10016x128xf32, #tpu.memory_space<vmem_shared>>
      tpu.enqueue_indirect_dma source(%dma_start3A_709 : memref<128x128xf32, #tpu.memory_space<vmem>>) target(%dma_start3A_715 : memref<10016x128xf32, #tpu.memory_space<vmem_shared>>) offsets(%dma_start3A_712 : memref<128xi32, #tpu.memory_space<vmem>>) semaphore(%arg12 : memref<!tpu.dma_semaphore, #tpu.memory_space<semaphore_mem>>) {add = true}
      %sub3A_716 = arith.constant 1 : i32
      %sub3A_717 = arith.subi %add3A_635, %sub3A_716 : i32
      %dma_wait3A_718 = arith.constant 0 : i32
      %dma_wait3A_719 = arith.constant 3 : i32
      %dma_wait3A_720 = arith.constant 1 : i32
      %dma_wait3A_721 = arith.constant 0 : i32
      %dma_wait3A_722 = arith.constant 0 : i32
      %dma_wait3A_723 = tpu.memref_slice %arg7[%dma_wait3A_718, %dma_wait3A_721, %dma_wait3A_722] : memref<3x128x128xf32, #tpu.memory_space<vmem>> -> memref<1x128x128xf32, #tpu.memory_space<vmem>>
      %dma_wait3A_724 = tpu.memref_squeeze %dma_wait3A_723 : memref<1x128x128xf32, #tpu.memory_space<vmem>> -> memref<128x128xf32, #tpu.memory_space<vmem>>
      %dma_wait3A_725 = arith.constant 0 : i32
      %dma_wait3A_726 = tpu.memref_slice %arg6[%dma_wait3A_719, %dma_wait3A_720, %dma_wait3A_725] : memref<6x2x128xi32, #tpu.memory_space<vmem>> -> memref<1x1x128xi32, #tpu.memory_space<vmem>>
      %dma_wait3A_727 = tpu.memref_squeeze %dma_wait3A_726 : memref<1x1x128xi32, #tpu.memory_space<vmem>> -> memref<128xi32, #tpu.memory_space<vmem>>
      %dma_wait3A_728 = arith.constant 0 : i32
      %dma_wait3A_729 = arith.constant 0 : i32
      %dma_wait3A_730 = tpu.memref_slice %arg5[%dma_wait3A_728, %dma_wait3A_729] : memref<10016x128xf32, #tpu.memory_space<vmem_shared>> -> memref<10016x128xf32, #tpu.memory_space<vmem_shared>>
      tpu.wait_indirect_dma semaphore(%arg11 : memref<!tpu.dma_semaphore, #tpu.memory_space<semaphore_mem>>) src(%dma_wait3A_724 : memref<128x128xf32, #tpu.memory_space<vmem>>) dst(%dma_wait3A_730 : memref<10016x128xf32, #tpu.memory_space<vmem_shared>>)
      %dma_start3A_731 = arith.constant 4 : i32
      %dma_start3A_732 = arith.constant 1 : i32
      %dma_start3A_733 = arith.constant 0 : i32
      %dma_start3A_734 = arith.constant 0 : i32
      %dma_start3A_735 = arith.constant 0 : i32
      %dma_start3A_736 = tpu.memref_slice %arg7[%dma_start3A_733, %dma_start3A_734, %dma_start3A_735] : memref<3x128x128xf32, #tpu.memory_space<vmem>> -> memref<1x128x128xf32, #tpu.memory_space<vmem>>
      %dma_start3A_737 = tpu.memref_squeeze %dma_start3A_736 : memref<1x128x128xf32, #tpu.memory_space<vmem>> -> memref<128x128xf32, #tpu.memory_space<vmem>>
      %dma_start3A_738 = arith.constant 0 : i32
      %dma_start3A_739 = tpu.memref_slice %arg6[%dma_start3A_731, %dma_start3A_732, %dma_start3A_738] : memref<6x2x128xi32, #tpu.memory_space<vmem>> -> memref<1x1x128xi32, #tpu.memory_space<vmem>>
      %dma_start3A_740 = tpu.memref_squeeze %dma_start3A_739 : memref<1x1x128xi32, #tpu.memory_space<vmem>> -> memref<128xi32, #tpu.memory_space<vmem>>
      %dma_start3A_741 = arith.constant 0 : i32
      %dma_start3A_742 = arith.constant 0 : i32
      %dma_start3A_743 = tpu.memref_slice %arg2[%dma_start3A_741, %dma_start3A_742] : memref<10000x128xf32, #tpu.memory_space<hbm>> -> memref<10000x128xf32, #tpu.memory_space<hbm>>
      tpu.enqueue_indirect_dma source(%dma_start3A_743 : memref<10000x128xf32, #tpu.memory_space<hbm>>) target(%dma_start3A_737 : memref<128x128xf32, #tpu.memory_space<vmem>>) offsets(%dma_start3A_740 : memref<128xi32, #tpu.memory_space<vmem>>) semaphore(%arg8 : memref<!tpu.dma_semaphore, #tpu.memory_space<semaphore_mem>>)
      %dma_wait3A_744 = arith.constant 4 : i32
      %dma_wait3A_745 = arith.constant 0 : i32
      %dma_wait3A_746 = arith.constant 2 : i32
      %dma_wait3A_747 = arith.constant 0 : i32
      %dma_wait3A_748 = arith.constant 0 : i32
      %dma_wait3A_749 = tpu.memref_slice %arg7[%dma_wait3A_746, %dma_wait3A_747, %dma_wait3A_748] : memref<3x128x128xf32, #tpu.memory_space<vmem>> -> memref<1x128x128xf32, #tpu.memory_space<vmem>>
      %dma_wait3A_750 = tpu.memref_squeeze %dma_wait3A_749 : memref<1x128x128xf32, #tpu.memory_space<vmem>> -> memref<128x128xf32, #tpu.memory_space<vmem>>
      %dma_wait3A_751 = arith.constant 0 : i32
      %dma_wait3A_752 = tpu.memref_slice %arg6[%dma_wait3A_744, %dma_wait3A_745, %dma_wait3A_751] : memref<6x2x128xi32, #tpu.memory_space<vmem>> -> memref<1x1x128xi32, #tpu.memory_space<vmem>>
      %dma_wait3A_753 = tpu.memref_squeeze %dma_wait3A_752 : memref<1x1x128xi32, #tpu.memory_space<vmem>> -> memref<128xi32, #tpu.memory_space<vmem>>
      %dma_wait3A_754 = arith.constant 0 : i32
      %dma_wait3A_755 = arith.constant 0 : i32
      %dma_wait3A_756 = tpu.memref_slice %arg2[%dma_wait3A_754, %dma_wait3A_755] : memref<10000x128xf32, #tpu.memory_space<hbm>> -> memref<10000x128xf32, #tpu.memory_space<hbm>>
      tpu.wait_indirect_dma semaphore(%arg10 : memref<!tpu.dma_semaphore, #tpu.memory_space<semaphore_mem>>) src(%dma_wait3A_756 : memref<10000x128xf32, #tpu.memory_space<hbm>>) dst(%dma_wait3A_750 : memref<128x128xf32, #tpu.memory_space<vmem>>)
      %dma_start3A_757 = arith.constant 2 : i32
      %dma_start3A_758 = arith.constant 4 : i32
      %dma_start3A_759 = arith.constant 1 : i32
      %dma_start3A_760 = arith.constant 0 : i32
      %dma_start3A_761 = arith.constant 0 : i32
      %dma_start3A_762 = tpu.memref_slice %arg7[%dma_start3A_757, %dma_start3A_760, %dma_start3A_761] : memref<3x128x128xf32, #tpu.memory_space<vmem>> -> memref<1x128x128xf32, #tpu.memory_space<vmem>>
      %dma_start3A_763 = tpu.memref_squeeze %dma_start3A_762 : memref<1x128x128xf32, #tpu.memory_space<vmem>> -> memref<128x128xf32, #tpu.memory_space<vmem>>
      %dma_start3A_764 = arith.constant 0 : i32
      %dma_start3A_765 = tpu.memref_slice %arg6[%dma_start3A_758, %dma_start3A_759, %dma_start3A_764] : memref<6x2x128xi32, #tpu.memory_space<vmem>> -> memref<1x1x128xi32, #tpu.memory_space<vmem>>
      %dma_start3A_766 = tpu.memref_squeeze %dma_start3A_765 : memref<1x1x128xi32, #tpu.memory_space<vmem>> -> memref<128xi32, #tpu.memory_space<vmem>>
      %dma_start3A_767 = arith.constant 0 : i32
      %dma_start3A_768 = arith.constant 0 : i32
      %dma_start3A_769 = tpu.memref_slice %arg5[%dma_start3A_767, %dma_start3A_768] : memref<10016x128xf32, #tpu.memory_space<vmem_shared>> -> memref<10016x128xf32, #tpu.memory_space<vmem_shared>>
      tpu.enqueue_indirect_dma source(%dma_start3A_763 : memref<128x128xf32, #tpu.memory_space<vmem>>) target(%dma_start3A_769 : memref<10016x128xf32, #tpu.memory_space<vmem_shared>>) offsets(%dma_start3A_766 : memref<128xi32, #tpu.memory_space<vmem>>) semaphore(%arg13 : memref<!tpu.dma_semaphore, #tpu.memory_space<semaphore_mem>>) {add = true}
      %add3A_770 = arith.constant 3 : i32
      %add3A_771 = arith.addi %add3A_361, %add3A_770 : i32
      %sub3A_772 = arith.constant 2 : i32
      %sub3A_773 = arith.subi %add3A_771, %sub3A_772 : i32
      %dma_wait3A_774 = arith.constant 1 : i32
      %dma_wait3A_775 = arith.constant 3 : i32
      %dma_wait3A_776 = arith.constant 0 : i32
      %dma_wait3A_777 = arith.constant 0 : i32
      %dma_wait3A_778 = arith.constant 0 : i32
      %dma_wait3A_779 = tpu.memref_slice %arg7[%dma_wait3A_774, %dma_wait3A_777, %dma_wait3A_778] : memref<3x128x128xf32, #tpu.memory_space<vmem>> -> memref<1x128x128xf32, #tpu.memory_space<vmem>>
      %dma_wait3A_780 = tpu.memref_squeeze %dma_wait3A_779 : memref<1x128x128xf32, #tpu.memory_space<vmem>> -> memref<128x128xf32, #tpu.memory_space<vmem>>
      %dma_wait3A_781 = arith.constant 0 : i32
      %dma_wait3A_782 = tpu.memref_slice %arg6[%dma_wait3A_775, %dma_wait3A_776, %dma_wait3A_781] : memref<6x2x128xi32, #tpu.memory_space<vmem>> -> memref<1x1x128xi32, #tpu.memory_space<vmem>>
      %dma_wait3A_783 = tpu.memref_squeeze %dma_wait3A_782 : memref<1x1x128xi32, #tpu.memory_space<vmem>> -> memref<128xi32, #tpu.memory_space<vmem>>
      %dma_wait3A_784 = arith.constant 0 : i32
      %dma_wait3A_785 = arith.constant 0 : i32
      %dma_wait3A_786 = tpu.memref_slice %arg5[%dma_wait3A_784, %dma_wait3A_785] : memref<10016x128xf32, #tpu.memory_space<vmem_shared>> -> memref<10016x128xf32, #tpu.memory_space<vmem_shared>>
      tpu.wait_indirect_dma semaphore(%arg12 : memref<!tpu.dma_semaphore, #tpu.memory_space<semaphore_mem>>) src(%dma_wait3A_780 : memref<128x128xf32, #tpu.memory_space<vmem>>) dst(%dma_wait3A_786 : memref<10016x128xf32, #tpu.memory_space<vmem_shared>>)
      %add3A_787 = arith.addi %select_n3A, %add3A_771 : i32
      %mul3A_788 = arith.constant 128 : i32
      %mul3A_789 = arith.muli %mul3A_788, %add3A_787 : i32
      %dma_wait3A_790 = arith.constant 5 : i32
      %dma_wait3A_791 = arith.constant 0 : i32
      %dma_wait3A_792 = arith.constant 0 : i32
      %dma_wait3A_793 = tpu.memref_slice %arg6[%dma_wait3A_790, %dma_wait3A_791, %dma_wait3A_792] : memref<6x2x128xi32, #tpu.memory_space<vmem>> -> memref<1x2x128xi32, #tpu.memory_space<vmem>>
      %dma_wait3A_794 = tpu.memref_squeeze %dma_wait3A_793 : memref<1x2x128xi32, #tpu.memory_space<vmem>> -> memref<2x128xi32, #tpu.memory_space<vmem>>
      %dma_wait3A_795 = arith.constant 0 : i32
      %dma_wait3A_796 = tpu.memref_slice %arg3[%dma_wait3A_795, %mul3A_789] : memref<2x320000xi32, #tpu.memory_space<hbm>> -> memref<2x128xi32, #tpu.memory_space<hbm>>
      %dma_wait3A_797 = arith.constant 0 : i32
      %dma_wait3A_798 = arith.constant 0 : i32
      %dma_wait3A_799 = tpu.memref_slice %arg6[%dma_wait3A_790, %dma_wait3A_797, %dma_wait3A_798] : memref<6x2x128xi32, #tpu.memory_space<vmem>> -> memref<1x2x128xi32, #tpu.memory_space<vmem>>
      %dma_wait3A_800 = tpu.memref_squeeze %dma_wait3A_799 : memref<1x2x128xi32, #tpu.memory_space<vmem>> -> memref<2x128xi32, #tpu.memory_space<vmem>>
      %dma_wait3A_801 = arith.constant 0 : i32
      %dma_wait3A_802 = tpu.memref_slice %arg3[%dma_wait3A_801, %mul3A_789] : memref<2x320000xi32, #tpu.memory_space<hbm>> -> memref<2x128xi32, #tpu.memory_space<hbm>>
      tpu.wait_dma2 semaphore(%arg19 : memref<!tpu.dma_semaphore, #tpu.memory_space<semaphore_mem>>) src(%dma_wait3A_802 : memref<2x128xi32, #tpu.memory_space<hbm>>) dst(%dma_wait3A_800 : memref<2x128xi32, #tpu.memory_space<vmem>>)
      %mul3A_803 = arith.constant 6 : i32
      %mul3A_804 = arith.muli %mul3A_803, %select_n3A_11 : i32
      %lt3A_805 = arith.cmpi slt, %add3A_771, %mul3A_804 : i32
      %convert_element_type3A_806 = arith.extui %lt3A_805 : i1 to i32
      %cond3A_807 = arith.constant 0 : i32
      %cond3A_808 = arith.cmpi ne, %convert_element_type3A_806, %cond3A_807 : i32
      scf.if %cond3A_808 {
        %add3A_1178 = arith.constant 2 : i32
        %add3A_1179 = arith.addi %add3A_771, %add3A_1178 : i32
        %add3A_1180 = arith.addi %select_n3A, %add3A_1179 : i32
        %mul3A_1181 = arith.constant 128 : i32
        %mul3A_1182 = arith.muli %mul3A_1181, %add3A_1180 : i32
        %dma_start3A_1183 = arith.constant 1 : i32
        %dma_start3A_1184 = arith.constant 0 : i32
        %dma_start3A_1185 = arith.constant 0 : i32
        %dma_start3A_1186 = tpu.memref_slice %arg6[%dma_start3A_1183, %dma_start3A_1184, %dma_start3A_1185] : memref<6x2x128xi32, #tpu.memory_space<vmem>> -> memref<1x2x128xi32, #tpu.memory_space<vmem>>
        %dma_start3A_1187 = tpu.memref_squeeze %dma_start3A_1186 : memref<1x2x128xi32, #tpu.memory_space<vmem>> -> memref<2x128xi32, #tpu.memory_space<vmem>>
        %dma_start3A_1188 = arith.constant 0 : i32
        %dma_start3A_1189 = tpu.memref_slice %arg3[%dma_start3A_1188, %mul3A_1182] : memref<2x320000xi32, #tpu.memory_space<hbm>> -> memref<2x128xi32, #tpu.memory_space<hbm>>
        %dma_start3A_1190 = arith.constant 0 : i32
        %dma_start3A_1191 = arith.constant 0 : i32
        %dma_start3A_1192 = tpu.memref_slice %arg6[%dma_start3A_1183, %dma_start3A_1190, %dma_start3A_1191] : memref<6x2x128xi32, #tpu.memory_space<vmem>> -> memref<1x2x128xi32, #tpu.memory_space<vmem>>
        %dma_start3A_1193 = tpu.memref_squeeze %dma_start3A_1192 : memref<1x2x128xi32, #tpu.memory_space<vmem>> -> memref<2x128xi32, #tpu.memory_space<vmem>>
        %dma_start3A_1194 = arith.constant 0 : i32
        %dma_start3A_1195 = tpu.memref_slice %arg3[%dma_start3A_1194, %mul3A_1182] : memref<2x320000xi32, #tpu.memory_space<hbm>> -> memref<2x128xi32, #tpu.memory_space<hbm>>
        tpu.enqueue_dma source(%dma_start3A_1195 : memref<2x128xi32, #tpu.memory_space<hbm>>) target(%dma_start3A_1193 : memref<2x128xi32, #tpu.memory_space<vmem>>) target_semaphore(%arg15 : memref<!tpu.dma_semaphore, #tpu.memory_space<semaphore_mem>>)
      } else {
      }
      %dma_start3A_809 = arith.constant 5 : i32
      %dma_start3A_810 = arith.constant 0 : i32
      %dma_start3A_811 = arith.constant 1 : i32
      %dma_start3A_812 = arith.constant 0 : i32
      %dma_start3A_813 = arith.constant 0 : i32
      %dma_start3A_814 = tpu.memref_slice %arg7[%dma_start3A_811, %dma_start3A_812, %dma_start3A_813] : memref<3x128x128xf32, #tpu.memory_space<vmem>> -> memref<1x128x128xf32, #tpu.memory_space<vmem>>
      %dma_start3A_815 = tpu.memref_squeeze %dma_start3A_814 : memref<1x128x128xf32, #tpu.memory_space<vmem>> -> memref<128x128xf32, #tpu.memory_space<vmem>>
      %dma_start3A_816 = arith.constant 0 : i32
      %dma_start3A_817 = tpu.memref_slice %arg6[%dma_start3A_809, %dma_start3A_810, %dma_start3A_816] : memref<6x2x128xi32, #tpu.memory_space<vmem>> -> memref<1x1x128xi32, #tpu.memory_space<vmem>>
      %dma_start3A_818 = tpu.memref_squeeze %dma_start3A_817 : memref<1x1x128xi32, #tpu.memory_space<vmem>> -> memref<128xi32, #tpu.memory_space<vmem>>
      %dma_start3A_819 = arith.constant 0 : i32
      %dma_start3A_820 = arith.constant 0 : i32
      %dma_start3A_821 = tpu.memref_slice %arg2[%dma_start3A_819, %dma_start3A_820] : memref<10000x128xf32, #tpu.memory_space<hbm>> -> memref<10000x128xf32, #tpu.memory_space<hbm>>
      tpu.enqueue_indirect_dma source(%dma_start3A_821 : memref<10000x128xf32, #tpu.memory_space<hbm>>) target(%dma_start3A_815 : memref<128x128xf32, #tpu.memory_space<vmem>>) offsets(%dma_start3A_818 : memref<128xi32, #tpu.memory_space<vmem>>) semaphore(%arg9 : memref<!tpu.dma_semaphore, #tpu.memory_space<semaphore_mem>>)
      %sub3A_822 = arith.constant 1 : i32
      %sub3A_823 = arith.subi %add3A_771, %sub3A_822 : i32
      %dma_wait3A_824 = arith.constant 4 : i32
      %dma_wait3A_825 = arith.constant 1 : i32
      %dma_wait3A_826 = arith.constant 0 : i32
      %dma_wait3A_827 = arith.constant 0 : i32
      %dma_wait3A_828 = arith.constant 0 : i32
      %dma_wait3A_829 = tpu.memref_slice %arg7[%dma_wait3A_826, %dma_wait3A_827, %dma_wait3A_828] : memref<3x128x128xf32, #tpu.memory_space<vmem>> -> memref<1x128x128xf32, #tpu.memory_space<vmem>>
      %dma_wait3A_830 = tpu.memref_squeeze %dma_wait3A_829 : memref<1x128x128xf32, #tpu.memory_space<vmem>> -> memref<128x128xf32, #tpu.memory_space<vmem>>
      %dma_wait3A_831 = arith.constant 0 : i32
      %dma_wait3A_832 = tpu.memref_slice %arg6[%dma_wait3A_824, %dma_wait3A_825, %dma_wait3A_831] : memref<6x2x128xi32, #tpu.memory_space<vmem>> -> memref<1x1x128xi32, #tpu.memory_space<vmem>>
      %dma_wait3A_833 = tpu.memref_squeeze %dma_wait3A_832 : memref<1x1x128xi32, #tpu.memory_space<vmem>> -> memref<128xi32, #tpu.memory_space<vmem>>
      %dma_wait3A_834 = arith.constant 0 : i32
      %dma_wait3A_835 = arith.constant 0 : i32
      %dma_wait3A_836 = tpu.memref_slice %arg2[%dma_wait3A_834, %dma_wait3A_835] : memref<10000x128xf32, #tpu.memory_space<hbm>> -> memref<10000x128xf32, #tpu.memory_space<hbm>>
      tpu.wait_indirect_dma semaphore(%arg8 : memref<!tpu.dma_semaphore, #tpu.memory_space<semaphore_mem>>) src(%dma_wait3A_836 : memref<10000x128xf32, #tpu.memory_space<hbm>>) dst(%dma_wait3A_830 : memref<128x128xf32, #tpu.memory_space<vmem>>)
      %sub3A_837 = arith.constant 1 : i32
      %sub3A_838 = arith.subi %add3A_771, %sub3A_837 : i32
      %dma_start3A_839 = arith.constant 0 : i32
      %dma_start3A_840 = arith.constant 4 : i32
      %dma_start3A_841 = arith.constant 0 : i32
      %dma_start3A_842 = arith.constant 0 : i32
      %dma_start3A_843 = arith.constant 0 : i32
      %dma_start3A_844 = tpu.memref_slice %arg7[%dma_start3A_839, %dma_start3A_842, %dma_start3A_843] : memref<3x128x128xf32, #tpu.memory_space<vmem>> -> memref<1x128x128xf32, #tpu.memory_space<vmem>>
      %dma_start3A_845 = tpu.memref_squeeze %dma_start3A_844 : memref<1x128x128xf32, #tpu.memory_space<vmem>> -> memref<128x128xf32, #tpu.memory_space<vmem>>
      %dma_start3A_846 = arith.constant 0 : i32
      %dma_start3A_847 = tpu.memref_slice %arg6[%dma_start3A_840, %dma_start3A_841, %dma_start3A_846] : memref<6x2x128xi32, #tpu.memory_space<vmem>> -> memref<1x1x128xi32, #tpu.memory_space<vmem>>
      %dma_start3A_848 = tpu.memref_squeeze %dma_start3A_847 : memref<1x1x128xi32, #tpu.memory_space<vmem>> -> memref<128xi32, #tpu.memory_space<vmem>>
      %dma_start3A_849 = arith.constant 0 : i32
      %dma_start3A_850 = arith.constant 0 : i32
      %dma_start3A_851 = tpu.memref_slice %arg5[%dma_start3A_849, %dma_start3A_850] : memref<10016x128xf32, #tpu.memory_space<vmem_shared>> -> memref<10016x128xf32, #tpu.memory_space<vmem_shared>>
      tpu.enqueue_indirect_dma source(%dma_start3A_845 : memref<128x128xf32, #tpu.memory_space<vmem>>) target(%dma_start3A_851 : memref<10016x128xf32, #tpu.memory_space<vmem_shared>>) offsets(%dma_start3A_848 : memref<128xi32, #tpu.memory_space<vmem>>) semaphore(%arg11 : memref<!tpu.dma_semaphore, #tpu.memory_space<semaphore_mem>>) {add = true}
      %sub3A_852 = arith.constant 1 : i32
      %sub3A_853 = arith.subi %add3A_771, %sub3A_852 : i32
      %dma_wait3A_854 = arith.constant 2 : i32
      %dma_wait3A_855 = arith.constant 4 : i32
      %dma_wait3A_856 = arith.constant 1 : i32
      %dma_wait3A_857 = arith.constant 0 : i32
      %dma_wait3A_858 = arith.constant 0 : i32
      %dma_wait3A_859 = tpu.memref_slice %arg7[%dma_wait3A_854, %dma_wait3A_857, %dma_wait3A_858] : memref<3x128x128xf32, #tpu.memory_space<vmem>> -> memref<1x128x128xf32, #tpu.memory_space<vmem>>
      %dma_wait3A_860 = tpu.memref_squeeze %dma_wait3A_859 : memref<1x128x128xf32, #tpu.memory_space<vmem>> -> memref<128x128xf32, #tpu.memory_space<vmem>>
      %dma_wait3A_861 = arith.constant 0 : i32
      %dma_wait3A_862 = tpu.memref_slice %arg6[%dma_wait3A_855, %dma_wait3A_856, %dma_wait3A_861] : memref<6x2x128xi32, #tpu.memory_space<vmem>> -> memref<1x1x128xi32, #tpu.memory_space<vmem>>
      %dma_wait3A_863 = tpu.memref_squeeze %dma_wait3A_862 : memref<1x1x128xi32, #tpu.memory_space<vmem>> -> memref<128xi32, #tpu.memory_space<vmem>>
      %dma_wait3A_864 = arith.constant 0 : i32
      %dma_wait3A_865 = arith.constant 0 : i32
      %dma_wait3A_866 = tpu.memref_slice %arg5[%dma_wait3A_864, %dma_wait3A_865] : memref<10016x128xf32, #tpu.memory_space<vmem_shared>> -> memref<10016x128xf32, #tpu.memory_space<vmem_shared>>
      tpu.wait_indirect_dma semaphore(%arg13 : memref<!tpu.dma_semaphore, #tpu.memory_space<semaphore_mem>>) src(%dma_wait3A_860 : memref<128x128xf32, #tpu.memory_space<vmem>>) dst(%dma_wait3A_866 : memref<10016x128xf32, #tpu.memory_space<vmem_shared>>)
      %dma_start3A_867 = arith.constant 5 : i32
      %dma_start3A_868 = arith.constant 1 : i32
      %dma_start3A_869 = arith.constant 2 : i32
      %dma_start3A_870 = arith.constant 0 : i32
      %dma_start3A_871 = arith.constant 0 : i32
      %dma_start3A_872 = tpu.memref_slice %arg7[%dma_start3A_869, %dma_start3A_870, %dma_start3A_871] : memref<3x128x128xf32, #tpu.memory_space<vmem>> -> memref<1x128x128xf32, #tpu.memory_space<vmem>>
      %dma_start3A_873 = tpu.memref_squeeze %dma_start3A_872 : memref<1x128x128xf32, #tpu.memory_space<vmem>> -> memref<128x128xf32, #tpu.memory_space<vmem>>
      %dma_start3A_874 = arith.constant 0 : i32
      %dma_start3A_875 = tpu.memref_slice %arg6[%dma_start3A_867, %dma_start3A_868, %dma_start3A_874] : memref<6x2x128xi32, #tpu.memory_space<vmem>> -> memref<1x1x128xi32, #tpu.memory_space<vmem>>
      %dma_start3A_876 = tpu.memref_squeeze %dma_start3A_875 : memref<1x1x128xi32, #tpu.memory_space<vmem>> -> memref<128xi32, #tpu.memory_space<vmem>>
      %dma_start3A_877 = arith.constant 0 : i32
      %dma_start3A_878 = arith.constant 0 : i32
      %dma_start3A_879 = tpu.memref_slice %arg2[%dma_start3A_877, %dma_start3A_878] : memref<10000x128xf32, #tpu.memory_space<hbm>> -> memref<10000x128xf32, #tpu.memory_space<hbm>>
      tpu.enqueue_indirect_dma source(%dma_start3A_879 : memref<10000x128xf32, #tpu.memory_space<hbm>>) target(%dma_start3A_873 : memref<128x128xf32, #tpu.memory_space<vmem>>) offsets(%dma_start3A_876 : memref<128xi32, #tpu.memory_space<vmem>>) semaphore(%arg10 : memref<!tpu.dma_semaphore, #tpu.memory_space<semaphore_mem>>)
      %dma_wait3A_880 = arith.constant 5 : i32
      %dma_wait3A_881 = arith.constant 0 : i32
      %dma_wait3A_882 = arith.constant 1 : i32
      %dma_wait3A_883 = arith.constant 0 : i32
      %dma_wait3A_884 = arith.constant 0 : i32
      %dma_wait3A_885 = tpu.memref_slice %arg7[%dma_wait3A_882, %dma_wait3A_883, %dma_wait3A_884] : memref<3x128x128xf32, #tpu.memory_space<vmem>> -> memref<1x128x128xf32, #tpu.memory_space<vmem>>
      %dma_wait3A_886 = tpu.memref_squeeze %dma_wait3A_885 : memref<1x128x128xf32, #tpu.memory_space<vmem>> -> memref<128x128xf32, #tpu.memory_space<vmem>>
      %dma_wait3A_887 = arith.constant 0 : i32
      %dma_wait3A_888 = tpu.memref_slice %arg6[%dma_wait3A_880, %dma_wait3A_881, %dma_wait3A_887] : memref<6x2x128xi32, #tpu.memory_space<vmem>> -> memref<1x1x128xi32, #tpu.memory_space<vmem>>
      %dma_wait3A_889 = tpu.memref_squeeze %dma_wait3A_888 : memref<1x1x128xi32, #tpu.memory_space<vmem>> -> memref<128xi32, #tpu.memory_space<vmem>>
      %dma_wait3A_890 = arith.constant 0 : i32
      %dma_wait3A_891 = arith.constant 0 : i32
      %dma_wait3A_892 = tpu.memref_slice %arg2[%dma_wait3A_890, %dma_wait3A_891] : memref<10000x128xf32, #tpu.memory_space<hbm>> -> memref<10000x128xf32, #tpu.memory_space<hbm>>
      tpu.wait_indirect_dma semaphore(%arg9 : memref<!tpu.dma_semaphore, #tpu.memory_space<semaphore_mem>>) src(%dma_wait3A_892 : memref<10000x128xf32, #tpu.memory_space<hbm>>) dst(%dma_wait3A_886 : memref<128x128xf32, #tpu.memory_space<vmem>>)
      %dma_start3A_893 = arith.constant 1 : i32
      %dma_start3A_894 = arith.constant 5 : i32
      %dma_start3A_895 = arith.constant 1 : i32
      %dma_start3A_896 = arith.constant 0 : i32
      %dma_start3A_897 = arith.constant 0 : i32
      %dma_start3A_898 = tpu.memref_slice %arg7[%dma_start3A_893, %dma_start3A_896, %dma_start3A_897] : memref<3x128x128xf32, #tpu.memory_space<vmem>> -> memref<1x128x128xf32, #tpu.memory_space<vmem>>
      %dma_start3A_899 = tpu.memref_squeeze %dma_start3A_898 : memref<1x128x128xf32, #tpu.memory_space<vmem>> -> memref<128x128xf32, #tpu.memory_space<vmem>>
      %dma_start3A_900 = arith.constant 0 : i32
      %dma_start3A_901 = tpu.memref_slice %arg6[%dma_start3A_894, %dma_start3A_895, %dma_start3A_900] : memref<6x2x128xi32, #tpu.memory_space<vmem>> -> memref<1x1x128xi32, #tpu.memory_space<vmem>>
      %dma_start3A_902 = tpu.memref_squeeze %dma_start3A_901 : memref<1x1x128xi32, #tpu.memory_space<vmem>> -> memref<128xi32, #tpu.memory_space<vmem>>
      %dma_start3A_903 = arith.constant 0 : i32
      %dma_start3A_904 = arith.constant 0 : i32
      %dma_start3A_905 = tpu.memref_slice %arg5[%dma_start3A_903, %dma_start3A_904] : memref<10016x128xf32, #tpu.memory_space<vmem_shared>> -> memref<10016x128xf32, #tpu.memory_space<vmem_shared>>
      tpu.enqueue_indirect_dma source(%dma_start3A_899 : memref<128x128xf32, #tpu.memory_space<vmem>>) target(%dma_start3A_905 : memref<10016x128xf32, #tpu.memory_space<vmem_shared>>) offsets(%dma_start3A_902 : memref<128xi32, #tpu.memory_space<vmem>>) semaphore(%arg12 : memref<!tpu.dma_semaphore, #tpu.memory_space<semaphore_mem>>) {add = true}
      %add3A_906 = arith.constant 4 : i32
      %add3A_907 = arith.addi %add3A_361, %add3A_906 : i32
      %sub3A_908 = arith.constant 2 : i32
      %sub3A_909 = arith.subi %add3A_907, %sub3A_908 : i32
      %dma_wait3A_910 = arith.constant 0 : i32
      %dma_wait3A_911 = arith.constant 4 : i32
      %dma_wait3A_912 = arith.constant 0 : i32
      %dma_wait3A_913 = arith.constant 0 : i32
      %dma_wait3A_914 = arith.constant 0 : i32
      %dma_wait3A_915 = tpu.memref_slice %arg7[%dma_wait3A_910, %dma_wait3A_913, %dma_wait3A_914] : memref<3x128x128xf32, #tpu.memory_space<vmem>> -> memref<1x128x128xf32, #tpu.memory_space<vmem>>
      %dma_wait3A_916 = tpu.memref_squeeze %dma_wait3A_915 : memref<1x128x128xf32, #tpu.memory_space<vmem>> -> memref<128x128xf32, #tpu.memory_space<vmem>>
      %dma_wait3A_917 = arith.constant 0 : i32
      %dma_wait3A_918 = tpu.memref_slice %arg6[%dma_wait3A_911, %dma_wait3A_912, %dma_wait3A_917] : memref<6x2x128xi32, #tpu.memory_space<vmem>> -> memref<1x1x128xi32, #tpu.memory_space<vmem>>
      %dma_wait3A_919 = tpu.memref_squeeze %dma_wait3A_918 : memref<1x1x128xi32, #tpu.memory_space<vmem>> -> memref<128xi32, #tpu.memory_space<vmem>>
      %dma_wait3A_920 = arith.constant 0 : i32
      %dma_wait3A_921 = arith.constant 0 : i32
      %dma_wait3A_922 = tpu.memref_slice %arg5[%dma_wait3A_920, %dma_wait3A_921] : memref<10016x128xf32, #tpu.memory_space<vmem_shared>> -> memref<10016x128xf32, #tpu.memory_space<vmem_shared>>
      tpu.wait_indirect_dma semaphore(%arg11 : memref<!tpu.dma_semaphore, #tpu.memory_space<semaphore_mem>>) src(%dma_wait3A_916 : memref<128x128xf32, #tpu.memory_space<vmem>>) dst(%dma_wait3A_922 : memref<10016x128xf32, #tpu.memory_space<vmem_shared>>)
      %add3A_923 = arith.addi %select_n3A, %add3A_907 : i32
      %mul3A_924 = arith.constant 128 : i32
      %mul3A_925 = arith.muli %mul3A_924, %add3A_923 : i32
      %dma_wait3A_926 = arith.constant 0 : i32
      %dma_wait3A_927 = arith.constant 0 : i32
      %dma_wait3A_928 = arith.constant 0 : i32
      %dma_wait3A_929 = tpu.memref_slice %arg6[%dma_wait3A_926, %dma_wait3A_927, %dma_wait3A_928] : memref<6x2x128xi32, #tpu.memory_space<vmem>> -> memref<1x2x128xi32, #tpu.memory_space<vmem>>
      %dma_wait3A_930 = tpu.memref_squeeze %dma_wait3A_929 : memref<1x2x128xi32, #tpu.memory_space<vmem>> -> memref<2x128xi32, #tpu.memory_space<vmem>>
      %dma_wait3A_931 = arith.constant 0 : i32
      %dma_wait3A_932 = tpu.memref_slice %arg3[%dma_wait3A_931, %mul3A_925] : memref<2x320000xi32, #tpu.memory_space<hbm>> -> memref<2x128xi32, #tpu.memory_space<hbm>>
      %dma_wait3A_933 = arith.constant 0 : i32
      %dma_wait3A_934 = arith.constant 0 : i32
      %dma_wait3A_935 = tpu.memref_slice %arg6[%dma_wait3A_926, %dma_wait3A_933, %dma_wait3A_934] : memref<6x2x128xi32, #tpu.memory_space<vmem>> -> memref<1x2x128xi32, #tpu.memory_space<vmem>>
      %dma_wait3A_936 = tpu.memref_squeeze %dma_wait3A_935 : memref<1x2x128xi32, #tpu.memory_space<vmem>> -> memref<2x128xi32, #tpu.memory_space<vmem>>
      %dma_wait3A_937 = arith.constant 0 : i32
      %dma_wait3A_938 = tpu.memref_slice %arg3[%dma_wait3A_937, %mul3A_925] : memref<2x320000xi32, #tpu.memory_space<hbm>> -> memref<2x128xi32, #tpu.memory_space<hbm>>
      tpu.wait_dma2 semaphore(%arg14 : memref<!tpu.dma_semaphore, #tpu.memory_space<semaphore_mem>>) src(%dma_wait3A_938 : memref<2x128xi32, #tpu.memory_space<hbm>>) dst(%dma_wait3A_936 : memref<2x128xi32, #tpu.memory_space<vmem>>)
      %mul3A_939 = arith.constant 6 : i32
      %mul3A_940 = arith.muli %mul3A_939, %select_n3A_11 : i32
      %lt3A_941 = arith.cmpi slt, %add3A_907, %mul3A_940 : i32
      %convert_element_type3A_942 = arith.extui %lt3A_941 : i1 to i32
      %cond3A_943 = arith.constant 0 : i32
      %cond3A_944 = arith.cmpi ne, %convert_element_type3A_942, %cond3A_943 : i32
      scf.if %cond3A_944 {
        %add3A_1178 = arith.constant 2 : i32
        %add3A_1179 = arith.addi %add3A_907, %add3A_1178 : i32
        %add3A_1180 = arith.addi %select_n3A, %add3A_1179 : i32
        %mul3A_1181 = arith.constant 128 : i32
        %mul3A_1182 = arith.muli %mul3A_1181, %add3A_1180 : i32
        %dma_start3A_1183 = arith.constant 2 : i32
        %dma_start3A_1184 = arith.constant 0 : i32
        %dma_start3A_1185 = arith.constant 0 : i32
        %dma_start3A_1186 = tpu.memref_slice %arg6[%dma_start3A_1183, %dma_start3A_1184, %dma_start3A_1185] : memref<6x2x128xi32, #tpu.memory_space<vmem>> -> memref<1x2x128xi32, #tpu.memory_space<vmem>>
        %dma_start3A_1187 = tpu.memref_squeeze %dma_start3A_1186 : memref<1x2x128xi32, #tpu.memory_space<vmem>> -> memref<2x128xi32, #tpu.memory_space<vmem>>
        %dma_start3A_1188 = arith.constant 0 : i32
        %dma_start3A_1189 = tpu.memref_slice %arg3[%dma_start3A_1188, %mul3A_1182] : memref<2x320000xi32, #tpu.memory_space<hbm>> -> memref<2x128xi32, #tpu.memory_space<hbm>>
        %dma_start3A_1190 = arith.constant 0 : i32
        %dma_start3A_1191 = arith.constant 0 : i32
        %dma_start3A_1192 = tpu.memref_slice %arg6[%dma_start3A_1183, %dma_start3A_1190, %dma_start3A_1191] : memref<6x2x128xi32, #tpu.memory_space<vmem>> -> memref<1x2x128xi32, #tpu.memory_space<vmem>>
        %dma_start3A_1193 = tpu.memref_squeeze %dma_start3A_1192 : memref<1x2x128xi32, #tpu.memory_space<vmem>> -> memref<2x128xi32, #tpu.memory_space<vmem>>
        %dma_start3A_1194 = arith.constant 0 : i32
        %dma_start3A_1195 = tpu.memref_slice %arg3[%dma_start3A_1194, %mul3A_1182] : memref<2x320000xi32, #tpu.memory_space<hbm>> -> memref<2x128xi32, #tpu.memory_space<hbm>>
        tpu.enqueue_dma source(%dma_start3A_1195 : memref<2x128xi32, #tpu.memory_space<hbm>>) target(%dma_start3A_1193 : memref<2x128xi32, #tpu.memory_space<vmem>>) target_semaphore(%arg16 : memref<!tpu.dma_semaphore, #tpu.memory_space<semaphore_mem>>)
      } else {
      }
      %dma_start3A_945 = arith.constant 0 : i32
      %dma_start3A_946 = arith.constant 0 : i32
      %dma_start3A_947 = arith.constant 0 : i32
      %dma_start3A_948 = arith.constant 0 : i32
      %dma_start3A_949 = arith.constant 0 : i32
      %dma_start3A_950 = tpu.memref_slice %arg7[%dma_start3A_947, %dma_start3A_948, %dma_start3A_949] : memref<3x128x128xf32, #tpu.memory_space<vmem>> -> memref<1x128x128xf32, #tpu.memory_space<vmem>>
      %dma_start3A_951 = tpu.memref_squeeze %dma_start3A_950 : memref<1x128x128xf32, #tpu.memory_space<vmem>> -> memref<128x128xf32, #tpu.memory_space<vmem>>
      %dma_start3A_952 = arith.constant 0 : i32
      %dma_start3A_953 = tpu.memref_slice %arg6[%dma_start3A_945, %dma_start3A_946, %dma_start3A_952] : memref<6x2x128xi32, #tpu.memory_space<vmem>> -> memref<1x1x128xi32, #tpu.memory_space<vmem>>
      %dma_start3A_954 = tpu.memref_squeeze %dma_start3A_953 : memref<1x1x128xi32, #tpu.memory_space<vmem>> -> memref<128xi32, #tpu.memory_space<vmem>>
      %dma_start3A_955 = arith.constant 0 : i32
      %dma_start3A_956 = arith.constant 0 : i32
      %dma_start3A_957 = tpu.memref_slice %arg2[%dma_start3A_955, %dma_start3A_956] : memref<10000x128xf32, #tpu.memory_space<hbm>> -> memref<10000x128xf32, #tpu.memory_space<hbm>>
      tpu.enqueue_indirect_dma source(%dma_start3A_957 : memref<10000x128xf32, #tpu.memory_space<hbm>>) target(%dma_start3A_951 : memref<128x128xf32, #tpu.memory_space<vmem>>) offsets(%dma_start3A_954 : memref<128xi32, #tpu.memory_space<vmem>>) semaphore(%arg8 : memref<!tpu.dma_semaphore, #tpu.memory_space<semaphore_mem>>)
      %sub3A_958 = arith.constant 1 : i32
      %sub3A_959 = arith.subi %add3A_907, %sub3A_958 : i32
      %dma_wait3A_960 = arith.constant 5 : i32
      %dma_wait3A_961 = arith.constant 1 : i32
      %dma_wait3A_962 = arith.constant 2 : i32
      %dma_wait3A_963 = arith.constant 0 : i32
      %dma_wait3A_964 = arith.constant 0 : i32
      %dma_wait3A_965 = tpu.memref_slice %arg7[%dma_wait3A_962, %dma_wait3A_963, %dma_wait3A_964] : memref<3x128x128xf32, #tpu.memory_space<vmem>> -> memref<1x128x128xf32, #tpu.memory_space<vmem>>
      %dma_wait3A_966 = tpu.memref_squeeze %dma_wait3A_965 : memref<1x128x128xf32, #tpu.memory_space<vmem>> -> memref<128x128xf32, #tpu.memory_space<vmem>>
      %dma_wait3A_967 = arith.constant 0 : i32
      %dma_wait3A_968 = tpu.memref_slice %arg6[%dma_wait3A_960, %dma_wait3A_961, %dma_wait3A_967] : memref<6x2x128xi32, #tpu.memory_space<vmem>> -> memref<1x1x128xi32, #tpu.memory_space<vmem>>
      %dma_wait3A_969 = tpu.memref_squeeze %dma_wait3A_968 : memref<1x1x128xi32, #tpu.memory_space<vmem>> -> memref<128xi32, #tpu.memory_space<vmem>>
      %dma_wait3A_970 = arith.constant 0 : i32
      %dma_wait3A_971 = arith.constant 0 : i32
      %dma_wait3A_972 = tpu.memref_slice %arg2[%dma_wait3A_970, %dma_wait3A_971] : memref<10000x128xf32, #tpu.memory_space<hbm>> -> memref<10000x128xf32, #tpu.memory_space<hbm>>
      tpu.wait_indirect_dma semaphore(%arg10 : memref<!tpu.dma_semaphore, #tpu.memory_space<semaphore_mem>>) src(%dma_wait3A_972 : memref<10000x128xf32, #tpu.memory_space<hbm>>) dst(%dma_wait3A_966 : memref<128x128xf32, #tpu.memory_space<vmem>>)
      %sub3A_973 = arith.constant 1 : i32
      %sub3A_974 = arith.subi %add3A_907, %sub3A_973 : i32
      %dma_start3A_975 = arith.constant 2 : i32
      %dma_start3A_976 = arith.constant 5 : i32
      %dma_start3A_977 = arith.constant 0 : i32
      %dma_start3A_978 = arith.constant 0 : i32
      %dma_start3A_979 = arith.constant 0 : i32
      %dma_start3A_980 = tpu.memref_slice %arg7[%dma_start3A_975, %dma_start3A_978, %dma_start3A_979] : memref<3x128x128xf32, #tpu.memory_space<vmem>> -> memref<1x128x128xf32, #tpu.memory_space<vmem>>
      %dma_start3A_981 = tpu.memref_squeeze %dma_start3A_980 : memref<1x128x128xf32, #tpu.memory_space<vmem>> -> memref<128x128xf32, #tpu.memory_space<vmem>>
      %dma_start3A_982 = arith.constant 0 : i32
      %dma_start3A_983 = tpu.memref_slice %arg6[%dma_start3A_976, %dma_start3A_977, %dma_start3A_982] : memref<6x2x128xi32, #tpu.memory_space<vmem>> -> memref<1x1x128xi32, #tpu.memory_space<vmem>>
      %dma_start3A_984 = tpu.memref_squeeze %dma_start3A_983 : memref<1x1x128xi32, #tpu.memory_space<vmem>> -> memref<128xi32, #tpu.memory_space<vmem>>
      %dma_start3A_985 = arith.constant 0 : i32
      %dma_start3A_986 = arith.constant 0 : i32
      %dma_start3A_987 = tpu.memref_slice %arg5[%dma_start3A_985, %dma_start3A_986] : memref<10016x128xf32, #tpu.memory_space<vmem_shared>> -> memref<10016x128xf32, #tpu.memory_space<vmem_shared>>
      tpu.enqueue_indirect_dma source(%dma_start3A_981 : memref<128x128xf32, #tpu.memory_space<vmem>>) target(%dma_start3A_987 : memref<10016x128xf32, #tpu.memory_space<vmem_shared>>) offsets(%dma_start3A_984 : memref<128xi32, #tpu.memory_space<vmem>>) semaphore(%arg13 : memref<!tpu.dma_semaphore, #tpu.memory_space<semaphore_mem>>) {add = true}
      %sub3A_988 = arith.constant 1 : i32
      %sub3A_989 = arith.subi %add3A_907, %sub3A_988 : i32
      %dma_wait3A_990 = arith.constant 1 : i32
      %dma_wait3A_991 = arith.constant 5 : i32
      %dma_wait3A_992 = arith.constant 1 : i32
      %dma_wait3A_993 = arith.constant 0 : i32
      %dma_wait3A_994 = arith.constant 0 : i32
      %dma_wait3A_995 = tpu.memref_slice %arg7[%dma_wait3A_990, %dma_wait3A_993, %dma_wait3A_994] : memref<3x128x128xf32, #tpu.memory_space<vmem>> -> memref<1x128x128xf32, #tpu.memory_space<vmem>>
      %dma_wait3A_996 = tpu.memref_squeeze %dma_wait3A_995 : memref<1x128x128xf32, #tpu.memory_space<vmem>> -> memref<128x128xf32, #tpu.memory_space<vmem>>
      %dma_wait3A_997 = arith.constant 0 : i32
      %dma_wait3A_998 = tpu.memref_slice %arg6[%dma_wait3A_991, %dma_wait3A_992, %dma_wait3A_997] : memref<6x2x128xi32, #tpu.memory_space<vmem>> -> memref<1x1x128xi32, #tpu.memory_space<vmem>>
      %dma_wait3A_999 = tpu.memref_squeeze %dma_wait3A_998 : memref<1x1x128xi32, #tpu.memory_space<vmem>> -> memref<128xi32, #tpu.memory_space<vmem>>
      %dma_wait3A_1000 = arith.constant 0 : i32
      %dma_wait3A_1001 = arith.constant 0 : i32
      %dma_wait3A_1002 = tpu.memref_slice %arg5[%dma_wait3A_1000, %dma_wait3A_1001] : memref<10016x128xf32, #tpu.memory_space<vmem_shared>> -> memref<10016x128xf32, #tpu.memory_space<vmem_shared>>
      tpu.wait_indirect_dma semaphore(%arg12 : memref<!tpu.dma_semaphore, #tpu.memory_space<semaphore_mem>>) src(%dma_wait3A_996 : memref<128x128xf32, #tpu.memory_space<vmem>>) dst(%dma_wait3A_1002 : memref<10016x128xf32, #tpu.memory_space<vmem_shared>>)
      %dma_start3A_1003 = arith.constant 0 : i32
      %dma_start3A_1004 = arith.constant 1 : i32
      %dma_start3A_1005 = arith.constant 1 : i32
      %dma_start3A_1006 = arith.constant 0 : i32
      %dma_start3A_1007 = arith.constant 0 : i32
      %dma_start3A_1008 = tpu.memref_slice %arg7[%dma_start3A_1005, %dma_start3A_1006, %dma_start3A_1007] : memref<3x128x128xf32, #tpu.memory_space<vmem>> -> memref<1x128x128xf32, #tpu.memory_space<vmem>>
      %dma_start3A_1009 = tpu.memref_squeeze %dma_start3A_1008 : memref<1x128x128xf32, #tpu.memory_space<vmem>> -> memref<128x128xf32, #tpu.memory_space<vmem>>
      %dma_start3A_1010 = arith.constant 0 : i32
      %dma_start3A_1011 = tpu.memref_slice %arg6[%dma_start3A_1003, %dma_start3A_1004, %dma_start3A_1010] : memref<6x2x128xi32, #tpu.memory_space<vmem>> -> memref<1x1x128xi32, #tpu.memory_space<vmem>>
      %dma_start3A_1012 = tpu.memref_squeeze %dma_start3A_1011 : memref<1x1x128xi32, #tpu.memory_space<vmem>> -> memref<128xi32, #tpu.memory_space<vmem>>
      %dma_start3A_1013 = arith.constant 0 : i32
      %dma_start3A_1014 = arith.constant 0 : i32
      %dma_start3A_1015 = tpu.memref_slice %arg2[%dma_start3A_1013, %dma_start3A_1014] : memref<10000x128xf32, #tpu.memory_space<hbm>> -> memref<10000x128xf32, #tpu.memory_space<hbm>>
      tpu.enqueue_indirect_dma source(%dma_start3A_1015 : memref<10000x128xf32, #tpu.memory_space<hbm>>) target(%dma_start3A_1009 : memref<128x128xf32, #tpu.memory_space<vmem>>) offsets(%dma_start3A_1012 : memref<128xi32, #tpu.memory_space<vmem>>) semaphore(%arg9 : memref<!tpu.dma_semaphore, #tpu.memory_space<semaphore_mem>>)
      %dma_wait3A_1016 = arith.constant 0 : i32
      %dma_wait3A_1017 = arith.constant 0 : i32
      %dma_wait3A_1018 = arith.constant 0 : i32
      %dma_wait3A_1019 = arith.constant 0 : i32
      %dma_wait3A_1020 = arith.constant 0 : i32
      %dma_wait3A_1021 = tpu.memref_slice %arg7[%dma_wait3A_1018, %dma_wait3A_1019, %dma_wait3A_1020] : memref<3x128x128xf32, #tpu.memory_space<vmem>> -> memref<1x128x128xf32, #tpu.memory_space<vmem>>
      %dma_wait3A_1022 = tpu.memref_squeeze %dma_wait3A_1021 : memref<1x128x128xf32, #tpu.memory_space<vmem>> -> memref<128x128xf32, #tpu.memory_space<vmem>>
      %dma_wait3A_1023 = arith.constant 0 : i32
      %dma_wait3A_1024 = tpu.memref_slice %arg6[%dma_wait3A_1016, %dma_wait3A_1017, %dma_wait3A_1023] : memref<6x2x128xi32, #tpu.memory_space<vmem>> -> memref<1x1x128xi32, #tpu.memory_space<vmem>>
      %dma_wait3A_1025 = tpu.memref_squeeze %dma_wait3A_1024 : memref<1x1x128xi32, #tpu.memory_space<vmem>> -> memref<128xi32, #tpu.memory_space<vmem>>
      %dma_wait3A_1026 = arith.constant 0 : i32
      %dma_wait3A_1027 = arith.constant 0 : i32
      %dma_wait3A_1028 = tpu.memref_slice %arg2[%dma_wait3A_1026, %dma_wait3A_1027] : memref<10000x128xf32, #tpu.memory_space<hbm>> -> memref<10000x128xf32, #tpu.memory_space<hbm>>
      tpu.wait_indirect_dma semaphore(%arg8 : memref<!tpu.dma_semaphore, #tpu.memory_space<semaphore_mem>>) src(%dma_wait3A_1028 : memref<10000x128xf32, #tpu.memory_space<hbm>>) dst(%dma_wait3A_1022 : memref<128x128xf32, #tpu.memory_space<vmem>>)
      %dma_start3A_1029 = arith.constant 0 : i32
      %dma_start3A_1030 = arith.constant 0 : i32
      %dma_start3A_1031 = arith.constant 1 : i32
      %dma_start3A_1032 = arith.constant 0 : i32
      %dma_start3A_1033 = arith.constant 0 : i32
      %dma_start3A_1034 = tpu.memref_slice %arg7[%dma_start3A_1029, %dma_start3A_1032, %dma_start3A_1033] : memref<3x128x128xf32, #tpu.memory_space<vmem>> -> memref<1x128x128xf32, #tpu.memory_space<vmem>>
      %dma_start3A_1035 = tpu.memref_squeeze %dma_start3A_1034 : memref<1x128x128xf32, #tpu.memory_space<vmem>> -> memref<128x128xf32, #tpu.memory_space<vmem>>
      %dma_start3A_1036 = arith.constant 0 : i32
      %dma_start3A_1037 = tpu.memref_slice %arg6[%dma_start3A_1030, %dma_start3A_1031, %dma_start3A_1036] : memref<6x2x128xi32, #tpu.memory_space<vmem>> -> memref<1x1x128xi32, #tpu.memory_space<vmem>>
      %dma_start3A_1038 = tpu.memref_squeeze %dma_start3A_1037 : memref<1x1x128xi32, #tpu.memory_space<vmem>> -> memref<128xi32, #tpu.memory_space<vmem>>
      %dma_start3A_1039 = arith.constant 0 : i32
      %dma_start3A_1040 = arith.constant 0 : i32
      %dma_start3A_1041 = tpu.memref_slice %arg5[%dma_start3A_1039, %dma_start3A_1040] : memref<10016x128xf32, #tpu.memory_space<vmem_shared>> -> memref<10016x128xf32, #tpu.memory_space<vmem_shared>>
      tpu.enqueue_indirect_dma source(%dma_start3A_1035 : memref<128x128xf32, #tpu.memory_space<vmem>>) target(%dma_start3A_1041 : memref<10016x128xf32, #tpu.memory_space<vmem_shared>>) offsets(%dma_start3A_1038 : memref<128xi32, #tpu.memory_space<vmem>>) semaphore(%arg11 : memref<!tpu.dma_semaphore, #tpu.memory_space<semaphore_mem>>) {add = true}
      %add3A_1042 = arith.constant 5 : i32
      %add3A_1043 = arith.addi %add3A_361, %add3A_1042 : i32
      %sub3A_1044 = arith.constant 2 : i32
      %sub3A_1045 = arith.subi %add3A_1043, %sub3A_1044 : i32
      %dma_wait3A_1046 = arith.constant 2 : i32
      %dma_wait3A_1047 = arith.constant 5 : i32
      %dma_wait3A_1048 = arith.constant 0 : i32
      %dma_wait3A_1049 = arith.constant 0 : i32
      %dma_wait3A_1050 = arith.constant 0 : i32
      %dma_wait3A_1051 = tpu.memref_slice %arg7[%dma_wait3A_1046, %dma_wait3A_1049, %dma_wait3A_1050] : memref<3x128x128xf32, #tpu.memory_space<vmem>> -> memref<1x128x128xf32, #tpu.memory_space<vmem>>
      %dma_wait3A_1052 = tpu.memref_squeeze %dma_wait3A_1051 : memref<1x128x128xf32, #tpu.memory_space<vmem>> -> memref<128x128xf32, #tpu.memory_space<vmem>>
      %dma_wait3A_1053 = arith.constant 0 : i32
      %dma_wait3A_1054 = tpu.memref_slice %arg6[%dma_wait3A_1047, %dma_wait3A_1048, %dma_wait3A_1053] : memref<6x2x128xi32, #tpu.memory_space<vmem>> -> memref<1x1x128xi32, #tpu.memory_space<vmem>>
      %dma_wait3A_1055 = tpu.memref_squeeze %dma_wait3A_1054 : memref<1x1x128xi32, #tpu.memory_space<vmem>> -> memref<128xi32, #tpu.memory_space<vmem>>
      %dma_wait3A_1056 = arith.constant 0 : i32
      %dma_wait3A_1057 = arith.constant 0 : i32
      %dma_wait3A_1058 = tpu.memref_slice %arg5[%dma_wait3A_1056, %dma_wait3A_1057] : memref<10016x128xf32, #tpu.memory_space<vmem_shared>> -> memref<10016x128xf32, #tpu.memory_space<vmem_shared>>
      tpu.wait_indirect_dma semaphore(%arg13 : memref<!tpu.dma_semaphore, #tpu.memory_space<semaphore_mem>>) src(%dma_wait3A_1052 : memref<128x128xf32, #tpu.memory_space<vmem>>) dst(%dma_wait3A_1058 : memref<10016x128xf32, #tpu.memory_space<vmem_shared>>)
      %add3A_1059 = arith.addi %select_n3A, %add3A_1043 : i32
      %mul3A_1060 = arith.constant 128 : i32
      %mul3A_1061 = arith.muli %mul3A_1060, %add3A_1059 : i32
      %dma_wait3A_1062 = arith.constant 1 : i32
      %dma_wait3A_1063 = arith.constant 0 : i32
      %dma_wait3A_1064 = arith.constant 0 : i32
      %dma_wait3A_1065 = tpu.memref_slice %arg6[%dma_wait3A_1062, %dma_wait3A_1063, %dma_wait3A_1064] : memref<6x2x128xi32, #tpu.memory_space<vmem>> -> memref<1x2x128xi32, #tpu.memory_space<vmem>>
      %dma_wait3A_1066 = tpu.memref_squeeze %dma_wait3A_1065 : memref<1x2x128xi32, #tpu.memory_space<vmem>> -> memref<2x128xi32, #tpu.memory_space<vmem>>
      %dma_wait3A_1067 = arith.constant 0 : i32
      %dma_wait3A_1068 = tpu.memref_slice %arg3[%dma_wait3A_1067, %mul3A_1061] : memref<2x320000xi32, #tpu.memory_space<hbm>> -> memref<2x128xi32, #tpu.memory_space<hbm>>
      %dma_wait3A_1069 = arith.constant 0 : i32
      %dma_wait3A_1070 = arith.constant 0 : i32
      %dma_wait3A_1071 = tpu.memref_slice %arg6[%dma_wait3A_1062, %dma_wait3A_1069, %dma_wait3A_1070] : memref<6x2x128xi32, #tpu.memory_space<vmem>> -> memref<1x2x128xi32, #tpu.memory_space<vmem>>
      %dma_wait3A_1072 = tpu.memref_squeeze %dma_wait3A_1071 : memref<1x2x128xi32, #tpu.memory_space<vmem>> -> memref<2x128xi32, #tpu.memory_space<vmem>>
      %dma_wait3A_1073 = arith.constant 0 : i32
      %dma_wait3A_1074 = tpu.memref_slice %arg3[%dma_wait3A_1073, %mul3A_1061] : memref<2x320000xi32, #tpu.memory_space<hbm>> -> memref<2x128xi32, #tpu.memory_space<hbm>>
      tpu.wait_dma2 semaphore(%arg15 : memref<!tpu.dma_semaphore, #tpu.memory_space<semaphore_mem>>) src(%dma_wait3A_1074 : memref<2x128xi32, #tpu.memory_space<hbm>>) dst(%dma_wait3A_1072 : memref<2x128xi32, #tpu.memory_space<vmem>>)
      %mul3A_1075 = arith.constant 6 : i32
      %mul3A_1076 = arith.muli %mul3A_1075, %select_n3A_11 : i32
      %lt3A_1077 = arith.cmpi slt, %add3A_1043, %mul3A_1076 : i32
      %convert_element_type3A_1078 = arith.extui %lt3A_1077 : i1 to i32
      %cond3A_1079 = arith.constant 0 : i32
      %cond3A_1080 = arith.cmpi ne, %convert_element_type3A_1078, %cond3A_1079 : i32
      scf.if %cond3A_1080 {
        %add3A_1178 = arith.constant 2 : i32
        %add3A_1179 = arith.addi %add3A_1043, %add3A_1178 : i32
        %add3A_1180 = arith.addi %select_n3A, %add3A_1179 : i32
        %mul3A_1181 = arith.constant 128 : i32
        %mul3A_1182 = arith.muli %mul3A_1181, %add3A_1180 : i32
        %dma_start3A_1183 = arith.constant 3 : i32
        %dma_start3A_1184 = arith.constant 0 : i32
        %dma_start3A_1185 = arith.constant 0 : i32
        %dma_start3A_1186 = tpu.memref_slice %arg6[%dma_start3A_1183, %dma_start3A_1184, %dma_start3A_1185] : memref<6x2x128xi32, #tpu.memory_space<vmem>> -> memref<1x2x128xi32, #tpu.memory_space<vmem>>
        %dma_start3A_1187 = tpu.memref_squeeze %dma_start3A_1186 : memref<1x2x128xi32, #tpu.memory_space<vmem>> -> memref<2x128xi32, #tpu.memory_space<vmem>>
        %dma_start3A_1188 = arith.constant 0 : i32
        %dma_start3A_1189 = tpu.memref_slice %arg3[%dma_start3A_1188, %mul3A_1182] : memref<2x320000xi32, #tpu.memory_space<hbm>> -> memref<2x128xi32, #tpu.memory_space<hbm>>
        %dma_start3A_1190 = arith.constant 0 : i32
        %dma_start3A_1191 = arith.constant 0 : i32
        %dma_start3A_1192 = tpu.memref_slice %arg6[%dma_start3A_1183, %dma_start3A_1190, %dma_start3A_1191] : memref<6x2x128xi32, #tpu.memory_space<vmem>> -> memref<1x2x128xi32, #tpu.memory_space<vmem>>
        %dma_start3A_1193 = tpu.memref_squeeze %dma_start3A_1192 : memref<1x2x128xi32, #tpu.memory_space<vmem>> -> memref<2x128xi32, #tpu.memory_space<vmem>>
        %dma_start3A_1194 = arith.constant 0 : i32
        %dma_start3A_1195 = tpu.memref_slice %arg3[%dma_start3A_1194, %mul3A_1182] : memref<2x320000xi32, #tpu.memory_space<hbm>> -> memref<2x128xi32, #tpu.memory_space<hbm>>
        tpu.enqueue_dma source(%dma_start3A_1195 : memref<2x128xi32, #tpu.memory_space<hbm>>) target(%dma_start3A_1193 : memref<2x128xi32, #tpu.memory_space<vmem>>) target_semaphore(%arg17 : memref<!tpu.dma_semaphore, #tpu.memory_space<semaphore_mem>>)
      } else {
      }
      %dma_start3A_1081 = arith.constant 1 : i32
      %dma_start3A_1082 = arith.constant 0 : i32
      %dma_start3A_1083 = arith.constant 2 : i32
      %dma_start3A_1084 = arith.constant 0 : i32
      %dma_start3A_1085 = arith.constant 0 : i32
      %dma_start3A_1086 = tpu.memref_slice %arg7[%dma_start3A_1083, %dma_start3A_1084, %dma_start3A_1085] : memref<3x128x128xf32, #tpu.memory_space<vmem>> -> memref<1x128x128xf32, #tpu.memory_space<vmem>>
      %dma_start3A_1087 = tpu.memref_squeeze %dma_start3A_1086 : memref<1x128x128xf32, #tpu.memory_space<vmem>> -> memref<128x128xf32, #tpu.memory_space<vmem>>
      %dma_start3A_1088 = arith.constant 0 : i32
      %dma_start3A_1089 = tpu.memref_slice %arg6[%dma_start3A_1081, %dma_start3A_1082, %dma_start3A_1088] : memref<6x2x128xi32, #tpu.memory_space<vmem>> -> memref<1x1x128xi32, #tpu.memory_space<vmem>>
      %dma_start3A_1090 = tpu.memref_squeeze %dma_start3A_1089 : memref<1x1x128xi32, #tpu.memory_space<vmem>> -> memref<128xi32, #tpu.memory_space<vmem>>
      %dma_start3A_1091 = arith.constant 0 : i32
      %dma_start3A_1092 = arith.constant 0 : i32
      %dma_start3A_1093 = tpu.memref_slice %arg2[%dma_start3A_1091, %dma_start3A_1092] : memref<10000x128xf32, #tpu.memory_space<hbm>> -> memref<10000x128xf32, #tpu.memory_space<hbm>>
      tpu.enqueue_indirect_dma source(%dma_start3A_1093 : memref<10000x128xf32, #tpu.memory_space<hbm>>) target(%dma_start3A_1087 : memref<128x128xf32, #tpu.memory_space<vmem>>) offsets(%dma_start3A_1090 : memref<128xi32, #tpu.memory_space<vmem>>) semaphore(%arg10 : memref<!tpu.dma_semaphore, #tpu.memory_space<semaphore_mem>>)
      %sub3A_1094 = arith.constant 1 : i32
      %sub3A_1095 = arith.subi %add3A_1043, %sub3A_1094 : i32
      %dma_wait3A_1096 = arith.constant 0 : i32
      %dma_wait3A_1097 = arith.constant 1 : i32
      %dma_wait3A_1098 = arith.constant 1 : i32
      %dma_wait3A_1099 = arith.constant 0 : i32
      %dma_wait3A_1100 = arith.constant 0 : i32
      %dma_wait3A_1101 = tpu.memref_slice %arg7[%dma_wait3A_1098, %dma_wait3A_1099, %dma_wait3A_1100] : memref<3x128x128xf32, #tpu.memory_space<vmem>> -> memref<1x128x128xf32, #tpu.memory_space<vmem>>
      %dma_wait3A_1102 = tpu.memref_squeeze %dma_wait3A_1101 : memref<1x128x128xf32, #tpu.memory_space<vmem>> -> memref<128x128xf32, #tpu.memory_space<vmem>>
      %dma_wait3A_1103 = arith.constant 0 : i32
      %dma_wait3A_1104 = tpu.memref_slice %arg6[%dma_wait3A_1096, %dma_wait3A_1097, %dma_wait3A_1103] : memref<6x2x128xi32, #tpu.memory_space<vmem>> -> memref<1x1x128xi32, #tpu.memory_space<vmem>>
      %dma_wait3A_1105 = tpu.memref_squeeze %dma_wait3A_1104 : memref<1x1x128xi32, #tpu.memory_space<vmem>> -> memref<128xi32, #tpu.memory_space<vmem>>
      %dma_wait3A_1106 = arith.constant 0 : i32
      %dma_wait3A_1107 = arith.constant 0 : i32
      %dma_wait3A_1108 = tpu.memref_slice %arg2[%dma_wait3A_1106, %dma_wait3A_1107] : memref<10000x128xf32, #tpu.memory_space<hbm>> -> memref<10000x128xf32, #tpu.memory_space<hbm>>
      tpu.wait_indirect_dma semaphore(%arg9 : memref<!tpu.dma_semaphore, #tpu.memory_space<semaphore_mem>>) src(%dma_wait3A_1108 : memref<10000x128xf32, #tpu.memory_space<hbm>>) dst(%dma_wait3A_1102 : memref<128x128xf32, #tpu.memory_space<vmem>>)
      %sub3A_1109 = arith.constant 1 : i32
      %sub3A_1110 = arith.subi %add3A_1043, %sub3A_1109 : i32
      %dma_start3A_1111 = arith.constant 1 : i32
      %dma_start3A_1112 = arith.constant 0 : i32
      %dma_start3A_1113 = arith.constant 0 : i32
      %dma_start3A_1114 = arith.constant 0 : i32
      %dma_start3A_1115 = arith.constant 0 : i32
      %dma_start3A_1116 = tpu.memref_slice %arg7[%dma_start3A_1111, %dma_start3A_1114, %dma_start3A_1115] : memref<3x128x128xf32, #tpu.memory_space<vmem>> -> memref<1x128x128xf32, #tpu.memory_space<vmem>>
      %dma_start3A_1117 = tpu.memref_squeeze %dma_start3A_1116 : memref<1x128x128xf32, #tpu.memory_space<vmem>> -> memref<128x128xf32, #tpu.memory_space<vmem>>
      %dma_start3A_1118 = arith.constant 0 : i32
      %dma_start3A_1119 = tpu.memref_slice %arg6[%dma_start3A_1112, %dma_start3A_1113, %dma_start3A_1118] : memref<6x2x128xi32, #tpu.memory_space<vmem>> -> memref<1x1x128xi32, #tpu.memory_space<vmem>>
      %dma_start3A_1120 = tpu.memref_squeeze %dma_start3A_1119 : memref<1x1x128xi32, #tpu.memory_space<vmem>> -> memref<128xi32, #tpu.memory_space<vmem>>
      %dma_start3A_1121 = arith.constant 0 : i32
      %dma_start3A_1122 = arith.constant 0 : i32
      %dma_start3A_1123 = tpu.memref_slice %arg5[%dma_start3A_1121, %dma_start3A_1122] : memref<10016x128xf32, #tpu.memory_space<vmem_shared>> -> memref<10016x128xf32, #tpu.memory_space<vmem_shared>>
      tpu.enqueue_indirect_dma source(%dma_start3A_1117 : memref<128x128xf32, #tpu.memory_space<vmem>>) target(%dma_start3A_1123 : memref<10016x128xf32, #tpu.memory_space<vmem_shared>>) offsets(%dma_start3A_1120 : memref<128xi32, #tpu.memory_space<vmem>>) semaphore(%arg12 : memref<!tpu.dma_semaphore, #tpu.memory_space<semaphore_mem>>) {add = true}
      %sub3A_1124 = arith.constant 1 : i32
      %sub3A_1125 = arith.subi %add3A_1043, %sub3A_1124 : i32
      %dma_wait3A_1126 = arith.constant 0 : i32
      %dma_wait3A_1127 = arith.constant 0 : i32
      %dma_wait3A_1128 = arith.constant 1 : i32
      %dma_wait3A_1129 = arith.constant 0 : i32
      %dma_wait3A_1130 = arith.constant 0 : i32
      %dma_wait3A_1131 = tpu.memref_slice %arg7[%dma_wait3A_1126, %dma_wait3A_1129, %dma_wait3A_1130] : memref<3x128x128xf32, #tpu.memory_space<vmem>> -> memref<1x128x128xf32, #tpu.memory_space<vmem>>
      %dma_wait3A_1132 = tpu.memref_squeeze %dma_wait3A_1131 : memref<1x128x128xf32, #tpu.memory_space<vmem>> -> memref<128x128xf32, #tpu.memory_space<vmem>>
      %dma_wait3A_1133 = arith.constant 0 : i32
      %dma_wait3A_1134 = tpu.memref_slice %arg6[%dma_wait3A_1127, %dma_wait3A_1128, %dma_wait3A_1133] : memref<6x2x128xi32, #tpu.memory_space<vmem>> -> memref<1x1x128xi32, #tpu.memory_space<vmem>>
      %dma_wait3A_1135 = tpu.memref_squeeze %dma_wait3A_1134 : memref<1x1x128xi32, #tpu.memory_space<vmem>> -> memref<128xi32, #tpu.memory_space<vmem>>
      %dma_wait3A_1136 = arith.constant 0 : i32
      %dma_wait3A_1137 = arith.constant 0 : i32
      %dma_wait3A_1138 = tpu.memref_slice %arg5[%dma_wait3A_1136, %dma_wait3A_1137] : memref<10016x128xf32, #tpu.memory_space<vmem_shared>> -> memref<10016x128xf32, #tpu.memory_space<vmem_shared>>
      tpu.wait_indirect_dma semaphore(%arg11 : memref<!tpu.dma_semaphore, #tpu.memory_space<semaphore_mem>>) src(%dma_wait3A_1132 : memref<128x128xf32, #tpu.memory_space<vmem>>) dst(%dma_wait3A_1138 : memref<10016x128xf32, #tpu.memory_space<vmem_shared>>)
      %dma_start3A_1139 = arith.constant 1 : i32
      %dma_start3A_1140 = arith.constant 1 : i32
      %dma_start3A_1141 = arith.constant 0 : i32
      %dma_start3A_1142 = arith.constant 0 : i32
      %dma_start3A_1143 = arith.constant 0 : i32
      %dma_start3A_1144 = tpu.memref_slice %arg7[%dma_start3A_1141, %dma_start3A_1142, %dma_start3A_1143] : memref<3x128x128xf32, #tpu.memory_space<vmem>> -> memref<1x128x128xf32, #tpu.memory_space<vmem>>
      %dma_start3A_1145 = tpu.memref_squeeze %dma_start3A_1144 : memref<1x128x128xf32, #tpu.memory_space<vmem>> -> memref<128x128xf32, #tpu.memory_space<vmem>>
      %dma_start3A_1146 = arith.constant 0 : i32
      %dma_start3A_1147 = tpu.memref_slice %arg6[%dma_start3A_1139, %dma_start3A_1140, %dma_start3A_1146] : memref<6x2x128xi32, #tpu.memory_space<vmem>> -> memref<1x1x128xi32, #tpu.memory_space<vmem>>
      %dma_start3A_1148 = tpu.memref_squeeze %dma_start3A_1147 : memref<1x1x128xi32, #tpu.memory_space<vmem>> -> memref<128xi32, #tpu.memory_space<vmem>>
      %dma_start3A_1149 = arith.constant 0 : i32
      %dma_start3A_1150 = arith.constant 0 : i32
      %dma_start3A_1151 = tpu.memref_slice %arg2[%dma_start3A_1149, %dma_start3A_1150] : memref<10000x128xf32, #tpu.memory_space<hbm>> -> memref<10000x128xf32, #tpu.memory_space<hbm>>
      tpu.enqueue_indirect_dma source(%dma_start3A_1151 : memref<10000x128xf32, #tpu.memory_space<hbm>>) target(%dma_start3A_1145 : memref<128x128xf32, #tpu.memory_space<vmem>>) offsets(%dma_start3A_1148 : memref<128xi32, #tpu.memory_space<vmem>>) semaphore(%arg8 : memref<!tpu.dma_semaphore, #tpu.memory_space<semaphore_mem>>)
      %dma_wait3A_1152 = arith.constant 1 : i32
      %dma_wait3A_1153 = arith.constant 0 : i32
      %dma_wait3A_1154 = arith.constant 2 : i32
      %dma_wait3A_1155 = arith.constant 0 : i32
      %dma_wait3A_1156 = arith.constant 0 : i32
      %dma_wait3A_1157 = tpu.memref_slice %arg7[%dma_wait3A_1154, %dma_wait3A_1155, %dma_wait3A_1156] : memref<3x128x128xf32, #tpu.memory_space<vmem>> -> memref<1x128x128xf32, #tpu.memory_space<vmem>>
      %dma_wait3A_1158 = tpu.memref_squeeze %dma_wait3A_1157 : memref<1x128x128xf32, #tpu.memory_space<vmem>> -> memref<128x128xf32, #tpu.memory_space<vmem>>
      %dma_wait3A_1159 = arith.constant 0 : i32
      %dma_wait3A_1160 = tpu.memref_slice %arg6[%dma_wait3A_1152, %dma_wait3A_1153, %dma_wait3A_1159] : memref<6x2x128xi32, #tpu.memory_space<vmem>> -> memref<1x1x128xi32, #tpu.memory_space<vmem>>
      %dma_wait3A_1161 = tpu.memref_squeeze %dma_wait3A_1160 : memref<1x1x128xi32, #tpu.memory_space<vmem>> -> memref<128xi32, #tpu.memory_space<vmem>>
      %dma_wait3A_1162 = arith.constant 0 : i32
      %dma_wait3A_1163 = arith.constant 0 : i32
      %dma_wait3A_1164 = tpu.memref_slice %arg2[%dma_wait3A_1162, %dma_wait3A_1163] : memref<10000x128xf32, #tpu.memory_space<hbm>> -> memref<10000x128xf32, #tpu.memory_space<hbm>>
      tpu.wait_indirect_dma semaphore(%arg10 : memref<!tpu.dma_semaphore, #tpu.memory_space<semaphore_mem>>) src(%dma_wait3A_1164 : memref<10000x128xf32, #tpu.memory_space<hbm>>) dst(%dma_wait3A_1158 : memref<128x128xf32, #tpu.memory_space<vmem>>)
      %dma_start3A_1165 = arith.constant 2 : i32
      %dma_start3A_1166 = arith.constant 1 : i32
      %dma_start3A_1167 = arith.constant 1 : i32
      %dma_start3A_1168 = arith.constant 0 : i32
      %dma_start3A_1169 = arith.constant 0 : i32
      %dma_start3A_1170 = tpu.memref_slice %arg7[%dma_start3A_1165, %dma_start3A_1168, %dma_start3A_1169] : memref<3x128x128xf32, #tpu.memory_space<vmem>> -> memref<1x128x128xf32, #tpu.memory_space<vmem>>
      %dma_start3A_1171 = tpu.memref_squeeze %dma_start3A_1170 : memref<1x128x128xf32, #tpu.memory_space<vmem>> -> memref<128x128xf32, #tpu.memory_space<vmem>>
      %dma_start3A_1172 = arith.constant 0 : i32
      %dma_start3A_1173 = tpu.memref_slice %arg6[%dma_start3A_1166, %dma_start3A_1167, %dma_start3A_1172] : memref<6x2x128xi32, #tpu.memory_space<vmem>> -> memref<1x1x128xi32, #tpu.memory_space<vmem>>
      %dma_start3A_1174 = tpu.memref_squeeze %dma_start3A_1173 : memref<1x1x128xi32, #tpu.memory_space<vmem>> -> memref<128xi32, #tpu.memory_space<vmem>>
      %dma_start3A_1175 = arith.constant 0 : i32
      %dma_start3A_1176 = arith.constant 0 : i32
      %dma_start3A_1177 = tpu.memref_slice %arg5[%dma_start3A_1175, %dma_start3A_1176] : memref<10016x128xf32, #tpu.memory_space<vmem_shared>> -> memref<10016x128xf32, #tpu.memory_space<vmem_shared>>
      tpu.enqueue_indirect_dma source(%dma_start3A_1171 : memref<128x128xf32, #tpu.memory_space<vmem>>) target(%dma_start3A_1177 : memref<10016x128xf32, #tpu.memory_space<vmem_shared>>) offsets(%dma_start3A_1174 : memref<128xi32, #tpu.memory_space<vmem>>) semaphore(%arg13 : memref<!tpu.dma_semaphore, #tpu.memory_space<semaphore_mem>>) {add = true}
    }
    %while3A_275 = arith.constant 1 : i32
    scf.for %while3A_357 = %while3A_273 to %while3A_269 step %while3A_275  : i32 {
      %mul3A_358 = arith.constant 6 : i32
      %mul3A_359 = arith.muli %mul3A_358, %while3A_357 : i32
      %add3A_360 = arith.constant 2 : i32
      %add3A_361 = arith.addi %add3A_360, %mul3A_359 : i32
      %add3A_362 = arith.constant 0 : i32
      %add3A_363 = arith.addi %add3A_361, %add3A_362 : i32
      %sub3A_364 = arith.constant 2 : i32
      %sub3A_365 = arith.subi %add3A_363, %sub3A_364 : i32
      %dma_wait3A_366 = arith.constant 1 : i32
      %dma_wait3A_367 = arith.constant 0 : i32
      %dma_wait3A_368 = arith.constant 0 : i32
      %dma_wait3A_369 = arith.constant 0 : i32
      %dma_wait3A_370 = arith.constant 0 : i32
      %dma_wait3A_371 = tpu.memref_slice %arg7[%dma_wait3A_366, %dma_wait3A_369, %dma_wait3A_370] : memref<3x128x128xf32, #tpu.memory_space<vmem>> -> memref<1x128x128xf32, #tpu.memory_space<vmem>>
      %dma_wait3A_372 = tpu.memref_squeeze %dma_wait3A_371 : memref<1x128x128xf32, #tpu.memory_space<vmem>> -> memref<128x128xf32, #tpu.memory_space<vmem>>
      %dma_wait3A_373 = arith.constant 0 : i32
      %dma_wait3A_374 = tpu.memref_slice %arg6[%dma_wait3A_367, %dma_wait3A_368, %dma_wait3A_373] : memref<6x2x128xi32, #tpu.memory_space<vmem>> -> memref<1x1x128xi32, #tpu.memory_space<vmem>>
      %dma_wait3A_375 = tpu.memref_squeeze %dma_wait3A_374 : memref<1x1x128xi32, #tpu.memory_space<vmem>> -> memref<128xi32, #tpu.memory_space<vmem>>
      %dma_wait3A_376 = arith.constant 0 : i32
      %dma_wait3A_377 = arith.constant 0 : i32
      %dma_wait3A_378 = tpu.memref_slice %arg5[%dma_wait3A_376, %dma_wait3A_377] : memref<10016x128xf32, #tpu.memory_space<vmem_shared>> -> memref<10016x128xf32, #tpu.memory_space<vmem_shared>>
      tpu.wait_indirect_dma semaphore(%arg12 : memref<!tpu.dma_semaphore, #tpu.memory_space<semaphore_mem>>) src(%dma_wait3A_372 : memref<128x128xf32, #tpu.memory_space<vmem>>) dst(%dma_wait3A_378 : memref<10016x128xf32, #tpu.memory_space<vmem_shared>>)
      %add3A_379 = arith.addi %select_n3A, %add3A_363 : i32
      %mul3A_380 = arith.constant 128 : i32
      %mul3A_381 = arith.muli %mul3A_380, %add3A_379 : i32
      %dma_wait3A_382 = arith.constant 2 : i32
      %dma_wait3A_383 = arith.constant 0 : i32
      %dma_wait3A_384 = arith.constant 0 : i32
      %dma_wait3A_385 = tpu.memref_slice %arg6[%dma_wait3A_382, %dma_wait3A_383, %dma_wait3A_384] : memref<6x2x128xi32, #tpu.memory_space<vmem>> -> memref<1x2x128xi32, #tpu.memory_space<vmem>>
      %dma_wait3A_386 = tpu.memref_squeeze %dma_wait3A_385 : memref<1x2x128xi32, #tpu.memory_space<vmem>> -> memref<2x128xi32, #tpu.memory_space<vmem>>
      %dma_wait3A_387 = arith.constant 0 : i32
      %dma_wait3A_388 = tpu.memref_slice %arg3[%dma_wait3A_387, %mul3A_381] : memref<2x320000xi32, #tpu.memory_space<hbm>> -> memref<2x128xi32, #tpu.memory_space<hbm>>
      %dma_wait3A_389 = arith.constant 0 : i32
      %dma_wait3A_390 = arith.constant 0 : i32
      %dma_wait3A_391 = tpu.memref_slice %arg6[%dma_wait3A_382, %dma_wait3A_389, %dma_wait3A_390] : memref<6x2x128xi32, #tpu.memory_space<vmem>> -> memref<1x2x128xi32, #tpu.memory_space<vmem>>
      %dma_wait3A_392 = tpu.memref_squeeze %dma_wait3A_391 : memref<1x2x128xi32, #tpu.memory_space<vmem>> -> memref<2x128xi32, #tpu.memory_space<vmem>>
      %dma_wait3A_393 = arith.constant 0 : i32
      %dma_wait3A_394 = tpu.memref_slice %arg3[%dma_wait3A_393, %mul3A_381] : memref<2x320000xi32, #tpu.memory_space<hbm>> -> memref<2x128xi32, #tpu.memory_space<hbm>>
      tpu.wait_dma2 semaphore(%arg16 : memref<!tpu.dma_semaphore, #tpu.memory_space<semaphore_mem>>) src(%dma_wait3A_394 : memref<2x128xi32, #tpu.memory_space<hbm>>) dst(%dma_wait3A_392 : memref<2x128xi32, #tpu.memory_space<vmem>>)
      %mul3A_395 = arith.constant 6 : i32
      %mul3A_396 = arith.muli %mul3A_395, %select_n3A_11 : i32
      %lt3A_397 = arith.cmpi slt, %add3A_363, %mul3A_396 : i32
      %convert_element_type3A_398 = arith.extui %lt3A_397 : i1 to i32
      %cond3A_399 = arith.constant 0 : i32
      %cond3A_400 = arith.cmpi ne, %convert_element_type3A_398, %cond3A_399 : i32
      scf.if %cond3A_400 {
        %add3A_1178 = arith.constant 2 : i32
        %add3A_1179 = arith.addi %add3A_363, %add3A_1178 : i32
        %add3A_1180 = arith.addi %select_n3A, %add3A_1179 : i32
        %mul3A_1181 = arith.constant 128 : i32
        %mul3A_1182 = arith.muli %mul3A_1181, %add3A_1180 : i32
        %dma_start3A_1183 = arith.constant 4 : i32
        %dma_start3A_1184 = arith.constant 0 : i32
        %dma_start3A_1185 = arith.constant 0 : i32
        %dma_start3A_1186 = tpu.memref_slice %arg6[%dma_start3A_1183, %dma_start3A_1184, %dma_start3A_1185] : memref<6x2x128xi32, #tpu.memory_space<vmem>> -> memref<1x2x128xi32, #tpu.memory_space<vmem>>
        %dma_start3A_1187 = tpu.memref_squeeze %dma_start3A_1186 : memref<1x2x128xi32, #tpu.memory_space<vmem>> -> memref<2x128xi32, #tpu.memory_space<vmem>>
        %dma_start3A_1188 = arith.constant 0 : i32
        %dma_start3A_1189 = tpu.memref_slice %arg3[%dma_start3A_1188, %mul3A_1182] : memref<2x320000xi32, #tpu.memory_space<hbm>> -> memref<2x128xi32, #tpu.memory_space<hbm>>
        %dma_start3A_1190 = arith.constant 0 : i32
        %dma_start3A_1191 = arith.constant 0 : i32
        %dma_start3A_1192 = tpu.memref_slice %arg6[%dma_start3A_1183, %dma_start3A_1190, %dma_start3A_1191] : memref<6x2x128xi32, #tpu.memory_space<vmem>> -> memref<1x2x128xi32, #tpu.memory_space<vmem>>
        %dma_start3A_1193 = tpu.memref_squeeze %dma_start3A_1192 : memref<1x2x128xi32, #tpu.memory_space<vmem>> -> memref<2x128xi32, #tpu.memory_space<vmem>>
        %dma_start3A_1194 = arith.constant 0 : i32
        %dma_start3A_1195 = tpu.memref_slice %arg3[%dma_start3A_1194, %mul3A_1182] : memref<2x320000xi32, #tpu.memory_space<hbm>> -> memref<2x128xi32, #tpu.memory_space<hbm>>
        tpu.enqueue_dma source(%dma_start3A_1195 : memref<2x128xi32, #tpu.memory_space<hbm>>) target(%dma_start3A_1193 : memref<2x128xi32, #tpu.memory_space<vmem>>) target_semaphore(%arg18 : memref<!tpu.dma_semaphore, #tpu.memory_space<semaphore_mem>>)
      } else {
      }
      %dma_start3A_401 = arith.constant 2 : i32
      %dma_start3A_402 = arith.constant 0 : i32
      %dma_start3A_403 = arith.constant 1 : i32
      %dma_start3A_404 = arith.constant 0 : i32
      %dma_start3A_405 = arith.constant 0 : i32
      %dma_start3A_406 = tpu.memref_slice %arg7[%dma_start3A_403, %dma_start3A_404, %dma_start3A_405] : memref<3x128x128xf32, #tpu.memory_space<vmem>> -> memref<1x128x128xf32, #tpu.memory_space<vmem>>
      %dma_start3A_407 = tpu.memref_squeeze %dma_start3A_406 : memref<1x128x128xf32, #tpu.memory_space<vmem>> -> memref<128x128xf32, #tpu.memory_space<vmem>>
      %dma_start3A_408 = arith.constant 0 : i32
      %dma_start3A_409 = tpu.memref_slice %arg6[%dma_start3A_401, %dma_start3A_402, %dma_start3A_408] : memref<6x2x128xi32, #tpu.memory_space<vmem>> -> memref<1x1x128xi32, #tpu.memory_space<vmem>>
      %dma_start3A_410 = tpu.memref_squeeze %dma_start3A_409 : memref<1x1x128xi32, #tpu.memory_space<vmem>> -> memref<128xi32, #tpu.memory_space<vmem>>
      %dma_start3A_411 = arith.constant 0 : i32
      %dma_start3A_412 = arith.constant 0 : i32
      %dma_start3A_413 = tpu.memref_slice %arg2[%dma_start3A_411, %dma_start3A_412] : memref<10000x128xf32, #tpu.memory_space<hbm>> -> memref<10000x128xf32, #tpu.memory_space<hbm>>
      tpu.enqueue_indirect_dma source(%dma_start3A_413 : memref<10000x128xf32, #tpu.memory_space<hbm>>) target(%dma_start3A_407 : memref<128x128xf32, #tpu.memory_space<vmem>>) offsets(%dma_start3A_410 : memref<128xi32, #tpu.memory_space<vmem>>) semaphore(%arg9 : memref<!tpu.dma_semaphore, #tpu.memory_space<semaphore_mem>>)
      %sub3A_414 = arith.constant 1 : i32
      %sub3A_415 = arith.subi %add3A_363, %sub3A_414 : i32
      %dma_wait3A_416 = arith.constant 1 : i32
      %dma_wait3A_417 = arith.constant 1 : i32
      %dma_wait3A_418 = arith.constant 0 : i32
      %dma_wait3A_419 = arith.constant 0 : i32
      %dma_wait3A_420 = arith.constant 0 : i32
      %dma_wait3A_421 = tpu.memref_slice %arg7[%dma_wait3A_418, %dma_wait3A_419, %dma_wait3A_420] : memref<3x128x128xf32, #tpu.memory_space<vmem>> -> memref<1x128x128xf32, #tpu.memory_space<vmem>>
      %dma_wait3A_422 = tpu.memref_squeeze %dma_wait3A_421 : memref<1x128x128xf32, #tpu.memory_space<vmem>> -> memref<128x128xf32, #tpu.memory_space<vmem>>
      %dma_wait3A_423 = arith.constant 0 : i32
      %dma_wait3A_424 = tpu.memref_slice %arg6[%dma_wait3A_416, %dma_wait3A_417, %dma_wait3A_423] : memref<6x2x128xi32, #tpu.memory_space<vmem>> -> memref<1x1x128xi32, #tpu.memory_space<vmem>>
      %dma_wait3A_425 = tpu.memref_squeeze %dma_wait3A_424 : memref<1x1x128xi32, #tpu.memory_space<vmem>> -> memref<128xi32, #tpu.memory_space<vmem>>
      %dma_wait3A_426 = arith.constant 0 : i32
      %dma_wait3A_427 = arith.constant 0 : i32
      %dma_wait3A_428 = tpu.memref_slice %arg2[%dma_wait3A_426, %dma_wait3A_427] : memref<10000x128xf32, #tpu.memory_space<hbm>> -> memref<10000x128xf32, #tpu.memory_space<hbm>>
      tpu.wait_indirect_dma semaphore(%arg8 : memref<!tpu.dma_semaphore, #tpu.memory_space<semaphore_mem>>) src(%dma_wait3A_428 : memref<10000x128xf32, #tpu.memory_space<hbm>>) dst(%dma_wait3A_422 : memref<128x128xf32, #tpu.memory_space<vmem>>)
      %sub3A_429 = arith.constant 1 : i32
      %sub3A_430 = arith.subi %add3A_363, %sub3A_429 : i32
      %dma_start3A_431 = arith.constant 0 : i32
      %dma_start3A_432 = arith.constant 1 : i32
      %dma_start3A_433 = arith.constant 0 : i32
      %dma_start3A_434 = arith.constant 0 : i32
      %dma_start3A_435 = arith.constant 0 : i32
      %dma_start3A_436 = tpu.memref_slice %arg7[%dma_start3A_431, %dma_start3A_434, %dma_start3A_435] : memref<3x128x128xf32, #tpu.memory_space<vmem>> -> memref<1x128x128xf32, #tpu.memory_space<vmem>>
      %dma_start3A_437 = tpu.memref_squeeze %dma_start3A_436 : memref<1x128x128xf32, #tpu.memory_space<vmem>> -> memref<128x128xf32, #tpu.memory_space<vmem>>
      %dma_start3A_438 = arith.constant 0 : i32
      %dma_start3A_439 = tpu.memref_slice %arg6[%dma_start3A_432, %dma_start3A_433, %dma_start3A_438] : memref<6x2x128xi32, #tpu.memory_space<vmem>> -> memref<1x1x128xi32, #tpu.memory_space<vmem>>
      %dma_start3A_440 = tpu.memref_squeeze %dma_start3A_439 : memref<1x1x128xi32, #tpu.memory_space<vmem>> -> memref<128xi32, #tpu.memory_space<vmem>>
      %dma_start3A_441 = arith.constant 0 : i32
      %dma_start3A_442 = arith.constant 0 : i32
      %dma_start3A_443 = tpu.memref_slice %arg5[%dma_start3A_441, %dma_start3A_442] : memref<10016x128xf32, #tpu.memory_space<vmem_shared>> -> memref<10016x128xf32, #tpu.memory_space<vmem_shared>>
      tpu.enqueue_indirect_dma source(%dma_start3A_437 : memref<128x128xf32, #tpu.memory_space<vmem>>) target(%dma_start3A_443 : memref<10016x128xf32, #tpu.memory_space<vmem_shared>>) offsets(%dma_start3A_440 : memref<128xi32, #tpu.memory_space<vmem>>) semaphore(%arg11 : memref<!tpu.dma_semaphore, #tpu.memory_space<semaphore_mem>>) {add = true}
      %sub3A_444 = arith.constant 1 : i32
      %sub3A_445 = arith.subi %add3A_363, %sub3A_444 : i32
      %dma_wait3A_446 = arith.constant 2 : i32
      %dma_wait3A_447 = arith.constant 1 : i32
      %dma_wait3A_448 = arith.constant 1 : i32
      %dma_wait3A_449 = arith.constant 0 : i32
      %dma_wait3A_450 = arith.constant 0 : i32
      %dma_wait3A_451 = tpu.memref_slice %arg7[%dma_wait3A_446, %dma_wait3A_449, %dma_wait3A_450] : memref<3x128x128xf32, #tpu.memory_space<vmem>> -> memref<1x128x128xf32, #tpu.memory_space<vmem>>
      %dma_wait3A_452 = tpu.memref_squeeze %dma_wait3A_451 : memref<1x128x128xf32, #tpu.memory_space<vmem>> -> memref<128x128xf32, #tpu.memory_space<vmem>>
      %dma_wait3A_453 = arith.constant 0 : i32
      %dma_wait3A_454 = tpu.memref_slice %arg6[%dma_wait3A_447, %dma_wait3A_448, %dma_wait3A_453] : memref<6x2x128xi32, #tpu.memory_space<vmem>> -> memref<1x1x128xi32, #tpu.memory_space<vmem>>
      %dma_wait3A_455 = tpu.memref_squeeze %dma_wait3A_454 : memref<1x1x128xi32, #tpu.memory_space<vmem>> -> memref<128xi32, #tpu.memory_space<vmem>>
      %dma_wait3A_456 = arith.constant 0 : i32
      %dma_wait3A_457 = arith.constant 0 : i32
      %dma_wait3A_458 = tpu.memref_slice %arg5[%dma_wait3A_456, %dma_wait3A_457] : memref<10016x128xf32, #tpu.memory_space<vmem_shared>> -> memref<10016x128xf32, #tpu.memory_space<vmem_shared>>
      tpu.wait_indirect_dma semaphore(%arg13 : memref<!tpu.dma_semaphore, #tpu.memory_space<semaphore_mem>>) src(%dma_wait3A_452 : memref<128x128xf32, #tpu.memory_space<vmem>>) dst(%dma_wait3A_458 : memref<10016x128xf32, #tpu.memory_space<vmem_shared>>)
      %dma_start3A_459 = arith.constant 2 : i32
      %dma_start3A_460 = arith.constant 1 : i32
      %dma_start3A_461 = arith.constant 2 : i32
      %dma_start3A_462 = arith.constant 0 : i32
      %dma_start3A_463 = arith.constant 0 : i32
      %dma_start3A_464 = tpu.memref_slice %arg7[%dma_start3A_461, %dma_start3A_462, %dma_start3A_463] : memref<3x128x128xf32, #tpu.memory_space<vmem>> -> memref<1x128x128xf32, #tpu.memory_space<vmem>>
      %dma_start3A_465 = tpu.memref_squeeze %dma_start3A_464 : memref<1x128x128xf32, #tpu.memory_space<vmem>> -> memref<128x128xf32, #tpu.memory_space<vmem>>
      %dma_start3A_466 = arith.constant 0 : i32
      %dma_start3A_467 = tpu.memref_slice %arg6[%dma_start3A_459, %dma_start3A_460, %dma_start3A_466] : memref<6x2x128xi32, #tpu.memory_space<vmem>> -> memref<1x1x128xi32, #tpu.memory_space<vmem>>
      %dma_start3A_468 = tpu.memref_squeeze %dma_start3A_467 : memref<1x1x128xi32, #tpu.memory_space<vmem>> -> memref<128xi32, #tpu.memory_space<vmem>>
      %dma_start3A_469 = arith.constant 0 : i32
      %dma_start3A_470 = arith.constant 0 : i32
      %dma_start3A_471 = tpu.memref_slice %arg2[%dma_start3A_469, %dma_start3A_470] : memref<10000x128xf32, #tpu.memory_space<hbm>> -> memref<10000x128xf32, #tpu.memory_space<hbm>>
      tpu.enqueue_indirect_dma source(%dma_start3A_471 : memref<10000x128xf32, #tpu.memory_space<hbm>>) target(%dma_start3A_465 : memref<128x128xf32, #tpu.memory_space<vmem>>) offsets(%dma_start3A_468 : memref<128xi32, #tpu.memory_space<vmem>>) semaphore(%arg10 : memref<!tpu.dma_semaphore, #tpu.memory_space<semaphore_mem>>)
      %dma_wait3A_472 = arith.constant 2 : i32
      %dma_wait3A_473 = arith.constant 0 : i32
      %dma_wait3A_474 = arith.constant 1 : i32
      %dma_wait3A_475 = arith.constant 0 : i32
      %dma_wait3A_476 = arith.constant 0 : i32
      %dma_wait3A_477 = tpu.memref_slice %arg7[%dma_wait3A_474, %dma_wait3A_475, %dma_wait3A_476] : memref<3x128x128xf32, #tpu.memory_space<vmem>> -> memref<1x128x128xf32, #tpu.memory_space<vmem>>
      %dma_wait3A_478 = tpu.memref_squeeze %dma_wait3A_477 : memref<1x128x128xf32, #tpu.memory_space<vmem>> -> memref<128x128xf32, #tpu.memory_space<vmem>>
      %dma_wait3A_479 = arith.constant 0 : i32
      %dma_wait3A_480 = tpu.memref_slice %arg6[%dma_wait3A_472, %dma_wait3A_473, %dma_wait3A_479] : memref<6x2x128xi32, #tpu.memory_space<vmem>> -> memref<1x1x128xi32, #tpu.memory_space<vmem>>
      %dma_wait3A_481 = tpu.memref_squeeze %dma_wait3A_480 : memref<1x1x128xi32, #tpu.memory_space<vmem>> -> memref<128xi32, #tpu.memory_space<vmem>>
      %dma_wait3A_482 = arith.constant 0 : i32
      %dma_wait3A_483 = arith.constant 0 : i32
      %dma_wait3A_484 = tpu.memref_slice %arg2[%dma_wait3A_482, %dma_wait3A_483] : memref<10000x128xf32, #tpu.memory_space<hbm>> -> memref<10000x128xf32, #tpu.memory_space<hbm>>
      tpu.wait_indirect_dma semaphore(%arg9 : memref<!tpu.dma_semaphore, #tpu.memory_space<semaphore_mem>>) src(%dma_wait3A_484 : memref<10000x128xf32, #tpu.memory_space<hbm>>) dst(%dma_wait3A_478 : memref<128x128xf32, #tpu.memory_space<vmem>>)
      %dma_start3A_485 = arith.constant 1 : i32
      %dma_start3A_486 = arith.constant 2 : i32
      %dma_start3A_487 = arith.constant 1 : i32
      %dma_start3A_488 = arith.constant 0 : i32
      %dma_start3A_489 = arith.constant 0 : i32
      %dma_start3A_490 = tpu.memref_slice %arg7[%dma_start3A_485, %dma_start3A_488, %dma_start3A_489] : memref<3x128x128xf32, #tpu.memory_space<vmem>> -> memref<1x128x128xf32, #tpu.memory_space<vmem>>
      %dma_start3A_491 = tpu.memref_squeeze %dma_start3A_490 : memref<1x128x128xf32, #tpu.memory_space<vmem>> -> memref<128x128xf32, #tpu.memory_space<vmem>>
      %dma_start3A_492 = arith.constant 0 : i32
      %dma_start3A_493 = tpu.memref_slice %arg6[%dma_start3A_486, %dma_start3A_487, %dma_start3A_492] : memref<6x2x128xi32, #tpu.memory_space<vmem>> -> memref<1x1x128xi32, #tpu.memory_space<vmem>>
      %dma_start3A_494 = tpu.memref_squeeze %dma_start3A_493 : memref<1x1x128xi32, #tpu.memory_space<vmem>> -> memref<128xi32, #tpu.memory_space<vmem>>
      %dma_start3A_495 = arith.constant 0 : i32
      %dma_start3A_496 = arith.constant 0 : i32
      %dma_start3A_497 = tpu.memref_slice %arg5[%dma_start3A_495, %dma_start3A_496] : memref<10016x128xf32, #tpu.memory_space<vmem_shared>> -> memref<10016x128xf32, #tpu.memory_space<vmem_shared>>
      tpu.enqueue_indirect_dma source(%dma_start3A_491 : memref<128x128xf32, #tpu.memory_space<vmem>>) target(%dma_start3A_497 : memref<10016x128xf32, #tpu.memory_space<vmem_shared>>) offsets(%dma_start3A_494 : memref<128xi32, #tpu.memory_space<vmem>>) semaphore(%arg12 : memref<!tpu.dma_semaphore, #tpu.memory_space<semaphore_mem>>) {add = true}
      %add3A_498 = arith.constant 1 : i32
      %add3A_499 = arith.addi %add3A_361, %add3A_498 : i32
      %sub3A_500 = arith.constant 2 : i32
      %sub3A_501 = arith.subi %add3A_499, %sub3A_500 : i32
      %dma_wait3A_502 = arith.constant 0 : i32
      %dma_wait3A_503 = arith.constant 1 : i32
      %dma_wait3A_504 = arith.constant 0 : i32
      %dma_wait3A_505 = arith.constant 0 : i32
      %dma_wait3A_506 = arith.constant 0 : i32
      %dma_wait3A_507 = tpu.memref_slice %arg7[%dma_wait3A_502, %dma_wait3A_505, %dma_wait3A_506] : memref<3x128x128xf32, #tpu.memory_space<vmem>> -> memref<1x128x128xf32, #tpu.memory_space<vmem>>
      %dma_wait3A_508 = tpu.memref_squeeze %dma_wait3A_507 : memref<1x128x128xf32, #tpu.memory_space<vmem>> -> memref<128x128xf32, #tpu.memory_space<vmem>>
      %dma_wait3A_509 = arith.constant 0 : i32
      %dma_wait3A_510 = tpu.memref_slice %arg6[%dma_wait3A_503, %dma_wait3A_504, %dma_wait3A_509] : memref<6x2x128xi32, #tpu.memory_space<vmem>> -> memref<1x1x128xi32, #tpu.memory_space<vmem>>
      %dma_wait3A_511 = tpu.memref_squeeze %dma_wait3A_510 : memref<1x1x128xi32, #tpu.memory_space<vmem>> -> memref<128xi32, #tpu.memory_space<vmem>>
      %dma_wait3A_512 = arith.constant 0 : i32
      %dma_wait3A_513 = arith.constant 0 : i32
      %dma_wait3A_514 = tpu.memref_slice %arg5[%dma_wait3A_512, %dma_wait3A_513] : memref<10016x128xf32, #tpu.memory_space<vmem_shared>> -> memref<10016x128xf32, #tpu.memory_space<vmem_shared>>
      tpu.wait_indirect_dma semaphore(%arg11 : memref<!tpu.dma_semaphore, #tpu.memory_space<semaphore_mem>>) src(%dma_wait3A_508 : memref<128x128xf32, #tpu.memory_space<vmem>>) dst(%dma_wait3A_514 : memref<10016x128xf32, #tpu.memory_space<vmem_shared>>)
      %add3A_515 = arith.addi %select_n3A, %add3A_499 : i32
      %mul3A_516 = arith.constant 128 : i32
      %mul3A_517 = arith.muli %mul3A_516, %add3A_515 : i32
      %dma_wait3A_518 = arith.constant 3 : i32
      %dma_wait3A_519 = arith.constant 0 : i32
      %dma_wait3A_520 = arith.constant 0 : i32
      %dma_wait3A_521 = tpu.memref_slice %arg6[%dma_wait3A_518, %dma_wait3A_519, %dma_wait3A_520] : memref<6x2x128xi32, #tpu.memory_space<vmem>> -> memref<1x2x128xi32, #tpu.memory_space<vmem>>
      %dma_wait3A_522 = tpu.memref_squeeze %dma_wait3A_521 : memref<1x2x128xi32, #tpu.memory_space<vmem>> -> memref<2x128xi32, #tpu.memory_space<vmem>>
      %dma_wait3A_523 = arith.constant 0 : i32
      %dma_wait3A_524 = tpu.memref_slice %arg3[%dma_wait3A_523, %mul3A_517] : memref<2x320000xi32, #tpu.memory_space<hbm>> -> memref<2x128xi32, #tpu.memory_space<hbm>>
      %dma_wait3A_525 = arith.constant 0 : i32
      %dma_wait3A_526 = arith.constant 0 : i32
      %dma_wait3A_527 = tpu.memref_slice %arg6[%dma_wait3A_518, %dma_wait3A_525, %dma_wait3A_526] : memref<6x2x128xi32, #tpu.memory_space<vmem>> -> memref<1x2x128xi32, #tpu.memory_space<vmem>>
      %dma_wait3A_528 = tpu.memref_squeeze %dma_wait3A_527 : memref<1x2x128xi32, #tpu.memory_space<vmem>> -> memref<2x128xi32, #tpu.memory_space<vmem>>
      %dma_wait3A_529 = arith.constant 0 : i32
      %dma_wait3A_530 = tpu.memref_slice %arg3[%dma_wait3A_529, %mul3A_517] : memref<2x320000xi32, #tpu.memory_space<hbm>> -> memref<2x128xi32, #tpu.memory_space<hbm>>
      tpu.wait_dma2 semaphore(%arg17 : memref<!tpu.dma_semaphore, #tpu.memory_space<semaphore_mem>>) src(%dma_wait3A_530 : memref<2x128xi32, #tpu.memory_space<hbm>>) dst(%dma_wait3A_528 : memref<2x128xi32, #tpu.memory_space<vmem>>)
      %mul3A_531 = arith.constant 6 : i32
      %mul3A_532 = arith.muli %mul3A_531, %select_n3A_11 : i32
      %lt3A_533 = arith.cmpi slt, %add3A_499, %mul3A_532 : i32
      %convert_element_type3A_534 = arith.extui %lt3A_533 : i1 to i32
      %cond3A_535 = arith.constant 0 : i32
      %cond3A_536 = arith.cmpi ne, %convert_element_type3A_534, %cond3A_535 : i32
      scf.if %cond3A_536 {
        %add3A_1178 = arith.constant 2 : i32
        %add3A_1179 = arith.addi %add3A_499, %add3A_1178 : i32
        %add3A_1180 = arith.addi %select_n3A, %add3A_1179 : i32
        %mul3A_1181 = arith.constant 128 : i32
        %mul3A_1182 = arith.muli %mul3A_1181, %add3A_1180 : i32
        %dma_start3A_1183 = arith.constant 5 : i32
        %dma_start3A_1184 = arith.constant 0 : i32
        %dma_start3A_1185 = arith.constant 0 : i32
        %dma_start3A_1186 = tpu.memref_slice %arg6[%dma_start3A_1183, %dma_start3A_1184, %dma_start3A_1185] : memref<6x2x128xi32, #tpu.memory_space<vmem>> -> memref<1x2x128xi32, #tpu.memory_space<vmem>>
        %dma_start3A_1187 = tpu.memref_squeeze %dma_start3A_1186 : memref<1x2x128xi32, #tpu.memory_space<vmem>> -> memref<2x128xi32, #tpu.memory_space<vmem>>
        %dma_start3A_1188 = arith.constant 0 : i32
        %dma_start3A_1189 = tpu.memref_slice %arg3[%dma_start3A_1188, %mul3A_1182] : memref<2x320000xi32, #tpu.memory_space<hbm>> -> memref<2x128xi32, #tpu.memory_space<hbm>>
        %dma_start3A_1190 = arith.constant 0 : i32
        %dma_start3A_1191 = arith.constant 0 : i32
        %dma_start3A_1192 = tpu.memref_slice %arg6[%dma_start3A_1183, %dma_start3A_1190, %dma_start3A_1191] : memref<6x2x128xi32, #tpu.memory_space<vmem>> -> memref<1x2x128xi32, #tpu.memory_space<vmem>>
        %dma_start3A_1193 = tpu.memref_squeeze %dma_start3A_1192 : memref<1x2x128xi32, #tpu.memory_space<vmem>> -> memref<2x128xi32, #tpu.memory_space<vmem>>
        %dma_start3A_1194 = arith.constant 0 : i32
        %dma_start3A_1195 = tpu.memref_slice %arg3[%dma_start3A_1194, %mul3A_1182] : memref<2x320000xi32, #tpu.memory_space<hbm>> -> memref<2x128xi32, #tpu.memory_space<hbm>>
        tpu.enqueue_dma source(%dma_start3A_1195 : memref<2x128xi32, #tpu.memory_space<hbm>>) target(%dma_start3A_1193 : memref<2x128xi32, #tpu.memory_space<vmem>>) target_semaphore(%arg19 : memref<!tpu.dma_semaphore, #tpu.memory_space<semaphore_mem>>)
      } else {
      }
      %dma_start3A_537 = arith.constant 3 : i32
      %dma_start3A_538 = arith.constant 0 : i32
      %dma_start3A_539 = arith.constant 0 : i32
      %dma_start3A_540 = arith.constant 0 : i32
      %dma_start3A_541 = arith.constant 0 : i32
      %dma_start3A_542 = tpu.memref_slice %arg7[%dma_start3A_539, %dma_start3A_540, %dma_start3A_541] : memref<3x128x128xf32, #tpu.memory_space<vmem>> -> memref<1x128x128xf32, #tpu.memory_space<vmem>>
      %dma_start3A_543 = tpu.memref_squeeze %dma_start3A_542 : memref<1x128x128xf32, #tpu.memory_space<vmem>> -> memref<128x128xf32, #tpu.memory_space<vmem>>
      %dma_start3A_544 = arith.constant 0 : i32
      %dma_start3A_545 = tpu.memref_slice %arg6[%dma_start3A_537, %dma_start3A_538, %dma_start3A_544] : memref<6x2x128xi32, #tpu.memory_space<vmem>> -> memref<1x1x128xi32, #tpu.memory_space<vmem>>
      %dma_start3A_546 = tpu.memref_squeeze %dma_start3A_545 : memref<1x1x128xi32, #tpu.memory_space<vmem>> -> memref<128xi32, #tpu.memory_space<vmem>>
      %dma_start3A_547 = arith.constant 0 : i32
      %dma_start3A_548 = arith.constant 0 : i32
      %dma_start3A_549 = tpu.memref_slice %arg2[%dma_start3A_547, %dma_start3A_548] : memref<10000x128xf32, #tpu.memory_space<hbm>> -> memref<10000x128xf32, #tpu.memory_space<hbm>>
      tpu.enqueue_indirect_dma source(%dma_start3A_549 : memref<10000x128xf32, #tpu.memory_space<hbm>>) target(%dma_start3A_543 : memref<128x128xf32, #tpu.memory_space<vmem>>) offsets(%dma_start3A_546 : memref<128xi32, #tpu.memory_space<vmem>>) semaphore(%arg8 : memref<!tpu.dma_semaphore, #tpu.memory_space<semaphore_mem>>)
      %sub3A_550 = arith.constant 1 : i32
      %sub3A_551 = arith.subi %add3A_499, %sub3A_550 : i32
      %dma_wait3A_552 = arith.constant 2 : i32
      %dma_wait3A_553 = arith.constant 1 : i32
      %dma_wait3A_554 = arith.constant 2 : i32
      %dma_wait3A_555 = arith.constant 0 : i32
      %dma_wait3A_556 = arith.constant 0 : i32
      %dma_wait3A_557 = tpu.memref_slice %arg7[%dma_wait3A_554, %dma_wait3A_555, %dma_wait3A_556] : memref<3x128x128xf32, #tpu.memory_space<vmem>> -> memref<1x128x128xf32, #tpu.memory_space<vmem>>
      %dma_wait3A_558 = tpu.memref_squeeze %dma_wait3A_557 : memref<1x128x128xf32, #tpu.memory_space<vmem>> -> memref<128x128xf32, #tpu.memory_space<vmem>>
      %dma_wait3A_559 = arith.constant 0 : i32
      %dma_wait3A_560 = tpu.memref_slice %arg6[%dma_wait3A_552, %dma_wait3A_553, %dma_wait3A_559] : memref<6x2x128xi32, #tpu.memory_space<vmem>> -> memref<1x1x128xi32, #tpu.memory_space<vmem>>
      %dma_wait3A_561 = tpu.memref_squeeze %dma_wait3A_560 : memref<1x1x128xi32, #tpu.memory_space<vmem>> -> memref<128xi32, #tpu.memory_space<vmem>>
      %dma_wait3A_562 = arith.constant 0 : i32
      %dma_wait3A_563 = arith.constant 0 : i32
      %dma_wait3A_564 = tpu.memref_slice %arg2[%dma_wait3A_562, %dma_wait3A_563] : memref<10000x128xf32, #tpu.memory_space<hbm>> -> memref<10000x128xf32, #tpu.memory_space<hbm>>
      tpu.wait_indirect_dma semaphore(%arg10 : memref<!tpu.dma_semaphore, #tpu.memory_space<semaphore_mem>>) src(%dma_wait3A_564 : memref<10000x128xf32, #tpu.memory_space<hbm>>) dst(%dma_wait3A_558 : memref<128x128xf32, #tpu.memory_space<vmem>>)
      %sub3A_565 = arith.constant 1 : i32
      %sub3A_566 = arith.subi %add3A_499, %sub3A_565 : i32
      %dma_start3A_567 = arith.constant 2 : i32
      %dma_start3A_568 = arith.constant 2 : i32
      %dma_start3A_569 = arith.constant 0 : i32
      %dma_start3A_570 = arith.constant 0 : i32
      %dma_start3A_571 = arith.constant 0 : i32
      %dma_start3A_572 = tpu.memref_slice %arg7[%dma_start3A_567, %dma_start3A_570, %dma_start3A_571] : memref<3x128x128xf32, #tpu.memory_space<vmem>> -> memref<1x128x128xf32, #tpu.memory_space<vmem>>
      %dma_start3A_573 = tpu.memref_squeeze %dma_start3A_572 : memref<1x128x128xf32, #tpu.memory_space<vmem>> -> memref<128x128xf32, #tpu.memory_space<vmem>>
      %dma_start3A_574 = arith.constant 0 : i32
      %dma_start3A_575 = tpu.memref_slice %arg6[%dma_start3A_568, %dma_start3A_569, %dma_start3A_574] : memref<6x2x128xi32, #tpu.memory_space<vmem>> -> memref<1x1x128xi32, #tpu.memory_space<vmem>>
      %dma_start3A_576 = tpu.memref_squeeze %dma_start3A_575 : memref<1x1x128xi32, #tpu.memory_space<vmem>> -> memref<128xi32, #tpu.memory_space<vmem>>
      %dma_start3A_577 = arith.constant 0 : i32
      %dma_start3A_578 = arith.constant 0 : i32
      %dma_start3A_579 = tpu.memref_slice %arg5[%dma_start3A_577, %dma_start3A_578] : memref<10016x128xf32, #tpu.memory_space<vmem_shared>> -> memref<10016x128xf32, #tpu.memory_space<vmem_shared>>
      tpu.enqueue_indirect_dma source(%dma_start3A_573 : memref<128x128xf32, #tpu.memory_space<vmem>>) target(%dma_start3A_579 : memref<10016x128xf32, #tpu.memory_space<vmem_shared>>) offsets(%dma_start3A_576 : memref<128xi32, #tpu.memory_space<vmem>>) semaphore(%arg13 : memref<!tpu.dma_semaphore, #tpu.memory_space<semaphore_mem>>) {add = true}
      %sub3A_580 = arith.constant 1 : i32
      %sub3A_581 = arith.subi %add3A_499, %sub3A_580 : i32
      %dma_wait3A_582 = arith.constant 1 : i32
      %dma_wait3A_583 = arith.constant 2 : i32
      %dma_wait3A_584 = arith.constant 1 : i32
      %dma_wait3A_585 = arith.constant 0 : i32
      %dma_wait3A_586 = arith.constant 0 : i32
      %dma_wait3A_587 = tpu.memref_slice %arg7[%dma_wait3A_582, %dma_wait3A_585, %dma_wait3A_586] : memref<3x128x128xf32, #tpu.memory_space<vmem>> -> memref<1x128x128xf32, #tpu.memory_space<vmem>>
      %dma_wait3A_588 = tpu.memref_squeeze %dma_wait3A_587 : memref<1x128x128xf32, #tpu.memory_space<vmem>> -> memref<128x128xf32, #tpu.memory_space<vmem>>
      %dma_wait3A_589 = arith.constant 0 : i32
      %dma_wait3A_590 = tpu.memref_slice %arg6[%dma_wait3A_583, %dma_wait3A_584, %dma_wait3A_589] : memref<6x2x128xi32, #tpu.memory_space<vmem>> -> memref<1x1x128xi32, #tpu.memory_space<vmem>>
      %dma_wait3A_591 = tpu.memref_squeeze %dma_wait3A_590 : memref<1x1x128xi32, #tpu.memory_space<vmem>> -> memref<128xi32, #tpu.memory_space<vmem>>
      %dma_wait3A_592 = arith.constant 0 : i32
      %dma_wait3A_593 = arith.constant 0 : i32
      %dma_wait3A_594 = tpu.memref_slice %arg5[%dma_wait3A_592, %dma_wait3A_593] : memref<10016x128xf32, #tpu.memory_space<vmem_shared>> -> memref<10016x128xf32, #tpu.memory_space<vmem_shared>>
      tpu.wait_indirect_dma semaphore(%arg12 : memref<!tpu.dma_semaphore, #tpu.memory_space<semaphore_mem>>) src(%dma_wait3A_588 : memref<128x128xf32, #tpu.memory_space<vmem>>) dst(%dma_wait3A_594 : memref<10016x128xf32, #tpu.memory_space<vmem_shared>>)
      %dma_start3A_595 = arith.constant 3 : i32
      %dma_start3A_596 = arith.constant 1 : i32
      %dma_start3A_597 = arith.constant 1 : i32
      %dma_start3A_598 = arith.constant 0 : i32
      %dma_start3A_599 = arith.constant 0 : i32
      %dma_start3A_600 = tpu.memref_slice %arg7[%dma_start3A_597, %dma_start3A_598, %dma_start3A_599] : memref<3x128x128xf32, #tpu.memory_space<vmem>> -> memref<1x128x128xf32, #tpu.memory_space<vmem>>
      %dma_start3A_601 = tpu.memref_squeeze %dma_start3A_600 : memref<1x128x128xf32, #tpu.memory_space<vmem>> -> memref<128x128xf32, #tpu.memory_space<vmem>>
      %dma_start3A_602 = arith.constant 0 : i32
      %dma_start3A_603 = tpu.memref_slice %arg6[%dma_start3A_595, %dma_start3A_596, %dma_start3A_602] : memref<6x2x128xi32, #tpu.memory_space<vmem>> -> memref<1x1x128xi32, #tpu.memory_space<vmem>>
      %dma_start3A_604 = tpu.memref_squeeze %dma_start3A_603 : memref<1x1x128xi32, #tpu.memory_space<vmem>> -> memref<128xi32, #tpu.memory_space<vmem>>
      %dma_start3A_605 = arith.constant 0 : i32
      %dma_start3A_606 = arith.constant 0 : i32
      %dma_start3A_607 = tpu.memref_slice %arg2[%dma_start3A_605, %dma_start3A_606] : memref<10000x128xf32, #tpu.memory_space<hbm>> -> memref<10000x128xf32, #tpu.memory_space<hbm>>
      tpu.enqueue_indirect_dma source(%dma_start3A_607 : memref<10000x128xf32, #tpu.memory_space<hbm>>) target(%dma_start3A_601 : memref<128x128xf32, #tpu.memory_space<vmem>>) offsets(%dma_start3A_604 : memref<128xi32, #tpu.memory_space<vmem>>) semaphore(%arg9 : memref<!tpu.dma_semaphore, #tpu.memory_space<semaphore_mem>>)
      %dma_wait3A_608 = arith.constant 3 : i32
      %dma_wait3A_609 = arith.constant 0 : i32
      %dma_wait3A_610 = arith.constant 0 : i32
      %dma_wait3A_611 = arith.constant 0 : i32
      %dma_wait3A_612 = arith.constant 0 : i32
      %dma_wait3A_613 = tpu.memref_slice %arg7[%dma_wait3A_610, %dma_wait3A_611, %dma_wait3A_612] : memref<3x128x128xf32, #tpu.memory_space<vmem>> -> memref<1x128x128xf32, #tpu.memory_space<vmem>>
      %dma_wait3A_614 = tpu.memref_squeeze %dma_wait3A_613 : memref<1x128x128xf32, #tpu.memory_space<vmem>> -> memref<128x128xf32, #tpu.memory_space<vmem>>
      %dma_wait3A_615 = arith.constant 0 : i32
      %dma_wait3A_616 = tpu.memref_slice %arg6[%dma_wait3A_608, %dma_wait3A_609, %dma_wait3A_615] : memref<6x2x128xi32, #tpu.memory_space<vmem>> -> memref<1x1x128xi32, #tpu.memory_space<vmem>>
      %dma_wait3A_617 = tpu.memref_squeeze %dma_wait3A_616 : memref<1x1x128xi32, #tpu.memory_space<vmem>> -> memref<128xi32, #tpu.memory_space<vmem>>
      %dma_wait3A_618 = arith.constant 0 : i32
      %dma_wait3A_619 = arith.constant 0 : i32
      %dma_wait3A_620 = tpu.memref_slice %arg2[%dma_wait3A_618, %dma_wait3A_619] : memref<10000x128xf32, #tpu.memory_space<hbm>> -> memref<10000x128xf32, #tpu.memory_space<hbm>>
      tpu.wait_indirect_dma semaphore(%arg8 : memref<!tpu.dma_semaphore, #tpu.memory_space<semaphore_mem>>) src(%dma_wait3A_620 : memref<10000x128xf32, #tpu.memory_space<hbm>>) dst(%dma_wait3A_614 : memref<128x128xf32, #tpu.memory_space<vmem>>)
      %dma_start3A_621 = arith.constant 0 : i32
      %dma_start3A_622 = arith.constant 3 : i32
      %dma_start3A_623 = arith.constant 1 : i32
      %dma_start3A_624 = arith.constant 0 : i32
      %dma_start3A_625 = arith.constant 0 : i32
      %dma_start3A_626 = tpu.memref_slice %arg7[%dma_start3A_621, %dma_start3A_624, %dma_start3A_625] : memref<3x128x128xf32, #tpu.memory_space<vmem>> -> memref<1x128x128xf32, #tpu.memory_space<vmem>>
      %dma_start3A_627 = tpu.memref_squeeze %dma_start3A_626 : memref<1x128x128xf32, #tpu.memory_space<vmem>> -> memref<128x128xf32, #tpu.memory_space<vmem>>
      %dma_start3A_628 = arith.constant 0 : i32
      %dma_start3A_629 = tpu.memref_slice %arg6[%dma_start3A_622, %dma_start3A_623, %dma_start3A_628] : memref<6x2x128xi32, #tpu.memory_space<vmem>> -> memref<1x1x128xi32, #tpu.memory_space<vmem>>
      %dma_start3A_630 = tpu.memref_squeeze %dma_start3A_629 : memref<1x1x128xi32, #tpu.memory_space<vmem>> -> memref<128xi32, #tpu.memory_space<vmem>>
      %dma_start3A_631 = arith.constant 0 : i32
      %dma_start3A_632 = arith.constant 0 : i32
      %dma_start3A_633 = tpu.memref_slice %arg5[%dma_start3A_631, %dma_start3A_632] : memref<10016x128xf32, #tpu.memory_space<vmem_shared>> -> memref<10016x128xf32, #tpu.memory_space<vmem_shared>>
      tpu.enqueue_indirect_dma source(%dma_start3A_627 : memref<128x128xf32, #tpu.memory_space<vmem>>) target(%dma_start3A_633 : memref<10016x128xf32, #tpu.memory_space<vmem_shared>>) offsets(%dma_start3A_630 : memref<128xi32, #tpu.memory_space<vmem>>) semaphore(%arg11 : memref<!tpu.dma_semaphore, #tpu.memory_space<semaphore_mem>>) {add = true}
      %add3A_634 = arith.constant 2 : i32
      %add3A_635 = arith.addi %add3A_361, %add3A_634 : i32
      %sub3A_636 = arith.constant 2 : i32
      %sub3A_637 = arith.subi %add3A_635, %sub3A_636 : i32
      %dma_wait3A_638 = arith.constant 2 : i32
      %dma_wait3A_639 = arith.constant 2 : i32
      %dma_wait3A_640 = arith.constant 0 : i32
      %dma_wait3A_641 = arith.constant 0 : i32
      %dma_wait3A_642 = arith.constant 0 : i32
      %dma_wait3A_643 = tpu.memref_slice %arg7[%dma_wait3A_638, %dma_wait3A_641, %dma_wait3A_642] : memref<3x128x128xf32, #tpu.memory_space<vmem>> -> memref<1x128x128xf32, #tpu.memory_space<vmem>>
      %dma_wait3A_644 = tpu.memref_squeeze %dma_wait3A_643 : memref<1x128x128xf32, #tpu.memory_space<vmem>> -> memref<128x128xf32, #tpu.memory_space<vmem>>
      %dma_wait3A_645 = arith.constant 0 : i32
      %dma_wait3A_646 = tpu.memref_slice %arg6[%dma_wait3A_639, %dma_wait3A_640, %dma_wait3A_645] : memref<6x2x128xi32, #tpu.memory_space<vmem>> -> memref<1x1x128xi32, #tpu.memory_space<vmem>>
      %dma_wait3A_647 = tpu.memref_squeeze %dma_wait3A_646 : memref<1x1x128xi32, #tpu.memory_space<vmem>> -> memref<128xi32, #tpu.memory_space<vmem>>
      %dma_wait3A_648 = arith.constant 0 : i32
      %dma_wait3A_649 = arith.constant 0 : i32
      %dma_wait3A_650 = tpu.memref_slice %arg5[%dma_wait3A_648, %dma_wait3A_649] : memref<10016x128xf32, #tpu.memory_space<vmem_shared>> -> memref<10016x128xf32, #tpu.memory_space<vmem_shared>>
      tpu.wait_indirect_dma semaphore(%arg13 : memref<!tpu.dma_semaphore, #tpu.memory_space<semaphore_mem>>) src(%dma_wait3A_644 : memref<128x128xf32, #tpu.memory_space<vmem>>) dst(%dma_wait3A_650 : memref<10016x128xf32, #tpu.memory_space<vmem_shared>>)
      %add3A_651 = arith.addi %select_n3A, %add3A_635 : i32
      %mul3A_652 = arith.constant 128 : i32
      %mul3A_653 = arith.muli %mul3A_652, %add3A_651 : i32
      %dma_wait3A_654 = arith.constant 4 : i32
      %dma_wait3A_655 = arith.constant 0 : i32
      %dma_wait3A_656 = arith.constant 0 : i32
      %dma_wait3A_657 = tpu.memref_slice %arg6[%dma_wait3A_654, %dma_wait3A_655, %dma_wait3A_656] : memref<6x2x128xi32, #tpu.memory_space<vmem>> -> memref<1x2x128xi32, #tpu.memory_space<vmem>>
      %dma_wait3A_658 = tpu.memref_squeeze %dma_wait3A_657 : memref<1x2x128xi32, #tpu.memory_space<vmem>> -> memref<2x128xi32, #tpu.memory_space<vmem>>
      %dma_wait3A_659 = arith.constant 0 : i32
      %dma_wait3A_660 = tpu.memref_slice %arg3[%dma_wait3A_659, %mul3A_653] : memref<2x320000xi32, #tpu.memory_space<hbm>> -> memref<2x128xi32, #tpu.memory_space<hbm>>
      %dma_wait3A_661 = arith.constant 0 : i32
      %dma_wait3A_662 = arith.constant 0 : i32
      %dma_wait3A_663 = tpu.memref_slice %arg6[%dma_wait3A_654, %dma_wait3A_661, %dma_wait3A_662] : memref<6x2x128xi32, #tpu.memory_space<vmem>> -> memref<1x2x128xi32, #tpu.memory_space<vmem>>
      %dma_wait3A_664 = tpu.memref_squeeze %dma_wait3A_663 : memref<1x2x128xi32, #tpu.memory_space<vmem>> -> memref<2x128xi32, #tpu.memory_space<vmem>>
      %dma_wait3A_665 = arith.constant 0 : i32
      %dma_wait3A_666 = tpu.memref_slice %arg3[%dma_wait3A_665, %mul3A_653] : memref<2x320000xi32, #tpu.memory_space<hbm>> -> memref<2x128xi32, #tpu.memory_space<hbm>>
      tpu.wait_dma2 semaphore(%arg18 : memref<!tpu.dma_semaphore, #tpu.memory_space<semaphore_mem>>) src(%dma_wait3A_666 : memref<2x128xi32, #tpu.memory_space<hbm>>) dst(%dma_wait3A_664 : memref<2x128xi32, #tpu.memory_space<vmem>>)
      %mul3A_667 = arith.constant 6 : i32
      %mul3A_668 = arith.muli %mul3A_667, %select_n3A_11 : i32
      %lt3A_669 = arith.cmpi slt, %add3A_635, %mul3A_668 : i32
      %convert_element_type3A_670 = arith.extui %lt3A_669 : i1 to i32
      %cond3A_671 = arith.constant 0 : i32
      %cond3A_672 = arith.cmpi ne, %convert_element_type3A_670, %cond3A_671 : i32
      scf.if %cond3A_672 {
        %add3A_1178 = arith.constant 2 : i32
        %add3A_1179 = arith.addi %add3A_635, %add3A_1178 : i32
        %add3A_1180 = arith.addi %select_n3A, %add3A_1179 : i32
        %mul3A_1181 = arith.constant 128 : i32
        %mul3A_1182 = arith.muli %mul3A_1181, %add3A_1180 : i32
        %dma_start3A_1183 = arith.constant 0 : i32
        %dma_start3A_1184 = arith.constant 0 : i32
        %dma_start3A_1185 = arith.constant 0 : i32
        %dma_start3A_1186 = tpu.memref_slice %arg6[%dma_start3A_1183, %dma_start3A_1184, %dma_start3A_1185] : memref<6x2x128xi32, #tpu.memory_space<vmem>> -> memref<1x2x128xi32, #tpu.memory_space<vmem>>
        %dma_start3A_1187 = tpu.memref_squeeze %dma_start3A_1186 : memref<1x2x128xi32, #tpu.memory_space<vmem>> -> memref<2x128xi32, #tpu.memory_space<vmem>>
        %dma_start3A_1188 = arith.constant 0 : i32
        %dma_start3A_1189 = tpu.memref_slice %arg3[%dma_start3A_1188, %mul3A_1182] : memref<2x320000xi32, #tpu.memory_space<hbm>> -> memref<2x128xi32, #tpu.memory_space<hbm>>
        %dma_start3A_1190 = arith.constant 0 : i32
        %dma_start3A_1191 = arith.constant 0 : i32
        %dma_start3A_1192 = tpu.memref_slice %arg6[%dma_start3A_1183, %dma_start3A_1190, %dma_start3A_1191] : memref<6x2x128xi32, #tpu.memory_space<vmem>> -> memref<1x2x128xi32, #tpu.memory_space<vmem>>
        %dma_start3A_1193 = tpu.memref_squeeze %dma_start3A_1192 : memref<1x2x128xi32, #tpu.memory_space<vmem>> -> memref<2x128xi32, #tpu.memory_space<vmem>>
        %dma_start3A_1194 = arith.constant 0 : i32
        %dma_start3A_1195 = tpu.memref_slice %arg3[%dma_start3A_1194, %mul3A_1182] : memref<2x320000xi32, #tpu.memory_space<hbm>> -> memref<2x128xi32, #tpu.memory_space<hbm>>
        tpu.enqueue_dma source(%dma_start3A_1195 : memref<2x128xi32, #tpu.memory_space<hbm>>) target(%dma_start3A_1193 : memref<2x128xi32, #tpu.memory_space<vmem>>) target_semaphore(%arg14 : memref<!tpu.dma_semaphore, #tpu.memory_space<semaphore_mem>>)
      } else {
      }
      %dma_start3A_673 = arith.constant 4 : i32
      %dma_start3A_674 = arith.constant 0 : i32
      %dma_start3A_675 = arith.constant 2 : i32
      %dma_start3A_676 = arith.constant 0 : i32
      %dma_start3A_677 = arith.constant 0 : i32
      %dma_start3A_678 = tpu.memref_slice %arg7[%dma_start3A_675, %dma_start3A_676, %dma_start3A_677] : memref<3x128x128xf32, #tpu.memory_space<vmem>> -> memref<1x128x128xf32, #tpu.memory_space<vmem>>
      %dma_start3A_679 = tpu.memref_squeeze %dma_start3A_678 : memref<1x128x128xf32, #tpu.memory_space<vmem>> -> memref<128x128xf32, #tpu.memory_space<vmem>>
      %dma_start3A_680 = arith.constant 0 : i32
      %dma_start3A_681 = tpu.memref_slice %arg6[%dma_start3A_673, %dma_start3A_674, %dma_start3A_680] : memref<6x2x128xi32, #tpu.memory_space<vmem>> -> memref<1x1x128xi32, #tpu.memory_space<vmem>>
      %dma_start3A_682 = tpu.memref_squeeze %dma_start3A_681 : memref<1x1x128xi32, #tpu.memory_space<vmem>> -> memref<128xi32, #tpu.memory_space<vmem>>
      %dma_start3A_683 = arith.constant 0 : i32
      %dma_start3A_684 = arith.constant 0 : i32
      %dma_start3A_685 = tpu.memref_slice %arg2[%dma_start3A_683, %dma_start3A_684] : memref<10000x128xf32, #tpu.memory_space<hbm>> -> memref<10000x128xf32, #tpu.memory_space<hbm>>
      tpu.enqueue_indirect_dma source(%dma_start3A_685 : memref<10000x128xf32, #tpu.memory_space<hbm>>) target(%dma_start3A_679 : memref<128x128xf32, #tpu.memory_space<vmem>>) offsets(%dma_start3A_682 : memref<128xi32, #tpu.memory_space<vmem>>) semaphore(%arg10 : memref<!tpu.dma_semaphore, #tpu.memory_space<semaphore_mem>>)
      %sub3A_686 = arith.constant 1 : i32
      %sub3A_687 = arith.subi %add3A_635, %sub3A_686 : i32
      %dma_wait3A_688 = arith.constant 3 : i32
      %dma_wait3A_689 = arith.constant 1 : i32
      %dma_wait3A_690 = arith.constant 1 : i32
      %dma_wait3A_691 = arith.constant 0 : i32
      %dma_wait3A_692 = arith.constant 0 : i32
      %dma_wait3A_693 = tpu.memref_slice %arg7[%dma_wait3A_690, %dma_wait3A_691, %dma_wait3A_692] : memref<3x128x128xf32, #tpu.memory_space<vmem>> -> memref<1x128x128xf32, #tpu.memory_space<vmem>>
      %dma_wait3A_694 = tpu.memref_squeeze %dma_wait3A_693 : memref<1x128x128xf32, #tpu.memory_space<vmem>> -> memref<128x128xf32, #tpu.memory_space<vmem>>
      %dma_wait3A_695 = arith.constant 0 : i32
      %dma_wait3A_696 = tpu.memref_slice %arg6[%dma_wait3A_688, %dma_wait3A_689, %dma_wait3A_695] : memref<6x2x128xi32, #tpu.memory_space<vmem>> -> memref<1x1x128xi32, #tpu.memory_space<vmem>>
      %dma_wait3A_697 = tpu.memref_squeeze %dma_wait3A_696 : memref<1x1x128xi32, #tpu.memory_space<vmem>> -> memref<128xi32, #tpu.memory_space<vmem>>
      %dma_wait3A_698 = arith.constant 0 : i32
      %dma_wait3A_699 = arith.constant 0 : i32
      %dma_wait3A_700 = tpu.memref_slice %arg2[%dma_wait3A_698, %dma_wait3A_699] : memref<10000x128xf32, #tpu.memory_space<hbm>> -> memref<10000x128xf32, #tpu.memory_space<hbm>>
      tpu.wait_indirect_dma semaphore(%arg9 : memref<!tpu.dma_semaphore, #tpu.memory_space<semaphore_mem>>) src(%dma_wait3A_700 : memref<10000x128xf32, #tpu.memory_space<hbm>>) dst(%dma_wait3A_694 : memref<128x128xf32, #tpu.memory_space<vmem>>)
      %sub3A_701 = arith.constant 1 : i32
      %sub3A_702 = arith.subi %add3A_635, %sub3A_701 : i32
      %dma_start3A_703 = arith.constant 1 : i32
      %dma_start3A_704 = arith.constant 3 : i32
      %dma_start3A_705 = arith.constant 0 : i32
      %dma_start3A_706 = arith.constant 0 : i32
      %dma_start3A_707 = arith.constant 0 : i32
      %dma_start3A_708 = tpu.memref_slice %arg7[%dma_start3A_703, %dma_start3A_706, %dma_start3A_707] : memref<3x128x128xf32, #tpu.memory_space<vmem>> -> memref<1x128x128xf32, #tpu.memory_space<vmem>>
      %dma_start3A_709 = tpu.memref_squeeze %dma_start3A_708 : memref<1x128x128xf32, #tpu.memory_space<vmem>> -> memref<128x128xf32, #tpu.memory_space<vmem>>
      %dma_start3A_710 = arith.constant 0 : i32
      %dma_start3A_711 = tpu.memref_slice %arg6[%dma_start3A_704, %dma_start3A_705, %dma_start3A_710] : memref<6x2x128xi32, #tpu.memory_space<vmem>> -> memref<1x1x128xi32, #tpu.memory_space<vmem>>
      %dma_start3A_712 = tpu.memref_squeeze %dma_start3A_711 : memref<1x1x128xi32, #tpu.memory_space<vmem>> -> memref<128xi32, #tpu.memory_space<vmem>>
      %dma_start3A_713 = arith.constant 0 : i32
      %dma_start3A_714 = arith.constant 0 : i32
      %dma_start3A_715 = tpu.memref_slice %arg5[%dma_start3A_713, %dma_start3A_714] : memref<10016x128xf32, #tpu.memory_space<vmem_shared>> -> memref<10016x128xf32, #tpu.memory_space<vmem_shared>>
      tpu.enqueue_indirect_dma source(%dma_start3A_709 : memref<128x128xf32, #tpu.memory_space<vmem>>) target(%dma_start3A_715 : memref<10016x128xf32, #tpu.memory_space<vmem_shared>>) offsets(%dma_start3A_712 : memref<128xi32, #tpu.memory_space<vmem>>) semaphore(%arg12 : memref<!tpu.dma_semaphore, #tpu.memory_space<semaphore_mem>>) {add = true}
      %sub3A_716 = arith.constant 1 : i32
      %sub3A_717 = arith.subi %add3A_635, %sub3A_716 : i32
      %dma_wait3A_718 = arith.constant 0 : i32
      %dma_wait3A_719 = arith.constant 3 : i32
      %dma_wait3A_720 = arith.constant 1 : i32
      %dma_wait3A_721 = arith.constant 0 : i32
      %dma_wait3A_722 = arith.constant 0 : i32
      %dma_wait3A_723 = tpu.memref_slice %arg7[%dma_wait3A_718, %dma_wait3A_721, %dma_wait3A_722] : memref<3x128x128xf32, #tpu.memory_space<vmem>> -> memref<1x128x128xf32, #tpu.memory_space<vmem>>
      %dma_wait3A_724 = tpu.memref_squeeze %dma_wait3A_723 : memref<1x128x128xf32, #tpu.memory_space<vmem>> -> memref<128x128xf32, #tpu.memory_space<vmem>>
      %dma_wait3A_725 = arith.constant 0 : i32
      %dma_wait3A_726 = tpu.memref_slice %arg6[%dma_wait3A_719, %dma_wait3A_720, %dma_wait3A_725] : memref<6x2x128xi32, #tpu.memory_space<vmem>> -> memref<1x1x128xi32, #tpu.memory_space<vmem>>
      %dma_wait3A_727 = tpu.memref_squeeze %dma_wait3A_726 : memref<1x1x128xi32, #tpu.memory_space<vmem>> -> memref<128xi32, #tpu.memory_space<vmem>>
      %dma_wait3A_728 = arith.constant 0 : i32
      %dma_wait3A_729 = arith.constant 0 : i32
      %dma_wait3A_730 = tpu.memref_slice %arg5[%dma_wait3A_728, %dma_wait3A_729] : memref<10016x128xf32, #tpu.memory_space<vmem_shared>> -> memref<10016x128xf32, #tpu.memory_space<vmem_shared>>
      tpu.wait_indirect_dma semaphore(%arg11 : memref<!tpu.dma_semaphore, #tpu.memory_space<semaphore_mem>>) src(%dma_wait3A_724 : memref<128x128xf32, #tpu.memory_space<vmem>>) dst(%dma_wait3A_730 : memref<10016x128xf32, #tpu.memory_space<vmem_shared>>)
      %dma_start3A_731 = arith.constant 4 : i32
      %dma_start3A_732 = arith.constant 1 : i32
      %dma_start3A_733 = arith.constant 0 : i32
      %dma_start3A_734 = arith.constant 0 : i32
      %dma_start3A_735 = arith.constant 0 : i32
      %dma_start3A_736 = tpu.memref_slice %arg7[%dma_start3A_733, %dma_start3A_734, %dma_start3A_735] : memref<3x128x128xf32, #tpu.memory_space<vmem>> -> memref<1x128x128xf32, #tpu.memory_space<vmem>>
      %dma_start3A_737 = tpu.memref_squeeze %dma_start3A_736 : memref<1x128x128xf32, #tpu.memory_space<vmem>> -> memref<128x128xf32, #tpu.memory_space<vmem>>
      %dma_start3A_738 = arith.constant 0 : i32
      %dma_start3A_739 = tpu.memref_slice %arg6[%dma_start3A_731, %dma_start3A_732, %dma_start3A_738] : memref<6x2x128xi32, #tpu.memory_space<vmem>> -> memref<1x1x128xi32, #tpu.memory_space<vmem>>
      %dma_start3A_740 = tpu.memref_squeeze %dma_start3A_739 : memref<1x1x128xi32, #tpu.memory_space<vmem>> -> memref<128xi32, #tpu.memory_space<vmem>>
      %dma_start3A_741 = arith.constant 0 : i32
      %dma_start3A_742 = arith.constant 0 : i32
      %dma_start3A_743 = tpu.memref_slice %arg2[%dma_start3A_741, %dma_start3A_742] : memref<10000x128xf32, #tpu.memory_space<hbm>> -> memref<10000x128xf32, #tpu.memory_space<hbm>>
      tpu.enqueue_indirect_dma source(%dma_start3A_743 : memref<10000x128xf32, #tpu.memory_space<hbm>>) target(%dma_start3A_737 : memref<128x128xf32, #tpu.memory_space<vmem>>) offsets(%dma_start3A_740 : memref<128xi32, #tpu.memory_space<vmem>>) semaphore(%arg8 : memref<!tpu.dma_semaphore, #tpu.memory_space<semaphore_mem>>)
      %dma_wait3A_744 = arith.constant 4 : i32
      %dma_wait3A_745 = arith.constant 0 : i32
      %dma_wait3A_746 = arith.constant 2 : i32
      %dma_wait3A_747 = arith.constant 0 : i32
      %dma_wait3A_748 = arith.constant 0 : i32
      %dma_wait3A_749 = tpu.memref_slice %arg7[%dma_wait3A_746, %dma_wait3A_747, %dma_wait3A_748] : memref<3x128x128xf32, #tpu.memory_space<vmem>> -> memref<1x128x128xf32, #tpu.memory_space<vmem>>
      %dma_wait3A_750 = tpu.memref_squeeze %dma_wait3A_749 : memref<1x128x128xf32, #tpu.memory_space<vmem>> -> memref<128x128xf32, #tpu.memory_space<vmem>>
      %dma_wait3A_751 = arith.constant 0 : i32
      %dma_wait3A_752 = tpu.memref_slice %arg6[%dma_wait3A_744, %dma_wait3A_745, %dma_wait3A_751] : memref<6x2x128xi32, #tpu.memory_space<vmem>> -> memref<1x1x128xi32, #tpu.memory_space<vmem>>
      %dma_wait3A_753 = tpu.memref_squeeze %dma_wait3A_752 : memref<1x1x128xi32, #tpu.memory_space<vmem>> -> memref<128xi32, #tpu.memory_space<vmem>>
      %dma_wait3A_754 = arith.constant 0 : i32
      %dma_wait3A_755 = arith.constant 0 : i32
      %dma_wait3A_756 = tpu.memref_slice %arg2[%dma_wait3A_754, %dma_wait3A_755] : memref<10000x128xf32, #tpu.memory_space<hbm>> -> memref<10000x128xf32, #tpu.memory_space<hbm>>
      tpu.wait_indirect_dma semaphore(%arg10 : memref<!tpu.dma_semaphore, #tpu.memory_space<semaphore_mem>>) src(%dma_wait3A_756 : memref<10000x128xf32, #tpu.memory_space<hbm>>) dst(%dma_wait3A_750 : memref<128x128xf32, #tpu.memory_space<vmem>>)
      %dma_start3A_757 = arith.constant 2 : i32
      %dma_start3A_758 = arith.constant 4 : i32
      %dma_start3A_759 = arith.constant 1 : i32
      %dma_start3A_760 = arith.constant 0 : i32
      %dma_start3A_761 = arith.constant 0 : i32
      %dma_start3A_762 = tpu.memref_slice %arg7[%dma_start3A_757, %dma_start3A_760, %dma_start3A_761] : memref<3x128x128xf32, #tpu.memory_space<vmem>> -> memref<1x128x128xf32, #tpu.memory_space<vmem>>
      %dma_start3A_763 = tpu.memref_squeeze %dma_start3A_762 : memref<1x128x128xf32, #tpu.memory_space<vmem>> -> memref<128x128xf32, #tpu.memory_space<vmem>>
      %dma_start3A_764 = arith.constant 0 : i32
      %dma_start3A_765 = tpu.memref_slice %arg6[%dma_start3A_758, %dma_start3A_759, %dma_start3A_764] : memref<6x2x128xi32, #tpu.memory_space<vmem>> -> memref<1x1x128xi32, #tpu.memory_space<vmem>>
      %dma_start3A_766 = tpu.memref_squeeze %dma_start3A_765 : memref<1x1x128xi32, #tpu.memory_space<vmem>> -> memref<128xi32, #tpu.memory_space<vmem>>
      %dma_start3A_767 = arith.constant 0 : i32
      %dma_start3A_768 = arith.constant 0 : i32
      %dma_start3A_769 = tpu.memref_slice %arg5[%dma_start3A_767, %dma_start3A_768] : memref<10016x128xf32, #tpu.memory_space<vmem_shared>> -> memref<10016x128xf32, #tpu.memory_space<vmem_shared>>
      tpu.enqueue_indirect_dma source(%dma_start3A_763 : memref<128x128xf32, #tpu.memory_space<vmem>>) target(%dma_start3A_769 : memref<10016x128xf32, #tpu.memory_space<vmem_shared>>) offsets(%dma_start3A_766 : memref<128xi32, #tpu.memory_space<vmem>>) semaphore(%arg13 : memref<!tpu.dma_semaphore, #tpu.memory_space<semaphore_mem>>) {add = true}
      %add3A_770 = arith.constant 3 : i32
      %add3A_771 = arith.addi %add3A_361, %add3A_770 : i32
      %sub3A_772 = arith.constant 2 : i32
      %sub3A_773 = arith.subi %add3A_771, %sub3A_772 : i32
      %dma_wait3A_774 = arith.constant 1 : i32
      %dma_wait3A_775 = arith.constant 3 : i32
      %dma_wait3A_776 = arith.constant 0 : i32
      %dma_wait3A_777 = arith.constant 0 : i32
      %dma_wait3A_778 = arith.constant 0 : i32
      %dma_wait3A_779 = tpu.memref_slice %arg7[%dma_wait3A_774, %dma_wait3A_777, %dma_wait3A_778] : memref<3x128x128xf32, #tpu.memory_space<vmem>> -> memref<1x128x128xf32, #tpu.memory_space<vmem>>
      %dma_wait3A_780 = tpu.memref_squeeze %dma_wait3A_779 : memref<1x128x128xf32, #tpu.memory_space<vmem>> -> memref<128x128xf32, #tpu.memory_space<vmem>>
      %dma_wait3A_781 = arith.constant 0 : i32
      %dma_wait3A_782 = tpu.memref_slice %arg6[%dma_wait3A_775, %dma_wait3A_776, %dma_wait3A_781] : memref<6x2x128xi32, #tpu.memory_space<vmem>> -> memref<1x1x128xi32, #tpu.memory_space<vmem>>
      %dma_wait3A_783 = tpu.memref_squeeze %dma_wait3A_782 : memref<1x1x128xi32, #tpu.memory_space<vmem>> -> memref<128xi32, #tpu.memory_space<vmem>>
      %dma_wait3A_784 = arith.constant 0 : i32
      %dma_wait3A_785 = arith.constant 0 : i32
      %dma_wait3A_786 = tpu.memref_slice %arg5[%dma_wait3A_784, %dma_wait3A_785] : memref<10016x128xf32, #tpu.memory_space<vmem_shared>> -> memref<10016x128xf32, #tpu.memory_space<vmem_shared>>
      tpu.wait_indirect_dma semaphore(%arg12 : memref<!tpu.dma_semaphore, #tpu.memory_space<semaphore_mem>>) src(%dma_wait3A_780 : memref<128x128xf32, #tpu.memory_space<vmem>>) dst(%dma_wait3A_786 : memref<10016x128xf32, #tpu.memory_space<vmem_shared>>)
      %add3A_787 = arith.addi %select_n3A, %add3A_771 : i32
      %mul3A_788 = arith.constant 128 : i32
      %mul3A_789 = arith.muli %mul3A_788, %add3A_787 : i32
      %dma_wait3A_790 = arith.constant 5 : i32
      %dma_wait3A_791 = arith.constant 0 : i32
      %dma_wait3A_792 = arith.constant 0 : i32
      %dma_wait3A_793 = tpu.memref_slice %arg6[%dma_wait3A_790, %dma_wait3A_791, %dma_wait3A_792] : memref<6x2x128xi32, #tpu.memory_space<vmem>> -> memref<1x2x128xi32, #tpu.memory_space<vmem>>
      %dma_wait3A_794 = tpu.memref_squeeze %dma_wait3A_793 : memref<1x2x128xi32, #tpu.memory_space<vmem>> -> memref<2x128xi32, #tpu.memory_space<vmem>>
      %dma_wait3A_795 = arith.constant 0 : i32
      %dma_wait3A_796 = tpu.memref_slice %arg3[%dma_wait3A_795, %mul3A_789] : memref<2x320000xi32, #tpu.memory_space<hbm>> -> memref<2x128xi32, #tpu.memory_space<hbm>>
      %dma_wait3A_797 = arith.constant 0 : i32
      %dma_wait3A_798 = arith.constant 0 : i32
      %dma_wait3A_799 = tpu.memref_slice %arg6[%dma_wait3A_790, %dma_wait3A_797, %dma_wait3A_798] : memref<6x2x128xi32, #tpu.memory_space<vmem>> -> memref<1x2x128xi32, #tpu.memory_space<vmem>>
      %dma_wait3A_800 = tpu.memref_squeeze %dma_wait3A_799 : memref<1x2x128xi32, #tpu.memory_space<vmem>> -> memref<2x128xi32, #tpu.memory_space<vmem>>
      %dma_wait3A_801 = arith.constant 0 : i32
      %dma_wait3A_802 = tpu.memref_slice %arg3[%dma_wait3A_801, %mul3A_789] : memref<2x320000xi32, #tpu.memory_space<hbm>> -> memref<2x128xi32, #tpu.memory_space<hbm>>
      tpu.wait_dma2 semaphore(%arg19 : memref<!tpu.dma_semaphore, #tpu.memory_space<semaphore_mem>>) src(%dma_wait3A_802 : memref<2x128xi32, #tpu.memory_space<hbm>>) dst(%dma_wait3A_800 : memref<2x128xi32, #tpu.memory_space<vmem>>)
      %mul3A_803 = arith.constant 6 : i32
      %mul3A_804 = arith.muli %mul3A_803, %select_n3A_11 : i32
      %lt3A_805 = arith.cmpi slt, %add3A_771, %mul3A_804 : i32
      %convert_element_type3A_806 = arith.extui %lt3A_805 : i1 to i32
      %cond3A_807 = arith.constant 0 : i32
      %cond3A_808 = arith.cmpi ne, %convert_element_type3A_806, %cond3A_807 : i32
      scf.if %cond3A_808 {
        %add3A_1178 = arith.constant 2 : i32
        %add3A_1179 = arith.addi %add3A_771, %add3A_1178 : i32
        %add3A_1180 = arith.addi %select_n3A, %add3A_1179 : i32
        %mul3A_1181 = arith.constant 128 : i32
        %mul3A_1182 = arith.muli %mul3A_1181, %add3A_1180 : i32
        %dma_start3A_1183 = arith.constant 1 : i32
        %dma_start3A_1184 = arith.constant 0 : i32
        %dma_start3A_1185 = arith.constant 0 : i32
        %dma_start3A_1186 = tpu.memref_slice %arg6[%dma_start3A_1183, %dma_start3A_1184, %dma_start3A_1185] : memref<6x2x128xi32, #tpu.memory_space<vmem>> -> memref<1x2x128xi32, #tpu.memory_space<vmem>>
        %dma_start3A_1187 = tpu.memref_squeeze %dma_start3A_1186 : memref<1x2x128xi32, #tpu.memory_space<vmem>> -> memref<2x128xi32, #tpu.memory_space<vmem>>
        %dma_start3A_1188 = arith.constant 0 : i32
        %dma_start3A_1189 = tpu.memref_slice %arg3[%dma_start3A_1188, %mul3A_1182] : memref<2x320000xi32, #tpu.memory_space<hbm>> -> memref<2x128xi32, #tpu.memory_space<hbm>>
        %dma_start3A_1190 = arith.constant 0 : i32
        %dma_start3A_1191 = arith.constant 0 : i32
        %dma_start3A_1192 = tpu.memref_slice %arg6[%dma_start3A_1183, %dma_start3A_1190, %dma_start3A_1191] : memref<6x2x128xi32, #tpu.memory_space<vmem>> -> memref<1x2x128xi32, #tpu.memory_space<vmem>>
        %dma_start3A_1193 = tpu.memref_squeeze %dma_start3A_1192 : memref<1x2x128xi32, #tpu.memory_space<vmem>> -> memref<2x128xi32, #tpu.memory_space<vmem>>
        %dma_start3A_1194 = arith.constant 0 : i32
        %dma_start3A_1195 = tpu.memref_slice %arg3[%dma_start3A_1194, %mul3A_1182] : memref<2x320000xi32, #tpu.memory_space<hbm>> -> memref<2x128xi32, #tpu.memory_space<hbm>>
        tpu.enqueue_dma source(%dma_start3A_1195 : memref<2x128xi32, #tpu.memory_space<hbm>>) target(%dma_start3A_1193 : memref<2x128xi32, #tpu.memory_space<vmem>>) target_semaphore(%arg15 : memref<!tpu.dma_semaphore, #tpu.memory_space<semaphore_mem>>)
      } else {
      }
      %dma_start3A_809 = arith.constant 5 : i32
      %dma_start3A_810 = arith.constant 0 : i32
      %dma_start3A_811 = arith.constant 1 : i32
      %dma_start3A_812 = arith.constant 0 : i32
      %dma_start3A_813 = arith.constant 0 : i32
      %dma_start3A_814 = tpu.memref_slice %arg7[%dma_start3A_811, %dma_start3A_812, %dma_start3A_813] : memref<3x128x128xf32, #tpu.memory_space<vmem>> -> memref<1x128x128xf32, #tpu.memory_space<vmem>>
      %dma_start3A_815 = tpu.memref_squeeze %dma_start3A_814 : memref<1x128x128xf32, #tpu.memory_space<vmem>> -> memref<128x128xf32, #tpu.memory_space<vmem>>
      %dma_start3A_816 = arith.constant 0 : i32
      %dma_start3A_817 = tpu.memref_slice %arg6[%dma_start3A_809, %dma_start3A_810, %dma_start3A_816] : memref<6x2x128xi32, #tpu.memory_space<vmem>> -> memref<1x1x128xi32, #tpu.memory_space<vmem>>
      %dma_start3A_818 = tpu.memref_squeeze %dma_start3A_817 : memref<1x1x128xi32, #tpu.memory_space<vmem>> -> memref<128xi32, #tpu.memory_space<vmem>>
      %dma_start3A_819 = arith.constant 0 : i32
      %dma_start3A_820 = arith.constant 0 : i32
      %dma_start3A_821 = tpu.memref_slice %arg2[%dma_start3A_819, %dma_start3A_820] : memref<10000x128xf32, #tpu.memory_space<hbm>> -> memref<10000x128xf32, #tpu.memory_space<hbm>>
      tpu.enqueue_indirect_dma source(%dma_start3A_821 : memref<10000x128xf32, #tpu.memory_space<hbm>>) target(%dma_start3A_815 : memref<128x128xf32, #tpu.memory_space<vmem>>) offsets(%dma_start3A_818 : memref<128xi32, #tpu.memory_space<vmem>>) semaphore(%arg9 : memref<!tpu.dma_semaphore, #tpu.memory_space<semaphore_mem>>)
      %sub3A_822 = arith.constant 1 : i32
      %sub3A_823 = arith.subi %add3A_771, %sub3A_822 : i32
      %dma_wait3A_824 = arith.constant 4 : i32
      %dma_wait3A_825 = arith.constant 1 : i32
      %dma_wait3A_826 = arith.constant 0 : i32
      %dma_wait3A_827 = arith.constant 0 : i32
      %dma_wait3A_828 = arith.constant 0 : i32
      %dma_wait3A_829 = tpu.memref_slice %arg7[%dma_wait3A_826, %dma_wait3A_827, %dma_wait3A_828] : memref<3x128x128xf32, #tpu.memory_space<vmem>> -> memref<1x128x128xf32, #tpu.memory_space<vmem>>
      %dma_wait3A_830 = tpu.memref_squeeze %dma_wait3A_829 : memref<1x128x128xf32, #tpu.memory_space<vmem>> -> memref<128x128xf32, #tpu.memory_space<vmem>>
      %dma_wait3A_831 = arith.constant 0 : i32
      %dma_wait3A_832 = tpu.memref_slice %arg6[%dma_wait3A_824, %dma_wait3A_825, %dma_wait3A_831] : memref<6x2x128xi32, #tpu.memory_space<vmem>> -> memref<1x1x128xi32, #tpu.memory_space<vmem>>
      %dma_wait3A_833 = tpu.memref_squeeze %dma_wait3A_832 : memref<1x1x128xi32, #tpu.memory_space<vmem>> -> memref<128xi32, #tpu.memory_space<vmem>>
      %dma_wait3A_834 = arith.constant 0 : i32
      %dma_wait3A_835 = arith.constant 0 : i32
      %dma_wait3A_836 = tpu.memref_slice %arg2[%dma_wait3A_834, %dma_wait3A_835] : memref<10000x128xf32, #tpu.memory_space<hbm>> -> memref<10000x128xf32, #tpu.memory_space<hbm>>
      tpu.wait_indirect_dma semaphore(%arg8 : memref<!tpu.dma_semaphore, #tpu.memory_space<semaphore_mem>>) src(%dma_wait3A_836 : memref<10000x128xf32, #tpu.memory_space<hbm>>) dst(%dma_wait3A_830 : memref<128x128xf32, #tpu.memory_space<vmem>>)
      %sub3A_837 = arith.constant 1 : i32
      %sub3A_838 = arith.subi %add3A_771, %sub3A_837 : i32
      %dma_start3A_839 = arith.constant 0 : i32
      %dma_start3A_840 = arith.constant 4 : i32
      %dma_start3A_841 = arith.constant 0 : i32
      %dma_start3A_842 = arith.constant 0 : i32
      %dma_start3A_843 = arith.constant 0 : i32
      %dma_start3A_844 = tpu.memref_slice %arg7[%dma_start3A_839, %dma_start3A_842, %dma_start3A_843] : memref<3x128x128xf32, #tpu.memory_space<vmem>> -> memref<1x128x128xf32, #tpu.memory_space<vmem>>
      %dma_start3A_845 = tpu.memref_squeeze %dma_start3A_844 : memref<1x128x128xf32, #tpu.memory_space<vmem>> -> memref<128x128xf32, #tpu.memory_space<vmem>>
      %dma_start3A_846 = arith.constant 0 : i32
      %dma_start3A_847 = tpu.memref_slice %arg6[%dma_start3A_840, %dma_start3A_841, %dma_start3A_846] : memref<6x2x128xi32, #tpu.memory_space<vmem>> -> memref<1x1x128xi32, #tpu.memory_space<vmem>>
      %dma_start3A_848 = tpu.memref_squeeze %dma_start3A_847 : memref<1x1x128xi32, #tpu.memory_space<vmem>> -> memref<128xi32, #tpu.memory_space<vmem>>
      %dma_start3A_849 = arith.constant 0 : i32
      %dma_start3A_850 = arith.constant 0 : i32
      %dma_start3A_851 = tpu.memref_slice %arg5[%dma_start3A_849, %dma_start3A_850] : memref<10016x128xf32, #tpu.memory_space<vmem_shared>> -> memref<10016x128xf32, #tpu.memory_space<vmem_shared>>
      tpu.enqueue_indirect_dma source(%dma_start3A_845 : memref<128x128xf32, #tpu.memory_space<vmem>>) target(%dma_start3A_851 : memref<10016x128xf32, #tpu.memory_space<vmem_shared>>) offsets(%dma_start3A_848 : memref<128xi32, #tpu.memory_space<vmem>>) semaphore(%arg11 : memref<!tpu.dma_semaphore, #tpu.memory_space<semaphore_mem>>) {add = true}
      %sub3A_852 = arith.constant 1 : i32
      %sub3A_853 = arith.subi %add3A_771, %sub3A_852 : i32
      %dma_wait3A_854 = arith.constant 2 : i32
      %dma_wait3A_855 = arith.constant 4 : i32
      %dma_wait3A_856 = arith.constant 1 : i32
      %dma_wait3A_857 = arith.constant 0 : i32
      %dma_wait3A_858 = arith.constant 0 : i32
      %dma_wait3A_859 = tpu.memref_slice %arg7[%dma_wait3A_854, %dma_wait3A_857, %dma_wait3A_858] : memref<3x128x128xf32, #tpu.memory_space<vmem>> -> memref<1x128x128xf32, #tpu.memory_space<vmem>>
      %dma_wait3A_860 = tpu.memref_squeeze %dma_wait3A_859 : memref<1x128x128xf32, #tpu.memory_space<vmem>> -> memref<128x128xf32, #tpu.memory_space<vmem>>
      %dma_wait3A_861 = arith.constant 0 : i32
      %dma_wait3A_862 = tpu.memref_slice %arg6[%dma_wait3A_855, %dma_wait3A_856, %dma_wait3A_861] : memref<6x2x128xi32, #tpu.memory_space<vmem>> -> memref<1x1x128xi32, #tpu.memory_space<vmem>>
      %dma_wait3A_863 = tpu.memref_squeeze %dma_wait3A_862 : memref<1x1x128xi32, #tpu.memory_space<vmem>> -> memref<128xi32, #tpu.memory_space<vmem>>
      %dma_wait3A_864 = arith.constant 0 : i32
      %dma_wait3A_865 = arith.constant 0 : i32
      %dma_wait3A_866 = tpu.memref_slice %arg5[%dma_wait3A_864, %dma_wait3A_865] : memref<10016x128xf32, #tpu.memory_space<vmem_shared>> -> memref<10016x128xf32, #tpu.memory_space<vmem_shared>>
      tpu.wait_indirect_dma semaphore(%arg13 : memref<!tpu.dma_semaphore, #tpu.memory_space<semaphore_mem>>) src(%dma_wait3A_860 : memref<128x128xf32, #tpu.memory_space<vmem>>) dst(%dma_wait3A_866 : memref<10016x128xf32, #tpu.memory_space<vmem_shared>>)
      %dma_start3A_867 = arith.constant 5 : i32
      %dma_start3A_868 = arith.constant 1 : i32
      %dma_start3A_869 = arith.constant 2 : i32
      %dma_start3A_870 = arith.constant 0 : i32
      %dma_start3A_871 = arith.constant 0 : i32
      %dma_start3A_872 = tpu.memref_slice %arg7[%dma_start3A_869, %dma_start3A_870, %dma_start3A_871] : memref<3x128x128xf32, #tpu.memory_space<vmem>> -> memref<1x128x128xf32, #tpu.memory_space<vmem>>
      %dma_start3A_873 = tpu.memref_squeeze %dma_start3A_872 : memref<1x128x128xf32, #tpu.memory_space<vmem>> -> memref<128x128xf32, #tpu.memory_space<vmem>>
      %dma_start3A_874 = arith.constant 0 : i32
      %dma_start3A_875 = tpu.memref_slice %arg6[%dma_start3A_867, %dma_start3A_868, %dma_start3A_874] : memref<6x2x128xi32, #tpu.memory_space<vmem>> -> memref<1x1x128xi32, #tpu.memory_space<vmem>>
      %dma_start3A_876 = tpu.memref_squeeze %dma_start3A_875 : memref<1x1x128xi32, #tpu.memory_space<vmem>> -> memref<128xi32, #tpu.memory_space<vmem>>
      %dma_start3A_877 = arith.constant 0 : i32
      %dma_start3A_878 = arith.constant 0 : i32
      %dma_start3A_879 = tpu.memref_slice %arg2[%dma_start3A_877, %dma_start3A_878] : memref<10000x128xf32, #tpu.memory_space<hbm>> -> memref<10000x128xf32, #tpu.memory_space<hbm>>
      tpu.enqueue_indirect_dma source(%dma_start3A_879 : memref<10000x128xf32, #tpu.memory_space<hbm>>) target(%dma_start3A_873 : memref<128x128xf32, #tpu.memory_space<vmem>>) offsets(%dma_start3A_876 : memref<128xi32, #tpu.memory_space<vmem>>) semaphore(%arg10 : memref<!tpu.dma_semaphore, #tpu.memory_space<semaphore_mem>>)
      %dma_wait3A_880 = arith.constant 5 : i32
      %dma_wait3A_881 = arith.constant 0 : i32
      %dma_wait3A_882 = arith.constant 1 : i32
      %dma_wait3A_883 = arith.constant 0 : i32
      %dma_wait3A_884 = arith.constant 0 : i32
      %dma_wait3A_885 = tpu.memref_slice %arg7[%dma_wait3A_882, %dma_wait3A_883, %dma_wait3A_884] : memref<3x128x128xf32, #tpu.memory_space<vmem>> -> memref<1x128x128xf32, #tpu.memory_space<vmem>>
      %dma_wait3A_886 = tpu.memref_squeeze %dma_wait3A_885 : memref<1x128x128xf32, #tpu.memory_space<vmem>> -> memref<128x128xf32, #tpu.memory_space<vmem>>
      %dma_wait3A_887 = arith.constant 0 : i32
      %dma_wait3A_888 = tpu.memref_slice %arg6[%dma_wait3A_880, %dma_wait3A_881, %dma_wait3A_887] : memref<6x2x128xi32, #tpu.memory_space<vmem>> -> memref<1x1x128xi32, #tpu.memory_space<vmem>>
      %dma_wait3A_889 = tpu.memref_squeeze %dma_wait3A_888 : memref<1x1x128xi32, #tpu.memory_space<vmem>> -> memref<128xi32, #tpu.memory_space<vmem>>
      %dma_wait3A_890 = arith.constant 0 : i32
      %dma_wait3A_891 = arith.constant 0 : i32
      %dma_wait3A_892 = tpu.memref_slice %arg2[%dma_wait3A_890, %dma_wait3A_891] : memref<10000x128xf32, #tpu.memory_space<hbm>> -> memref<10000x128xf32, #tpu.memory_space<hbm>>
      tpu.wait_indirect_dma semaphore(%arg9 : memref<!tpu.dma_semaphore, #tpu.memory_space<semaphore_mem>>) src(%dma_wait3A_892 : memref<10000x128xf32, #tpu.memory_space<hbm>>) dst(%dma_wait3A_886 : memref<128x128xf32, #tpu.memory_space<vmem>>)
      %dma_start3A_893 = arith.constant 1 : i32
      %dma_start3A_894 = arith.constant 5 : i32
      %dma_start3A_895 = arith.constant 1 : i32
      %dma_start3A_896 = arith.constant 0 : i32
      %dma_start3A_897 = arith.constant 0 : i32
      %dma_start3A_898 = tpu.memref_slice %arg7[%dma_start3A_893, %dma_start3A_896, %dma_start3A_897] : memref<3x128x128xf32, #tpu.memory_space<vmem>> -> memref<1x128x128xf32, #tpu.memory_space<vmem>>
      %dma_start3A_899 = tpu.memref_squeeze %dma_start3A_898 : memref<1x128x128xf32, #tpu.memory_space<vmem>> -> memref<128x128xf32, #tpu.memory_space<vmem>>
      %dma_start3A_900 = arith.constant 0 : i32
      %dma_start3A_901 = tpu.memref_slice %arg6[%dma_start3A_894, %dma_start3A_895, %dma_start3A_900] : memref<6x2x128xi32, #tpu.memory_space<vmem>> -> memref<1x1x128xi32, #tpu.memory_space<vmem>>
      %dma_start3A_902 = tpu.memref_squeeze %dma_start3A_901 : memref<1x1x128xi32, #tpu.memory_space<vmem>> -> memref<128xi32, #tpu.memory_space<vmem>>
      %dma_start3A_903 = arith.constant 0 : i32
      %dma_start3A_904 = arith.constant 0 : i32
      %dma_start3A_905 = tpu.memref_slice %arg5[%dma_start3A_903, %dma_start3A_904] : memref<10016x128xf32, #tpu.memory_space<vmem_shared>> -> memref<10016x128xf32, #tpu.memory_space<vmem_shared>>
      tpu.enqueue_indirect_dma source(%dma_start3A_899 : memref<128x128xf32, #tpu.memory_space<vmem>>) target(%dma_start3A_905 : memref<10016x128xf32, #tpu.memory_space<vmem_shared>>) offsets(%dma_start3A_902 : memref<128xi32, #tpu.memory_space<vmem>>) semaphore(%arg12 : memref<!tpu.dma_semaphore, #tpu.memory_space<semaphore_mem>>) {add = true}
      %add3A_906 = arith.constant 4 : i32
      %add3A_907 = arith.addi %add3A_361, %add3A_906 : i32
      %sub3A_908 = arith.constant 2 : i32
      %sub3A_909 = arith.subi %add3A_907, %sub3A_908 : i32
      %dma_wait3A_910 = arith.constant 0 : i32
      %dma_wait3A_911 = arith.constant 4 : i32
      %dma_wait3A_912 = arith.constant 0 : i32
      %dma_wait3A_913 = arith.constant 0 : i32
      %dma_wait3A_914 = arith.constant 0 : i32
      %dma_wait3A_915 = tpu.memref_slice %arg7[%dma_wait3A_910, %dma_wait3A_913, %dma_wait3A_914] : memref<3x128x128xf32, #tpu.memory_space<vmem>> -> memref<1x128x128xf32, #tpu.memory_space<vmem>>
      %dma_wait3A_916 = tpu.memref_squeeze %dma_wait3A_915 : memref<1x128x128xf32, #tpu.memory_space<vmem>> -> memref<128x128xf32, #tpu.memory_space<vmem>>
      %dma_wait3A_917 = arith.constant 0 : i32
      %dma_wait3A_918 = tpu.memref_slice %arg6[%dma_wait3A_911, %dma_wait3A_912, %dma_wait3A_917] : memref<6x2x128xi32, #tpu.memory_space<vmem>> -> memref<1x1x128xi32, #tpu.memory_space<vmem>>
      %dma_wait3A_919 = tpu.memref_squeeze %dma_wait3A_918 : memref<1x1x128xi32, #tpu.memory_space<vmem>> -> memref<128xi32, #tpu.memory_space<vmem>>
      %dma_wait3A_920 = arith.constant 0 : i32
      %dma_wait3A_921 = arith.constant 0 : i32
      %dma_wait3A_922 = tpu.memref_slice %arg5[%dma_wait3A_920, %dma_wait3A_921] : memref<10016x128xf32, #tpu.memory_space<vmem_shared>> -> memref<10016x128xf32, #tpu.memory_space<vmem_shared>>
      tpu.wait_indirect_dma semaphore(%arg11 : memref<!tpu.dma_semaphore, #tpu.memory_space<semaphore_mem>>) src(%dma_wait3A_916 : memref<128x128xf32, #tpu.memory_space<vmem>>) dst(%dma_wait3A_922 : memref<10016x128xf32, #tpu.memory_space<vmem_shared>>)
      %add3A_923 = arith.addi %select_n3A, %add3A_907 : i32
      %mul3A_924 = arith.constant 128 : i32
      %mul3A_925 = arith.muli %mul3A_924, %add3A_923 : i32
      %dma_wait3A_926 = arith.constant 0 : i32
      %dma_wait3A_927 = arith.constant 0 : i32
      %dma_wait3A_928 = arith.constant 0 : i32
      %dma_wait3A_929 = tpu.memref_slice %arg6[%dma_wait3A_926, %dma_wait3A_927, %dma_wait3A_928] : memref<6x2x128xi32, #tpu.memory_space<vmem>> -> memref<1x2x128xi32, #tpu.memory_space<vmem>>
      %dma_wait3A_930 = tpu.memref_squeeze %dma_wait3A_929 : memref<1x2x128xi32, #tpu.memory_space<vmem>> -> memref<2x128xi32, #tpu.memory_space<vmem>>
      %dma_wait3A_931 = arith.constant 0 : i32
      %dma_wait3A_932 = tpu.memref_slice %arg3[%dma_wait3A_931, %mul3A_925] : memref<2x320000xi32, #tpu.memory_space<hbm>> -> memref<2x128xi32, #tpu.memory_space<hbm>>
      %dma_wait3A_933 = arith.constant 0 : i32
      %dma_wait3A_934 = arith.constant 0 : i32
      %dma_wait3A_935 = tpu.memref_slice %arg6[%dma_wait3A_926, %dma_wait3A_933, %dma_wait3A_934] : memref<6x2x128xi32, #tpu.memory_space<vmem>> -> memref<1x2x128xi32, #tpu.memory_space<vmem>>
      %dma_wait3A_936 = tpu.memref_squeeze %dma_wait3A_935 : memref<1x2x128xi32, #tpu.memory_space<vmem>> -> memref<2x128xi32, #tpu.memory_space<vmem>>
      %dma_wait3A_937 = arith.constant 0 : i32
      %dma_wait3A_938 = tpu.memref_slice %arg3[%dma_wait3A_937, %mul3A_925] : memref<2x320000xi32, #tpu.memory_space<hbm>> -> memref<2x128xi32, #tpu.memory_space<hbm>>
      tpu.wait_dma2 semaphore(%arg14 : memref<!tpu.dma_semaphore, #tpu.memory_space<semaphore_mem>>) src(%dma_wait3A_938 : memref<2x128xi32, #tpu.memory_space<hbm>>) dst(%dma_wait3A_936 : memref<2x128xi32, #tpu.memory_space<vmem>>)
      %mul3A_939 = arith.constant 6 : i32
      %mul3A_940 = arith.muli %mul3A_939, %select_n3A_11 : i32
      %lt3A_941 = arith.cmpi slt, %add3A_907, %mul3A_940 : i32
      %convert_element_type3A_942 = arith.extui %lt3A_941 : i1 to i32
      %cond3A_943 = arith.constant 0 : i32
      %cond3A_944 = arith.cmpi ne, %convert_element_type3A_942, %cond3A_943 : i32
      scf.if %cond3A_944 {
        %add3A_1178 = arith.constant 2 : i32
        %add3A_1179 = arith.addi %add3A_907, %add3A_1178 : i32
        %add3A_1180 = arith.addi %select_n3A, %add3A_1179 : i32
        %mul3A_1181 = arith.constant 128 : i32
        %mul3A_1182 = arith.muli %mul3A_1181, %add3A_1180 : i32
        %dma_start3A_1183 = arith.constant 2 : i32
        %dma_start3A_1184 = arith.constant 0 : i32
        %dma_start3A_1185 = arith.constant 0 : i32
        %dma_start3A_1186 = tpu.memref_slice %arg6[%dma_start3A_1183, %dma_start3A_1184, %dma_start3A_1185] : memref<6x2x128xi32, #tpu.memory_space<vmem>> -> memref<1x2x128xi32, #tpu.memory_space<vmem>>
        %dma_start3A_1187 = tpu.memref_squeeze %dma_start3A_1186 : memref<1x2x128xi32, #tpu.memory_space<vmem>> -> memref<2x128xi32, #tpu.memory_space<vmem>>
        %dma_start3A_1188 = arith.constant 0 : i32
        %dma_start3A_1189 = tpu.memref_slice %arg3[%dma_start3A_1188, %mul3A_1182] : memref<2x320000xi32, #tpu.memory_space<hbm>> -> memref<2x128xi32, #tpu.memory_space<hbm>>
        %dma_start3A_1190 = arith.constant 0 : i32
        %dma_start3A_1191 = arith.constant 0 : i32
        %dma_start3A_1192 = tpu.memref_slice %arg6[%dma_start3A_1183, %dma_start3A_1190, %dma_start3A_1191] : memref<6x2x128xi32, #tpu.memory_space<vmem>> -> memref<1x2x128xi32, #tpu.memory_space<vmem>>
        %dma_start3A_1193 = tpu.memref_squeeze %dma_start3A_1192 : memref<1x2x128xi32, #tpu.memory_space<vmem>> -> memref<2x128xi32, #tpu.memory_space<vmem>>
        %dma_start3A_1194 = arith.constant 0 : i32
        %dma_start3A_1195 = tpu.memref_slice %arg3[%dma_start3A_1194, %mul3A_1182] : memref<2x320000xi32, #tpu.memory_space<hbm>> -> memref<2x128xi32, #tpu.memory_space<hbm>>
        tpu.enqueue_dma source(%dma_start3A_1195 : memref<2x128xi32, #tpu.memory_space<hbm>>) target(%dma_start3A_1193 : memref<2x128xi32, #tpu.memory_space<vmem>>) target_semaphore(%arg16 : memref<!tpu.dma_semaphore, #tpu.memory_space<semaphore_mem>>)
      } else {
      }
      %dma_start3A_945 = arith.constant 0 : i32
      %dma_start3A_946 = arith.constant 0 : i32
      %dma_start3A_947 = arith.constant 0 : i32
      %dma_start3A_948 = arith.constant 0 : i32
      %dma_start3A_949 = arith.constant 0 : i32
      %dma_start3A_950 = tpu.memref_slice %arg7[%dma_start3A_947, %dma_start3A_948, %dma_start3A_949] : memref<3x128x128xf32, #tpu.memory_space<vmem>> -> memref<1x128x128xf32, #tpu.memory_space<vmem>>
      %dma_start3A_951 = tpu.memref_squeeze %dma_start3A_950 : memref<1x128x128xf32, #tpu.memory_space<vmem>> -> memref<128x128xf32, #tpu.memory_space<vmem>>
      %dma_start3A_952 = arith.constant 0 : i32
      %dma_start3A_953 = tpu.memref_slice %arg6[%dma_start3A_945, %dma_start3A_946, %dma_start3A_952] : memref<6x2x128xi32, #tpu.memory_space<vmem>> -> memref<1x1x128xi32, #tpu.memory_space<vmem>>
      %dma_start3A_954 = tpu.memref_squeeze %dma_start3A_953 : memref<1x1x128xi32, #tpu.memory_space<vmem>> -> memref<128xi32, #tpu.memory_space<vmem>>
      %dma_start3A_955 = arith.constant 0 : i32
      %dma_start3A_956 = arith.constant 0 : i32
      %dma_start3A_957 = tpu.memref_slice %arg2[%dma_start3A_955, %dma_start3A_956] : memref<10000x128xf32, #tpu.memory_space<hbm>> -> memref<10000x128xf32, #tpu.memory_space<hbm>>
      tpu.enqueue_indirect_dma source(%dma_start3A_957 : memref<10000x128xf32, #tpu.memory_space<hbm>>) target(%dma_start3A_951 : memref<128x128xf32, #tpu.memory_space<vmem>>) offsets(%dma_start3A_954 : memref<128xi32, #tpu.memory_space<vmem>>) semaphore(%arg8 : memref<!tpu.dma_semaphore, #tpu.memory_space<semaphore_mem>>)
      %sub3A_958 = arith.constant 1 : i32
      %sub3A_959 = arith.subi %add3A_907, %sub3A_958 : i32
      %dma_wait3A_960 = arith.constant 5 : i32
      %dma_wait3A_961 = arith.constant 1 : i32
      %dma_wait3A_962 = arith.constant 2 : i32
      %dma_wait3A_963 = arith.constant 0 : i32
      %dma_wait3A_964 = arith.constant 0 : i32
      %dma_wait3A_965 = tpu.memref_slice %arg7[%dma_wait3A_962, %dma_wait3A_963, %dma_wait3A_964] : memref<3x128x128xf32, #tpu.memory_space<vmem>> -> memref<1x128x128xf32, #tpu.memory_space<vmem>>
      %dma_wait3A_966 = tpu.memref_squeeze %dma_wait3A_965 : memref<1x128x128xf32, #tpu.memory_space<vmem>> -> memref<128x128xf32, #tpu.memory_space<vmem>>
      %dma_wait3A_967 = arith.constant 0 : i32
      %dma_wait3A_968 = tpu.memref_slice %arg6[%dma_wait3A_960, %dma_wait3A_961, %dma_wait3A_967] : memref<6x2x128xi32, #tpu.memory_space<vmem>> -> memref<1x1x128xi32, #tpu.memory_space<vmem>>
      %dma_wait3A_969 = tpu.memref_squeeze %dma_wait3A_968 : memref<1x1x128xi32, #tpu.memory_space<vmem>> -> memref<128xi32, #tpu.memory_space<vmem>>
      %dma_wait3A_970 = arith.constant 0 : i32
      %dma_wait3A_971 = arith.constant 0 : i32
      %dma_wait3A_972 = tpu.memref_slice %arg2[%dma_wait3A_970, %dma_wait3A_971] : memref<10000x128xf32, #tpu.memory_space<hbm>> -> memref<10000x128xf32, #tpu.memory_space<hbm>>
      tpu.wait_indirect_dma semaphore(%arg10 : memref<!tpu.dma_semaphore, #tpu.memory_space<semaphore_mem>>) src(%dma_wait3A_972 : memref<10000x128xf32, #tpu.memory_space<hbm>>) dst(%dma_wait3A_966 : memref<128x128xf32, #tpu.memory_space<vmem>>)
      %sub3A_973 = arith.constant 1 : i32
      %sub3A_974 = arith.subi %add3A_907, %sub3A_973 : i32
      %dma_start3A_975 = arith.constant 2 : i32
      %dma_start3A_976 = arith.constant 5 : i32
      %dma_start3A_977 = arith.constant 0 : i32
      %dma_start3A_978 = arith.constant 0 : i32
      %dma_start3A_979 = arith.constant 0 : i32
      %dma_start3A_980 = tpu.memref_slice %arg7[%dma_start3A_975, %dma_start3A_978, %dma_start3A_979] : memref<3x128x128xf32, #tpu.memory_space<vmem>> -> memref<1x128x128xf32, #tpu.memory_space<vmem>>
      %dma_start3A_981 = tpu.memref_squeeze %dma_start3A_980 : memref<1x128x128xf32, #tpu.memory_space<vmem>> -> memref<128x128xf32, #tpu.memory_space<vmem>>
      %dma_start3A_982 = arith.constant 0 : i32
      %dma_start3A_983 = tpu.memref_slice %arg6[%dma_start3A_976, %dma_start3A_977, %dma_start3A_982] : memref<6x2x128xi32, #tpu.memory_space<vmem>> -> memref<1x1x128xi32, #tpu.memory_space<vmem>>
      %dma_start3A_984 = tpu.memref_squeeze %dma_start3A_983 : memref<1x1x128xi32, #tpu.memory_space<vmem>> -> memref<128xi32, #tpu.memory_space<vmem>>
      %dma_start3A_985 = arith.constant 0 : i32
      %dma_start3A_986 = arith.constant 0 : i32
      %dma_start3A_987 = tpu.memref_slice %arg5[%dma_start3A_985, %dma_start3A_986] : memref<10016x128xf32, #tpu.memory_space<vmem_shared>> -> memref<10016x128xf32, #tpu.memory_space<vmem_shared>>
      tpu.enqueue_indirect_dma source(%dma_start3A_981 : memref<128x128xf32, #tpu.memory_space<vmem>>) target(%dma_start3A_987 : memref<10016x128xf32, #tpu.memory_space<vmem_shared>>) offsets(%dma_start3A_984 : memref<128xi32, #tpu.memory_space<vmem>>) semaphore(%arg13 : memref<!tpu.dma_semaphore, #tpu.memory_space<semaphore_mem>>) {add = true}
      %sub3A_988 = arith.constant 1 : i32
      %sub3A_989 = arith.subi %add3A_907, %sub3A_988 : i32
      %dma_wait3A_990 = arith.constant 1 : i32
      %dma_wait3A_991 = arith.constant 5 : i32
      %dma_wait3A_992 = arith.constant 1 : i32
      %dma_wait3A_993 = arith.constant 0 : i32
      %dma_wait3A_994 = arith.constant 0 : i32
      %dma_wait3A_995 = tpu.memref_slice %arg7[%dma_wait3A_990, %dma_wait3A_993, %dma_wait3A_994] : memref<3x128x128xf32, #tpu.memory_space<vmem>> -> memref<1x128x128xf32, #tpu.memory_space<vmem>>
      %dma_wait3A_996 = tpu.memref_squeeze %dma_wait3A_995 : memref<1x128x128xf32, #tpu.memory_space<vmem>> -> memref<128x128xf32, #tpu.memory_space<vmem>>
      %dma_wait3A_997 = arith.constant 0 : i32
      %dma_wait3A_998 = tpu.memref_slice %arg6[%dma_wait3A_991, %dma_wait3A_992, %dma_wait3A_997] : memref<6x2x128xi32, #tpu.memory_space<vmem>> -> memref<1x1x128xi32, #tpu.memory_space<vmem>>
      %dma_wait3A_999 = tpu.memref_squeeze %dma_wait3A_998 : memref<1x1x128xi32, #tpu.memory_space<vmem>> -> memref<128xi32, #tpu.memory_space<vmem>>
      %dma_wait3A_1000 = arith.constant 0 : i32
      %dma_wait3A_1001 = arith.constant 0 : i32
      %dma_wait3A_1002 = tpu.memref_slice %arg5[%dma_wait3A_1000, %dma_wait3A_1001] : memref<10016x128xf32, #tpu.memory_space<vmem_shared>> -> memref<10016x128xf32, #tpu.memory_space<vmem_shared>>
      tpu.wait_indirect_dma semaphore(%arg12 : memref<!tpu.dma_semaphore, #tpu.memory_space<semaphore_mem>>) src(%dma_wait3A_996 : memref<128x128xf32, #tpu.memory_space<vmem>>) dst(%dma_wait3A_1002 : memref<10016x128xf32, #tpu.memory_space<vmem_shared>>)
      %dma_start3A_1003 = arith.constant 0 : i32
      %dma_start3A_1004 = arith.constant 1 : i32
      %dma_start3A_1005 = arith.constant 1 : i32
      %dma_start3A_1006 = arith.constant 0 : i32
      %dma_start3A_1007 = arith.constant 0 : i32
      %dma_start3A_1008 = tpu.memref_slice %arg7[%dma_start3A_1005, %dma_start3A_1006, %dma_start3A_1007] : memref<3x128x128xf32, #tpu.memory_space<vmem>> -> memref<1x128x128xf32, #tpu.memory_space<vmem>>
      %dma_start3A_1009 = tpu.memref_squeeze %dma_start3A_1008 : memref<1x128x128xf32, #tpu.memory_space<vmem>> -> memref<128x128xf32, #tpu.memory_space<vmem>>
      %dma_start3A_1010 = arith.constant 0 : i32
      %dma_start3A_1011 = tpu.memref_slice %arg6[%dma_start3A_1003, %dma_start3A_1004, %dma_start3A_1010] : memref<6x2x128xi32, #tpu.memory_space<vmem>> -> memref<1x1x128xi32, #tpu.memory_space<vmem>>
      %dma_start3A_1012 = tpu.memref_squeeze %dma_start3A_1011 : memref<1x1x128xi32, #tpu.memory_space<vmem>> -> memref<128xi32, #tpu.memory_space<vmem>>
      %dma_start3A_1013 = arith.constant 0 : i32
      %dma_start3A_1014 = arith.constant 0 : i32
      %dma_start3A_1015 = tpu.memref_slice %arg2[%dma_start3A_1013, %dma_start3A_1014] : memref<10000x128xf32, #tpu.memory_space<hbm>> -> memref<10000x128xf32, #tpu.memory_space<hbm>>
      tpu.enqueue_indirect_dma source(%dma_start3A_1015 : memref<10000x128xf32, #tpu.memory_space<hbm>>) target(%dma_start3A_1009 : memref<128x128xf32, #tpu.memory_space<vmem>>) offsets(%dma_start3A_1012 : memref<128xi32, #tpu.memory_space<vmem>>) semaphore(%arg9 : memref<!tpu.dma_semaphore, #tpu.memory_space<semaphore_mem>>)
      %dma_wait3A_1016 = arith.constant 0 : i32
      %dma_wait3A_1017 = arith.constant 0 : i32
      %dma_wait3A_1018 = arith.constant 0 : i32
      %dma_wait3A_1019 = arith.constant 0 : i32
      %dma_wait3A_1020 = arith.constant 0 : i32
      %dma_wait3A_1021 = tpu.memref_slice %arg7[%dma_wait3A_1018, %dma_wait3A_1019, %dma_wait3A_1020] : memref<3x128x128xf32, #tpu.memory_space<vmem>> -> memref<1x128x128xf32, #tpu.memory_space<vmem>>
      %dma_wait3A_1022 = tpu.memref_squeeze %dma_wait3A_1021 : memref<1x128x128xf32, #tpu.memory_space<vmem>> -> memref<128x128xf32, #tpu.memory_space<vmem>>
      %dma_wait3A_1023 = arith.constant 0 : i32
      %dma_wait3A_1024 = tpu.memref_slice %arg6[%dma_wait3A_1016, %dma_wait3A_1017, %dma_wait3A_1023] : memref<6x2x128xi32, #tpu.memory_space<vmem>> -> memref<1x1x128xi32, #tpu.memory_space<vmem>>
      %dma_wait3A_1025 = tpu.memref_squeeze %dma_wait3A_1024 : memref<1x1x128xi32, #tpu.memory_space<vmem>> -> memref<128xi32, #tpu.memory_space<vmem>>
      %dma_wait3A_1026 = arith.constant 0 : i32
      %dma_wait3A_1027 = arith.constant 0 : i32
      %dma_wait3A_1028 = tpu.memref_slice %arg2[%dma_wait3A_1026, %dma_wait3A_1027] : memref<10000x128xf32, #tpu.memory_space<hbm>> -> memref<10000x128xf32, #tpu.memory_space<hbm>>
      tpu.wait_indirect_dma semaphore(%arg8 : memref<!tpu.dma_semaphore, #tpu.memory_space<semaphore_mem>>) src(%dma_wait3A_1028 : memref<10000x128xf32, #tpu.memory_space<hbm>>) dst(%dma_wait3A_1022 : memref<128x128xf32, #tpu.memory_space<vmem>>)
      %dma_start3A_1029 = arith.constant 0 : i32
      %dma_start3A_1030 = arith.constant 0 : i32
      %dma_start3A_1031 = arith.constant 1 : i32
      %dma_start3A_1032 = arith.constant 0 : i32
      %dma_start3A_1033 = arith.constant 0 : i32
      %dma_start3A_1034 = tpu.memref_slice %arg7[%dma_start3A_1029, %dma_start3A_1032, %dma_start3A_1033] : memref<3x128x128xf32, #tpu.memory_space<vmem>> -> memref<1x128x128xf32, #tpu.memory_space<vmem>>
      %dma_start3A_1035 = tpu.memref_squeeze %dma_start3A_1034 : memref<1x128x128xf32, #tpu.memory_space<vmem>> -> memref<128x128xf32, #tpu.memory_space<vmem>>
      %dma_start3A_1036 = arith.constant 0 : i32
      %dma_start3A_1037 = tpu.memref_slice %arg6[%dma_start3A_1030, %dma_start3A_1031, %dma_start3A_1036] : memref<6x2x128xi32, #tpu.memory_space<vmem>> -> memref<1x1x128xi32, #tpu.memory_space<vmem>>
      %dma_start3A_1038 = tpu.memref_squeeze %dma_start3A_1037 : memref<1x1x128xi32, #tpu.memory_space<vmem>> -> memref<128xi32, #tpu.memory_space<vmem>>
      %dma_start3A_1039 = arith.constant 0 : i32
      %dma_start3A_1040 = arith.constant 0 : i32
      %dma_start3A_1041 = tpu.memref_slice %arg5[%dma_start3A_1039, %dma_start3A_1040] : memref<10016x128xf32, #tpu.memory_space<vmem_shared>> -> memref<10016x128xf32, #tpu.memory_space<vmem_shared>>
      tpu.enqueue_indirect_dma source(%dma_start3A_1035 : memref<128x128xf32, #tpu.memory_space<vmem>>) target(%dma_start3A_1041 : memref<10016x128xf32, #tpu.memory_space<vmem_shared>>) offsets(%dma_start3A_1038 : memref<128xi32, #tpu.memory_space<vmem>>) semaphore(%arg11 : memref<!tpu.dma_semaphore, #tpu.memory_space<semaphore_mem>>) {add = true}
      %add3A_1042 = arith.constant 5 : i32
      %add3A_1043 = arith.addi %add3A_361, %add3A_1042 : i32
      %sub3A_1044 = arith.constant 2 : i32
      %sub3A_1045 = arith.subi %add3A_1043, %sub3A_1044 : i32
      %dma_wait3A_1046 = arith.constant 2 : i32
      %dma_wait3A_1047 = arith.constant 5 : i32
      %dma_wait3A_1048 = arith.constant 0 : i32
      %dma_wait3A_1049 = arith.constant 0 : i32
      %dma_wait3A_1050 = arith.constant 0 : i32
      %dma_wait3A_1051 = tpu.memref_slice %arg7[%dma_wait3A_1046, %dma_wait3A_1049, %dma_wait3A_1050] : memref<3x128x128xf32, #tpu.memory_space<vmem>> -> memref<1x128x128xf32, #tpu.memory_space<vmem>>
      %dma_wait3A_1052 = tpu.memref_squeeze %dma_wait3A_1051 : memref<1x128x128xf32, #tpu.memory_space<vmem>> -> memref<128x128xf32, #tpu.memory_space<vmem>>
      %dma_wait3A_1053 = arith.constant 0 : i32
      %dma_wait3A_1054 = tpu.memref_slice %arg6[%dma_wait3A_1047, %dma_wait3A_1048, %dma_wait3A_1053] : memref<6x2x128xi32, #tpu.memory_space<vmem>> -> memref<1x1x128xi32, #tpu.memory_space<vmem>>
      %dma_wait3A_1055 = tpu.memref_squeeze %dma_wait3A_1054 : memref<1x1x128xi32, #tpu.memory_space<vmem>> -> memref<128xi32, #tpu.memory_space<vmem>>
      %dma_wait3A_1056 = arith.constant 0 : i32
      %dma_wait3A_1057 = arith.constant 0 : i32
      %dma_wait3A_1058 = tpu.memref_slice %arg5[%dma_wait3A_1056, %dma_wait3A_1057] : memref<10016x128xf32, #tpu.memory_space<vmem_shared>> -> memref<10016x128xf32, #tpu.memory_space<vmem_shared>>
      tpu.wait_indirect_dma semaphore(%arg13 : memref<!tpu.dma_semaphore, #tpu.memory_space<semaphore_mem>>) src(%dma_wait3A_1052 : memref<128x128xf32, #tpu.memory_space<vmem>>) dst(%dma_wait3A_1058 : memref<10016x128xf32, #tpu.memory_space<vmem_shared>>)
      %add3A_1059 = arith.addi %select_n3A, %add3A_1043 : i32
      %mul3A_1060 = arith.constant 128 : i32
      %mul3A_1061 = arith.muli %mul3A_1060, %add3A_1059 : i32
      %dma_wait3A_1062 = arith.constant 1 : i32
      %dma_wait3A_1063 = arith.constant 0 : i32
      %dma_wait3A_1064 = arith.constant 0 : i32
      %dma_wait3A_1065 = tpu.memref_slice %arg6[%dma_wait3A_1062, %dma_wait3A_1063, %dma_wait3A_1064] : memref<6x2x128xi32, #tpu.memory_space<vmem>> -> memref<1x2x128xi32, #tpu.memory_space<vmem>>
      %dma_wait3A_1066 = tpu.memref_squeeze %dma_wait3A_1065 : memref<1x2x128xi32, #tpu.memory_space<vmem>> -> memref<2x128xi32, #tpu.memory_space<vmem>>
      %dma_wait3A_1067 = arith.constant 0 : i32
      %dma_wait3A_1068 = tpu.memref_slice %arg3[%dma_wait3A_1067, %mul3A_1061] : memref<2x320000xi32, #tpu.memory_space<hbm>> -> memref<2x128xi32, #tpu.memory_space<hbm>>
      %dma_wait3A_1069 = arith.constant 0 : i32
      %dma_wait3A_1070 = arith.constant 0 : i32
      %dma_wait3A_1071 = tpu.memref_slice %arg6[%dma_wait3A_1062, %dma_wait3A_1069, %dma_wait3A_1070] : memref<6x2x128xi32, #tpu.memory_space<vmem>> -> memref<1x2x128xi32, #tpu.memory_space<vmem>>
      %dma_wait3A_1072 = tpu.memref_squeeze %dma_wait3A_1071 : memref<1x2x128xi32, #tpu.memory_space<vmem>> -> memref<2x128xi32, #tpu.memory_space<vmem>>
      %dma_wait3A_1073 = arith.constant 0 : i32
      %dma_wait3A_1074 = tpu.memref_slice %arg3[%dma_wait3A_1073, %mul3A_1061] : memref<2x320000xi32, #tpu.memory_space<hbm>> -> memref<2x128xi32, #tpu.memory_space<hbm>>
      tpu.wait_dma2 semaphore(%arg15 : memref<!tpu.dma_semaphore, #tpu.memory_space<semaphore_mem>>) src(%dma_wait3A_1074 : memref<2x128xi32, #tpu.memory_space<hbm>>) dst(%dma_wait3A_1072 : memref<2x128xi32, #tpu.memory_space<vmem>>)
      %mul3A_1075 = arith.constant 6 : i32
      %mul3A_1076 = arith.muli %mul3A_1075, %select_n3A_11 : i32
      %lt3A_1077 = arith.cmpi slt, %add3A_1043, %mul3A_1076 : i32
      %convert_element_type3A_1078 = arith.extui %lt3A_1077 : i1 to i32
      %cond3A_1079 = arith.constant 0 : i32
      %cond3A_1080 = arith.cmpi ne, %convert_element_type3A_1078, %cond3A_1079 : i32
      scf.if %cond3A_1080 {
        %add3A_1178 = arith.constant 2 : i32
        %add3A_1179 = arith.addi %add3A_1043, %add3A_1178 : i32
        %add3A_1180 = arith.addi %select_n3A, %add3A_1179 : i32
        %mul3A_1181 = arith.constant 128 : i32
        %mul3A_1182 = arith.muli %mul3A_1181, %add3A_1180 : i32
        %dma_start3A_1183 = arith.constant 3 : i32
        %dma_start3A_1184 = arith.constant 0 : i32
        %dma_start3A_1185 = arith.constant 0 : i32
        %dma_start3A_1186 = tpu.memref_slice %arg6[%dma_start3A_1183, %dma_start3A_1184, %dma_start3A_1185] : memref<6x2x128xi32, #tpu.memory_space<vmem>> -> memref<1x2x128xi32, #tpu.memory_space<vmem>>
        %dma_start3A_1187 = tpu.memref_squeeze %dma_start3A_1186 : memref<1x2x128xi32, #tpu.memory_space<vmem>> -> memref<2x128xi32, #tpu.memory_space<vmem>>
        %dma_start3A_1188 = arith.constant 0 : i32
        %dma_start3A_1189 = tpu.memref_slice %arg3[%dma_start3A_1188, %mul3A_1182] : memref<2x320000xi32, #tpu.memory_space<hbm>> -> memref<2x128xi32, #tpu.memory_space<hbm>>
        %dma_start3A_1190 = arith.constant 0 : i32
        %dma_start3A_1191 = arith.constant 0 : i32
        %dma_start3A_1192 = tpu.memref_slice %arg6[%dma_start3A_1183, %dma_start3A_1190, %dma_start3A_1191] : memref<6x2x128xi32, #tpu.memory_space<vmem>> -> memref<1x2x128xi32, #tpu.memory_space<vmem>>
        %dma_start3A_1193 = tpu.memref_squeeze %dma_start3A_1192 : memref<1x2x128xi32, #tpu.memory_space<vmem>> -> memref<2x128xi32, #tpu.memory_space<vmem>>
        %dma_start3A_1194 = arith.constant 0 : i32
        %dma_start3A_1195 = tpu.memref_slice %arg3[%dma_start3A_1194, %mul3A_1182] : memref<2x320000xi32, #tpu.memory_space<hbm>> -> memref<2x128xi32, #tpu.memory_space<hbm>>
        tpu.enqueue_dma source(%dma_start3A_1195 : memref<2x128xi32, #tpu.memory_space<hbm>>) target(%dma_start3A_1193 : memref<2x128xi32, #tpu.memory_space<vmem>>) target_semaphore(%arg17 : memref<!tpu.dma_semaphore, #tpu.memory_space<semaphore_mem>>)
      } else {
      }
      %dma_start3A_1081 = arith.constant 1 : i32
      %dma_start3A_1082 = arith.constant 0 : i32
      %dma_start3A_1083 = arith.constant 2 : i32
      %dma_start3A_1084 = arith.constant 0 : i32
      %dma_start3A_1085 = arith.constant 0 : i32
      %dma_start3A_1086 = tpu.memref_slice %arg7[%dma_start3A_1083, %dma_start3A_1084, %dma_start3A_1085] : memref<3x128x128xf32, #tpu.memory_space<vmem>> -> memref<1x128x128xf32, #tpu.memory_space<vmem>>
      %dma_start3A_1087 = tpu.memref_squeeze %dma_start3A_1086 : memref<1x128x128xf32, #tpu.memory_space<vmem>> -> memref<128x128xf32, #tpu.memory_space<vmem>>
      %dma_start3A_1088 = arith.constant 0 : i32
      %dma_start3A_1089 = tpu.memref_slice %arg6[%dma_start3A_1081, %dma_start3A_1082, %dma_start3A_1088] : memref<6x2x128xi32, #tpu.memory_space<vmem>> -> memref<1x1x128xi32, #tpu.memory_space<vmem>>
      %dma_start3A_1090 = tpu.memref_squeeze %dma_start3A_1089 : memref<1x1x128xi32, #tpu.memory_space<vmem>> -> memref<128xi32, #tpu.memory_space<vmem>>
      %dma_start3A_1091 = arith.constant 0 : i32
      %dma_start3A_1092 = arith.constant 0 : i32
      %dma_start3A_1093 = tpu.memref_slice %arg2[%dma_start3A_1091, %dma_start3A_1092] : memref<10000x128xf32, #tpu.memory_space<hbm>> -> memref<10000x128xf32, #tpu.memory_space<hbm>>
      tpu.enqueue_indirect_dma source(%dma_start3A_1093 : memref<10000x128xf32, #tpu.memory_space<hbm>>) target(%dma_start3A_1087 : memref<128x128xf32, #tpu.memory_space<vmem>>) offsets(%dma_start3A_1090 : memref<128xi32, #tpu.memory_space<vmem>>) semaphore(%arg10 : memref<!tpu.dma_semaphore, #tpu.memory_space<semaphore_mem>>)
      %sub3A_1094 = arith.constant 1 : i32
      %sub3A_1095 = arith.subi %add3A_1043, %sub3A_1094 : i32
      %dma_wait3A_1096 = arith.constant 0 : i32
      %dma_wait3A_1097 = arith.constant 1 : i32
      %dma_wait3A_1098 = arith.constant 1 : i32
      %dma_wait3A_1099 = arith.constant 0 : i32
      %dma_wait3A_1100 = arith.constant 0 : i32
      %dma_wait3A_1101 = tpu.memref_slice %arg7[%dma_wait3A_1098, %dma_wait3A_1099, %dma_wait3A_1100] : memref<3x128x128xf32, #tpu.memory_space<vmem>> -> memref<1x128x128xf32, #tpu.memory_space<vmem>>
      %dma_wait3A_1102 = tpu.memref_squeeze %dma_wait3A_1101 : memref<1x128x128xf32, #tpu.memory_space<vmem>> -> memref<128x128xf32, #tpu.memory_space<vmem>>
      %dma_wait3A_1103 = arith.constant 0 : i32
      %dma_wait3A_1104 = tpu.memref_slice %arg6[%dma_wait3A_1096, %dma_wait3A_1097, %dma_wait3A_1103] : memref<6x2x128xi32, #tpu.memory_space<vmem>> -> memref<1x1x128xi32, #tpu.memory_space<vmem>>
      %dma_wait3A_1105 = tpu.memref_squeeze %dma_wait3A_1104 : memref<1x1x128xi32, #tpu.memory_space<vmem>> -> memref<128xi32, #tpu.memory_space<vmem>>
      %dma_wait3A_1106 = arith.constant 0 : i32
      %dma_wait3A_1107 = arith.constant 0 : i32
      %dma_wait3A_1108 = tpu.memref_slice %arg2[%dma_wait3A_1106, %dma_wait3A_1107] : memref<10000x128xf32, #tpu.memory_space<hbm>> -> memref<10000x128xf32, #tpu.memory_space<hbm>>
      tpu.wait_indirect_dma semaphore(%arg9 : memref<!tpu.dma_semaphore, #tpu.memory_space<semaphore_mem>>) src(%dma_wait3A_1108 : memref<10000x128xf32, #tpu.memory_space<hbm>>) dst(%dma_wait3A_1102 : memref<128x128xf32, #tpu.memory_space<vmem>>)
      %sub3A_1109 = arith.constant 1 : i32
      %sub3A_1110 = arith.subi %add3A_1043, %sub3A_1109 : i32
      %dma_start3A_1111 = arith.constant 1 : i32
      %dma_start3A_1112 = arith.constant 0 : i32
      %dma_start3A_1113 = arith.constant 0 : i32
      %dma_start3A_1114 = arith.constant 0 : i32
      %dma_start3A_1115 = arith.constant 0 : i32
      %dma_start3A_1116 = tpu.memref_slice %arg7[%dma_start3A_1111, %dma_start3A_1114, %dma_start3A_1115] : memref<3x128x128xf32, #tpu.memory_space<vmem>> -> memref<1x128x128xf32, #tpu.memory_space<vmem>>
      %dma_start3A_1117 = tpu.memref_squeeze %dma_start3A_1116 : memref<1x128x128xf32, #tpu.memory_space<vmem>> -> memref<128x128xf32, #tpu.memory_space<vmem>>
      %dma_start3A_1118 = arith.constant 0 : i32
      %dma_start3A_1119 = tpu.memref_slice %arg6[%dma_start3A_1112, %dma_start3A_1113, %dma_start3A_1118] : memref<6x2x128xi32, #tpu.memory_space<vmem>> -> memref<1x1x128xi32, #tpu.memory_space<vmem>>
      %dma_start3A_1120 = tpu.memref_squeeze %dma_start3A_1119 : memref<1x1x128xi32, #tpu.memory_space<vmem>> -> memref<128xi32, #tpu.memory_space<vmem>>
      %dma_start3A_1121 = arith.constant 0 : i32
      %dma_start3A_1122 = arith.constant 0 : i32
      %dma_start3A_1123 = tpu.memref_slice %arg5[%dma_start3A_1121, %dma_start3A_1122] : memref<10016x128xf32, #tpu.memory_space<vmem_shared>> -> memref<10016x128xf32, #tpu.memory_space<vmem_shared>>
      tpu.enqueue_indirect_dma source(%dma_start3A_1117 : memref<128x128xf32, #tpu.memory_space<vmem>>) target(%dma_start3A_1123 : memref<10016x128xf32, #tpu.memory_space<vmem_shared>>) offsets(%dma_start3A_1120 : memref<128xi32, #tpu.memory_space<vmem>>) semaphore(%arg12 : memref<!tpu.dma_semaphore, #tpu.memory_space<semaphore_mem>>) {add = true}
      %sub3A_1124 = arith.constant 1 : i32
      %sub3A_1125 = arith.subi %add3A_1043, %sub3A_1124 : i32
      %dma_wait3A_1126 = arith.constant 0 : i32
      %dma_wait3A_1127 = arith.constant 0 : i32
      %dma_wait3A_1128 = arith.constant 1 : i32
      %dma_wait3A_1129 = arith.constant 0 : i32
      %dma_wait3A_1130 = arith.constant 0 : i32
      %dma_wait3A_1131 = tpu.memref_slice %arg7[%dma_wait3A_1126, %dma_wait3A_1129, %dma_wait3A_1130] : memref<3x128x128xf32, #tpu.memory_space<vmem>> -> memref<1x128x128xf32, #tpu.memory_space<vmem>>
      %dma_wait3A_1132 = tpu.memref_squeeze %dma_wait3A_1131 : memref<1x128x128xf32, #tpu.memory_space<vmem>> -> memref<128x128xf32, #tpu.memory_space<vmem>>
      %dma_wait3A_1133 = arith.constant 0 : i32
      %dma_wait3A_1134 = tpu.memref_slice %arg6[%dma_wait3A_1127, %dma_wait3A_1128, %dma_wait3A_1133] : memref<6x2x128xi32, #tpu.memory_space<vmem>> -> memref<1x1x128xi32, #tpu.memory_space<vmem>>
      %dma_wait3A_1135 = tpu.memref_squeeze %dma_wait3A_1134 : memref<1x1x128xi32, #tpu.memory_space<vmem>> -> memref<128xi32, #tpu.memory_space<vmem>>
      %dma_wait3A_1136 = arith.constant 0 : i32
      %dma_wait3A_1137 = arith.constant 0 : i32
      %dma_wait3A_1138 = tpu.memref_slice %arg5[%dma_wait3A_1136, %dma_wait3A_1137] : memref<10016x128xf32, #tpu.memory_space<vmem_shared>> -> memref<10016x128xf32, #tpu.memory_space<vmem_shared>>
      tpu.wait_indirect_dma semaphore(%arg11 : memref<!tpu.dma_semaphore, #tpu.memory_space<semaphore_mem>>) src(%dma_wait3A_1132 : memref<128x128xf32, #tpu.memory_space<vmem>>) dst(%dma_wait3A_1138 : memref<10016x128xf32, #tpu.memory_space<vmem_shared>>)
      %dma_start3A_1139 = arith.constant 1 : i32
      %dma_start3A_1140 = arith.constant 1 : i32
      %dma_start3A_1141 = arith.constant 0 : i32
      %dma_start3A_1142 = arith.constant 0 : i32
      %dma_start3A_1143 = arith.constant 0 : i32
      %dma_start3A_1144 = tpu.memref_slice %arg7[%dma_start3A_1141, %dma_start3A_1142, %dma_start3A_1143] : memref<3x128x128xf32, #tpu.memory_space<vmem>> -> memref<1x128x128xf32, #tpu.memory_space<vmem>>
      %dma_start3A_1145 = tpu.memref_squeeze %dma_start3A_1144 : memref<1x128x128xf32, #tpu.memory_space<vmem>> -> memref<128x128xf32, #tpu.memory_space<vmem>>
      %dma_start3A_1146 = arith.constant 0 : i32
      %dma_start3A_1147 = tpu.memref_slice %arg6[%dma_start3A_1139, %dma_start3A_1140, %dma_start3A_1146] : memref<6x2x128xi32, #tpu.memory_space<vmem>> -> memref<1x1x128xi32, #tpu.memory_space<vmem>>
      %dma_start3A_1148 = tpu.memref_squeeze %dma_start3A_1147 : memref<1x1x128xi32, #tpu.memory_space<vmem>> -> memref<128xi32, #tpu.memory_space<vmem>>
      %dma_start3A_1149 = arith.constant 0 : i32
      %dma_start3A_1150 = arith.constant 0 : i32
      %dma_start3A_1151 = tpu.memref_slice %arg2[%dma_start3A_1149, %dma_start3A_1150] : memref<10000x128xf32, #tpu.memory_space<hbm>> -> memref<10000x128xf32, #tpu.memory_space<hbm>>
      tpu.enqueue_indirect_dma source(%dma_start3A_1151 : memref<10000x128xf32, #tpu.memory_space<hbm>>) target(%dma_start3A_1145 : memref<128x128xf32, #tpu.memory_space<vmem>>) offsets(%dma_start3A_1148 : memref<128xi32, #tpu.memory_space<vmem>>) semaphore(%arg8 : memref<!tpu.dma_semaphore, #tpu.memory_space<semaphore_mem>>)
      %dma_wait3A_1152 = arith.constant 1 : i32
      %dma_wait3A_1153 = arith.constant 0 : i32
      %dma_wait3A_1154 = arith.constant 2 : i32
      %dma_wait3A_1155 = arith.constant 0 : i32
      %dma_wait3A_1156 = arith.constant 0 : i32
      %dma_wait3A_1157 = tpu.memref_slice %arg7[%dma_wait3A_1154, %dma_wait3A_1155, %dma_wait3A_1156] : memref<3x128x128xf32, #tpu.memory_space<vmem>> -> memref<1x128x128xf32, #tpu.memory_space<vmem>>
      %dma_wait3A_1158 = tpu.memref_squeeze %dma_wait3A_1157 : memref<1x128x128xf32, #tpu.memory_space<vmem>> -> memref<128x128xf32, #tpu.memory_space<vmem>>
      %dma_wait3A_1159 = arith.constant 0 : i32
      %dma_wait3A_1160 = tpu.memref_slice %arg6[%dma_wait3A_1152, %dma_wait3A_1153, %dma_wait3A_1159] : memref<6x2x128xi32, #tpu.memory_space<vmem>> -> memref<1x1x128xi32, #tpu.memory_space<vmem>>
      %dma_wait3A_1161 = tpu.memref_squeeze %dma_wait3A_1160 : memref<1x1x128xi32, #tpu.memory_space<vmem>> -> memref<128xi32, #tpu.memory_space<vmem>>
      %dma_wait3A_1162 = arith.constant 0 : i32
      %dma_wait3A_1163 = arith.constant 0 : i32
      %dma_wait3A_1164 = tpu.memref_slice %arg2[%dma_wait3A_1162, %dma_wait3A_1163] : memref<10000x128xf32, #tpu.memory_space<hbm>> -> memref<10000x128xf32, #tpu.memory_space<hbm>>
      tpu.wait_indirect_dma semaphore(%arg10 : memref<!tpu.dma_semaphore, #tpu.memory_space<semaphore_mem>>) src(%dma_wait3A_1164 : memref<10000x128xf32, #tpu.memory_space<hbm>>) dst(%dma_wait3A_1158 : memref<128x128xf32, #tpu.memory_space<vmem>>)
      %dma_start3A_1165 = arith.constant 2 : i32
      %dma_start3A_1166 = arith.constant 1 : i32
      %dma_start3A_1167 = arith.constant 1 : i32
      %dma_start3A_1168 = arith.constant 0 : i32
      %dma_start3A_1169 = arith.constant 0 : i32
      %dma_start3A_1170 = tpu.memref_slice %arg7[%dma_start3A_1165, %dma_start3A_1168, %dma_start3A_1169] : memref<3x128x128xf32, #tpu.memory_space<vmem>> -> memref<1x128x128xf32, #tpu.memory_space<vmem>>
      %dma_start3A_1171 = tpu.memref_squeeze %dma_start3A_1170 : memref<1x128x128xf32, #tpu.memory_space<vmem>> -> memref<128x128xf32, #tpu.memory_space<vmem>>
      %dma_start3A_1172 = arith.constant 0 : i32
      %dma_start3A_1173 = tpu.memref_slice %arg6[%dma_start3A_1166, %dma_start3A_1167, %dma_start3A_1172] : memref<6x2x128xi32, #tpu.memory_space<vmem>> -> memref<1x1x128xi32, #tpu.memory_space<vmem>>
      %dma_start3A_1174 = tpu.memref_squeeze %dma_start3A_1173 : memref<1x1x128xi32, #tpu.memory_space<vmem>> -> memref<128xi32, #tpu.memory_space<vmem>>
      %dma_start3A_1175 = arith.constant 0 : i32
      %dma_start3A_1176 = arith.constant 0 : i32
      %dma_start3A_1177 = tpu.memref_slice %arg5[%dma_start3A_1175, %dma_start3A_1176] : memref<10016x128xf32, #tpu.memory_space<vmem_shared>> -> memref<10016x128xf32, #tpu.memory_space<vmem_shared>>
      tpu.enqueue_indirect_dma source(%dma_start3A_1171 : memref<128x128xf32, #tpu.memory_space<vmem>>) target(%dma_start3A_1177 : memref<10016x128xf32, #tpu.memory_space<vmem_shared>>) offsets(%dma_start3A_1174 : memref<128xi32, #tpu.memory_space<vmem>>) semaphore(%arg13 : memref<!tpu.dma_semaphore, #tpu.memory_space<semaphore_mem>>) {add = true}
    }
    %mul3A_276 = arith.constant 6 : i32
    %mul3A_277 = arith.muli %mul3A_276, %select_n3A_11 : i32
    %add3A_278 = arith.constant 1 : i32
    %add3A_279 = arith.addi %mul3A_277, %add3A_278 : i32
    %dma_wait3A_280 = arith.constant 1 : i32
    %dma_wait3A_281 = arith.constant 1 : i32
    %dma_wait3A_282 = arith.constant 0 : i32
    %dma_wait3A_283 = arith.constant 0 : i32
    %dma_wait3A_284 = arith.constant 0 : i32
    %dma_wait3A_285 = tpu.memref_slice %arg7[%dma_wait3A_282, %dma_wait3A_283, %dma_wait3A_284] : memref<3x128x128xf32, #tpu.memory_space<vmem>> -> memref<1x128x128xf32, #tpu.memory_space<vmem>>
    %dma_wait3A_286 = tpu.memref_squeeze %dma_wait3A_285 : memref<1x128x128xf32, #tpu.memory_space<vmem>> -> memref<128x128xf32, #tpu.memory_space<vmem>>
    %dma_wait3A_287 = arith.constant 0 : i32
    %dma_wait3A_288 = tpu.memref_slice %arg6[%dma_wait3A_280, %dma_wait3A_281, %dma_wait3A_287] : memref<6x2x128xi32, #tpu.memory_space<vmem>> -> memref<1x1x128xi32, #tpu.memory_space<vmem>>
    %dma_wait3A_289 = tpu.memref_squeeze %dma_wait3A_288 : memref<1x1x128xi32, #tpu.memory_space<vmem>> -> memref<128xi32, #tpu.memory_space<vmem>>
    %dma_wait3A_290 = arith.constant 0 : i32
    %dma_wait3A_291 = arith.constant 0 : i32
    %dma_wait3A_292 = tpu.memref_slice %arg2[%dma_wait3A_290, %dma_wait3A_291] : memref<10000x128xf32, #tpu.memory_space<hbm>> -> memref<10000x128xf32, #tpu.memory_space<hbm>>
    tpu.wait_indirect_dma semaphore(%arg8 : memref<!tpu.dma_semaphore, #tpu.memory_space<semaphore_mem>>) src(%dma_wait3A_292 : memref<10000x128xf32, #tpu.memory_space<hbm>>) dst(%dma_wait3A_286 : memref<128x128xf32, #tpu.memory_space<vmem>>)
    %dma_start3A_293 = arith.constant 0 : i32
    %dma_start3A_294 = arith.constant 1 : i32
    %dma_start3A_295 = arith.constant 0 : i32
    %dma_start3A_296 = arith.constant 0 : i32
    %dma_start3A_297 = arith.constant 0 : i32
    %dma_start3A_298 = tpu.memref_slice %arg7[%dma_start3A_293, %dma_start3A_296, %dma_start3A_297] : memref<3x128x128xf32, #tpu.memory_space<vmem>> -> memref<1x128x128xf32, #tpu.memory_space<vmem>>
    %dma_start3A_299 = tpu.memref_squeeze %dma_start3A_298 : memref<1x128x128xf32, #tpu.memory_space<vmem>> -> memref<128x128xf32, #tpu.memory_space<vmem>>
    %dma_start3A_300 = arith.constant 0 : i32
    %dma_start3A_301 = tpu.memref_slice %arg6[%dma_start3A_294, %dma_start3A_295, %dma_start3A_300] : memref<6x2x128xi32, #tpu.memory_space<vmem>> -> memref<1x1x128xi32, #tpu.memory_space<vmem>>
    %dma_start3A_302 = tpu.memref_squeeze %dma_start3A_301 : memref<1x1x128xi32, #tpu.memory_space<vmem>> -> memref<128xi32, #tpu.memory_space<vmem>>
    %dma_start3A_303 = arith.constant 0 : i32
    %dma_start3A_304 = arith.constant 0 : i32
    %dma_start3A_305 = tpu.memref_slice %arg5[%dma_start3A_303, %dma_start3A_304] : memref<10016x128xf32, #tpu.memory_space<vmem_shared>> -> memref<10016x128xf32, #tpu.memory_space<vmem_shared>>
    tpu.enqueue_indirect_dma source(%dma_start3A_299 : memref<128x128xf32, #tpu.memory_space<vmem>>) target(%dma_start3A_305 : memref<10016x128xf32, #tpu.memory_space<vmem_shared>>) offsets(%dma_start3A_302 : memref<128xi32, #tpu.memory_space<vmem>>) semaphore(%arg11 : memref<!tpu.dma_semaphore, #tpu.memory_space<semaphore_mem>>) {add = true}
    %sub3A = arith.constant 1 : i32
    %sub3A_306 = arith.subi %add3A_279, %sub3A : i32
    %dma_wait3A_307 = arith.constant 1 : i32
    %dma_wait3A_308 = arith.constant 0 : i32
    %dma_wait3A_309 = arith.constant 0 : i32
    %dma_wait3A_310 = arith.constant 0 : i32
    %dma_wait3A_311 = arith.constant 0 : i32
    %dma_wait3A_312 = tpu.memref_slice %arg7[%dma_wait3A_307, %dma_wait3A_310, %dma_wait3A_311] : memref<3x128x128xf32, #tpu.memory_space<vmem>> -> memref<1x128x128xf32, #tpu.memory_space<vmem>>
    %dma_wait3A_313 = tpu.memref_squeeze %dma_wait3A_312 : memref<1x128x128xf32, #tpu.memory_space<vmem>> -> memref<128x128xf32, #tpu.memory_space<vmem>>
    %dma_wait3A_314 = arith.constant 0 : i32
    %dma_wait3A_315 = tpu.memref_slice %arg6[%dma_wait3A_308, %dma_wait3A_309, %dma_wait3A_314] : memref<6x2x128xi32, #tpu.memory_space<vmem>> -> memref<1x1x128xi32, #tpu.memory_space<vmem>>
    %dma_wait3A_316 = tpu.memref_squeeze %dma_wait3A_315 : memref<1x1x128xi32, #tpu.memory_space<vmem>> -> memref<128xi32, #tpu.memory_space<vmem>>
    %dma_wait3A_317 = arith.constant 0 : i32
    %dma_wait3A_318 = arith.constant 0 : i32
    %dma_wait3A_319 = tpu.memref_slice %arg5[%dma_wait3A_317, %dma_wait3A_318] : memref<10016x128xf32, #tpu.memory_space<vmem_shared>> -> memref<10016x128xf32, #tpu.memory_space<vmem_shared>>
    tpu.wait_indirect_dma semaphore(%arg12 : memref<!tpu.dma_semaphore, #tpu.memory_space<semaphore_mem>>) src(%dma_wait3A_313 : memref<128x128xf32, #tpu.memory_space<vmem>>) dst(%dma_wait3A_319 : memref<10016x128xf32, #tpu.memory_space<vmem_shared>>)
    %dma_wait3A_320 = arith.constant 2 : i32
    %dma_wait3A_321 = arith.constant 1 : i32
    %dma_wait3A_322 = arith.constant 1 : i32
    %dma_wait3A_323 = arith.constant 0 : i32
    %dma_wait3A_324 = arith.constant 0 : i32
    %dma_wait3A_325 = tpu.memref_slice %arg7[%dma_wait3A_320, %dma_wait3A_323, %dma_wait3A_324] : memref<3x128x128xf32, #tpu.memory_space<vmem>> -> memref<1x128x128xf32, #tpu.memory_space<vmem>>
    %dma_wait3A_326 = tpu.memref_squeeze %dma_wait3A_325 : memref<1x128x128xf32, #tpu.memory_space<vmem>> -> memref<128x128xf32, #tpu.memory_space<vmem>>
    %dma_wait3A_327 = arith.constant 0 : i32
    %dma_wait3A_328 = tpu.memref_slice %arg6[%dma_wait3A_321, %dma_wait3A_322, %dma_wait3A_327] : memref<6x2x128xi32, #tpu.memory_space<vmem>> -> memref<1x1x128xi32, #tpu.memory_space<vmem>>
    %dma_wait3A_329 = tpu.memref_squeeze %dma_wait3A_328 : memref<1x1x128xi32, #tpu.memory_space<vmem>> -> memref<128xi32, #tpu.memory_space<vmem>>
    %dma_wait3A_330 = arith.constant 0 : i32
    %dma_wait3A_331 = arith.constant 0 : i32
    %dma_wait3A_332 = tpu.memref_slice %arg5[%dma_wait3A_330, %dma_wait3A_331] : memref<10016x128xf32, #tpu.memory_space<vmem_shared>> -> memref<10016x128xf32, #tpu.memory_space<vmem_shared>>
    tpu.wait_indirect_dma semaphore(%arg13 : memref<!tpu.dma_semaphore, #tpu.memory_space<semaphore_mem>>) src(%dma_wait3A_326 : memref<128x128xf32, #tpu.memory_space<vmem>>) dst(%dma_wait3A_332 : memref<10016x128xf32, #tpu.memory_space<vmem_shared>>)
    %dma_wait3A_333 = arith.constant 0 : i32
    %dma_wait3A_334 = arith.constant 1 : i32
    %dma_wait3A_335 = arith.constant 0 : i32
    %dma_wait3A_336 = arith.constant 0 : i32
    %dma_wait3A_337 = arith.constant 0 : i32
    %dma_wait3A_338 = tpu.memref_slice %arg7[%dma_wait3A_333, %dma_wait3A_336, %dma_wait3A_337] : memref<3x128x128xf32, #tpu.memory_space<vmem>> -> memref<1x128x128xf32, #tpu.memory_space<vmem>>
    %dma_wait3A_339 = tpu.memref_squeeze %dma_wait3A_338 : memref<1x128x128xf32, #tpu.memory_space<vmem>> -> memref<128x128xf32, #tpu.memory_space<vmem>>
    %dma_wait3A_340 = arith.constant 0 : i32
    %dma_wait3A_341 = tpu.memref_slice %arg6[%dma_wait3A_334, %dma_wait3A_335, %dma_wait3A_340] : memref<6x2x128xi32, #tpu.memory_space<vmem>> -> memref<1x1x128xi32, #tpu.memory_space<vmem>>
    %dma_wait3A_342 = tpu.memref_squeeze %dma_wait3A_341 : memref<1x1x128xi32, #tpu.memory_space<vmem>> -> memref<128xi32, #tpu.memory_space<vmem>>
    %dma_wait3A_343 = arith.constant 0 : i32
    %dma_wait3A_344 = arith.constant 0 : i32
    %dma_wait3A_345 = tpu.memref_slice %arg5[%dma_wait3A_343, %dma_wait3A_344] : memref<10016x128xf32, #tpu.memory_space<vmem_shared>> -> memref<10016x128xf32, #tpu.memory_space<vmem_shared>>
    tpu.wait_indirect_dma semaphore(%arg11 : memref<!tpu.dma_semaphore, #tpu.memory_space<semaphore_mem>>) src(%dma_wait3A_339 : memref<128x128xf32, #tpu.memory_space<vmem>>) dst(%dma_wait3A_345 : memref<10016x128xf32, #tpu.memory_space<vmem_shared>>)
    %barrier3A_346 = arith.constant 0 : index
    tpu.barrier barrier_id(%barrier3A_346)
    %lt3A_347 = arith.constant 15 : i32
    %lt3A_348 = arith.cmpi slt, %arg1, %lt3A_347 : i32
    %convert_element_type3A_349 = arith.extui %lt3A_348 : i1 to i32
    %cond3A_350 = arith.constant 0 : i32
    %cond3A_351 = arith.cmpi ne, %convert_element_type3A_349, %cond3A_350 : i32
    scf.if %cond3A_351 {
      %mul3A_357 = arith.constant 632 : i32
      %mul3A_358 = arith.muli %arg1, %mul3A_357 : i32
      %mul3A_359 = arith.constant 632 : i32
      %mul3A_360 = arith.muli %arg1, %mul3A_359 : i32
      "tpu.region"() ({
        %run_scoped3A = tpu.sem_alloc : memref<!tpu.dma_semaphore, #tpu.memory_space<semaphore_mem>>
        %dma_start3A_361 = arith.constant 0 : i32
        %dma_start3A_362 = tpu.memref_slice %arg4[%arg0, %mul3A_360, %dma_start3A_361] : memref<2x10016x128xf32, #tpu.memory_space<hbm>> -> memref<1x632x128xf32, #tpu.memory_space<hbm>>
        %dma_start3A_363 = tpu.memref_squeeze %dma_start3A_362 : memref<1x632x128xf32, #tpu.memory_space<hbm>> -> memref<632x128xf32, #tpu.memory_space<hbm>>
        %dma_start3A_364 = arith.constant 0 : i32
        %dma_start3A_365 = tpu.memref_slice %arg5[%mul3A_358, %dma_start3A_364] : memref<10016x128xf32, #tpu.memory_space<vmem_shared>> -> memref<632x128xf32, #tpu.memory_space<vmem_shared>>
        tpu.enqueue_dma source(%dma_start3A_365 : memref<632x128xf32, #tpu.memory_space<vmem_shared>>) target(%dma_start3A_363 : memref<632x128xf32, #tpu.memory_space<hbm>>) target_semaphore(%run_scoped3A : memref<!tpu.dma_semaphore, #tpu.memory_space<semaphore_mem>>)
        %dma_wait3A_366 = arith.constant 0 : i32
        %dma_wait3A_367 = tpu.memref_slice %arg4[%arg0, %mul3A_360, %dma_wait3A_366] : memref<2x10016x128xf32, #tpu.memory_space<hbm>> -> memref<1x632x128xf32, #tpu.memory_space<hbm>>
        %dma_wait3A_368 = tpu.memref_squeeze %dma_wait3A_367 : memref<1x632x128xf32, #tpu.memory_space<hbm>> -> memref<632x128xf32, #tpu.memory_space<hbm>>
        %dma_wait3A_369 = arith.constant 0 : i32
        %dma_wait3A_370 = tpu.memref_slice %arg5[%mul3A_358, %dma_wait3A_369] : memref<10016x128xf32, #tpu.memory_space<vmem_shared>> -> memref<632x128xf32, #tpu.memory_space<vmem_shared>>
        tpu.wait_dma2 semaphore(%run_scoped3A : memref<!tpu.dma_semaphore, #tpu.memory_space<semaphore_mem>>) src(%dma_wait3A_370 : memref<632x128xf32, #tpu.memory_space<vmem_shared>>) dst(%dma_wait3A_368 : memref<632x128xf32, #tpu.memory_space<hbm>>)
        tpu.yield
      }) : () -> ()
    } else {
    }
    %eq3A_352 = arith.constant 15 : i32
    %eq3A_353 = arith.cmpi eq, %arg1, %eq3A_352 : i32
    %convert_element_type3A_354 = arith.extui %eq3A_353 : i1 to i32
    %cond3A_355 = arith.constant 0 : i32
    %cond3A_356 = arith.cmpi ne, %convert_element_type3A_354, %cond3A_355 : i32
    scf.if %cond3A_356 {
      "tpu.region"() ({
        %run_scoped3A = tpu.sem_alloc : memref<!tpu.dma_semaphore, #tpu.memory_space<semaphore_mem>>
        %dma_start3A_357 = arith.constant 9480 : i32
        %dma_start3A_358 = arith.constant 0 : i32
        %dma_start3A_359 = tpu.memref_slice %arg4[%arg0, %dma_start3A_357, %dma_start3A_358] : memref<2x10016x128xf32, #tpu.memory_space<hbm>> -> memref<1x536x128xf32, #tpu.memory_space<hbm>>
        %dma_start3A_360 = tpu.memref_squeeze %dma_start3A_359 : memref<1x536x128xf32, #tpu.memory_space<hbm>> -> memref<536x128xf32, #tpu.memory_space<hbm>>
        %dma_start3A_361 = arith.constant 9480 : i32
        %dma_start3A_362 = arith.constant 0 : i32
        %dma_start3A_363 = tpu.memref_slice %arg5[%dma_start3A_361, %dma_start3A_362] : memref<10016x128xf32, #tpu.memory_space<vmem_shared>> -> memref<536x128xf32, #tpu.memory_space<vmem_shared>>
        tpu.enqueue_dma source(%dma_start3A_363 : memref<536x128xf32, #tpu.memory_space<vmem_shared>>) target(%dma_start3A_360 : memref<536x128xf32, #tpu.memory_space<hbm>>) target_semaphore(%run_scoped3A : memref<!tpu.dma_semaphore, #tpu.memory_space<semaphore_mem>>)
        %dma_wait3A_364 = arith.constant 9480 : i32
        %dma_wait3A_365 = arith.constant 0 : i32
        %dma_wait3A_366 = tpu.memref_slice %arg4[%arg0, %dma_wait3A_364, %dma_wait3A_365] : memref<2x10016x128xf32, #tpu.memory_space<hbm>> -> memref<1x536x128xf32, #tpu.memory_space<hbm>>
        %dma_wait3A_367 = tpu.memref_squeeze %dma_wait3A_366 : memref<1x536x128xf32, #tpu.memory_space<hbm>> -> memref<536x128xf32, #tpu.memory_space<hbm>>
        %dma_wait3A_368 = arith.constant 9480 : i32
        %dma_wait3A_369 = arith.constant 0 : i32
        %dma_wait3A_370 = tpu.memref_slice %arg5[%dma_wait3A_368, %dma_wait3A_369] : memref<10016x128xf32, #tpu.memory_space<vmem_shared>> -> memref<536x128xf32, #tpu.memory_space<vmem_shared>>
        tpu.wait_dma2 semaphore(%run_scoped3A : memref<!tpu.dma_semaphore, #tpu.memory_space<semaphore_mem>>) src(%dma_wait3A_370 : memref<536x128xf32, #tpu.memory_space<vmem_shared>>) dst(%dma_wait3A_367 : memref<536x128xf32, #tpu.memory_space<hbm>>)
        tpu.yield
      }) : () -> ()
    } else {
    }
    return
  }
}

module attributes {stable_mosaic.version = 14 : i64} {
  func.func @_elu_body(%arg0: i32, %arg1: memref<1000x128xf32, #tpu.memory_space<vmem>>, %arg2: memref<1x128xf32, #tpu.memory_space<vmem>>, %arg3: memref<1000x128xf32, #tpu.memory_space<vmem>>) attributes {dimension_semantics = [#tpu.dimension_semantics<arbitrary>], iteration_bounds = array<i64: 10>, scalar_prefetch = 0 : i64, scratch_operands = 0 : i64, tpu.core_type = #tpu.core_type<tc>, window_params = [{transform_indices = @transform_0, window_bounds = array<i64: 1000, 128>}, {pipeline_mode = #tpu.pipeline_mode<synchronous>, transform_indices = @transform_1, window_bounds = array<i64: 1, 128>}, {transform_indices = @transform_2, window_bounds = array<i64: 1000, 128>}]} {
    %get3A = arith.constant 0 : index
    %get3A_0 = arith.constant 0 : index
    %get3A_1 = vector.load %arg1[%get3A, %get3A_0] : memref<1000x128xf32, #tpu.memory_space<vmem>>, vector<1000x128xf32>
    %get3A_2 = arith.constant 0 : index
    %get3A_3 = arith.constant 0 : index
    %get3A_4 = vector.load %arg2[%get3A_2, %get3A_3] : memref<1x128xf32, #tpu.memory_space<vmem>>, vector<1x128xf32>
    %mul3A = vector.broadcast %get3A_4 : vector<1x128xf32> to vector<1000x128xf32>
    %mul3A_5 = arith.mulf %get3A_1, %mul3A : vector<1000x128xf32>
    %gt3A = arith.constant 0.000000e+00 : f32
    %gt3A_6 = vector.broadcast %gt3A : f32 to vector<1000x128xf32>
    %gt3A_7 = arith.cmpf ogt, %mul3A_5, %gt3A_6 : vector<1000x128xf32>
    %exp3A = math.exp %mul3A_5 : vector<1000x128xf32>
    %sub3A = arith.constant 1.000000e+00 : f32
    %sub3A_8 = vector.broadcast %sub3A : f32 to vector<1000x128xf32>
    %sub3A_9 = arith.subf %exp3A, %sub3A_8 : vector<1000x128xf32>
    %select_n3A = arith.select %gt3A_7, %mul3A_5, %sub3A_9 : vector<1000x128xi1>, vector<1000x128xf32>
    %swap3A = arith.constant 0 : index
    %swap3A_10 = arith.constant 0 : index
    %swap3A_11 = vector.load %arg3[%swap3A, %swap3A_10] : memref<1000x128xf32, #tpu.memory_space<vmem>>, vector<1000x128xf32>
    tpu.vector_store %arg3[%swap3A, %swap3A_10], %select_n3A {strides = array<i32>} : memref<1000x128xf32, #tpu.memory_space<vmem>>, vector<1000x128xf32>,
    return
  }
  func.func @transform_0(%arg0: i32) -> (i32, i32) {
    %c0_i32 = arith.constant 0 : i32
    %c0_i32_0 = arith.constant 0 : i32
    return %arg0, %c0_i32 : i32, i32
  }
  func.func @transform_1(%arg0: i32) -> (i32, i32) {
    %c0_i32 = arith.constant 0 : i32
    %c0_i32_0 = arith.constant 0 : i32
    %c0_i32_1 = arith.constant 0 : i32
    return %c0_i32, %c0_i32_0 : i32, i32
  }
  func.func @transform_2(%arg0: i32) -> (i32, i32) {
    %c0_i32 = arith.constant 0 : i32
    %c0_i32_0 = arith.constant 0 : i32
    return %arg0, %c0_i32 : i32, i32
  }
}

module attributes {stable_mosaic.version = 14 : i64} {
  func.func @_combine_body(%arg0: i32, %arg1: memref<2x1000x128xf32, #tpu.memory_space<vmem>>, %arg2: memref<1000x128xf32, #tpu.memory_space<vmem>>) attributes {dimension_semantics = [#tpu.dimension_semantics<arbitrary>], iteration_bounds = array<i64: 10>, scalar_prefetch = 0 : i64, scratch_operands = 0 : i64, tpu.core_type = #tpu.core_type<tc>, window_params = [{transform_indices = @transform_0, window_bounds = array<i64: 2, 1000, 128>}, {transform_indices = @transform_1, window_bounds = array<i64: 1000, 128>}]} {
    %get3A = arith.constant 0 : index
    %get3A_0 = arith.constant 0 : index
    %get3A_1 = arith.constant 0 : index
    %get3A_2 = vector.load %arg1[%get3A, %get3A_0, %get3A_1] : memref<2x1000x128xf32, #tpu.memory_space<vmem>>, vector<1x1000x128xf32>
    %get3A_3 = vector.shape_cast %get3A_2 : vector<1x1000x128xf32> to vector<1000x128xf32>
    %get3A_4 = arith.constant 1 : index
    %get3A_5 = arith.constant 0 : index
    %get3A_6 = arith.constant 0 : index
    %get3A_7 = vector.load %arg1[%get3A_4, %get3A_5, %get3A_6] : memref<2x1000x128xf32, #tpu.memory_space<vmem>>, vector<1x1000x128xf32>
    %get3A_8 = vector.shape_cast %get3A_7 : vector<1x1000x128xf32> to vector<1000x128xf32>
    %add3A = arith.addf %get3A_3, %get3A_8 : vector<1000x128xf32>
    %swap3A = arith.constant 0 : index
    %swap3A_9 = arith.constant 0 : index
    %swap3A_10 = vector.load %arg2[%swap3A, %swap3A_9] : memref<1000x128xf32, #tpu.memory_space<vmem>>, vector<1000x128xf32>
    tpu.vector_store %arg2[%swap3A, %swap3A_9], %add3A {strides = array<i32>} : memref<1000x128xf32, #tpu.memory_space<vmem>>, vector<1000x128xf32>,
    return
  }
  func.func @transform_0(%arg0: i32) -> (i32, i32, i32) {
    %c0_i32 = arith.constant 0 : i32
    %c0_i32_0 = arith.constant 0 : i32
    %c0_i32_1 = arith.constant 0 : i32
    return %c0_i32, %arg0, %c0_i32_0 : i32, i32, i32
  }
  func.func @transform_1(%arg0: i32) -> (i32, i32) {
    %c0_i32 = arith.constant 0 : i32
    %c0_i32_0 = arith.constant 0 : i32
    return %arg0, %c0_i32 : i32, i32
  }
}

</mosaic_0001>

<sc_bundles>
// kernel: kernel.5.cloned.1.call-start
scs
__scs_entry_jumppad:
0x0: {  	(pc) =	sbr.rel $0x88, $3  }
0x1: {  	(tag) =	ssettag $0x0;
	lr =	simm.s32 $0x1  }
0x2: {  	[smem:$0x3F9E] =	sst lr;
	_ =	strace $0xD0000000  }
0x3: {  	_ = 	snop  }
0x4: {  	_ = 	snop  }
0x5: {  	_ = 	snop  }
0x6: {  	_ = 	snop  }
0x7: {  	_ = 	snop  }
__scs_overlays_trampoline_lowered:
0x8: {  	[smem:$0x3FAD] =	sst s0  }
0x9: {  	[smem:$0x3FAE] =	sst s1  }
0xa: {  	[smem:$0x3FAF] =	sst s2  }
0xb: {  	[smem:$0x3FB0] =	sst s3  }
0xc: {  	[smem:$0x3FB1] =	sst s4  }
0xd: {  	[smem:$0x3FB2] =	sst s5  }
0xe: {  	[smem:$0x3FB3] =	sst s6  }
0xf: {  	[smem:$0x3FB4] =	sst s7  }
0x10: {  	[smem:$0x3FB5] =	sst s8  }
0x11: {  	[smem:$0x3FB6] =	sst s9;
	s0 =	simm.s32 @!p0 $0x0  }
0x12: {  	s1 =	sld [smem:$0x3F9C];
	s0 =	simm.s32 @p0 $0x1  }
0x13: {  	[smem:$0x3FB7] =	sst s0;
	s0 =	simm.s32 @!p1 $0x0  }
0x14: {  	s2 =	sld [smem:$0x3F9B];
	s0 =	simm.s32 @p1 $0x1  }
0x15: {  	[smem:$0x3FB8] =	sst s0;
	s0 =	simm.s32 @!p2 $0x0  }
0x16: {  	s3 =	sld [smem:$0x3FDB];
	s0 =	simm.s32 @p2 $0x1  }
0x17: {  	s4 =	simm.s32 $0x1BF5;
	[smem:$0x3FBA] =	sst s0  }
0x18: {  	s0 =	sld [smem:$0x3F9D];
	_ =	swait.ge [sflag:s4], $0x0  }
0x19: {  	s7 =	sld [smem:$0x3F9E]  }
0x1a: {  	s8 =	sadd.s32 $0xFFFFE003, lr  }
0x1b: {  	s9 =	sadd.s32 $0xFFFFFEF7, lr;
	s5 =	simm.s32 $0xFFFFFFFF;
	p2 =	slt.u32 s8, $0xFFFFF086  }
0x1c: {  	p1 =	slt.u32 s9, $0xF7A;
	s5 =	simm.s32 @!p2 $0x0  }
0x1d: {  	s5 =	simm.s32 @p1 $0x1;
	p0 =	seq.s32 s7, s2  }
0x1e: {  	s7 =	smul.u32 @!p0 $0xF7A, s2;
	p2 =	seq.s32 @!p0 s5, $0x0  }
0x1f: {  	s9 =	smul.u32 $0xF7A, s1;
	s8 =	simm.s32 @!p0 $0x1BF5;
	p2 =	por !p2, p0  }
0x20: {  	[sflag:s8] =	ssyncset.s32 @!p0 $0xFFFFF086;
	s6 =	sadd.s32 @!p0 s3, s7;
	s7 =	simm.s32 @!p0 $0x108  }
0x21: {  	s3 =	sadd.s32 s3, s9;
	s6 =	sadd.s32 @!p0 $0x88, s6;
	s7 =	simm.s32 @p2 $0x1082  }
0x22: {  	[simem:s7], [sflag:s8] =	dma.local @!p0 [hbm:s6], $0xF7A  }
0x23: {  	s9 =	sor.u32 $0xD0000000, s2;
	s6 =	simm.s32 $0x108;
	_ =	swait.ge @!p0 [sflag:s8], $0x0  }
0x24: {  	s3 =	sadd.s32 $0x88, s3;
	s6 =	simm.s32 @!p1 $0x1082;
	[sflag:s4] =	ssyncset.s32 $0xFFFFF086  }
0x25: {  	[simem:s6], [sflag:s4] =	dma.local [hbm:s3], $0xF7A  }
0x26: {  	[smem:$0x3F9E] =	sst s1;
	(tag) =	ssettag s2;
	_ =	strace s9  }
0x27: {  	s1 =	sld [smem:$0x3FAE]  }
0x28: {  	s2 =	sld [smem:$0x3FAF]  }
0x29: {  	s4 =	sld [smem:$0x3FB1]  }
0x2a: {  	p0 =	seq.s32 s5, $0x0;
	s5 =	sld [smem:$0x3FB2]  }
0x2b: {  	s6 =	sld [smem:$0x3FB3]  }
0x2c: {  	s7 =	sld [smem:$0x3FB4]  }
0x2d: {  	s3 =	simm.s32 $0x108;
	s8 =	sld [smem:$0x3FB5]  }
0x2e: {  	s3 =	simm.s32 @!p0 $0x1082;
	s9 =	sld [smem:$0x3FB6]  }
0x2f: {  	lr =	sadd.s32 s0, s3;
	s0 =	sld [smem:$0x3FAD]  }
0x30: {  	s3 =	sld [smem:$0x3FB0]  }
0x31: {  	[smem:$0x3FB9] =	sst s10  }
0x32: {  	s10 =	sld [smem:$0x3FB7];
	_ =	sdelay $0x3  }
0x33: {  	p0 =	seq.s32 s10, $0x1;
	s10 =	sld [smem:$0x3FB9];
	_ =	sdelay $0x3  }
0x34: {  	[smem:$0x3FB9] =	sst s10  }
0x35: {  	s10 =	sld [smem:$0x3FB8];
	_ =	sdelay $0x3  }
0x36: {  	p1 =	seq.s32 s10, $0x1;
	s10 =	sld [smem:$0x3FB9];
	_ =	sdelay $0x3  }
0x37: {  	[smem:$0x3FB9] =	sst s10  }
0x38: {  	s10 =	sld [smem:$0x3FBA]  }
0x39: {  	_ = 	snop;
	(pc) =	sbr.ind lr, $3  }
0x3a: {  	_ = 	snop  }
0x3b: {  	_ = 	snop  }
0x3c: {  	p2 =	seq.s32 s10, $0x1;
	s10 =	sld [smem:$0x3FB9]  }
0x3d: {  	_ =	shalt  }
0x3e: {  	_ =	shalt  }
0x3f: {  	_ =	shalt  }
0x40: {  	_ =	shalt  }
0x41: {  	_ =	shalt  }
0x42: {  	_ =	shalt  }
0x43: {  	_ =	shalt  }
0x44: {  	_ =	shalt  }
0x45: {  	_ =	shalt  }
0x46: {  	_ =	shalt  }
0x47: {  	_ =	shalt  }
0x48: {  	_ =	shalt  }
0x49: {  	_ =	shalt  }
0x4a: {  	_ =	shalt  }
0x4b: {  	_ =	shalt  }
0x4c: {  	_ =	shalt  }
0x4d: {  	_ =	shalt  }
0x4e: {  	_ =	shalt  }
0x4f: {  	_ =	shalt  }
0x50: {  	_ =	shalt  }
0x51: {  	_ =	shalt  }
0x52: {  	_ =	shalt  }
0x53: {  	_ =	shalt  }
0x54: {  	_ =	shalt  }
0x55: {  	_ =	shalt  }
0x56: {  	_ =	shalt  }
0x57: {  	_ =	shalt  }
0x58: {  	_ =	shalt  }
0x59: {  	_ =	shalt  }
0x5a: {  	_ =	shalt  }
0x5b: {  	_ =	shalt  }
0x5c: {  	_ =	shalt  }
0x5d: {  	_ =	shalt  }
0x5e: {  	_ =	shalt  }
0x5f: {  	_ =	shalt  }
0x60: {  	_ =	shalt  }
0x61: {  	_ =	shalt  }
0x62: {  	_ =	shalt  }
0x63: {  	_ =	shalt  }
0x64: {  	_ =	shalt  }
0x65: {  	_ =	shalt  }
0x66: {  	_ =	shalt  }
0x67: {  	_ =	shalt  }
0x68: {  	_ =	shalt  }
0x69: {  	_ =	shalt  }
0x6a: {  	_ =	shalt  }
0x6b: {  	_ =	shalt  }
0x6c: {  	_ =	shalt  }
0x6d: {  	_ =	shalt  }
0x6e: {  	_ =	shalt  }
0x6f: {  	_ =	shalt  }
0x70: {  	_ =	shalt  }
0x71: {  	_ =	shalt  }
0x72: {  	_ =	shalt  }
0x73: {  	_ =	shalt  }
0x74: {  	_ =	shalt  }
0x75: {  	_ =	shalt  }
0x76: {  	_ =	shalt  }
0x77: {  	_ =	shalt  }
0x78: {  	_ =	shalt  }
0x79: {  	_ =	shalt  }
0x7a: {  	_ =	shalt  }
0x7b: {  	_ =	shalt  }
0x7c: {  	_ =	shalt  }
0x7d: {  	_ =	shalt  }
0x7e: {  	_ =	shalt  }
0x7f: {  	_ =	shalt  }
0x80: {  	_ =	shalt  }
0x81: {  	_ =	shalt  }
0x82: {  	_ =	shalt  }
0x83: {  	_ =	shalt  }
0x84: {  	_ =	shalt  }
0x85: {  	_ =	shalt  }
0x86: {  	_ =	shalt  }
0x87: {  	_ =	shalt  }
.Lfunc_end0:
.L_simem_size_0:
called_computation_lowered:
.L_overlay_start_0:
0x88: {  	s2 =	sld [smem:$0x3FD9]  }
0x89: {  	s3 =	sld [smem:$0x3FFE];
	_ =	sdelay $0x1  }
0x8a: {  	s1 =	srdreg.scid  }
0x8b: {  	s0 =	sand.u32 $0x1, s1  }
0x8c: {  	s17 =	sshll.u32 s0, $0xA;
	s2 =	sadd.s32 s3, s2  }
0x8d: {  	s2 =	sadd.s32 s2, s17  }
0x8e: {  	[smem:$0x3FC5] =	sst s2  }
0x8f: {  	_ = 	snop  }
0x90: {  	s2 =	sld [smem:$0x3FD0];
	(tm) =	ssettm $0x1  }
0x91: {  	s18 =	sld [smem:$0x3FFB];
	_ =	sdelay $0x3  }
0x92: {  	_ =	strace s18  }
0x93: {  	s3 =	sld [smem:$0x3FFC];
	_ =	sdelay $0x3  }
0x94: {  	_ =	strace s3  }
0x95: {  	s3 =	sld [smem:$0x3FFD];
	_ =	sdelay $0x3  }
0x96: {  	_ =	strace s3  }
0x97: {  	_ =	strace $0x8FFFFFFF  }
0x98: {  	s19 =	sld [smem:$0x3FDB];
	_ =	sdelay $0x1  }
0x99: {  	s4 =	simm.s32 $_scs_section_size  }
0x9a: {  	s5 =	simm.s32 $_size__tile_overlayer_lowered;
	s6 =	simm.s32 $_tile_overlayer_lowered  }
0x9b: {  	s22 =	simm.s32 $0x1BFF;
	s21 =	sshll.u32 s6, $0x1;
	s3 =	sadd.s32 s4, s19  }
0x9c: {  	s7 =	simm.s32 $0x0;
	s20 =	sshll.u32 s5, $0x1;
	s5 =	sadd.s32 s21, s3  }
0x9d: {  	[timem:s7], [sflag:s22] =	dma.local [hbm:s5], s20  }
0x9e: {  	_ =	swait.ge [sflag:s22], s20  }
0x9f: {  	s4 =	ssub.s32 $0x0, s20;
	[sflag:s22] =	ssyncset.done $0x0  }
0xa0: {  	[sflag:s22] =	ssyncadd.s32 s4;
	_ =	sdelay $0x1  }
0xa1: {  	s23 =	simm.s32 $0x1B8B  }
0xa2: {  	_ =	swait.ge [sflag:s23], $0x1  }
0xa3: {  	[sflag:s23] =	ssyncset.done $0x0  }
0xa4: {  	s25 =	simm.s32 $0x1B8E;
	s24 =	sld [smem:$0x3FFE];
	[sflag:s23] =	ssyncadd.s32 $0xFFFFFFFF  }
0xa5: {  	s26 =	simm.s32 $execute0_lowered;
	[smem:$0x3FD2] =	sst s25  }
0xa6: {  	s5 =	sshll.u32 s26, $0x1;
	_ =	strace $0x80000046;
	[dreg:$0x1] =	wrdreg $0xFFFFFFFF  }
0xa7: {  	s28 =	simm.s32 $_size_execute0_lowered;
	s3 =	sadd.s32 s3, s5;
	[dreg:$0x0] =	wrdreg $0x0  }
0xa8: {  	s5 =	sshll.u32 s28, $0x1;
	[dreg:$0x2] =	wrdreg s3  }
0xa9: {  	[dreg:$0x3] =	wrdreg s5  }
0xaa: {  	[dreg:$0x4] =	wrdreg $0xC0  }
0xab: {  	_ =	task [dreg:s7], $0x5FFFF  }
0xac: {  	[dreg:$0x1] =	wrdreg $0xFFFFFFFF  }
0xad: {  	[dreg:$0x0] =	wrdreg $0x60  }
0xae: {  	[dreg:$0x2] =	wrdreg s2  }
0xaf: {  	[dreg:$0x3] =	wrdreg s24  }
0xb0: {  	[dreg:$0x4] =	wrdreg $0x0  }
0xb1: {  	[dreg:$0x5] =	wrdreg $0x9  }
0xb2: {  	_ =	task.clear_ibuf [dreg:s7], $0x6FFFF;
	_ =	strace $0x90000046  }
0xb3: {  	s29 =	simm.s32 $0x9;
	_ =	strace $0x80000048  }
0xb4: {  	_ =	swait.ge [sflag:s29], $0x1  }
0xb5: {  	[sflag:s29] =	ssyncadd.s32 $0xFFFFFFFF  }
0xb6: {  	_ =	strace $0x90000048  }
0xb7: {  	_ =	sfence  }
0xb8: {  	s30 =	sld [smem:$0x0];
	_ =	sdelay $0x2  }
0xb9: {  	s31 =	sshll.u32 s1, $0xD;
	s1 =	sshrl.u32 s1, $0x2  }
0xba: {  	s3 =	sand.u32 $0x4000, s31;
	s1 =	sadd.s32 s1, s30  }
0xbb: {  	s0 =	sor.u32 s3, s0;
	s1 =	sshll.u32 s1, $0x11  }
0xbc: {  	s0 =	sor.u32 s1, s0  }
0xbd: {  	s0 =	sadd.s32 $0x8F2B, s0  }
0xbe: {  	[sflag:s0] =	ssyncadd.remote.s32 $0x1  }
0xbf: {  	_ =	sfence.sel $0xFFFF  }
0xc0: {  	[dreg:$0x0] =	wrdreg $0xFFFFFFFF;
	(pc) =	sbr.abs _section_cstart, $3  }
0xc1: {  	[dreg:$0x1] =	wrdreg $0xFFFFFFFF  }
0xc2: {  	_ =	task.clear_ibuf [dreg:s7], $0x2FFFF;
	_ =	strace $0x9FFFFFFF  }
0xc3: {  	(tm) =	ssettm $0x7FFFFFFF  }
tec
execute0_lowered:
.L_overlay_start_1:
0x0: {  	(tag) =	ssettag $0x1  }
0x1: {  	s0 =	srdreg.scid;
	s1 =	rddreg [dreg:$0x0]  }
0x2: {  	s11 =	stileid.u32;
	s4 =	rddreg [dreg:$0x1]  }
0x3: {  	s3 =	rddreg [dreg:$0x2];
	s21 =	simm.s32 $0x0;
	s29 =	simm.s32 $0x13980  }
0x4: {  	s30 =	simm.s32 $0x13E00;
	s0 =	sand.u32 $0x1, s0;
	s2 =	sshll.u32 s11, $0x1  }
0x5: {  	[smem:$0x7FF] =	sst s21;
	p0 =	slt.u32 s11, $0xB;
	s6 =	sadd.s32 $0xC00, s4  }
0x6: {  	s31 =	sadd.s32 $0x14600, s4;
	s9 =	smul.u32 $0x4F000, s11;
	s22 =	sadd.s32 $0x12C400, s3  }
0x7: {  	s26 =	sadd.s32 $0x134400, s3;
	_ =	strace $0x80000047;
	[dreg:$0x10] =	wrdreg s22  }
0x8: {  	s18 =	smul.u32 $0x13C00, s11;
	s28 =	sadd.s32 $0x138400, s3;
	[dreg:$0x13] =	wrdreg s26  }
0x9: {  	s25 =	sadd.s32 $0x128400, s3;
	s2 =	sor.u32 s0, s2;
	[dreg:$0x14] =	wrdreg s28  }
0xa: {  	s12 =	ssub.s32 $0x2, s0;
	s0 =	smul.u32 $0x139000, s0;
	[dreg:$0xf] =	wrdreg s25  }
0xb: {  	s22 =	simm.s32 $0x9;
	s26 =	simm.s32 $0x13E80;
	s5 =	smul.u32 $0x4A, s2  }
0xc: {  	s2 =	smul.u32 $0x50, s2;
	s7 =	sshrl.u32 s12, $0x1;
	s13 =	sshrl.u32 s9, $0x2  }
0xd: {  	s4 =	ssub.s32 s12, s7;
	s7 =	simm.s32 $0xD;
	s15 =	sadd.s32 s13, s3  }
0xe: {  	s23 =	sadd.s32 s18, s0;
	s0 =	sshrl.u32 s0, $0x3;
	s12 =	sadd.s32 $0x130400, s3  }
0xf: {  	s13 =	simm.s32 $0x4;
	s5 =	sadd.s32 $0x84, s5;
	[dreg:$0x9] =	wrdreg s15  }
0x10: {  	s7 =	simm.s32 @!p0 $0xC;
	s17 =	sadd.s32 $0x4000, s15;
	[dreg:$0x11] =	wrdreg s12  }
0x11: {  	s19 =	sadd.s32 $0x8000, s15;
	s20 =	sadd.s32 $0xC000, s15;
	[dreg:$0xb] =	wrdreg s17  }
0x12: {  	s9 =	sadd.s32 $0x10000, s15;
	s0 =	sadd.s32 s31, s0;
	[dreg:$0xc] =	wrdreg s19  }
0x13: {  	s15 =	simm.s32 $0x13B00;
	s12 =	simm.s32 $0x2;
	[dreg:$0xd] =	wrdreg s20  }
0x14: {  	s5 =	smov.u32 @p0 s2;
	[dreg:$0xe] =	wrdreg s9;
	s24 =	smul.u32 $0x60, s7  }
0x15: {  	s9 =	sshrl.u32 s23, $0x3;
	s20 =	smul.u32 $0x6, s7;
	s2 =	sadd.s32 s18, s3  }
0x16: {  	s0 =	sadd.s32 $0x25080, s0;
	p0 =	seq.s32 s11, $0xF;
	s18 =	simm.s32 $0x7  }
0x17: {  	s7 =	simm.s32 $0x17F00;
	s11 =	simm.s32 $0x1BF00;
	s17 =	simm.s32 $0x5  }
0x18: {  	s19 =	simm.s32 $0x6;
	s9 =	sadd.s32 s31, s9;
	[dreg:$0x15] =	wrdreg s0  }
0x19: {  	s5 =	sshll.u32 s5, $0x4;
	s31 =	smax.u32 s4, $0x1;
	[dreg:$0x12] =	wrdreg s9  }
0x1a: {  	s0 =	sshrl.u32 @!p0 s2, $0x3;
	s4 =	simm.s32 $0x13C00;
	[dreg:$0x4] =	wrdreg s24  }
0x1b: {  	s2 =	simm.s32 $0x13A80;
	s8 =	sand.u32 $0x1FFFFFE0, s5;
	[dreg:$0x16] =	wrdreg s31  }
0x1c: {  	s23 =	sadd.s32 s5, s6;
	[dreg:$0x17] =	wrdreg s0;
	s10 =	sadd.s32 s6, s8  }
0x1d: {  	s24 =	simm.s32 $0x80;
	s8 =	sadd.s32 $0x10, s10;
	[dreg:$0x6] =	wrdreg s10  }
0x1e: {  	s0 =	simm.s32 $0x13F00;
	s14 =	sadd.s32 $0x20, s10;
	[dreg:$0x7] =	wrdreg s8  }
0x1f: {  	s9 =	simm.s32 $0x1;
	s16 =	sadd.s32 $0x30, s10;
	[dreg:$0x8] =	wrdreg s14  }
0x20: {  	s5 =	simm.s32 $0x8;
	s10 =	simm.s32 $0xA;
	[dreg:$0xa] =	wrdreg s16  }
0x21: {  	v0 =	vimm.f32 $0.0e+00;
	s8 =	simm.s32 $0x13900;
	s14 =	simm.s32 $0x13A00;
	s16 =	simm.s32 $0x3  }
.LBB2_1:
0x22: {  	s6 =	rddreg [dreg:$0x6];
	s28 =	simm.s32 $0x4E200  }
0x23: {  	[tilespmem:s8], [sflag:$0x7] =	stream.strided.gather [hbm4b:s6+s24], $0x100, s28, s24, $0x38;
	[tilespmem:$0x1FF00] =	vst v63  }
0x24: {  	s6 =	rddreg [dreg:$0x7]  }
0x25: {  	[tilespmem:s14], [sflag:$0x8] =	stream.strided.gather [hbm4b:s6+s24], $0x100, s28, s24, $0x38;
	[tilespmem:$0x1FF00] =	vst v63  }
0x26: {  	s14 =	rddreg [dreg:$0x8]  }
0x27: {  	[tilespmem:s15], [sflag:$0x9] =	stream.strided.gather [hbm4b:s14+s24], $0x100, s28, s24, $0x38;
	[tilespmem:$0x1FF00] =	vst v63  }
0x28: {  	s15 =	rddreg [dreg:$0xa]  }
0x29: {  	[tilespmem:s4], [sflag:$0xA] =	stream.strided.gather [hbm4b:s15+s24], $0x100, s28, s24, $0x38;
	[tilespmem:$0x1FF00] =	vst v63  }
0x2a: {  	_ =	swait.ge [sflag:s18], $0x100  }
0x2b: {  	[sflag:s18] =	ssyncset.done $0x0  }
0x2c: {  	[sflag:s18] =	ssyncadd.s32 $0xFFFFFF00  }
0x2d: {  	[tilespmem:s0], [sflag:$0x1] =	stream.indirect.gather [hbm4b:s1+s24], $0x80, s8, s24, $0xb8;
	[tilespmem:$0x1FF00] =	vst v63  }
0x2e: {  	s31 =	simm.s32 $0x200;
	s28 =	simm.s32 $0x0  }
0x2f: {  	[tilespmem:s7], [sflag:$0x2] =	stream.indirect.gather [hbm4b:s1+s24], $0x80, s29, s24, $0xb8;
	[tilespmem:$0x1FF00] =	vst v63  }
.LBB2_2:
0x30: {  	p1 =	sne.s32 s31, $0xFE00;
	[tilespmem:s28+$0x1BF70] =	vst v0  }
0x31: {  	[tilespmem:s28+$0x1BF00] =	vst v0  }
0x32: {  	[tilespmem:s28+$0x1BF10] =	vst v0  }
.Ltmp0:
0x33: {  	[tilespmem:s28+$0x1BF20] =	vst v0;
	(pc) =	sbr.rel @p1 .LBB2_2-.Ltmp0, $4  }
0x34: {  	[tilespmem:s28+$0x1BF30] =	vst v0  }
0x35: {  	[tilespmem:s28+$0x1BF40] =	vst v0  }
0x36: {  	[tilespmem:s28+$0x1BF50] =	vst v0  }
0x37: {  	[tilespmem:s28+$0x1BF60] =	vst v0;
	s28 =	sshra.s32 s31, $0x2;
	s31 =	sadd.s32 $0x200, s31  }
0x38: {  	[tilespmem:s28+$0x1BF70] =	vst v0  }
0x39: {  	[tilespmem:s28+$0x1BF00] =	vst v0  }
0x3a: {  	[tilespmem:s28+$0x1BF10] =	vst v0  }
0x3b: {  	[tilespmem:s28+$0x1BF20] =	vst v0  }
0x3c: {  	[tilespmem:s28+$0x1BF30] =	vst v0  }
0x3d: {  	[tilespmem:s28+$0x1BF40] =	vst v0  }
0x3e: {  	[tilespmem:s28+$0x1BF50] =	vst v0  }
0x3f: {  	[dreg:$0x5] =	wrdreg s21;
	[tilespmem:s28+$0x1BF60] =	vst v0;
	s28 =	simm.s32 @p0 $0x1BF00;
	s31 =	simm.s32 @p0 $0xD  }
0x40: {  	[spmem:s25] =	stream.linear.scatter @p0 [tilespmem:s28], [sflag:$0xD], $0x4000, $0x38;
	[tilespmem:$0x1FF00] =	vst v63  }
0x41: {  	_ =	swait.ge @p0 [sflag:s31], $0x4000  }
0x42: {  	[sflag:s31] =	ssyncset.done @p0 $0x0  }
0x43: {  	s6 =	rddreg [dreg:$0x10];
	[sflag:s31] =	ssyncadd.s32 @p0 $0xFFFFC000  }
0x44: {  	[spmem:s6] =	stream.linear.scatter @p0 [tilespmem:s28], [sflag:$0xD], $0x4000, $0x38;
	[tilespmem:$0x1FF00] =	vst v63  }
0x45: {  	_ =	swait.ge @p0 [sflag:s31], $0x4000  }
0x46: {  	[sflag:s31] =	ssyncset.done @p0 $0x0  }
0x47: {  	s6 =	rddreg [dreg:$0x11];
	[sflag:s31] =	ssyncadd.s32 @p0 $0xFFFFC000  }
0x48: {  	[spmem:s6] =	stream.linear.scatter @p0 [tilespmem:s28], [sflag:$0xD], $0x4000, $0x38;
	[tilespmem:$0x1FF00] =	vst v63  }
0x49: {  	_ =	swait.ge @p0 [sflag:s31], $0x4000  }
0x4a: {  	[sflag:s31] =	ssyncset.done @p0 $0x0  }
0x4b: {  	s6 =	rddreg [dreg:$0x13];
	[sflag:s31] =	ssyncadd.s32 @p0 $0xFFFFC000  }
0x4c: {  	[spmem:s6] =	stream.linear.scatter @p0 [tilespmem:s28], [sflag:$0xD], $0x4000, $0x38;
	[tilespmem:$0x1FF00] =	vst v63  }
0x4d: {  	_ =	swait.ge @p0 [sflag:s31], $0x4000  }
0x4e: {  	[sflag:s31] =	ssyncset.done @p0 $0x0  }
0x4f: {  	s6 =	rddreg [dreg:$0x14];
	[sflag:s31] =	ssyncadd.s32 @p0 $0xFFFFC000  }
0x50: {  	[spmem:s6] =	stream.linear.scatter @p0 [tilespmem:s28], [sflag:$0xD], $0xC00, $0x38;
	[tilespmem:$0x1FF00] =	vst v63  }
0x51: {  	_ =	swait.ge @p0 [sflag:s31], $0xC00  }
0x52: {  	s28 =	simm.s32 @!p0 $0x1BF00;
	[sflag:s31] =	ssyncset.done @p0 $0x0  }
0x53: {  	s6 =	rddreg [dreg:$0x9];
	[sflag:s31] =	ssyncadd.s32 @p0 $0xFFFFF400;
	s31 =	simm.s32 @!p0 $0xD  }
0x54: {  	[spmem:s6] =	stream.linear.scatter @!p0 [tilespmem:s28], [sflag:$0xD], $0x4000, $0x38;
	[tilespmem:$0x1FF00] =	vst v63  }
0x55: {  	_ =	swait.ge @!p0 [sflag:s31], $0x4000  }
0x56: {  	[sflag:s31] =	ssyncset.done @!p0 $0x0  }
0x57: {  	s6 =	rddreg [dreg:$0xb];
	[sflag:s31] =	ssyncadd.s32 @!p0 $0xFFFFC000  }
0x58: {  	[spmem:s6] =	stream.linear.scatter @!p0 [tilespmem:s28], [sflag:$0xD], $0x4000, $0x38;
	[tilespmem:$0x1FF00] =	vst v63  }
0x59: {  	_ =	swait.ge @!p0 [sflag:s31], $0x4000  }
0x5a: {  	[sflag:s31] =	ssyncset.done @!p0 $0x0  }
0x5b: {  	s6 =	rddreg [dreg:$0xc];
	[sflag:s31] =	ssyncadd.s32 @!p0 $0xFFFFC000  }
0x5c: {  	[spmem:s6] =	stream.linear.scatter @!p0 [tilespmem:s28], [sflag:$0xD], $0x4000, $0x38;
	[tilespmem:$0x1FF00] =	vst v63  }
0x5d: {  	_ =	swait.ge @!p0 [sflag:s31], $0x4000  }
0x5e: {  	[sflag:s31] =	ssyncset.done @!p0 $0x0  }
0x5f: {  	s6 =	rddreg [dreg:$0xd];
	[sflag:s31] =	ssyncadd.s32 @!p0 $0xFFFFC000  }
0x60: {  	[spmem:s6] =	stream.linear.scatter @!p0 [tilespmem:s28], [sflag:$0xD], $0x4000, $0x38;
	[tilespmem:$0x1FF00] =	vst v63  }
0x61: {  	_ =	swait.ge @!p0 [sflag:s31], $0x4000  }
0x62: {  	[sflag:s31] =	ssyncset.done @!p0 $0x0  }
0x63: {  	s6 =	rddreg [dreg:$0xe];
	[sflag:s31] =	ssyncadd.s32 @!p0 $0xFFFFC000  }
0x64: {  	[spmem:s6] =	stream.linear.scatter @!p0 [tilespmem:s28], [sflag:$0xD], $0x3C00, $0x38;
	[tilespmem:$0x1FF00] =	vst v63  }
0x65: {  	_ =	swait.ge @!p0 [sflag:s31], $0x3C00  }
0x66: {  	[sflag:s31] =	ssyncset.done @!p0 $0x0  }
0x67: {  	[sflag:s31] =	ssyncadd.s32 @!p0 $0xFFFFC400  }
0x68: {  	[bflag:$0x0] =	sbarrier.arrive $0xFFFF  }
0x69: {  	_ =	swait.ge [sflag:s9], $0x4000  }
0x6a: {  	[sflag:s9] =	ssyncset.done $0x0  }
0x6b: {  	[sflag:s9] =	ssyncadd.s32 $0xFFFFC000  }
0x6c: {  	[spmem:s3] =	stream.indirect.scatter.add.f32 [tilespmem:s0], [sflag:$0x4], $0x80, s29, s24, $0xb8;
	[tilespmem:$0x1FF00] =	vst v63  }
0x6d: {  	_ =	swait.ge [sflag:s5], $0x100  }
0x6e: {  	[sflag:s5] =	ssyncset.done $0x0  }
0x6f: {  	s4 =	simm.s32 $0x13A00;
	[sflag:s5] =	ssyncadd.s32 $0xFFFFFF00  }
0x70: {  	[tilespmem:s11], [sflag:$0x3] =	stream.indirect.gather [hbm4b:s1+s24], $0x80, s4, s24, $0xb8;
	[tilespmem:$0x1FF00] =	vst v63  }
0x71: {  	_ =	swait.ge [sflag:s12], $0x4000  }
0x72: {  	[sflag:s12] =	ssyncset.done $0x0  }
0x73: {  	s29 =	simm.s32 $0x13900;
	[sflag:s12] =	ssyncadd.s32 $0xFFFFC000  }
0x74: {  	[spmem:s3] =	stream.indirect.scatter.add.f32 [tilespmem:s7], [sflag:$0x5], $0x80, s29, s24, $0xb8;
	[tilespmem:$0x1FF00] =	vst v63  }
0x75: {  	_ =	swait.ge [sflag:s13], $0x4000  }
0x76: {  	[sflag:s13] =	ssyncset.done $0x0  }
0x77: {  	[sflag:s13] =	ssyncadd.s32 $0xFFFFC000  }
0x78: {  	[tilespmem:s0], [sflag:$0x1] =	stream.indirect.gather [hbm4b:s1+s24], $0x80, s2, s24, $0xb8;
	[tilespmem:$0x1FF00] =	vst v63  }
0x79: {  	_ =	swait.ge [sflag:s16], $0x4000  }
0x7a: {  	s18 =	simm.s32 $0x7;
	[sflag:s16] =	ssyncset.done $0x0  }
0x7b: {  	s14 =	simm.s32 $0xB;
	s28 =	simm.s32 $0x7;
	[sflag:s16] =	ssyncadd.s32 $0xFFFFC000  }
0x7c: {  	[spmem:s3] =	stream.indirect.scatter.add.f32 [tilespmem:s11], [sflag:$0x6], $0x80, s2, s24, $0xb8;
	[tilespmem:$0x1FF00] =	vst v63  }
0x7d: {  	s31 =	simm.s32 $0x0;
	s5 =	simm.s32 $0x8;
	s2 =	simm.s32 $0xC  }
.LBB2_4:
0x7e: {  	_ =	swait.ge [sflag:s17], $0x4000  }
0x7f: {  	s6 =	sadd.s32 $0xFFFFFFFB, s28;
	[sflag:s17] =	ssyncset.done $0x0  }
0x80: {  	p1 =	sge.u32 s6, s20;
	[sflag:s17] =	ssyncadd.s32 $0xFFFFC000  }
0x81: {  	s6 =	sadd.s32 @!p1 s31, s23;
	_ =	swait.ge [sflag:s22], $0x100  }
0x82: {  	s29 =	simm.s32 @!p1 $0x80;
	s21 =	simm.s32 @!p1 $0x4E200;
	[sflag:s22] =	ssyncset.done $0x0  }
0x83: {  	s25 =	simm.s32 @!p1 $0x13D00;
	s6 =	sadd.s32 @!p1 $0x40, s6;
	[sflag:s22] =	ssyncadd.s32 $0xFFFFFF00  }
0x84: {  	[tilespmem:s25], [sflag:$0xB] =	stream.strided.gather @!p1 [hbm4b:s6+s29], $0x100, s21, s29, $0x38;
	[tilespmem:$0x1FF00] =	vst v63  }
0x85: {  	s15 =	simm.s32 $0x13B00  }
0x86: {  	[tilespmem:s7], [sflag:$0x2] =	stream.indirect.gather [hbm4b:s1+s24], $0x80, s15, s24, $0xb8;
	[tilespmem:$0x1FF00] =	vst v63  }
0x87: {  	_ =	swait.ge [sflag:s9], $0x4000  }
0x88: {  	[sflag:s9] =	ssyncset.done $0x0  }
0x89: {  	s8 =	simm.s32 $0x13A00;
	[sflag:s9] =	ssyncadd.s32 $0xFFFFC000  }
0x8a: {  	[spmem:s3] =	stream.indirect.scatter.add.f32 [tilespmem:s0], [sflag:$0x4], $0x80, s8, s24, $0xb8;
	[tilespmem:$0x1FF00] =	vst v63  }
0x8b: {  	_ =	swait.ge [sflag:s19], $0x4000  }
0x8c: {  	[sflag:s19] =	ssyncset.done $0x0  }
0x8d: {  	s4 =	simm.s32 $0x13B80;
	[sflag:s19] =	ssyncadd.s32 $0xFFFFC000  }
0x8e: {  	[tilespmem:s11], [sflag:$0x3] =	stream.indirect.gather [hbm4b:s1+s24], $0x80, s4, s24, $0xb8;
	[tilespmem:$0x1FF00] =	vst v63  }
0x8f: {  	_ =	swait.ge [sflag:s12], $0x4000  }
0x90: {  	[sflag:s12] =	ssyncset.done $0x0  }
0x91: {  	[sflag:s12] =	ssyncadd.s32 $0xFFFFC000  }
0x92: {  	[spmem:s3] =	stream.indirect.scatter.add.f32 [tilespmem:s7], [sflag:$0x5], $0x80, s4, s24, $0xb8;
	[tilespmem:$0x1FF00] =	vst v63  }
0x93: {  	_ =	swait.ge [sflag:s13], $0x4000  }
0x94: {  	s4 =	sadd.s32 $0xFFFFFFFC, s28;
	[sflag:s13] =	ssyncset.done $0x0  }
0x95: {  	p1 =	sge.u32 s4, s20;
	[sflag:s13] =	ssyncadd.s32 $0xFFFFC000  }
0x96: {  	s6 =	sadd.s32 @!p1 s31, s23;
	_ =	swait.ge [sflag:s10], $0x100  }
0x97: {  	s21 =	simm.s32 @!p1 $0x80;
	s25 =	simm.s32 @!p1 $0x4E200;
	[sflag:s10] =	ssyncset.done $0x0  }
0x98: {  	s29 =	simm.s32 @!p1 $0x13E00;
	s6 =	sadd.s32 @!p1 $0x50, s6;
	[sflag:s10] =	ssyncadd.s32 $0xFFFFFF00  }
0x99: {  	[tilespmem:s29], [sflag:$0xC] =	stream.strided.gather @!p1 [hbm4b:s6+s21], $0x100, s25, s21, $0x38;
	[tilespmem:$0x1FF00] =	vst v63  }
0x9a: {  	s4 =	simm.s32 $0x13C00  }
0x9b: {  	[tilespmem:s0], [sflag:$0x1] =	stream.indirect.gather [hbm4b:s1+s24], $0x80, s4, s24, $0xb8;
	[tilespmem:$0x1FF00] =	vst v63  }
0x9c: {  	_ =	swait.ge [sflag:s16], $0x4000  }
0x9d: {  	[sflag:s16] =	ssyncset.done $0x0  }
0x9e: {  	[sflag:s16] =	ssyncadd.s32 $0xFFFFC000  }
0x9f: {  	[spmem:s3] =	stream.indirect.scatter.add.f32 [tilespmem:s11], [sflag:$0x6], $0x80, s15, s24, $0xb8;
	[tilespmem:$0x1FF00] =	vst v63  }
0xa0: {  	_ =	swait.ge [sflag:s17], $0x4000  }
0xa1: {  	[sflag:s17] =	ssyncset.done $0x0  }
0xa2: {  	s21 =	simm.s32 $0x13C80;
	[sflag:s17] =	ssyncadd.s32 $0xFFFFC000  }
0xa3: {  	[tilespmem:s7], [sflag:$0x2] =	stream.indirect.gather [hbm4b:s1+s24], $0x80, s21, s24, $0xb8;
	[tilespmem:$0x1FF00] =	vst v63  }
0xa4: {  	_ =	swait.ge [sflag:s9], $0x4000  }
0xa5: {  	[sflag:s9] =	ssyncset.done $0x0  }
0xa6: {  	[sflag:s9] =	ssyncadd.s32 $0xFFFFC000  }
0xa7: {  	[spmem:s3] =	stream.indirect.scatter.add.f32 [tilespmem:s0], [sflag:$0x4], $0x80, s21, s24, $0xb8;
	[tilespmem:$0x1FF00] =	vst v63  }
0xa8: {  	_ =	swait.ge [sflag:s19], $0x4000  }
0xa9: {  	s25 =	sadd.s32 $0xFFFFFFFD, s28;
	[sflag:s19] =	ssyncset.done $0x0  }
0xaa: {  	p1 =	sge.u32 s25, s20;
	[sflag:s19] =	ssyncadd.s32 $0xFFFFC000  }
0xab: {  	s6 =	sadd.s32 @!p1 s31, s23;
	_ =	swait.ge [sflag:s14], $0x100  }
0xac: {  	s25 =	simm.s32 @!p1 $0x4E200;
	s29 =	simm.s32 @!p1 $0x13900;
	[sflag:s14] =	ssyncset.done $0x0  }
0xad: {  	s6 =	sadd.s32 @!p1 $0x60, s6;
	s21 =	simm.s32 @!p1 $0x80;
	[sflag:s14] =	ssyncadd.s32 $0xFFFFFF00  }
0xae: {  	[tilespmem:s29], [sflag:$0x7] =	stream.strided.gather @!p1 [hbm4b:s6+s21], $0x100, s25, s21, $0x38;
	[tilespmem:$0x1FF00] =	vst v63  }
0xaf: {  	s15 =	simm.s32 $0x13D00  }
0xb0: {  	[tilespmem:s11], [sflag:$0x3] =	stream.indirect.gather [hbm4b:s1+s24], $0x80, s15, s24, $0xb8;
	[tilespmem:$0x1FF00] =	vst v63  }
0xb1: {  	_ =	swait.ge [sflag:s12], $0x4000  }
0xb2: {  	[sflag:s12] =	ssyncset.done $0x0  }
0xb3: {  	[sflag:s12] =	ssyncadd.s32 $0xFFFFC000  }
0xb4: {  	[spmem:s3] =	stream.indirect.scatter.add.f32 [tilespmem:s7], [sflag:$0x5], $0x80, s4, s24, $0xb8;
	[tilespmem:$0x1FF00] =	vst v63  }
0xb5: {  	_ =	swait.ge [sflag:s13], $0x4000  }
0xb6: {  	[sflag:s13] =	ssyncset.done $0x0  }
0xb7: {  	s29 =	simm.s32 $0x13D80;
	[sflag:s13] =	ssyncadd.s32 $0xFFFFC000  }
0xb8: {  	[tilespmem:s0], [sflag:$0x1] =	stream.indirect.gather [hbm4b:s1+s24], $0x80, s29, s24, $0xb8;
	[tilespmem:$0x1FF00] =	vst v63  }
0xb9: {  	_ =	swait.ge [sflag:s16], $0x4000  }
0xba: {  	[sflag:s16] =	ssyncset.done $0x0  }
0xbb: {  	[sflag:s16] =	ssyncadd.s32 $0xFFFFC000  }
0xbc: {  	[spmem:s3] =	stream.indirect.scatter.add.f32 [tilespmem:s11], [sflag:$0x6], $0x80, s29, s24, $0xb8;
	[tilespmem:$0x1FF00] =	vst v63  }
0xbd: {  	_ =	swait.ge [sflag:s17], $0x4000  }
0xbe: {  	s4 =	sadd.s32 $0xFFFFFFFE, s28;
	[sflag:s17] =	ssyncset.done $0x0  }
0xbf: {  	p1 =	sge.u32 s4, s20;
	[sflag:s17] =	ssyncadd.s32 $0xFFFFC000  }
0xc0: {  	s6 =	sadd.s32 @!p1 s31, s23;
	_ =	swait.ge [sflag:s2], $0x100  }
0xc1: {  	s21 =	simm.s32 @!p1 $0x80;
	s25 =	simm.s32 @!p1 $0x4E200;
	[sflag:s2] =	ssyncset.done $0x0  }
0xc2: {  	s6 =	sadd.s32 @!p1 $0x70, s6;
	s29 =	simm.s32 @!p1 $0x13A00;
	[sflag:s2] =	ssyncadd.s32 $0xFFFFFF00  }
0xc3: {  	[tilespmem:s29], [sflag:$0x8] =	stream.strided.gather @!p1 [hbm4b:s6+s21], $0x100, s25, s21, $0x38;
	[tilespmem:$0x1FF00] =	vst v63  }
0xc4: {  	_ = 	snop  }
0xc5: {  	[tilespmem:s7], [sflag:$0x2] =	stream.indirect.gather [hbm4b:s1+s24], $0x80, s30, s24, $0xb8;
	[tilespmem:$0x1FF00] =	vst v63  }
0xc6: {  	_ =	swait.ge [sflag:s9], $0x4000  }
0xc7: {  	[sflag:s9] =	ssyncset.done $0x0  }
0xc8: {  	[sflag:s9] =	ssyncadd.s32 $0xFFFFC000  }
0xc9: {  	[spmem:s3] =	stream.indirect.scatter.add.f32 [tilespmem:s0], [sflag:$0x4], $0x80, s15, s24, $0xb8;
	[tilespmem:$0x1FF00] =	vst v63  }
0xca: {  	_ =	swait.ge [sflag:s19], $0x4000  }
0xcb: {  	[sflag:s19] =	ssyncset.done $0x0  }
0xcc: {  	[sflag:s19] =	ssyncadd.s32 $0xFFFFC000  }
0xcd: {  	[tilespmem:s11], [sflag:$0x3] =	stream.indirect.gather [hbm4b:s1+s24], $0x80, s26, s24, $0xb8;
	[tilespmem:$0x1FF00] =	vst v63  }
0xce: {  	_ =	swait.ge [sflag:s12], $0x4000  }
0xcf: {  	[sflag:s12] =	ssyncset.done $0x0  }
0xd0: {  	[sflag:s12] =	ssyncadd.s32 $0xFFFFC000  }
0xd1: {  	[spmem:s3] =	stream.indirect.scatter.add.f32 [tilespmem:s7], [sflag:$0x5], $0x80, s26, s24, $0xb8;
	[tilespmem:$0x1FF00] =	vst v63  }
0xd2: {  	_ =	swait.ge [sflag:s13], $0x4000  }
0xd3: {  	s15 =	sadd.s32 $0xFFFFFFFF, s28;
	[sflag:s13] =	ssyncset.done $0x0  }
0xd4: {  	p1 =	sge.u32 s15, s20;
	[sflag:s13] =	ssyncadd.s32 $0xFFFFC000  }
0xd5: {  	s6 =	sadd.s32 @!p1 s31, s23;
	_ =	swait.ge [sflag:s18], $0x100  }
0xd6: {  	s21 =	simm.s32 @!p1 $0x80;
	s25 =	simm.s32 @!p1 $0x4E200;
	[sflag:s18] =	ssyncset.done $0x0  }
0xd7: {  	s29 =	simm.s32 @!p1 $0x13B00;
	s6 =	sadd.s32 @!p1 $0x80, s6;
	[sflag:s18] =	ssyncadd.s32 $0xFFFFFF00  }
0xd8: {  	[tilespmem:s29], [sflag:$0x9] =	stream.strided.gather @!p1 [hbm4b:s6+s21], $0x100, s25, s21, $0x38;
	[tilespmem:$0x1FF00] =	vst v63  }
0xd9: {  	s15 =	simm.s32 $0x13900  }
0xda: {  	[tilespmem:s0], [sflag:$0x1] =	stream.indirect.gather [hbm4b:s1+s24], $0x80, s15, s24, $0xb8;
	[tilespmem:$0x1FF00] =	vst v63  }
0xdb: {  	_ =	swait.ge [sflag:s16], $0x4000  }
0xdc: {  	[sflag:s16] =	ssyncset.done $0x0  }
0xdd: {  	[sflag:s16] =	ssyncadd.s32 $0xFFFFC000  }
0xde: {  	[spmem:s3] =	stream.indirect.scatter.add.f32 [tilespmem:s11], [sflag:$0x6], $0x80, s30, s24, $0xb8;
	[tilespmem:$0x1FF00] =	vst v63  }
0xdf: {  	_ =	swait.ge [sflag:s17], $0x4000  }
0xe0: {  	[sflag:s17] =	ssyncset.done $0x0  }
0xe1: {  	s21 =	simm.s32 $0x13980;
	[sflag:s17] =	ssyncadd.s32 $0xFFFFC000  }
0xe2: {  	[tilespmem:s7], [sflag:$0x2] =	stream.indirect.gather [hbm4b:s1+s24], $0x80, s21, s24, $0xb8;
	[tilespmem:$0x1FF00] =	vst v63  }
0xe3: {  	_ =	swait.ge [sflag:s9], $0x4000  }
0xe4: {  	[sflag:s9] =	ssyncset.done $0x0  }
0xe5: {  	[sflag:s9] =	ssyncadd.s32 $0xFFFFC000  }
0xe6: {  	[spmem:s3] =	stream.indirect.scatter.add.f32 [tilespmem:s0], [sflag:$0x4], $0x80, s21, s24, $0xb8;
	[tilespmem:$0x1FF00] =	vst v63  }
0xe7: {  	_ =	swait.ge [sflag:s19], $0x4000  }
0xe8: {  	[sflag:s19] =	ssyncset.done $0x0  }
0xe9: {  	p1 =	sge.u32 s28, s20;
	[sflag:s19] =	ssyncadd.s32 $0xFFFFC000  }
0xea: {  	s6 =	sadd.s32 @!p1 s31, s23;
	_ =	swait.ge [sflag:s5], $0x100  }
0xeb: {  	s25 =	simm.s32 @!p1 $0x4E200;
	s29 =	simm.s32 @!p1 $0x13C00;
	[sflag:s5] =	ssyncset.done $0x0  }
0xec: {  	s6 =	sadd.s32 @!p1 $0x90, s6;
	s21 =	simm.s32 @!p1 $0x80;
	[sflag:s5] =	ssyncadd.s32 $0xFFFFFF00  }
0xed: {  	[tilespmem:s29], [sflag:$0xA] =	stream.strided.gather @!p1 [hbm4b:s6+s21], $0x100, s25, s21, $0x38;
	[tilespmem:$0x1FF00] =	vst v63  }
0xee: {  	_ = 	snop  }
0xef: {  	[tilespmem:s11], [sflag:$0x3] =	stream.indirect.gather [hbm4b:s1+s24], $0x80, s8, s24, $0xb8;
	[tilespmem:$0x1FF00] =	vst v63  }
0xf0: {  	_ =	swait.ge [sflag:s12], $0x4000  }
0xf1: {  	[sflag:s12] =	ssyncset.done $0x0  }
0xf2: {  	[sflag:s12] =	ssyncadd.s32 $0xFFFFC000  }
0xf3: {  	[spmem:s3] =	stream.indirect.scatter.add.f32 [tilespmem:s7], [sflag:$0x5], $0x80, s15, s24, $0xb8;
	[tilespmem:$0x1FF00] =	vst v63  }
0xf4: {  	_ =	swait.ge [sflag:s13], $0x4000  }
0xf5: {  	[sflag:s13] =	ssyncset.done $0x0  }
0xf6: {  	s25 =	simm.s32 $0x13A80;
	[sflag:s13] =	ssyncadd.s32 $0xFFFFC000  }
0xf7: {  	[tilespmem:s0], [sflag:$0x1] =	stream.indirect.gather [hbm4b:s1+s24], $0x80, s25, s24, $0xb8;
	[tilespmem:$0x1FF00] =	vst v63  }
0xf8: {  	_ =	swait.ge [sflag:s16], $0x4000  }
0xf9: {  	s31 =	sadd.s32 $0x60, s31;
	s29 =	rddreg [dreg:$0x4]  }
0xfa: {  	p1 =	sne.s32 s29, s31  }
.Ltmp1:
0xfb: {  	_ = 	snop;
	(pc) =	sbr.rel @p1 .LBB2_4-.Ltmp1, $4  }
0xfc: {  	_ = 	snop  }
0xfd: {  	[sflag:s16] =	ssyncset.done $0x0  }
0xfe: {  	s28 =	sadd.s32 $0x6, s28;
	s21 =	simm.s32 $0x13A00;
	[sflag:s16] =	ssyncadd.s32 $0xFFFFC000  }
0xff: {  	[spmem:s3] =	stream.indirect.scatter.add.f32 [tilespmem:s11], [sflag:$0x6], $0x80, s25, s24, $0xb8;
	[tilespmem:$0x1FF00] =	vst v63  }
0x100: {  	_ =	swait.ge [sflag:s9], $0x4000  }
0x101: {  	[sflag:s9] =	ssyncset.done $0x0  }
0x102: {  	[sflag:s9] =	ssyncadd.s32 $0xFFFFC000  }
0x103: {  	[spmem:s3] =	stream.indirect.scatter.add.f32 [tilespmem:s0], [sflag:$0x4], $0x80, s21, s24, $0xb8;
	[tilespmem:$0x1FF00] =	vst v63  }
0x104: {  	_ =	swait.ge [sflag:s17], $0x4000  }
0x105: {  	[sflag:s17] =	ssyncset.done $0x0  }
0x106: {  	[sflag:s17] =	ssyncadd.s32 $0xFFFFC000  }
0x107: {  	_ =	swait.ge [sflag:s19], $0x4000  }
0x108: {  	[sflag:s19] =	ssyncset.done $0x0  }
0x109: {  	[sflag:s19] =	ssyncadd.s32 $0xFFFFC000  }
0x10a: {  	_ =	swait.ge [sflag:s13], $0x4000  }
0x10b: {  	[sflag:s13] =	ssyncset.done $0x0  }
0x10c: {  	[sflag:s13] =	ssyncadd.s32 $0xFFFFC000  }
0x10d: {  	[bflag:$0x0] =	sbarrier.arrive $0xFFFF  }
0x10e: {  	s25 =	rddreg [dreg:$0xf]  }
0x10f: {  	s21 =	simm.s32 @p0 $0x1FCD;
	s28 =	rddreg [dreg:$0x15];
	s6 =	sshrl.u32 @p0 s25, $0x3  }
0x110: {  	[hbm:s28], [sflag:s21] =	dma.local @p0 [spmem:s6], $0x2180  }
0x111: {  	s6 =	simm.s32 @p0 $0xD  }
0x112: {  	s21 =	stileid.u32;
	_ =	swait.ge @p0 [sflag:s6], $0x2180  }
0x113: {  	s21 =	sshll.u32 @!p0 s21, $0x6;
	[sflag:s6] =	ssyncset.done @p0 $0x0;
	s28 =	rddreg [dreg:$0x17]  }
0x114: {  	[sflag:s6] =	ssyncadd.s32 @p0 $0xFFFFDE80;
	s6 =	sor.u32 @!p0 $0x1C0D, s21;
	s21 =	rddreg [dreg:$0x12]  }
0x115: {  	[hbm:s21], [sflag:s6] =	dma.local @!p0 [spmem:s28], $0x2780  }
0x116: {  	s6 =	simm.s32 @!p0 $0xD  }
0x117: {  	_ =	swait.ge @!p0 [sflag:s6], $0x2780  }
0x118: {  	s28 =	rddreg [dreg:$0x5]  }
0x119: {  	s31 =	rddreg [dreg:$0x16];
	s21 =	sadd.s32 $0x1, s28  }
0x11a: {  	p1 =	sne.s32 s21, s31  }
.Ltmp2:
0x11b: {  	_ = 	snop;
	(pc) =	sbr.rel @p1 .LBB2_1-.Ltmp2, $4  }
0x11c: {  	s8 =	simm.s32 $0x13900  }
0x11d: {  	s14 =	simm.s32 $0x13A00;
	s15 =	simm.s32 $0x13B00;
	s4 =	simm.s32 $0x13C00  }
0x11e: {  	s29 =	simm.s32 $0x13980;
	s2 =	simm.s32 $0x13A80;
	[sflag:s6] =	ssyncset.done @!p0 $0x0  }
0x11f: {  	s18 =	simm.s32 $0x7;
	s5 =	simm.s32 $0x8;
	[sflag:s6] =	ssyncadd.s32 @!p0 $0xFFFFD880  }
0x120: {  	_ =	sfence.sel $0x180000  }
0x121: {  	[bflag:$0x0] =	sbarrier.arrive $0xFFFF  }
0x122: {  	_ =	strace $0x90000047  }
0x123: {  	s0 =	stileid.u32;
	[bflag:$0x2] =	sbarrier.arrive $0xFFFF  }
0x124: {  	p0 =	sne.s32 s0, $0x0;
	s0 =	rddreg [dreg:$0x3]  }
0x125: {  	s0 =	sadd.s32 @!p0 $0x100000, s0  }
0x126: {  	[sflag:s0] =	ssyncadd.tile.s32 @!p0 $0x1;
	_ =	shalt  }
.Lfunc_end2:
_tile_overlayer_lowered:
.L_overlay_start_2:
0x127: {  	(tag) =	ssettag $0x2  }
0x128: {  	s0 =	rddreg [dreg:$0x0];
	s2 =	stileid.u32  }
0x129: {  	s1 =	rddreg [dreg:$0x1];
	p0 =	sne.s32 s2, $0x0  }
0x12a: {  	s3 =	rddreg [dreg:$0x2];
	[bflag:$0x3] =	sbarrier.arrive $0xFFFF;
	s2 =	simm.s32 @!p0 $0x1C0D  }
0x12b: {  	[timem:s3], [sflag:s2] =	dma.local @!p0 [hbm:s0], s1  }
0x12c: {  	s0 =	simm.s32 @!p0 $0xD  }
0x12d: {  	_ =	swait.ge @!p0 [sflag:s0], s1  }
0x12e: {  	s1 =	ssub.s32 @!p0 $0x0, s1;
	[sflag:s0] =	ssyncset.done @!p0 $0x0  }
0x12f: {  	[sflag:s0] =	ssyncadd.s32 @!p0 s1  }
0x130: {  	[bflag:$0x3] =	sbarrier.arrive $0xFFFF  }
0x131: {  	_ =	shalt  }

</sc_bundles>
